<compile_context>
chip_gen: v7x
topology: tpu7x:2x2x1
jax: 0.10.2.dev20260603
libtpu: 0.0.44.dev20260713+nightly
codegen_flags: <defaults>
</compile_context>

<pallas_src>
import functools

import jax
import jax.numpy as jnp
from jax import lax
from jax.experimental import pallas as pl
from jax.experimental.pallas import tpu as pltpu
from jax.experimental.pallas import tpu_sc as plsc

B = 1024
F_NUM = 128
N_TRAIN = 50000
D = 256
DB = 512
C = 96

DA = 272
TILE = 512
NSTEP = 98
NP = TILE * NSTEP
SCH = 7168
NCH = NP // SCH
CAP = 4096
BIG = 3.0e38

NC = 2
NS = 16
NW = NC * NS
QPW = B // NW


def _encode_math(x, W_lin, b_lin, W_e1, b_e1, W_e2, b_e2, g, bn, W_K, b_K):
    xx = jnp.dot(x, W_lin, preferred_element_type=jnp.float32) + b_lin
    h = jnp.maximum(jnp.dot(xx, W_e1, preferred_element_type=jnp.float32) + b_e1, 0.0)
    h = jnp.dot(h, W_e2, preferred_element_type=jnp.float32) + b_e2
    xx = xx + h
    mu = jnp.mean(xx, axis=-1, keepdims=True)
    var = jnp.mean((xx - mu) * (xx - mu), axis=-1, keepdims=True)
    ln = (xx - mu) / jnp.sqrt(var + 1e-5) * g + bn
    k = jnp.dot(ln, W_K, preferred_element_type=jnp.float32) + b_K
    return xx, k


def _enc_train_body(x_ref, wl, bl, we1, be1, we2, be2, g, bn, wk, bk,
                    cka_ref, ckg_ref):
    _, k = _encode_math(x_ref[...], wl[...], bl[...], we1[...], be1[...],
                        we2[...], be2[...], g[...], bn[...], wk[...], bk[...])
    cn = jnp.sum(k * k, axis=1, keepdims=True)
    cka_ref[...] = jnp.concatenate(
        [k, cn, jnp.zeros((TILE, DA - D - 1), jnp.float32)], axis=1)
    ckg_ref[...] = k


def _enc_q_body(x_ref, wl, bl, we1, be1, we2, be2, g, bn, wk, bk,
                x_out, k_out):
    xx, k = _encode_math(x_ref[...], wl[...], bl[...], we1[...], be1[...],
                         we2[...], be2[...], g[...], bn[...], wk[...], bk[...])
    x_out[...] = xx
    k_out[...] = k


def _scores_body(k_ref, ck_ref, s_ref, tau_ref, acc_ref, NB):
    i = pl.program_id(0)
    k = k_ref[...]
    kaug = jnp.concatenate(
        [-2.0 * k, jnp.ones((NB, 1), jnp.float32),
         jnp.zeros((NB, DA - D - 1), jnp.float32)], axis=1)
    s = jnp.dot(kaug, ck_ref[...].T,
                preferred_element_type=jnp.float32)
    col = i * TILE + lax.broadcasted_iota(jnp.int32, (NB, TILE), 1)
    s = jnp.where(col < N_TRAIN, s, BIG)
    s_ref[...] = s
    tmin = jnp.min(s, axis=1, keepdims=True)

    @pl.when(i == 0)
    def _():
        acc_ref[...] = tmin

    @pl.when(i > 0)
    def _():
        acc_ref[...] = jnp.maximum(acc_ref[...], tmin)

    tau_ref[...] = jnp.broadcast_to(acc_ref[...], (NB, 16))


def _tail_body(x_ref, k_ref, ctx_ref, y_ref, e_ref, wt1, bt1, wt2,
               gp, bnp, wp1, bp1, wp2, bp2, gh, bnh, wh, bh, out_ref, QB):
    x = x_ref[...]
    k = k_ref[...]
    ctx = ctx_ref[...]
    yv = y_ref[:, :C]
    diff3 = k[:, None, :] - ctx
    sims = -jnp.sum(diff3 * diff3, axis=2)
    m = jnp.max(sims, axis=1, keepdims=True)
    e = jnp.exp(sims - m)
    p = e / jnp.sum(e, axis=1, keepdims=True)

    diff2 = diff3.reshape(QB * C, D)
    h1 = jnp.maximum(jnp.dot(diff2, wt1[...], preferred_element_type=jnp.float32)
                     + bt1[...], 0.0)
    t = jnp.dot(h1, wt2[...], preferred_element_type=jnp.float32)
    wY = jnp.sum(p * yv, axis=1, keepdims=True)
    E = e_ref[...]
    mixA = E[0][None, :] + wY * (E[1] - E[0])[None, :]
    pt = p.reshape(QB * C, 1) * t
    mixT = jnp.sum(pt.reshape(QB, C, D), axis=1)
    x = x + mixA + mixT

    mu = jnp.mean(x, axis=-1, keepdims=True)
    var = jnp.mean((x - mu) * (x - mu), axis=-1, keepdims=True)
    ln = (x - mu) / jnp.sqrt(var + 1e-5) * gp[...] + bnp[...]
    h = jnp.maximum(jnp.dot(ln, wp1[...], preferred_element_type=jnp.float32)
                    + bp1[...], 0.0)
    h = jnp.dot(h, wp2[...], preferred_element_type=jnp.float32) + bp2[...]
    x = x + h

    mu = jnp.mean(x, axis=-1, keepdims=True)
    var = jnp.mean((x - mu) * (x - mu), axis=-1, keepdims=True)
    ln = (x - mu) / jnp.sqrt(var + 1e-5) * gh[...] + bnh[...]
    out_ref[...] = (jnp.dot(jnp.maximum(ln, 0.0), wh[...],
                            preferred_element_type=jnp.float32) + bh[...])


def _f1(i):
    return (0,)


def _f2(i):
    return (0, 0)


def _mono_u32(v):
    b = plsc.bitcast(v, jnp.int32)
    m = b ^ ((b >> 31) | jnp.int32(-2147483648))
    return plsc.bitcast(m, jnp.uint32)


def _sc_body(scores_hbm, tau_hbm, ck_hbm, y_hbm, ctx_hbm, yout_hbm,
             tau_v, sbuf_a, sbuf_b, val_v, idx_v, sel_v, rows_v, y_v, ybuf,
             sem, sem_a, sem_b, qpw):
    wid = lax.axis_index("s") * NC + lax.axis_index("c")
    qbase = wid * qpw
    lanes = lax.iota(jnp.int32, 16)
    z16 = jnp.zeros((16,), jnp.int32)
    pltpu.sync_copy(y_hbm, y_v)

    def per_q(qi, _):
        q = qbase + qi
        pltpu.sync_copy(tau_hbm.at[q], tau_v)
        tau16 = tau_v[...]

        bufs = (sbuf_a, sbuf_b)
        sems = (sem_a, sem_b)
        handles = [None] * NCH
        handles[0] = pltpu.async_copy(scores_hbm.at[q * NCH], bufs[0], sems[0])
        offv = z16
        for ch in range(NCH):
            if ch + 1 < NCH:
                handles[ch + 1] = pltpu.async_copy(
                    scores_hbm.at[q * NCH + (ch + 1)], bufs[(ch + 1) % 2],
                    sems[(ch + 1) % 2])
            handles[ch].wait()
            buf = bufs[ch % 2]

            @plsc.parallel_loop(0, SCH // 16, unroll=4, carry=offv)
            def vloop(i, off):
                v = buf[pl.ds(i * 16, 16)]
                msk = v <= tau16
                ones = jnp.where(msk, 1, 0).astype(jnp.int32)
                pref = plsc.cumsum(ones)
                pos = off + pref - 1
                gidx = jnp.full((16,), ch * SCH + i * 16, jnp.int32) + lanes
                keep = jnp.logical_and(msk, pos < CAP)
                plsc.store_scatter(val_v, [pos], v, mask=keep)
                plsc.store_scatter(idx_v, [pos], gidx, mask=keep)
                return off + plsc.all_reduce_population_count(msk)

            offv = vloop
        M = jnp.max(offv)
        Mc = jnp.minimum(M, CAP - 16)
        plsc.store_scatter(val_v, [jnp.full((16,), Mc, jnp.int32) + lanes],
                           jnp.full((16,), BIG, jnp.float32))
        nv = (M + 15) // 16

        def count_lt(t16):
            @plsc.parallel_loop(0, nv, unroll=4, carry=z16)
            def cloop(i, acc):
                mu = _mono_u32(val_v[pl.ds(i * 16, 16)])
                return acc + plsc.all_reduce_population_count(mu < t16)
            return cloop

        def bit_body(j, kap):
            bitv = jnp.full((16,), 1, jnp.uint32) << (
                jnp.full((16,), 31, jnp.uint32) - j.astype(jnp.uint32))
            trial = kap | bitv
            cnt = count_lt(trial)
            return jnp.where(cnt <= C - 1, trial, kap)

        kap = lax.fori_loop(0, 32, bit_body, jnp.zeros((16,), jnp.uint32))
        n1 = count_lt(kap)

        def selb(i, carry):
            offlt, offeq = carry
            mu = _mono_u32(val_v[pl.ds(i * 16, 16)])
            iv = idx_v[pl.ds(i * 16, 16)]
            ltm = mu < kap
            eqm = mu == kap
            plt = plsc.cumsum(jnp.where(ltm, 1, 0).astype(jnp.int32))
            peq = plsc.cumsum(jnp.where(eqm, 1, 0).astype(jnp.int32))
            pos = jnp.where(ltm, offlt + plt - 1, n1 + offeq + peq - 1)
            keep = jnp.logical_and(jnp.logical_or(ltm, eqm), pos < C)
            plsc.store_scatter(sel_v, [pos], iv, mask=keep)
            return (offlt + plsc.all_reduce_population_count(ltm),
                    offeq + plsc.all_reduce_population_count(eqm))

        lax.fori_loop(0, nv, selb, (z16, z16))

        gather = pltpu.async_copy(ck_hbm.at[sel_v.at[pl.ds(0, C)]],
                                  rows_v, sem)
        for i in range(8):
            if i < C // 16:
                iv = sel_v[pl.ds(i * 16, 16)]
                yg = plsc.load_gather(y_v, [iv]).astype(jnp.float32)
                ybuf[pl.ds(i * 16, 16)] = yg
            else:
                ybuf[pl.ds(i * 16, 16)] = jnp.zeros((16,), jnp.float32)
        pltpu.sync_copy(ybuf, yout_hbm.at[q])
        gather.wait()
        pltpu.sync_copy(rows_v, ctx_hbm.at[q])
        return 0

    lax.fori_loop(0, qpw, per_q, 0)


def _sc_select(scores2, tau, ckg, ypad):
    nb = tau.shape[0]
    mesh = plsc.VectorSubcoreMesh(core_axis_name="c", subcore_axis_name="s")
    return pl.kernel(
        functools.partial(_sc_body, qpw=nb // NW),
        out_type=[jax.ShapeDtypeStruct((nb, C, D), jnp.float32),
                  jax.ShapeDtypeStruct((nb, 128), jnp.float32)],
        mesh=mesh,
        scratch_types=[pltpu.VMEM((16,), jnp.float32),
                       pltpu.VMEM((SCH,), jnp.float32),
                       pltpu.VMEM((SCH,), jnp.float32),
                       pltpu.VMEM((CAP,), jnp.float32),
                       pltpu.VMEM((CAP,), jnp.int32),
                       pltpu.VMEM((128,), jnp.int32),
                       pltpu.VMEM((C, D), jnp.float32),
                       pltpu.VMEM((NP,), jnp.int32),
                       pltpu.VMEM((128,), jnp.float32),
                       pltpu.SemaphoreType.DMA,
                       pltpu.SemaphoreType.DMA,
                       pltpu.SemaphoreType.DMA],
        compiler_params=pltpu.CompilerParams(needs_layout_passes=False),
    )(scores2, tau, ckg, ypad)


def kernel(X, X_train, y_train, W_lin, b_lin, W_e1, b_e1, W_e2, b_e2,
           g_mix, bn_mix, W_K, b_K, E_label, W_t1, b_t1, W_t2,
           g_p, bn_p, W_p1, b_p1, W_p2, b_p2, g_h, bn_h, W_head, b_head):
    Xp = jnp.pad(X_train, ((0, NP - N_TRAIN), (0, 0)))
    yp = jnp.pad(y_train.astype(jnp.int32), (0, NP - N_TRAIN))
    del X_train, y_train

    wspecs = [pl.BlockSpec((F_NUM, D), _f2), pl.BlockSpec((D,), _f1),
              pl.BlockSpec((D, DB), _f2), pl.BlockSpec((DB,), _f1),
              pl.BlockSpec((DB, D), _f2), pl.BlockSpec((D,), _f1),
              pl.BlockSpec((D,), _f1), pl.BlockSpec((D,), _f1),
              pl.BlockSpec((D, D), _f2), pl.BlockSpec((D,), _f1)]
    enc_w = (W_lin, b_lin, W_e1, b_e1, W_e2, b_e2, g_mix, bn_mix, W_K, b_K)

    cka, ckg = pl.pallas_call(
        _enc_train_body,
        grid=(NSTEP,),
        in_specs=[pl.BlockSpec((TILE, F_NUM), lambda i: (i, 0))] + wspecs,
        out_specs=[pl.BlockSpec((TILE, DA), lambda i: (i, 0)),
                   pl.BlockSpec((TILE, D), lambda i: (i, 0))],
        out_shape=[jax.ShapeDtypeStruct((NP, DA), jnp.float32),
                   jax.ShapeDtypeStruct((NP, D), jnp.float32)],
    )(Xp, *enc_w)

    xq, kq = pl.pallas_call(
        _enc_q_body,
        grid=(B // TILE,),
        in_specs=[pl.BlockSpec((TILE, F_NUM), lambda i: (i, 0))] + wspecs,
        out_specs=[pl.BlockSpec((TILE, D), lambda i: (i, 0)),
                   pl.BlockSpec((TILE, D), lambda i: (i, 0))],
        out_shape=[jax.ShapeDtypeStruct((B, D), jnp.float32),
                   jax.ShapeDtypeStruct((B, D), jnp.float32)],
    )(X, *enc_w)

    HB = B // 2
    QB = 64
    tail_w = [pl.BlockSpec((2, D), _f2),
              pl.BlockSpec((D, DB), _f2), pl.BlockSpec((DB,), _f1),
              pl.BlockSpec((DB, D), _f2),
              pl.BlockSpec((D,), _f1), pl.BlockSpec((D,), _f1),
              pl.BlockSpec((D, DB), _f2), pl.BlockSpec((DB,), _f1),
              pl.BlockSpec((DB, D), _f2), pl.BlockSpec((D,), _f1),
              pl.BlockSpec((D,), _f1), pl.BlockSpec((D,), _f1),
              pl.BlockSpec((D, 2), _f2), pl.BlockSpec((2,), _f1)]
    outs = []
    for h in range(2):
        kh = lax.slice_in_dim(kq, h * HB, (h + 1) * HB, axis=0)
        xh = lax.slice_in_dim(xq, h * HB, (h + 1) * HB, axis=0)
        scores, tau = pl.pallas_call(
            functools.partial(_scores_body, NB=HB),
            grid=(NSTEP,),
            in_specs=[pl.BlockSpec((HB, D), lambda i: (0, 0)),
                      pl.BlockSpec((TILE, DA), lambda i: (i, 0))],
            out_specs=[pl.BlockSpec((HB, TILE), lambda i: (0, i)),
                       pl.BlockSpec((HB, 16), lambda i: (0, 0))],
            out_shape=[jax.ShapeDtypeStruct((HB, NP), jnp.float32),
                       jax.ShapeDtypeStruct((HB, 16), jnp.float32)],
            scratch_shapes=[pltpu.VMEM((HB, 1), jnp.float32)],
        )(kh, cka)

        ctx, yctx = _sc_select(scores.reshape(HB * NCH, SCH), tau, ckg, yp)

        outs.append(pl.pallas_call(
            functools.partial(_tail_body, QB=QB),
            grid=(HB // QB,),
            in_specs=[pl.BlockSpec((QB, D), lambda i: (i, 0)),
                      pl.BlockSpec((QB, D), lambda i: (i, 0)),
                      pl.BlockSpec((QB, C, D), lambda i: (i, 0, 0)),
                      pl.BlockSpec((QB, 128), lambda i: (i, 0))] + tail_w,
            out_specs=pl.BlockSpec((QB, 2), lambda i: (i, 0)),
            out_shape=jax.ShapeDtypeStruct((HB, 2), jnp.float32),
        )(xh, kh, ctx, yctx, E_label, W_t1, b_t1, W_t2, g_p, bn_p,
          W_p1, b_p1, W_p2, b_p2, g_h, bn_h, W_head, b_head))
    return jnp.concatenate(outs, axis=0)

# --- scband reference (transcript-rebuilt; emitter-appended) ---
"""Pipeline reference for scband-model-76364518523249 (READ-ONLY COPY).

The authoritative reference and input builder live on the scoring server;
editing this copy changes nothing except your own understanding.
"""

import jax, jax.numpy as jnp
import numpy as np

B = 1024
F_NUM = 128
N_TRAIN = 50000
D_MAIN = 256
D_BLOCK = 512
N_CLASSES = 2
CONTEXT_SIZE = 96


def _uinit(key, shape, fan_in):
    b = 1.0 / np.sqrt(fan_in)
    return jax.random.uniform(key, shape, jnp.float32, -b, b)


def _ln(x, g, b):
    mu = jnp.mean(x, axis=-1, keepdims=True)
    var = jnp.var(x, axis=-1, keepdims=True)
    return (x - mu) / jnp.sqrt(var + 1e-5) * g + b


def setup_inputs(seed: int = 0) -> dict:
    key = jax.random.key(seed)
    ks = jax.random.split(key, 30)
    inp = {}
    inp['X'] = jax.random.normal(ks[0], (B, F_NUM), jnp.float32)
    inp['X_train'] = jax.random.normal(ks[1], (N_TRAIN, F_NUM), jnp.float32)
    inp['y_train'] = jax.random.randint(ks[2], (N_TRAIN,), 0, N_CLASSES)
    # input linear: d_in = F_NUM -> D_MAIN
    inp['W_lin'] = _uinit(ks[3], (F_NUM, D_MAIN), F_NUM)
    inp['b_lin'] = _uinit(ks[4], (D_MAIN,), F_NUM)
    # encoder block 0 (no prenorm for i==0)
    inp['W_e1'] = _uinit(ks[5], (D_MAIN, D_BLOCK), D_MAIN)
    inp['b_e1'] = _uinit(ks[6], (D_BLOCK,), D_MAIN)
    inp['W_e2'] = _uinit(ks[7], (D_BLOCK, D_MAIN), D_BLOCK)
    inp['b_e2'] = _uinit(ks[8], (D_MAIN,), D_BLOCK)
    # mixer normalization (LayerNorm on d_main)
    inp['g_mix'] = jnp.ones((D_MAIN,), jnp.float32)
    inp['bn_mix'] = jnp.zeros((D_MAIN,), jnp.float32)
    # K linear
    inp['W_K'] = _uinit(ks[9], (D_MAIN, D_MAIN), D_MAIN)
    inp['b_K'] = _uinit(ks[10], (D_MAIN,), D_MAIN)
    # label encoder: Embedding(n_classes, d_main) with uniform(-1, 1) init
    inp['E_label'] = jax.random.uniform(ks[11], (N_CLASSES, D_MAIN), jnp.float32, -1.0, 1.0)
    # T: Linear(d_main, d_block) -> ReLU -> Linear(d_block, d_main, bias=False)
    inp['W_t1'] = _uinit(ks[12], (D_MAIN, D_BLOCK), D_MAIN)
    inp['b_t1'] = _uinit(ks[13], (D_BLOCK,), D_MAIN)
    inp['W_t2'] = _uinit(ks[14], (D_BLOCK, D_MAIN), D_BLOCK)
    # predictor block (prenorm)
    inp['g_p'] = jnp.ones((D_MAIN,), jnp.float32)
    inp['bn_p'] = jnp.zeros((D_MAIN,), jnp.float32)
    inp['W_p1'] = _uinit(ks[15], (D_MAIN, D_BLOCK), D_MAIN)
    inp['b_p1'] = _uinit(ks[16], (D_BLOCK,), D_MAIN)
    inp['W_p2'] = _uinit(ks[17], (D_BLOCK, D_MAIN), D_BLOCK)
    inp['b_p2'] = _uinit(ks[18], (D_MAIN,), D_BLOCK)
    # head: LayerNorm -> ReLU -> Linear(d_main, 2)
    inp['g_h'] = jnp.ones((D_MAIN,), jnp.float32)
    inp['bn_h'] = jnp.zeros((D_MAIN,), jnp.float32)
    inp['W_head'] = _uinit(ks[19], (D_MAIN, N_CLASSES), D_MAIN)
    inp['b_head'] = _uinit(ks[20], (N_CLASSES,), D_MAIN)
    return inp


def reference(X, X_train, y_train, W_lin, b_lin, W_e1, b_e1, W_e2, b_e2,
              g_mix, bn_mix, W_K, b_K, E_label, W_t1, b_t1, W_t2,
              g_p, bn_p, W_p1, b_p1, W_p2, b_p2, g_h, bn_h, W_head, b_head):
    # dropouts are identity in eval; is_train=False so no self-exclusion / y concat
    def encode(xin):
        x = xin @ W_lin + b_lin
        h = jnp.maximum(x @ W_e1 + b_e1, 0.0) @ W_e2 + b_e2
        x = x + h
        k = _ln(x, g_mix, bn_mix) @ W_K + b_K
        return x, k

    _, candidate_k = encode(X_train)
    x, k = encode(X)

    # faiss IndexFlatL2 search (no-grad in the original)
    k_sg = jax.lax.stop_gradient(k)
    ck_sg = jax.lax.stop_gradient(candidate_k)
    d2 = (jnp.sum(k_sg * k_sg, axis=-1, keepdims=True)
          - 2.0 * (k_sg @ ck_sg.T)
          + jnp.sum(ck_sg * ck_sg, axis=-1)[None, :])
    _, context_idx = jax.lax.top_k(-d2, CONTEXT_SIZE)  # [B, C]

    context_k = candidate_k[context_idx]  # gather: [B, C, D]
    similarities = (-jnp.sum(k * k, axis=-1, keepdims=True)
                    + 2.0 * jnp.einsum('bd,bcd->bc', k, context_k)
                    - jnp.sum(context_k * context_k, axis=-1))
    probs = jax.nn.softmax(similarities, axis=-1)  # context_dropout = 0

    context_y = y_train[context_idx]          # [B, C] int
    context_y_emb = E_label[context_y]        # [B, C, D]
    diff = k[:, None, :] - context_k          # [B, C, D]
    t = jnp.maximum(diff @ W_t1 + b_t1, 0.0) @ W_t2
    values = context_y_emb + t
    x = x + jnp.einsum('bc,bcd->bd', probs, values)

    # predictor block (prenorm)
    h = _ln(x, g_p, bn_p)
    h = jnp.maximum(h @ W_p1 + b_p1, 0.0) @ W_p2 + b_p2
    x = x + h

    # head
    out = jnp.maximum(_ln(x, g_h, bn_h), 0.0) @ W_head + b_head
    return out

if __name__ == "__main__":
    import jax
    _d = setup_inputs()
    print(jax.jit(kernel)(*tuple(_d.values())))

</pallas_src>

<mosaic_0001>
#map = affine_map<(d0, d1) -> (0, 0)>
#map1 = affine_map<(d0, d1) -> (0)>
#map2 = affine_map<(d0, d1) -> (0, 0, 0)>
module attributes {stable_mosaic.version = 14 : i64} {
  func.func @_sc_body(%arg0: i32, %arg1: i32, %arg2: memref<3584x7168xf32, #tpu.memory_space<hbm>>, %arg3: memref<512x16xf32, #tpu.memory_space<hbm>>, %arg4: memref<50176x256xf32, #tpu.memory_space<hbm>>, %arg5: memref<50176xi32, #tpu.memory_space<hbm>>, %arg6: memref<512x96x256xf32, #tpu.memory_space<hbm>>, %arg7: memref<512x128xf32, #tpu.memory_space<hbm>>, %arg8: memref<16xf32, #tpu.memory_space<vmem>>, %arg9: memref<7168xf32, #tpu.memory_space<vmem>>, %arg10: memref<7168xf32, #tpu.memory_space<vmem>>, %arg11: memref<4096xf32, #tpu.memory_space<vmem>>, %arg12: memref<4096xi32, #tpu.memory_space<vmem>>, %arg13: memref<128xi32, #tpu.memory_space<vmem>>, %arg14: memref<96x256xf32, #tpu.memory_space<vmem>>, %arg15: memref<50176xi32, #tpu.memory_space<vmem>>, %arg16: memref<128xf32, #tpu.memory_space<vmem>>, %arg17: memref<!tpu.dma_semaphore, #tpu.memory_space<semaphore_mem>>, %arg18: memref<!tpu.dma_semaphore, #tpu.memory_space<semaphore_mem>>, %arg19: memref<!tpu.dma_semaphore, #tpu.memory_space<semaphore_mem>>) attributes {dimension_semantics = [#tpu.dimension_semantics<core_parallel>, #tpu.dimension_semantics<subcore_parallel>], iteration_bounds = array<i64: 2, 16>, scalar_prefetch = 0 : i64, scratch_operands = 12 : i64, tpu.core_type = #tpu.core_type<sc_vector_subcore>, window_params = [{transform_indices = #map}, {transform_indices = #map}, {transform_indices = #map}, {transform_indices = #map1}, {transform_indices = #map2}, {transform_indices = #map}]} {
    %mul3A = arith.constant 2 : i32
    %mul3A_0 = arith.muli %arg1, %mul3A : i32
    %add3A = arith.addi %mul3A_0, %arg0 : i32
    %mul3A_1 = arith.constant 16 : i32
    %mul3A_2 = arith.muli %add3A, %mul3A_1 : i32
    %iota3A = tpu.iota {dimensions = array<i32: 0>} : vector<16xi32>
    %broadcast_in_dim3A = arith.constant 0 : i32
    %broadcast_in_dim3A_3 = vector.broadcast %broadcast_in_dim3A : i32 to vector<16xi32>
    "tpu.region"() ({
      %run_scoped3A = tpu.sem_alloc : memref<!tpu.dma_semaphore, #tpu.memory_space<semaphore_mem>>
      tpu.enqueue_dma source(%arg5 : memref<50176xi32, #tpu.memory_space<hbm>>) target(%arg15 : memref<50176xi32, #tpu.memory_space<vmem>>) target_semaphore(%run_scoped3A : memref<!tpu.dma_semaphore, #tpu.memory_space<semaphore_mem>>)
      tpu.wait_dma2 semaphore(%run_scoped3A : memref<!tpu.dma_semaphore, #tpu.memory_space<semaphore_mem>>) src(%arg5 : memref<50176xi32, #tpu.memory_space<hbm>>) dst(%arg15 : memref<50176xi32, #tpu.memory_space<vmem>>)
      tpu.yield
    }) : () -> ()
    %scan3A = arith.constant 0 : i32
    %scan3A_4 = arith.constant 0 : i32
    %scan3A_5 = arith.constant 16 : i32
    %scan3A_6 = arith.addi %scan3A_4, %scan3A_5 : i32
    %scan3A_7 = arith.constant 1 : i32
    %scan3A_8 = scf.for %scan3A_10 = %scan3A_4 to %scan3A_6 step %scan3A_7 iter_args(%scan3A_11 = %scan3A) -> (i32)  : i32 {
      %add3A_12 = arith.addi %mul3A_2, %scan3A_10 : i32
      "tpu.region"() ({
        %run_scoped3A = tpu.sem_alloc : memref<!tpu.dma_semaphore, #tpu.memory_space<semaphore_mem>>
        %dma_start3A_252 = arith.constant 0 : i32
        %dma_start3A_253 = tpu.memref_slice %arg3[%add3A_12, %dma_start3A_252] : memref<512x16xf32, #tpu.memory_space<hbm>> -> memref<1x16xf32, #tpu.memory_space<hbm>>
        %dma_start3A_254 = tpu.memref_squeeze %dma_start3A_253 : memref<1x16xf32, #tpu.memory_space<hbm>> -> memref<16xf32, #tpu.memory_space<hbm>>
        %dma_start3A_255 = arith.constant 0 : i32
        %dma_start3A_256 = tpu.memref_slice %arg3[%add3A_12, %dma_start3A_255] : memref<512x16xf32, #tpu.memory_space<hbm>> -> memref<1x16xf32, #tpu.memory_space<hbm>>
        %dma_start3A_257 = tpu.memref_squeeze %dma_start3A_256 : memref<1x16xf32, #tpu.memory_space<hbm>> -> memref<16xf32, #tpu.memory_space<hbm>>
        tpu.enqueue_dma source(%dma_start3A_257 : memref<16xf32, #tpu.memory_space<hbm>>) target(%arg8 : memref<16xf32, #tpu.memory_space<vmem>>) target_semaphore(%run_scoped3A : memref<!tpu.dma_semaphore, #tpu.memory_space<semaphore_mem>>)
        %dma_wait3A_258 = arith.constant 0 : i32
        %dma_wait3A_259 = tpu.memref_slice %arg3[%add3A_12, %dma_wait3A_258] : memref<512x16xf32, #tpu.memory_space<hbm>> -> memref<1x16xf32, #tpu.memory_space<hbm>>
        %dma_wait3A_260 = tpu.memref_squeeze %dma_wait3A_259 : memref<1x16xf32, #tpu.memory_space<hbm>> -> memref<16xf32, #tpu.memory_space<hbm>>
        %dma_wait3A_261 = arith.constant 0 : i32
        %dma_wait3A_262 = tpu.memref_slice %arg3[%add3A_12, %dma_wait3A_261] : memref<512x16xf32, #tpu.memory_space<hbm>> -> memref<1x16xf32, #tpu.memory_space<hbm>>
        %dma_wait3A_263 = tpu.memref_squeeze %dma_wait3A_262 : memref<1x16xf32, #tpu.memory_space<hbm>> -> memref<16xf32, #tpu.memory_space<hbm>>
        tpu.wait_dma2 semaphore(%run_scoped3A : memref<!tpu.dma_semaphore, #tpu.memory_space<semaphore_mem>>) src(%dma_wait3A_263 : memref<16xf32, #tpu.memory_space<hbm>>) dst(%arg8 : memref<16xf32, #tpu.memory_space<vmem>>)
        tpu.yield
      }) : () -> ()
      %get3A = arith.constant 0 : index
      %get3A_13 = tpu.vector_load %arg8[%get3A] {strides = array<i32>} : memref<16xf32, #tpu.memory_space<vmem>>, vector<16xf32>,
      %mul3A_14 = arith.constant 7 : i32
      %mul3A_15 = arith.muli %add3A_12, %mul3A_14 : i32
      %dma_start3A = arith.constant 0 : i32
      %dma_start3A_16 = tpu.memref_slice %arg2[%mul3A_15, %dma_start3A] : memref<3584x7168xf32, #tpu.memory_space<hbm>> -> memref<1x7168xf32, #tpu.memory_space<hbm>>
      %dma_start3A_17 = tpu.memref_squeeze %dma_start3A_16 : memref<1x7168xf32, #tpu.memory_space<hbm>> -> memref<7168xf32, #tpu.memory_space<hbm>>
      %dma_start3A_18 = arith.constant 0 : i32
      %dma_start3A_19 = tpu.memref_slice %arg2[%mul3A_15, %dma_start3A_18] : memref<3584x7168xf32, #tpu.memory_space<hbm>> -> memref<1x7168xf32, #tpu.memory_space<hbm>>
      %dma_start3A_20 = tpu.memref_squeeze %dma_start3A_19 : memref<1x7168xf32, #tpu.memory_space<hbm>> -> memref<7168xf32, #tpu.memory_space<hbm>>
      tpu.enqueue_dma source(%dma_start3A_20 : memref<7168xf32, #tpu.memory_space<hbm>>) target(%arg9 : memref<7168xf32, #tpu.memory_space<vmem>>) target_semaphore(%arg18 : memref<!tpu.dma_semaphore, #tpu.memory_space<semaphore_mem>>)
      %mul3A_21 = arith.constant 7 : i32
      %mul3A_22 = arith.muli %add3A_12, %mul3A_21 : i32
      %add3A_23 = arith.constant 1 : i32
      %add3A_24 = arith.addi %mul3A_22, %add3A_23 : i32
      %dma_start3A_25 = arith.constant 0 : i32
      %dma_start3A_26 = tpu.memref_slice %arg2[%add3A_24, %dma_start3A_25] : memref<3584x7168xf32, #tpu.memory_space<hbm>> -> memref<1x7168xf32, #tpu.memory_space<hbm>>
      %dma_start3A_27 = tpu.memref_squeeze %dma_start3A_26 : memref<1x7168xf32, #tpu.memory_space<hbm>> -> memref<7168xf32, #tpu.memory_space<hbm>>
      %dma_start3A_28 = arith.constant 0 : i32
      %dma_start3A_29 = tpu.memref_slice %arg2[%add3A_24, %dma_start3A_28] : memref<3584x7168xf32, #tpu.memory_space<hbm>> -> memref<1x7168xf32, #tpu.memory_space<hbm>>
      %dma_start3A_30 = tpu.memref_squeeze %dma_start3A_29 : memref<1x7168xf32, #tpu.memory_space<hbm>> -> memref<7168xf32, #tpu.memory_space<hbm>>
      tpu.enqueue_dma source(%dma_start3A_30 : memref<7168xf32, #tpu.memory_space<hbm>>) target(%arg10 : memref<7168xf32, #tpu.memory_space<vmem>>) target_semaphore(%arg19 : memref<!tpu.dma_semaphore, #tpu.memory_space<semaphore_mem>>)
      %dma_wait3A = arith.constant 0 : i32
      %dma_wait3A_31 = tpu.memref_slice %arg2[%mul3A_15, %dma_wait3A] : memref<3584x7168xf32, #tpu.memory_space<hbm>> -> memref<1x7168xf32, #tpu.memory_space<hbm>>
      %dma_wait3A_32 = tpu.memref_squeeze %dma_wait3A_31 : memref<1x7168xf32, #tpu.memory_space<hbm>> -> memref<7168xf32, #tpu.memory_space<hbm>>
      %dma_wait3A_33 = arith.constant 0 : i32
      %dma_wait3A_34 = tpu.memref_slice %arg2[%mul3A_15, %dma_wait3A_33] : memref<3584x7168xf32, #tpu.memory_space<hbm>> -> memref<1x7168xf32, #tpu.memory_space<hbm>>
      %dma_wait3A_35 = tpu.memref_squeeze %dma_wait3A_34 : memref<1x7168xf32, #tpu.memory_space<hbm>> -> memref<7168xf32, #tpu.memory_space<hbm>>
      tpu.wait_dma2 semaphore(%arg18 : memref<!tpu.dma_semaphore, #tpu.memory_space<semaphore_mem>>) src(%dma_wait3A_35 : memref<7168xf32, #tpu.memory_space<hbm>>) dst(%arg9 : memref<7168xf32, #tpu.memory_space<vmem>>)
      %parallel_loop3A = arith.constant 0 : i32
      %parallel_loop3A_36 = arith.constant 448 : i32
      %parallel_loop3A_37 = arith.constant 1 : i32
      %parallel_loop3A_38 = scf.for %parallel_loop3A_252 = %parallel_loop3A to %parallel_loop3A_36 step %parallel_loop3A_37 iter_args(%parallel_loop3A_253 = %broadcast_in_dim3A_3) -> (vector<16xi32>)  : i32 {
        %parallel_loop3A_254 = arith.constant 16 : i32
        %parallel_loop3A_255 = arith.muli %parallel_loop3A_252, %parallel_loop3A_254 : i32
        %parallel_loop3A_256 = arith.index_cast %parallel_loop3A_255 : i32 to index
        %parallel_loop3A_257 = tpu.vector_load %arg9[%parallel_loop3A_256] {strides = array<i32>} : memref<7168xf32, #tpu.memory_space<vmem>>, vector<16xf32>,
        %parallel_loop3A_258 = arith.cmpf ole, %parallel_loop3A_257, %get3A_13 : vector<16xf32>
        %parallel_loop3A_259 = arith.constant 1 : i32
        %parallel_loop3A_260 = arith.constant 0 : i32
        %parallel_loop3A_261 = vector.broadcast %parallel_loop3A_259 : i32 to vector<16xi32>
        %parallel_loop3A_262 = vector.broadcast %parallel_loop3A_260 : i32 to vector<16xi32>
        %parallel_loop3A_263 = arith.select %parallel_loop3A_258, %parallel_loop3A_261, %parallel_loop3A_262 : vector<16xi1>, vector<16xi32>
        %parallel_loop3A_264 = arith.constant true
        %parallel_loop3A_265 = vector.broadcast %parallel_loop3A_264 : i1 to vector<16xi1>
        %parallel_loop3A_266 = tpu.scan <sum>, %parallel_loop3A_263 masked %parallel_loop3A_265 : vector<16xi32>, vector<16xi1> -> vector<16xi32>
        %parallel_loop3A_267 = arith.addi %parallel_loop3A_253, %parallel_loop3A_266 : vector<16xi32>
        %parallel_loop3A_268 = arith.constant 1 : i32
        %parallel_loop3A_269 = vector.broadcast %parallel_loop3A_268 : i32 to vector<16xi32>
        %parallel_loop3A_270 = arith.subi %parallel_loop3A_267, %parallel_loop3A_269 : vector<16xi32>
        %parallel_loop3A_271 = arith.constant 16 : i32
        %parallel_loop3A_272 = arith.muli %parallel_loop3A_252, %parallel_loop3A_271 : i32
        %parallel_loop3A_273 = arith.constant 0 : i32
        %parallel_loop3A_274 = arith.addi %parallel_loop3A_273, %parallel_loop3A_272 : i32
        %parallel_loop3A_275 = vector.broadcast %parallel_loop3A_274 : i32 to vector<16xi32>
        %parallel_loop3A_276 = arith.addi %parallel_loop3A_275, %iota3A : vector<16xi32>
        %parallel_loop3A_277 = arith.constant 4096 : i32
        %parallel_loop3A_278 = vector.broadcast %parallel_loop3A_277 : i32 to vector<16xi32>
        %parallel_loop3A_279 = arith.cmpi slt, %parallel_loop3A_270, %parallel_loop3A_278 : vector<16xi32>
        %parallel_loop3A_280 = arith.andi %parallel_loop3A_258, %parallel_loop3A_279 : vector<16xi1>
        tpu.vector_store_idx %arg11[%parallel_loop3A_270], %parallel_loop3A_257 masked %parallel_loop3A_280 : memref<4096xf32, #tpu.memory_space<vmem>>[vector<16xi32>], vector<16xf32>, vector<16xi1>
        tpu.vector_store_idx %arg12[%parallel_loop3A_270], %parallel_loop3A_276 masked %parallel_loop3A_280 : memref<4096xi32, #tpu.memory_space<vmem>>[vector<16xi32>], vector<16xi32>, vector<16xi1>
        %parallel_loop3A_281 = tpu.all_reduce %parallel_loop3A_258 {dim = 0 : i64, kind = #tpu.reduction_kind<sum>} : vector<16xi1> -> vector<16xi32>
        %parallel_loop3A_282 = arith.addi %parallel_loop3A_253, %parallel_loop3A_281 : vector<16xi32>
        scf.yield %parallel_loop3A_282 : vector<16xi32>
      } {sc.loop_unroll_factor = 4 : i64, sc.parallel_access}
      %mul3A_39 = arith.constant 7 : i32
      %mul3A_40 = arith.muli %add3A_12, %mul3A_39 : i32
      %add3A_41 = arith.constant 2 : i32
      %add3A_42 = arith.addi %mul3A_40, %add3A_41 : i32
      %dma_start3A_43 = arith.constant 0 : i32
      %dma_start3A_44 = tpu.memref_slice %arg2[%add3A_42, %dma_start3A_43] : memref<3584x7168xf32, #tpu.memory_space<hbm>> -> memref<1x7168xf32, #tpu.memory_space<hbm>>
      %dma_start3A_45 = tpu.memref_squeeze %dma_start3A_44 : memref<1x7168xf32, #tpu.memory_space<hbm>> -> memref<7168xf32, #tpu.memory_space<hbm>>
      %dma_start3A_46 = arith.constant 0 : i32
      %dma_start3A_47 = tpu.memref_slice %arg2[%add3A_42, %dma_start3A_46] : memref<3584x7168xf32, #tpu.memory_space<hbm>> -> memref<1x7168xf32, #tpu.memory_space<hbm>>
      %dma_start3A_48 = tpu.memref_squeeze %dma_start3A_47 : memref<1x7168xf32, #tpu.memory_space<hbm>> -> memref<7168xf32, #tpu.memory_space<hbm>>
      tpu.enqueue_dma source(%dma_start3A_48 : memref<7168xf32, #tpu.memory_space<hbm>>) target(%arg9 : memref<7168xf32, #tpu.memory_space<vmem>>) target_semaphore(%arg18 : memref<!tpu.dma_semaphore, #tpu.memory_space<semaphore_mem>>)
      %dma_wait3A_49 = arith.constant 0 : i32
      %dma_wait3A_50 = tpu.memref_slice %arg2[%add3A_24, %dma_wait3A_49] : memref<3584x7168xf32, #tpu.memory_space<hbm>> -> memref<1x7168xf32, #tpu.memory_space<hbm>>
      %dma_wait3A_51 = tpu.memref_squeeze %dma_wait3A_50 : memref<1x7168xf32, #tpu.memory_space<hbm>> -> memref<7168xf32, #tpu.memory_space<hbm>>
      %dma_wait3A_52 = arith.constant 0 : i32
      %dma_wait3A_53 = tpu.memref_slice %arg2[%add3A_24, %dma_wait3A_52] : memref<3584x7168xf32, #tpu.memory_space<hbm>> -> memref<1x7168xf32, #tpu.memory_space<hbm>>
      %dma_wait3A_54 = tpu.memref_squeeze %dma_wait3A_53 : memref<1x7168xf32, #tpu.memory_space<hbm>> -> memref<7168xf32, #tpu.memory_space<hbm>>
      tpu.wait_dma2 semaphore(%arg19 : memref<!tpu.dma_semaphore, #tpu.memory_space<semaphore_mem>>) src(%dma_wait3A_54 : memref<7168xf32, #tpu.memory_space<hbm>>) dst(%arg10 : memref<7168xf32, #tpu.memory_space<vmem>>)
      %parallel_loop3A_55 = arith.constant 0 : i32
      %parallel_loop3A_56 = arith.constant 448 : i32
      %parallel_loop3A_57 = arith.constant 1 : i32
      %parallel_loop3A_58 = scf.for %parallel_loop3A_252 = %parallel_loop3A_55 to %parallel_loop3A_56 step %parallel_loop3A_57 iter_args(%parallel_loop3A_253 = %parallel_loop3A_38) -> (vector<16xi32>)  : i32 {
        %parallel_loop3A_254 = arith.constant 16 : i32
        %parallel_loop3A_255 = arith.muli %parallel_loop3A_252, %parallel_loop3A_254 : i32
        %parallel_loop3A_256 = arith.index_cast %parallel_loop3A_255 : i32 to index
        %parallel_loop3A_257 = tpu.vector_load %arg10[%parallel_loop3A_256] {strides = array<i32>} : memref<7168xf32, #tpu.memory_space<vmem>>, vector<16xf32>,
        %parallel_loop3A_258 = arith.cmpf ole, %parallel_loop3A_257, %get3A_13 : vector<16xf32>
        %parallel_loop3A_259 = arith.constant 1 : i32
        %parallel_loop3A_260 = arith.constant 0 : i32
        %parallel_loop3A_261 = vector.broadcast %parallel_loop3A_259 : i32 to vector<16xi32>
        %parallel_loop3A_262 = vector.broadcast %parallel_loop3A_260 : i32 to vector<16xi32>
        %parallel_loop3A_263 = arith.select %parallel_loop3A_258, %parallel_loop3A_261, %parallel_loop3A_262 : vector<16xi1>, vector<16xi32>
        %parallel_loop3A_264 = arith.constant true
        %parallel_loop3A_265 = vector.broadcast %parallel_loop3A_264 : i1 to vector<16xi1>
        %parallel_loop3A_266 = tpu.scan <sum>, %parallel_loop3A_263 masked %parallel_loop3A_265 : vector<16xi32>, vector<16xi1> -> vector<16xi32>
        %parallel_loop3A_267 = arith.addi %parallel_loop3A_253, %parallel_loop3A_266 : vector<16xi32>
        %parallel_loop3A_268 = arith.constant 1 : i32
        %parallel_loop3A_269 = vector.broadcast %parallel_loop3A_268 : i32 to vector<16xi32>
        %parallel_loop3A_270 = arith.subi %parallel_loop3A_267, %parallel_loop3A_269 : vector<16xi32>
        %parallel_loop3A_271 = arith.constant 16 : i32
        %parallel_loop3A_272 = arith.muli %parallel_loop3A_252, %parallel_loop3A_271 : i32
        %parallel_loop3A_273 = arith.constant 7168 : i32
        %parallel_loop3A_274 = arith.addi %parallel_loop3A_273, %parallel_loop3A_272 : i32
        %parallel_loop3A_275 = vector.broadcast %parallel_loop3A_274 : i32 to vector<16xi32>
        %parallel_loop3A_276 = arith.addi %parallel_loop3A_275, %iota3A : vector<16xi32>
        %parallel_loop3A_277 = arith.constant 4096 : i32
        %parallel_loop3A_278 = vector.broadcast %parallel_loop3A_277 : i32 to vector<16xi32>
        %parallel_loop3A_279 = arith.cmpi slt, %parallel_loop3A_270, %parallel_loop3A_278 : vector<16xi32>
        %parallel_loop3A_280 = arith.andi %parallel_loop3A_258, %parallel_loop3A_279 : vector<16xi1>
        tpu.vector_store_idx %arg11[%parallel_loop3A_270], %parallel_loop3A_257 masked %parallel_loop3A_280 : memref<4096xf32, #tpu.memory_space<vmem>>[vector<16xi32>], vector<16xf32>, vector<16xi1>
        tpu.vector_store_idx %arg12[%parallel_loop3A_270], %parallel_loop3A_276 masked %parallel_loop3A_280 : memref<4096xi32, #tpu.memory_space<vmem>>[vector<16xi32>], vector<16xi32>, vector<16xi1>
        %parallel_loop3A_281 = tpu.all_reduce %parallel_loop3A_258 {dim = 0 : i64, kind = #tpu.reduction_kind<sum>} : vector<16xi1> -> vector<16xi32>
        %parallel_loop3A_282 = arith.addi %parallel_loop3A_253, %parallel_loop3A_281 : vector<16xi32>
        scf.yield %parallel_loop3A_282 : vector<16xi32>
      } {sc.loop_unroll_factor = 4 : i64, sc.parallel_access}
      %mul3A_59 = arith.constant 7 : i32
      %mul3A_60 = arith.muli %add3A_12, %mul3A_59 : i32
      %add3A_61 = arith.constant 3 : i32
      %add3A_62 = arith.addi %mul3A_60, %add3A_61 : i32
      %dma_start3A_63 = arith.constant 0 : i32
      %dma_start3A_64 = tpu.memref_slice %arg2[%add3A_62, %dma_start3A_63] : memref<3584x7168xf32, #tpu.memory_space<hbm>> -> memref<1x7168xf32, #tpu.memory_space<hbm>>
      %dma_start3A_65 = tpu.memref_squeeze %dma_start3A_64 : memref<1x7168xf32, #tpu.memory_space<hbm>> -> memref<7168xf32, #tpu.memory_space<hbm>>
      %dma_start3A_66 = arith.constant 0 : i32
      %dma_start3A_67 = tpu.memref_slice %arg2[%add3A_62, %dma_start3A_66] : memref<3584x7168xf32, #tpu.memory_space<hbm>> -> memref<1x7168xf32, #tpu.memory_space<hbm>>
      %dma_start3A_68 = tpu.memref_squeeze %dma_start3A_67 : memref<1x7168xf32, #tpu.memory_space<hbm>> -> memref<7168xf32, #tpu.memory_space<hbm>>
      tpu.enqueue_dma source(%dma_start3A_68 : memref<7168xf32, #tpu.memory_space<hbm>>) target(%arg10 : memref<7168xf32, #tpu.memory_space<vmem>>) target_semaphore(%arg19 : memref<!tpu.dma_semaphore, #tpu.memory_space<semaphore_mem>>)
      %dma_wait3A_69 = arith.constant 0 : i32
      %dma_wait3A_70 = tpu.memref_slice %arg2[%add3A_42, %dma_wait3A_69] : memref<3584x7168xf32, #tpu.memory_space<hbm>> -> memref<1x7168xf32, #tpu.memory_space<hbm>>
      %dma_wait3A_71 = tpu.memref_squeeze %dma_wait3A_70 : memref<1x7168xf32, #tpu.memory_space<hbm>> -> memref<7168xf32, #tpu.memory_space<hbm>>
      %dma_wait3A_72 = arith.constant 0 : i32
      %dma_wait3A_73 = tpu.memref_slice %arg2[%add3A_42, %dma_wait3A_72] : memref<3584x7168xf32, #tpu.memory_space<hbm>> -> memref<1x7168xf32, #tpu.memory_space<hbm>>
      %dma_wait3A_74 = tpu.memref_squeeze %dma_wait3A_73 : memref<1x7168xf32, #tpu.memory_space<hbm>> -> memref<7168xf32, #tpu.memory_space<hbm>>
      tpu.wait_dma2 semaphore(%arg18 : memref<!tpu.dma_semaphore, #tpu.memory_space<semaphore_mem>>) src(%dma_wait3A_74 : memref<7168xf32, #tpu.memory_space<hbm>>) dst(%arg9 : memref<7168xf32, #tpu.memory_space<vmem>>)
      %parallel_loop3A_75 = arith.constant 0 : i32
      %parallel_loop3A_76 = arith.constant 448 : i32
      %parallel_loop3A_77 = arith.constant 1 : i32
      %parallel_loop3A_78 = scf.for %parallel_loop3A_252 = %parallel_loop3A_75 to %parallel_loop3A_76 step %parallel_loop3A_77 iter_args(%parallel_loop3A_253 = %parallel_loop3A_58) -> (vector<16xi32>)  : i32 {
        %parallel_loop3A_254 = arith.constant 16 : i32
        %parallel_loop3A_255 = arith.muli %parallel_loop3A_252, %parallel_loop3A_254 : i32
        %parallel_loop3A_256 = arith.index_cast %parallel_loop3A_255 : i32 to index
        %parallel_loop3A_257 = tpu.vector_load %arg9[%parallel_loop3A_256] {strides = array<i32>} : memref<7168xf32, #tpu.memory_space<vmem>>, vector<16xf32>,
        %parallel_loop3A_258 = arith.cmpf ole, %parallel_loop3A_257, %get3A_13 : vector<16xf32>
        %parallel_loop3A_259 = arith.constant 1 : i32
        %parallel_loop3A_260 = arith.constant 0 : i32
        %parallel_loop3A_261 = vector.broadcast %parallel_loop3A_259 : i32 to vector<16xi32>
        %parallel_loop3A_262 = vector.broadcast %parallel_loop3A_260 : i32 to vector<16xi32>
        %parallel_loop3A_263 = arith.select %parallel_loop3A_258, %parallel_loop3A_261, %parallel_loop3A_262 : vector<16xi1>, vector<16xi32>
        %parallel_loop3A_264 = arith.constant true
        %parallel_loop3A_265 = vector.broadcast %parallel_loop3A_264 : i1 to vector<16xi1>
        %parallel_loop3A_266 = tpu.scan <sum>, %parallel_loop3A_263 masked %parallel_loop3A_265 : vector<16xi32>, vector<16xi1> -> vector<16xi32>
        %parallel_loop3A_267 = arith.addi %parallel_loop3A_253, %parallel_loop3A_266 : vector<16xi32>
        %parallel_loop3A_268 = arith.constant 1 : i32
        %parallel_loop3A_269 = vector.broadcast %parallel_loop3A_268 : i32 to vector<16xi32>
        %parallel_loop3A_270 = arith.subi %parallel_loop3A_267, %parallel_loop3A_269 : vector<16xi32>
        %parallel_loop3A_271 = arith.constant 16 : i32
        %parallel_loop3A_272 = arith.muli %parallel_loop3A_252, %parallel_loop3A_271 : i32
        %parallel_loop3A_273 = arith.constant 14336 : i32
        %parallel_loop3A_274 = arith.addi %parallel_loop3A_273, %parallel_loop3A_272 : i32
        %parallel_loop3A_275 = vector.broadcast %parallel_loop3A_274 : i32 to vector<16xi32>
        %parallel_loop3A_276 = arith.addi %parallel_loop3A_275, %iota3A : vector<16xi32>
        %parallel_loop3A_277 = arith.constant 4096 : i32
        %parallel_loop3A_278 = vector.broadcast %parallel_loop3A_277 : i32 to vector<16xi32>
        %parallel_loop3A_279 = arith.cmpi slt, %parallel_loop3A_270, %parallel_loop3A_278 : vector<16xi32>
        %parallel_loop3A_280 = arith.andi %parallel_loop3A_258, %parallel_loop3A_279 : vector<16xi1>
        tpu.vector_store_idx %arg11[%parallel_loop3A_270], %parallel_loop3A_257 masked %parallel_loop3A_280 : memref<4096xf32, #tpu.memory_space<vmem>>[vector<16xi32>], vector<16xf32>, vector<16xi1>
        tpu.vector_store_idx %arg12[%parallel_loop3A_270], %parallel_loop3A_276 masked %parallel_loop3A_280 : memref<4096xi32, #tpu.memory_space<vmem>>[vector<16xi32>], vector<16xi32>, vector<16xi1>
        %parallel_loop3A_281 = tpu.all_reduce %parallel_loop3A_258 {dim = 0 : i64, kind = #tpu.reduction_kind<sum>} : vector<16xi1> -> vector<16xi32>
        %parallel_loop3A_282 = arith.addi %parallel_loop3A_253, %parallel_loop3A_281 : vector<16xi32>
        scf.yield %parallel_loop3A_282 : vector<16xi32>
      } {sc.loop_unroll_factor = 4 : i64, sc.parallel_access}
      %mul3A_79 = arith.constant 7 : i32
      %mul3A_80 = arith.muli %add3A_12, %mul3A_79 : i32
      %add3A_81 = arith.constant 4 : i32
      %add3A_82 = arith.addi %mul3A_80, %add3A_81 : i32
      %dma_start3A_83 = arith.constant 0 : i32
      %dma_start3A_84 = tpu.memref_slice %arg2[%add3A_82, %dma_start3A_83] : memref<3584x7168xf32, #tpu.memory_space<hbm>> -> memref<1x7168xf32, #tpu.memory_space<hbm>>
      %dma_start3A_85 = tpu.memref_squeeze %dma_start3A_84 : memref<1x7168xf32, #tpu.memory_space<hbm>> -> memref<7168xf32, #tpu.memory_space<hbm>>
      %dma_start3A_86 = arith.constant 0 : i32
      %dma_start3A_87 = tpu.memref_slice %arg2[%add3A_82, %dma_start3A_86] : memref<3584x7168xf32, #tpu.memory_space<hbm>> -> memref<1x7168xf32, #tpu.memory_space<hbm>>
      %dma_start3A_88 = tpu.memref_squeeze %dma_start3A_87 : memref<1x7168xf32, #tpu.memory_space<hbm>> -> memref<7168xf32, #tpu.memory_space<hbm>>
      tpu.enqueue_dma source(%dma_start3A_88 : memref<7168xf32, #tpu.memory_space<hbm>>) target(%arg9 : memref<7168xf32, #tpu.memory_space<vmem>>) target_semaphore(%arg18 : memref<!tpu.dma_semaphore, #tpu.memory_space<semaphore_mem>>)
      %dma_wait3A_89 = arith.constant 0 : i32
      %dma_wait3A_90 = tpu.memref_slice %arg2[%add3A_62, %dma_wait3A_89] : memref<3584x7168xf32, #tpu.memory_space<hbm>> -> memref<1x7168xf32, #tpu.memory_space<hbm>>
      %dma_wait3A_91 = tpu.memref_squeeze %dma_wait3A_90 : memref<1x7168xf32, #tpu.memory_space<hbm>> -> memref<7168xf32, #tpu.memory_space<hbm>>
      %dma_wait3A_92 = arith.constant 0 : i32
      %dma_wait3A_93 = tpu.memref_slice %arg2[%add3A_62, %dma_wait3A_92] : memref<3584x7168xf32, #tpu.memory_space<hbm>> -> memref<1x7168xf32, #tpu.memory_space<hbm>>
      %dma_wait3A_94 = tpu.memref_squeeze %dma_wait3A_93 : memref<1x7168xf32, #tpu.memory_space<hbm>> -> memref<7168xf32, #tpu.memory_space<hbm>>
      tpu.wait_dma2 semaphore(%arg19 : memref<!tpu.dma_semaphore, #tpu.memory_space<semaphore_mem>>) src(%dma_wait3A_94 : memref<7168xf32, #tpu.memory_space<hbm>>) dst(%arg10 : memref<7168xf32, #tpu.memory_space<vmem>>)
      %parallel_loop3A_95 = arith.constant 0 : i32
      %parallel_loop3A_96 = arith.constant 448 : i32
      %parallel_loop3A_97 = arith.constant 1 : i32
      %parallel_loop3A_98 = scf.for %parallel_loop3A_252 = %parallel_loop3A_95 to %parallel_loop3A_96 step %parallel_loop3A_97 iter_args(%parallel_loop3A_253 = %parallel_loop3A_78) -> (vector<16xi32>)  : i32 {
        %parallel_loop3A_254 = arith.constant 16 : i32
        %parallel_loop3A_255 = arith.muli %parallel_loop3A_252, %parallel_loop3A_254 : i32
        %parallel_loop3A_256 = arith.index_cast %parallel_loop3A_255 : i32 to index
        %parallel_loop3A_257 = tpu.vector_load %arg10[%parallel_loop3A_256] {strides = array<i32>} : memref<7168xf32, #tpu.memory_space<vmem>>, vector<16xf32>,
        %parallel_loop3A_258 = arith.cmpf ole, %parallel_loop3A_257, %get3A_13 : vector<16xf32>
        %parallel_loop3A_259 = arith.constant 1 : i32
        %parallel_loop3A_260 = arith.constant 0 : i32
        %parallel_loop3A_261 = vector.broadcast %parallel_loop3A_259 : i32 to vector<16xi32>
        %parallel_loop3A_262 = vector.broadcast %parallel_loop3A_260 : i32 to vector<16xi32>
        %parallel_loop3A_263 = arith.select %parallel_loop3A_258, %parallel_loop3A_261, %parallel_loop3A_262 : vector<16xi1>, vector<16xi32>
        %parallel_loop3A_264 = arith.constant true
        %parallel_loop3A_265 = vector.broadcast %parallel_loop3A_264 : i1 to vector<16xi1>
        %parallel_loop3A_266 = tpu.scan <sum>, %parallel_loop3A_263 masked %parallel_loop3A_265 : vector<16xi32>, vector<16xi1> -> vector<16xi32>
        %parallel_loop3A_267 = arith.addi %parallel_loop3A_253, %parallel_loop3A_266 : vector<16xi32>
        %parallel_loop3A_268 = arith.constant 1 : i32
        %parallel_loop3A_269 = vector.broadcast %parallel_loop3A_268 : i32 to vector<16xi32>
        %parallel_loop3A_270 = arith.subi %parallel_loop3A_267, %parallel_loop3A_269 : vector<16xi32>
        %parallel_loop3A_271 = arith.constant 16 : i32
        %parallel_loop3A_272 = arith.muli %parallel_loop3A_252, %parallel_loop3A_271 : i32
        %parallel_loop3A_273 = arith.constant 21504 : i32
        %parallel_loop3A_274 = arith.addi %parallel_loop3A_273, %parallel_loop3A_272 : i32
        %parallel_loop3A_275 = vector.broadcast %parallel_loop3A_274 : i32 to vector<16xi32>
        %parallel_loop3A_276 = arith.addi %parallel_loop3A_275, %iota3A : vector<16xi32>
        %parallel_loop3A_277 = arith.constant 4096 : i32
        %parallel_loop3A_278 = vector.broadcast %parallel_loop3A_277 : i32 to vector<16xi32>
        %parallel_loop3A_279 = arith.cmpi slt, %parallel_loop3A_270, %parallel_loop3A_278 : vector<16xi32>
        %parallel_loop3A_280 = arith.andi %parallel_loop3A_258, %parallel_loop3A_279 : vector<16xi1>
        tpu.vector_store_idx %arg11[%parallel_loop3A_270], %parallel_loop3A_257 masked %parallel_loop3A_280 : memref<4096xf32, #tpu.memory_space<vmem>>[vector<16xi32>], vector<16xf32>, vector<16xi1>
        tpu.vector_store_idx %arg12[%parallel_loop3A_270], %parallel_loop3A_276 masked %parallel_loop3A_280 : memref<4096xi32, #tpu.memory_space<vmem>>[vector<16xi32>], vector<16xi32>, vector<16xi1>
        %parallel_loop3A_281 = tpu.all_reduce %parallel_loop3A_258 {dim = 0 : i64, kind = #tpu.reduction_kind<sum>} : vector<16xi1> -> vector<16xi32>
        %parallel_loop3A_282 = arith.addi %parallel_loop3A_253, %parallel_loop3A_281 : vector<16xi32>
        scf.yield %parallel_loop3A_282 : vector<16xi32>
      } {sc.loop_unroll_factor = 4 : i64, sc.parallel_access}
      %mul3A_99 = arith.constant 7 : i32
      %mul3A_100 = arith.muli %add3A_12, %mul3A_99 : i32
      %add3A_101 = arith.constant 5 : i32
      %add3A_102 = arith.addi %mul3A_100, %add3A_101 : i32
      %dma_start3A_103 = arith.constant 0 : i32
      %dma_start3A_104 = tpu.memref_slice %arg2[%add3A_102, %dma_start3A_103] : memref<3584x7168xf32, #tpu.memory_space<hbm>> -> memref<1x7168xf32, #tpu.memory_space<hbm>>
      %dma_start3A_105 = tpu.memref_squeeze %dma_start3A_104 : memref<1x7168xf32, #tpu.memory_space<hbm>> -> memref<7168xf32, #tpu.memory_space<hbm>>
      %dma_start3A_106 = arith.constant 0 : i32
      %dma_start3A_107 = tpu.memref_slice %arg2[%add3A_102, %dma_start3A_106] : memref<3584x7168xf32, #tpu.memory_space<hbm>> -> memref<1x7168xf32, #tpu.memory_space<hbm>>
      %dma_start3A_108 = tpu.memref_squeeze %dma_start3A_107 : memref<1x7168xf32, #tpu.memory_space<hbm>> -> memref<7168xf32, #tpu.memory_space<hbm>>
      tpu.enqueue_dma source(%dma_start3A_108 : memref<7168xf32, #tpu.memory_space<hbm>>) target(%arg10 : memref<7168xf32, #tpu.memory_space<vmem>>) target_semaphore(%arg19 : memref<!tpu.dma_semaphore, #tpu.memory_space<semaphore_mem>>)
      %dma_wait3A_109 = arith.constant 0 : i32
      %dma_wait3A_110 = tpu.memref_slice %arg2[%add3A_82, %dma_wait3A_109] : memref<3584x7168xf32, #tpu.memory_space<hbm>> -> memref<1x7168xf32, #tpu.memory_space<hbm>>
      %dma_wait3A_111 = tpu.memref_squeeze %dma_wait3A_110 : memref<1x7168xf32, #tpu.memory_space<hbm>> -> memref<7168xf32, #tpu.memory_space<hbm>>
      %dma_wait3A_112 = arith.constant 0 : i32
      %dma_wait3A_113 = tpu.memref_slice %arg2[%add3A_82, %dma_wait3A_112] : memref<3584x7168xf32, #tpu.memory_space<hbm>> -> memref<1x7168xf32, #tpu.memory_space<hbm>>
      %dma_wait3A_114 = tpu.memref_squeeze %dma_wait3A_113 : memref<1x7168xf32, #tpu.memory_space<hbm>> -> memref<7168xf32, #tpu.memory_space<hbm>>
      tpu.wait_dma2 semaphore(%arg18 : memref<!tpu.dma_semaphore, #tpu.memory_space<semaphore_mem>>) src(%dma_wait3A_114 : memref<7168xf32, #tpu.memory_space<hbm>>) dst(%arg9 : memref<7168xf32, #tpu.memory_space<vmem>>)
      %parallel_loop3A_115 = arith.constant 0 : i32
      %parallel_loop3A_116 = arith.constant 448 : i32
      %parallel_loop3A_117 = arith.constant 1 : i32
      %parallel_loop3A_118 = scf.for %parallel_loop3A_252 = %parallel_loop3A_115 to %parallel_loop3A_116 step %parallel_loop3A_117 iter_args(%parallel_loop3A_253 = %parallel_loop3A_98) -> (vector<16xi32>)  : i32 {
        %parallel_loop3A_254 = arith.constant 16 : i32
        %parallel_loop3A_255 = arith.muli %parallel_loop3A_252, %parallel_loop3A_254 : i32
        %parallel_loop3A_256 = arith.index_cast %parallel_loop3A_255 : i32 to index
        %parallel_loop3A_257 = tpu.vector_load %arg9[%parallel_loop3A_256] {strides = array<i32>} : memref<7168xf32, #tpu.memory_space<vmem>>, vector<16xf32>,
        %parallel_loop3A_258 = arith.cmpf ole, %parallel_loop3A_257, %get3A_13 : vector<16xf32>
        %parallel_loop3A_259 = arith.constant 1 : i32
        %parallel_loop3A_260 = arith.constant 0 : i32
        %parallel_loop3A_261 = vector.broadcast %parallel_loop3A_259 : i32 to vector<16xi32>
        %parallel_loop3A_262 = vector.broadcast %parallel_loop3A_260 : i32 to vector<16xi32>
        %parallel_loop3A_263 = arith.select %parallel_loop3A_258, %parallel_loop3A_261, %parallel_loop3A_262 : vector<16xi1>, vector<16xi32>
        %parallel_loop3A_264 = arith.constant true
        %parallel_loop3A_265 = vector.broadcast %parallel_loop3A_264 : i1 to vector<16xi1>
        %parallel_loop3A_266 = tpu.scan <sum>, %parallel_loop3A_263 masked %parallel_loop3A_265 : vector<16xi32>, vector<16xi1> -> vector<16xi32>
        %parallel_loop3A_267 = arith.addi %parallel_loop3A_253, %parallel_loop3A_266 : vector<16xi32>
        %parallel_loop3A_268 = arith.constant 1 : i32
        %parallel_loop3A_269 = vector.broadcast %parallel_loop3A_268 : i32 to vector<16xi32>
        %parallel_loop3A_270 = arith.subi %parallel_loop3A_267, %parallel_loop3A_269 : vector<16xi32>
        %parallel_loop3A_271 = arith.constant 16 : i32
        %parallel_loop3A_272 = arith.muli %parallel_loop3A_252, %parallel_loop3A_271 : i32
        %parallel_loop3A_273 = arith.constant 28672 : i32
        %parallel_loop3A_274 = arith.addi %parallel_loop3A_273, %parallel_loop3A_272 : i32
        %parallel_loop3A_275 = vector.broadcast %parallel_loop3A_274 : i32 to vector<16xi32>
        %parallel_loop3A_276 = arith.addi %parallel_loop3A_275, %iota3A : vector<16xi32>
        %parallel_loop3A_277 = arith.constant 4096 : i32
        %parallel_loop3A_278 = vector.broadcast %parallel_loop3A_277 : i32 to vector<16xi32>
        %parallel_loop3A_279 = arith.cmpi slt, %parallel_loop3A_270, %parallel_loop3A_278 : vector<16xi32>
        %parallel_loop3A_280 = arith.andi %parallel_loop3A_258, %parallel_loop3A_279 : vector<16xi1>
        tpu.vector_store_idx %arg11[%parallel_loop3A_270], %parallel_loop3A_257 masked %parallel_loop3A_280 : memref<4096xf32, #tpu.memory_space<vmem>>[vector<16xi32>], vector<16xf32>, vector<16xi1>
        tpu.vector_store_idx %arg12[%parallel_loop3A_270], %parallel_loop3A_276 masked %parallel_loop3A_280 : memref<4096xi32, #tpu.memory_space<vmem>>[vector<16xi32>], vector<16xi32>, vector<16xi1>
        %parallel_loop3A_281 = tpu.all_reduce %parallel_loop3A_258 {dim = 0 : i64, kind = #tpu.reduction_kind<sum>} : vector<16xi1> -> vector<16xi32>
        %parallel_loop3A_282 = arith.addi %parallel_loop3A_253, %parallel_loop3A_281 : vector<16xi32>
        scf.yield %parallel_loop3A_282 : vector<16xi32>
      } {sc.loop_unroll_factor = 4 : i64, sc.parallel_access}
      %mul3A_119 = arith.constant 7 : i32
      %mul3A_120 = arith.muli %add3A_12, %mul3A_119 : i32
      %add3A_121 = arith.constant 6 : i32
      %add3A_122 = arith.addi %mul3A_120, %add3A_121 : i32
      %dma_start3A_123 = arith.constant 0 : i32
      %dma_start3A_124 = tpu.memref_slice %arg2[%add3A_122, %dma_start3A_123] : memref<3584x7168xf32, #tpu.memory_space<hbm>> -> memref<1x7168xf32, #tpu.memory_space<hbm>>
      %dma_start3A_125 = tpu.memref_squeeze %dma_start3A_124 : memref<1x7168xf32, #tpu.memory_space<hbm>> -> memref<7168xf32, #tpu.memory_space<hbm>>
      %dma_start3A_126 = arith.constant 0 : i32
      %dma_start3A_127 = tpu.memref_slice %arg2[%add3A_122, %dma_start3A_126] : memref<3584x7168xf32, #tpu.memory_space<hbm>> -> memref<1x7168xf32, #tpu.memory_space<hbm>>
      %dma_start3A_128 = tpu.memref_squeeze %dma_start3A_127 : memref<1x7168xf32, #tpu.memory_space<hbm>> -> memref<7168xf32, #tpu.memory_space<hbm>>
      tpu.enqueue_dma source(%dma_start3A_128 : memref<7168xf32, #tpu.memory_space<hbm>>) target(%arg9 : memref<7168xf32, #tpu.memory_space<vmem>>) target_semaphore(%arg18 : memref<!tpu.dma_semaphore, #tpu.memory_space<semaphore_mem>>)
      %dma_wait3A_129 = arith.constant 0 : i32
      %dma_wait3A_130 = tpu.memref_slice %arg2[%add3A_102, %dma_wait3A_129] : memref<3584x7168xf32, #tpu.memory_space<hbm>> -> memref<1x7168xf32, #tpu.memory_space<hbm>>
      %dma_wait3A_131 = tpu.memref_squeeze %dma_wait3A_130 : memref<1x7168xf32, #tpu.memory_space<hbm>> -> memref<7168xf32, #tpu.memory_space<hbm>>
      %dma_wait3A_132 = arith.constant 0 : i32
      %dma_wait3A_133 = tpu.memref_slice %arg2[%add3A_102, %dma_wait3A_132] : memref<3584x7168xf32, #tpu.memory_space<hbm>> -> memref<1x7168xf32, #tpu.memory_space<hbm>>
      %dma_wait3A_134 = tpu.memref_squeeze %dma_wait3A_133 : memref<1x7168xf32, #tpu.memory_space<hbm>> -> memref<7168xf32, #tpu.memory_space<hbm>>
      tpu.wait_dma2 semaphore(%arg19 : memref<!tpu.dma_semaphore, #tpu.memory_space<semaphore_mem>>) src(%dma_wait3A_134 : memref<7168xf32, #tpu.memory_space<hbm>>) dst(%arg10 : memref<7168xf32, #tpu.memory_space<vmem>>)
      %parallel_loop3A_135 = arith.constant 0 : i32
      %parallel_loop3A_136 = arith.constant 448 : i32
      %parallel_loop3A_137 = arith.constant 1 : i32
      %parallel_loop3A_138 = scf.for %parallel_loop3A_252 = %parallel_loop3A_135 to %parallel_loop3A_136 step %parallel_loop3A_137 iter_args(%parallel_loop3A_253 = %parallel_loop3A_118) -> (vector<16xi32>)  : i32 {
        %parallel_loop3A_254 = arith.constant 16 : i32
        %parallel_loop3A_255 = arith.muli %parallel_loop3A_252, %parallel_loop3A_254 : i32
        %parallel_loop3A_256 = arith.index_cast %parallel_loop3A_255 : i32 to index
        %parallel_loop3A_257 = tpu.vector_load %arg10[%parallel_loop3A_256] {strides = array<i32>} : memref<7168xf32, #tpu.memory_space<vmem>>, vector<16xf32>,
        %parallel_loop3A_258 = arith.cmpf ole, %parallel_loop3A_257, %get3A_13 : vector<16xf32>
        %parallel_loop3A_259 = arith.constant 1 : i32
        %parallel_loop3A_260 = arith.constant 0 : i32
        %parallel_loop3A_261 = vector.broadcast %parallel_loop3A_259 : i32 to vector<16xi32>
        %parallel_loop3A_262 = vector.broadcast %parallel_loop3A_260 : i32 to vector<16xi32>
        %parallel_loop3A_263 = arith.select %parallel_loop3A_258, %parallel_loop3A_261, %parallel_loop3A_262 : vector<16xi1>, vector<16xi32>
        %parallel_loop3A_264 = arith.constant true
        %parallel_loop3A_265 = vector.broadcast %parallel_loop3A_264 : i1 to vector<16xi1>
        %parallel_loop3A_266 = tpu.scan <sum>, %parallel_loop3A_263 masked %parallel_loop3A_265 : vector<16xi32>, vector<16xi1> -> vector<16xi32>
        %parallel_loop3A_267 = arith.addi %parallel_loop3A_253, %parallel_loop3A_266 : vector<16xi32>
        %parallel_loop3A_268 = arith.constant 1 : i32
        %parallel_loop3A_269 = vector.broadcast %parallel_loop3A_268 : i32 to vector<16xi32>
        %parallel_loop3A_270 = arith.subi %parallel_loop3A_267, %parallel_loop3A_269 : vector<16xi32>
        %parallel_loop3A_271 = arith.constant 16 : i32
        %parallel_loop3A_272 = arith.muli %parallel_loop3A_252, %parallel_loop3A_271 : i32
        %parallel_loop3A_273 = arith.constant 35840 : i32
        %parallel_loop3A_274 = arith.addi %parallel_loop3A_273, %parallel_loop3A_272 : i32
        %parallel_loop3A_275 = vector.broadcast %parallel_loop3A_274 : i32 to vector<16xi32>
        %parallel_loop3A_276 = arith.addi %parallel_loop3A_275, %iota3A : vector<16xi32>
        %parallel_loop3A_277 = arith.constant 4096 : i32
        %parallel_loop3A_278 = vector.broadcast %parallel_loop3A_277 : i32 to vector<16xi32>
        %parallel_loop3A_279 = arith.cmpi slt, %parallel_loop3A_270, %parallel_loop3A_278 : vector<16xi32>
        %parallel_loop3A_280 = arith.andi %parallel_loop3A_258, %parallel_loop3A_279 : vector<16xi1>
        tpu.vector_store_idx %arg11[%parallel_loop3A_270], %parallel_loop3A_257 masked %parallel_loop3A_280 : memref<4096xf32, #tpu.memory_space<vmem>>[vector<16xi32>], vector<16xf32>, vector<16xi1>
        tpu.vector_store_idx %arg12[%parallel_loop3A_270], %parallel_loop3A_276 masked %parallel_loop3A_280 : memref<4096xi32, #tpu.memory_space<vmem>>[vector<16xi32>], vector<16xi32>, vector<16xi1>
        %parallel_loop3A_281 = tpu.all_reduce %parallel_loop3A_258 {dim = 0 : i64, kind = #tpu.reduction_kind<sum>} : vector<16xi1> -> vector<16xi32>
        %parallel_loop3A_282 = arith.addi %parallel_loop3A_253, %parallel_loop3A_281 : vector<16xi32>
        scf.yield %parallel_loop3A_282 : vector<16xi32>
      } {sc.loop_unroll_factor = 4 : i64, sc.parallel_access}
      %dma_wait3A_139 = arith.constant 0 : i32
      %dma_wait3A_140 = tpu.memref_slice %arg2[%add3A_122, %dma_wait3A_139] : memref<3584x7168xf32, #tpu.memory_space<hbm>> -> memref<1x7168xf32, #tpu.memory_space<hbm>>
      %dma_wait3A_141 = tpu.memref_squeeze %dma_wait3A_140 : memref<1x7168xf32, #tpu.memory_space<hbm>> -> memref<7168xf32, #tpu.memory_space<hbm>>
      %dma_wait3A_142 = arith.constant 0 : i32
      %dma_wait3A_143 = tpu.memref_slice %arg2[%add3A_122, %dma_wait3A_142] : memref<3584x7168xf32, #tpu.memory_space<hbm>> -> memref<1x7168xf32, #tpu.memory_space<hbm>>
      %dma_wait3A_144 = tpu.memref_squeeze %dma_wait3A_143 : memref<1x7168xf32, #tpu.memory_space<hbm>> -> memref<7168xf32, #tpu.memory_space<hbm>>
      tpu.wait_dma2 semaphore(%arg18 : memref<!tpu.dma_semaphore, #tpu.memory_space<semaphore_mem>>) src(%dma_wait3A_144 : memref<7168xf32, #tpu.memory_space<hbm>>) dst(%arg9 : memref<7168xf32, #tpu.memory_space<vmem>>)
      %parallel_loop3A_145 = arith.constant 0 : i32
      %parallel_loop3A_146 = arith.constant 448 : i32
      %parallel_loop3A_147 = arith.constant 1 : i32
      %parallel_loop3A_148 = scf.for %parallel_loop3A_252 = %parallel_loop3A_145 to %parallel_loop3A_146 step %parallel_loop3A_147 iter_args(%parallel_loop3A_253 = %parallel_loop3A_138) -> (vector<16xi32>)  : i32 {
        %parallel_loop3A_254 = arith.constant 16 : i32
        %parallel_loop3A_255 = arith.muli %parallel_loop3A_252, %parallel_loop3A_254 : i32
        %parallel_loop3A_256 = arith.index_cast %parallel_loop3A_255 : i32 to index
        %parallel_loop3A_257 = tpu.vector_load %arg9[%parallel_loop3A_256] {strides = array<i32>} : memref<7168xf32, #tpu.memory_space<vmem>>, vector<16xf32>,
        %parallel_loop3A_258 = arith.cmpf ole, %parallel_loop3A_257, %get3A_13 : vector<16xf32>
        %parallel_loop3A_259 = arith.constant 1 : i32
        %parallel_loop3A_260 = arith.constant 0 : i32
        %parallel_loop3A_261 = vector.broadcast %parallel_loop3A_259 : i32 to vector<16xi32>
        %parallel_loop3A_262 = vector.broadcast %parallel_loop3A_260 : i32 to vector<16xi32>
        %parallel_loop3A_263 = arith.select %parallel_loop3A_258, %parallel_loop3A_261, %parallel_loop3A_262 : vector<16xi1>, vector<16xi32>
        %parallel_loop3A_264 = arith.constant true
        %parallel_loop3A_265 = vector.broadcast %parallel_loop3A_264 : i1 to vector<16xi1>
        %parallel_loop3A_266 = tpu.scan <sum>, %parallel_loop3A_263 masked %parallel_loop3A_265 : vector<16xi32>, vector<16xi1> -> vector<16xi32>
        %parallel_loop3A_267 = arith.addi %parallel_loop3A_253, %parallel_loop3A_266 : vector<16xi32>
        %parallel_loop3A_268 = arith.constant 1 : i32
        %parallel_loop3A_269 = vector.broadcast %parallel_loop3A_268 : i32 to vector<16xi32>
        %parallel_loop3A_270 = arith.subi %parallel_loop3A_267, %parallel_loop3A_269 : vector<16xi32>
        %parallel_loop3A_271 = arith.constant 16 : i32
        %parallel_loop3A_272 = arith.muli %parallel_loop3A_252, %parallel_loop3A_271 : i32
        %parallel_loop3A_273 = arith.constant 43008 : i32
        %parallel_loop3A_274 = arith.addi %parallel_loop3A_273, %parallel_loop3A_272 : i32
        %parallel_loop3A_275 = vector.broadcast %parallel_loop3A_274 : i32 to vector<16xi32>
        %parallel_loop3A_276 = arith.addi %parallel_loop3A_275, %iota3A : vector<16xi32>
        %parallel_loop3A_277 = arith.constant 4096 : i32
        %parallel_loop3A_278 = vector.broadcast %parallel_loop3A_277 : i32 to vector<16xi32>
        %parallel_loop3A_279 = arith.cmpi slt, %parallel_loop3A_270, %parallel_loop3A_278 : vector<16xi32>
        %parallel_loop3A_280 = arith.andi %parallel_loop3A_258, %parallel_loop3A_279 : vector<16xi1>
        tpu.vector_store_idx %arg11[%parallel_loop3A_270], %parallel_loop3A_257 masked %parallel_loop3A_280 : memref<4096xf32, #tpu.memory_space<vmem>>[vector<16xi32>], vector<16xf32>, vector<16xi1>
        tpu.vector_store_idx %arg12[%parallel_loop3A_270], %parallel_loop3A_276 masked %parallel_loop3A_280 : memref<4096xi32, #tpu.memory_space<vmem>>[vector<16xi32>], vector<16xi32>, vector<16xi1>
        %parallel_loop3A_281 = tpu.all_reduce %parallel_loop3A_258 {dim = 0 : i64, kind = #tpu.reduction_kind<sum>} : vector<16xi1> -> vector<16xi32>
        %parallel_loop3A_282 = arith.addi %parallel_loop3A_253, %parallel_loop3A_281 : vector<16xi32>
        scf.yield %parallel_loop3A_282 : vector<16xi32>
      } {sc.loop_unroll_factor = 4 : i64, sc.parallel_access}
      %reduce_max3A = arith.constant true
      %reduce_max3A_149 = vector.broadcast %reduce_max3A : i1 to vector<16xi1>
      %reduce_max3A_150 = arith.constant -2147483648 : i32
      %reduce_max3A_151 = vector.broadcast %reduce_max3A_150 : i32 to vector<16xi32>
      %reduce_max3A_152 = arith.xori %parallel_loop3A_148, %reduce_max3A_151 : vector<16xi32>
      %reduce_max3A_153 = tpu.scan <max>, %reduce_max3A_152 masked %reduce_max3A_149 : vector<16xi32>, vector<16xi1> -> vector<16xi32>
      %reduce_max3A_154 = arith.xori %reduce_max3A_153, %reduce_max3A_151 : vector<16xi32>
      %reduce_max3A_155 = vector.extract %reduce_max3A_154[15] : i32 from vector<16xi32>
      %min3A = arith.constant 4080 : i32
      %min3A_156 = arith.minsi %reduce_max3A_155, %min3A : i32
      %broadcast_in_dim3A_157 = vector.broadcast %min3A_156 : i32 to vector<16xi32>
      %add3A_158 = arith.addi %broadcast_in_dim3A_157, %iota3A : vector<16xi32>
      %broadcast_in_dim3A_159 = arith.constant 3.000000e+38 : f32
      %broadcast_in_dim3A_160 = vector.broadcast %broadcast_in_dim3A_159 : f32 to vector<16xf32>
      tpu.vector_store_idx %arg11[%add3A_158], %broadcast_in_dim3A_160 : memref<4096xf32, #tpu.memory_space<vmem>>[vector<16xi32>], vector<16xf32>,
      %add3A_161 = arith.constant 15 : i32
      %add3A_162 = arith.addi %reduce_max3A_155, %add3A_161 : i32
      %jit3A = arith.constant 16 : i32
      %div3A = arith.divsi %add3A_162, %jit3A : i32
      %sign3A = arith.constant 0 : i32
      %sign3A_163 = arith.cmpi sgt, %add3A_162, %sign3A : i32
      %sign3A_164 = arith.extui %sign3A_163 : i1 to i32
      %sign3A_165 = arith.constant 0 : i32
      %sign3A_166 = arith.cmpi slt, %add3A_162, %sign3A_165 : i32
      %sign3A_167 = arith.extui %sign3A_166 : i1 to i32
      %sign3A_168 = arith.subi %sign3A_164, %sign3A_167 : i32
      %sign3A_169 = arith.constant 0 : i32
      %sign3A_170 = arith.cmpi sgt, %jit3A, %sign3A_169 : i32
      %sign3A_171 = arith.extui %sign3A_170 : i1 to i32
      %sign3A_172 = arith.constant 0 : i32
      %sign3A_173 = arith.cmpi slt, %jit3A, %sign3A_172 : i32
      %sign3A_174 = arith.extui %sign3A_173 : i1 to i32
      %sign3A_175 = arith.subi %sign3A_171, %sign3A_174 : i32
      %ne3A = arith.cmpi ne, %sign3A_168, %sign3A_175 : i32
      %rem3A = arith.remsi %add3A_162, %jit3A : i32
      %ne3A_176 = arith.constant 0 : i32
      %ne3A_177 = arith.cmpi ne, %rem3A, %ne3A_176 : i32
      %and3A = arith.andi %ne3A, %ne3A_177 : i1
      %sub3A = arith.constant 1 : i32
      %sub3A_178 = arith.subi %div3A, %sub3A : i32
      %select_n3A = arith.select %and3A, %sub3A_178, %div3A : i32
      %broadcast_in_dim3A_179 = arith.constant 0 : i32
      %broadcast_in_dim3A_180 = vector.broadcast %broadcast_in_dim3A_179 : i32 to vector<16xi32>
      %scan3A_181 = arith.constant 0 : i32
      %scan3A_182 = arith.constant 32 : i32
      %scan3A_183 = arith.addi %scan3A_181, %scan3A_182 : i32
      %scan3A_184 = arith.constant 1 : i32
      %scan3A_185 = scf.for %scan3A_252 = %scan3A_181 to %scan3A_183 step %scan3A_184 iter_args(%scan3A_253 = %broadcast_in_dim3A_180) -> (vector<16xi32>)  : i32 {
        %broadcast_in_dim3A_254 = arith.constant 1 : i32
        %broadcast_in_dim3A_255 = vector.broadcast %broadcast_in_dim3A_254 : i32 to vector<16xi32>
        %broadcast_in_dim3A_256 = arith.constant 31 : i32
        %broadcast_in_dim3A_257 = vector.broadcast %broadcast_in_dim3A_256 : i32 to vector<16xi32>
        %sub3A_258 = vector.broadcast %scan3A_252 : i32 to vector<16xi32>
        %sub3A_259 = arith.subi %broadcast_in_dim3A_257, %sub3A_258 : vector<16xi32>
        %shift_left3A = arith.shli %broadcast_in_dim3A_255, %sub3A_259 : vector<16xi32>
        %or3A = arith.ori %scan3A_253, %shift_left3A : vector<16xi32>
        %parallel_loop3A_260 = arith.constant 0 : i32
        %parallel_loop3A_261 = arith.constant 1 : i32
        %parallel_loop3A_262 = scf.for %parallel_loop3A_266 = %parallel_loop3A_260 to %select_n3A step %parallel_loop3A_261 iter_args(%parallel_loop3A_267 = %broadcast_in_dim3A_3) -> (vector<16xi32>)  : i32 {
          %parallel_loop3A_268 = arith.constant 16 : i32
          %parallel_loop3A_269 = arith.muli %parallel_loop3A_266, %parallel_loop3A_268 : i32
          %parallel_loop3A_270 = arith.index_cast %parallel_loop3A_269 : i32 to index
          %parallel_loop3A_271 = tpu.vector_load %arg11[%parallel_loop3A_270] {strides = array<i32>} : memref<4096xf32, #tpu.memory_space<vmem>>, vector<16xf32>,
          %parallel_loop3A_272 = vector.bitcast %parallel_loop3A_271 : vector<16xf32> to vector<16xi32>
          %parallel_loop3A_273 = arith.constant 31 : i32
          %parallel_loop3A_274 = vector.broadcast %parallel_loop3A_273 : i32 to vector<16xi32>
          %parallel_loop3A_275 = arith.shrsi %parallel_loop3A_272, %parallel_loop3A_274 : vector<16xi32>
          %parallel_loop3A_276 = arith.constant -2147483648 : i32
          %parallel_loop3A_277 = vector.broadcast %parallel_loop3A_276 : i32 to vector<16xi32>
          %parallel_loop3A_278 = arith.ori %parallel_loop3A_275, %parallel_loop3A_277 : vector<16xi32>
          %parallel_loop3A_279 = arith.xori %parallel_loop3A_272, %parallel_loop3A_278 : vector<16xi32>
          %parallel_loop3A_280 = vector.bitcast %parallel_loop3A_279 : vector<16xi32> to vector<16xi32>
          %parallel_loop3A_281 = arith.cmpi ult, %parallel_loop3A_280, %or3A : vector<16xi32>
          %parallel_loop3A_282 = tpu.all_reduce %parallel_loop3A_281 {dim = 0 : i64, kind = #tpu.reduction_kind<sum>} : vector<16xi1> -> vector<16xi32>
          %parallel_loop3A_283 = arith.addi %parallel_loop3A_267, %parallel_loop3A_282 : vector<16xi32>
          scf.yield %parallel_loop3A_283 : vector<16xi32>
        } {sc.loop_unroll_factor = 4 : i64, sc.parallel_access}
        %le3A = arith.constant 95 : i32
        %le3A_263 = vector.broadcast %le3A : i32 to vector<16xi32>
        %le3A_264 = arith.cmpi sle, %parallel_loop3A_262, %le3A_263 : vector<16xi32>
        %select_n3A_265 = arith.select %le3A_264, %or3A, %scan3A_253 : vector<16xi1>, vector<16xi32>
        scf.yield %select_n3A_265 : vector<16xi32>
      }
      %scan3A_186 = arith.constant 32 : i32
      %parallel_loop3A_187 = arith.constant 0 : i32
      %parallel_loop3A_188 = arith.constant 1 : i32
      %parallel_loop3A_189 = scf.for %parallel_loop3A_252 = %parallel_loop3A_187 to %select_n3A step %parallel_loop3A_188 iter_args(%parallel_loop3A_253 = %broadcast_in_dim3A_3) -> (vector<16xi32>)  : i32 {
        %parallel_loop3A_254 = arith.constant 16 : i32
        %parallel_loop3A_255 = arith.muli %parallel_loop3A_252, %parallel_loop3A_254 : i32
        %parallel_loop3A_256 = arith.index_cast %parallel_loop3A_255 : i32 to index
        %parallel_loop3A_257 = tpu.vector_load %arg11[%parallel_loop3A_256] {strides = array<i32>} : memref<4096xf32, #tpu.memory_space<vmem>>, vector<16xf32>,
        %parallel_loop3A_258 = vector.bitcast %parallel_loop3A_257 : vector<16xf32> to vector<16xi32>
        %parallel_loop3A_259 = arith.constant 31 : i32
        %parallel_loop3A_260 = vector.broadcast %parallel_loop3A_259 : i32 to vector<16xi32>
        %parallel_loop3A_261 = arith.shrsi %parallel_loop3A_258, %parallel_loop3A_260 : vector<16xi32>
        %parallel_loop3A_262 = arith.constant -2147483648 : i32
        %parallel_loop3A_263 = vector.broadcast %parallel_loop3A_262 : i32 to vector<16xi32>
        %parallel_loop3A_264 = arith.ori %parallel_loop3A_261, %parallel_loop3A_263 : vector<16xi32>
        %parallel_loop3A_265 = arith.xori %parallel_loop3A_258, %parallel_loop3A_264 : vector<16xi32>
        %parallel_loop3A_266 = vector.bitcast %parallel_loop3A_265 : vector<16xi32> to vector<16xi32>
        %parallel_loop3A_267 = arith.cmpi ult, %parallel_loop3A_266, %scan3A_185 : vector<16xi32>
        %parallel_loop3A_268 = tpu.all_reduce %parallel_loop3A_267 {dim = 0 : i64, kind = #tpu.reduction_kind<sum>} : vector<16xi1> -> vector<16xi32>
        %parallel_loop3A_269 = arith.addi %parallel_loop3A_253, %parallel_loop3A_268 : vector<16xi32>
        scf.yield %parallel_loop3A_269 : vector<16xi32>
      } {sc.loop_unroll_factor = 4 : i64, sc.parallel_access}
      %while3A = arith.constant 0 : i32
      %while3A_190 = arith.subi %select_n3A, %while3A : i32
      %while3A_191 = arith.addi %while3A, %while3A_190 : i32
      %while3A_192 = arith.constant 1 : i32
      %while3A_193 = arith.divsi %while3A_190, %while3A_192 : i32
      %while3A_194 = arith.muli %while3A_193, %while3A_192 : i32
      %while3A_195 = arith.addi %while3A, %while3A_194 : i32
      %while3A_196 = arith.constant 1 : i32
      %while3A_197:2 = scf.for %while3A_252 = %while3A to %while3A_195 step %while3A_196 iter_args(%while3A_253 = %broadcast_in_dim3A_3, %while3A_254 = %broadcast_in_dim3A_3) -> (vector<16xi32>, vector<16xi32>)  : i32 {
        %mul3A_255 = arith.constant 16 : i32
        %mul3A_256 = arith.muli %while3A_252, %mul3A_255 : i32
        %get3A_257 = arith.index_cast %mul3A_256 : i32 to index
        %get3A_258 = tpu.vector_load %arg11[%get3A_257] {strides = array<i32>} : memref<4096xf32, #tpu.memory_space<vmem>>, vector<16xf32>,
        %bitcast3A = vector.bitcast %get3A_258 : vector<16xf32> to vector<16xi32>
        %shift_right_arithmetic3A = arith.constant 31 : i32
        %shift_right_arithmetic3A_259 = vector.broadcast %shift_right_arithmetic3A : i32 to vector<16xi32>
        %shift_right_arithmetic3A_260 = arith.shrsi %bitcast3A, %shift_right_arithmetic3A_259 : vector<16xi32>
        %or3A = arith.constant -2147483648 : i32
        %or3A_261 = vector.broadcast %or3A : i32 to vector<16xi32>
        %or3A_262 = arith.ori %shift_right_arithmetic3A_260, %or3A_261 : vector<16xi32>
        %xor3A = arith.xori %bitcast3A, %or3A_262 : vector<16xi32>
        %bitcast3A_263 = vector.bitcast %xor3A : vector<16xi32> to vector<16xi32>
        %mul3A_264 = arith.constant 16 : i32
        %mul3A_265 = arith.muli %while3A_252, %mul3A_264 : i32
        %get3A_266 = arith.index_cast %mul3A_265 : i32 to index
        %get3A_267 = tpu.vector_load %arg12[%get3A_266] {strides = array<i32>} : memref<4096xi32, #tpu.memory_space<vmem>>, vector<16xi32>,
        %lt3A = arith.cmpi ult, %bitcast3A_263, %scan3A_185 : vector<16xi32>
        %eq3A = arith.cmpi eq, %bitcast3A_263, %scan3A_185 : vector<16xi32>
        %jit3A_268 = arith.constant 1 : i32
        %jit3A_269 = arith.constant 0 : i32
        %broadcast_in_dim3A_270 = vector.broadcast %jit3A_268 : i32 to vector<16xi32>
        %broadcast_in_dim3A_271 = vector.broadcast %jit3A_269 : i32 to vector<16xi32>
        %select_n3A_272 = arith.select %lt3A, %broadcast_in_dim3A_270, %broadcast_in_dim3A_271 : vector<16xi1>, vector<16xi32>
        %broadcast_in_dim3A_273 = arith.constant true
        %broadcast_in_dim3A_274 = vector.broadcast %broadcast_in_dim3A_273 : i1 to vector<16xi1>
        %masked_cumsum3A = tpu.scan <sum>, %select_n3A_272 masked %broadcast_in_dim3A_274 : vector<16xi32>, vector<16xi1> -> vector<16xi32>
        %jit3A_275 = arith.constant 1 : i32
        %jit3A_276 = arith.constant 0 : i32
        %broadcast_in_dim3A_277 = vector.broadcast %jit3A_275 : i32 to vector<16xi32>
        %broadcast_in_dim3A_278 = vector.broadcast %jit3A_276 : i32 to vector<16xi32>
        %select_n3A_279 = arith.select %eq3A, %broadcast_in_dim3A_277, %broadcast_in_dim3A_278 : vector<16xi1>, vector<16xi32>
        %broadcast_in_dim3A_280 = arith.constant true
        %broadcast_in_dim3A_281 = vector.broadcast %broadcast_in_dim3A_280 : i1 to vector<16xi1>
        %masked_cumsum3A_282 = tpu.scan <sum>, %select_n3A_279 masked %broadcast_in_dim3A_281 : vector<16xi32>, vector<16xi1> -> vector<16xi32>
        %add3A_283 = arith.addi %while3A_253, %masked_cumsum3A : vector<16xi32>
        %sub3A_284 = arith.constant 1 : i32
        %sub3A_285 = vector.broadcast %sub3A_284 : i32 to vector<16xi32>
        %sub3A_286 = arith.subi %add3A_283, %sub3A_285 : vector<16xi32>
        %add3A_287 = arith.addi %parallel_loop3A_189, %while3A_254 : vector<16xi32>
        %add3A_288 = arith.addi %add3A_287, %masked_cumsum3A_282 : vector<16xi32>
        %sub3A_289 = arith.constant 1 : i32
        %sub3A_290 = vector.broadcast %sub3A_289 : i32 to vector<16xi32>
        %sub3A_291 = arith.subi %add3A_288, %sub3A_290 : vector<16xi32>
        %select_n3A_292 = arith.select %lt3A, %sub3A_286, %sub3A_291 : vector<16xi1>, vector<16xi32>
        %or3A_293 = arith.ori %lt3A, %eq3A : vector<16xi1>
        %lt3A_294 = arith.constant 96 : i32
        %lt3A_295 = vector.broadcast %lt3A_294 : i32 to vector<16xi32>
        %lt3A_296 = arith.cmpi slt, %select_n3A_292, %lt3A_295 : vector<16xi32>
        %and3A_297 = arith.andi %or3A_293, %lt3A_296 : vector<16xi1>
        tpu.vector_store_idx %arg13[%select_n3A_292], %get3A_267 masked %and3A_297 : memref<128xi32, #tpu.memory_space<vmem>>[vector<16xi32>], vector<16xi32>, vector<16xi1>
        %all_reduce_population_count3A = tpu.all_reduce %lt3A {dim = 0 : i64, kind = #tpu.reduction_kind<sum>} : vector<16xi1> -> vector<16xi32>
        %add3A_298 = arith.addi %while3A_253, %all_reduce_population_count3A : vector<16xi32>
        %all_reduce_population_count3A_299 = tpu.all_reduce %eq3A {dim = 0 : i64, kind = #tpu.reduction_kind<sum>} : vector<16xi1> -> vector<16xi32>
        %add3A_300 = arith.addi %while3A_254, %all_reduce_population_count3A_299 : vector<16xi32>
        scf.yield %add3A_298, %add3A_300 : vector<16xi32>, vector<16xi32>
      }
      %while3A_198 = arith.constant 1 : i32
      %while3A_199:2 = scf.for %while3A_252 = %while3A_195 to %while3A_191 step %while3A_198 iter_args(%while3A_253 = %while3A_197#0, %while3A_254 = %while3A_197#1) -> (vector<16xi32>, vector<16xi32>)  : i32 {
        %mul3A_255 = arith.constant 16 : i32
        %mul3A_256 = arith.muli %while3A_252, %mul3A_255 : i32
        %get3A_257 = arith.index_cast %mul3A_256 : i32 to index
        %get3A_258 = tpu.vector_load %arg11[%get3A_257] {strides = array<i32>} : memref<4096xf32, #tpu.memory_space<vmem>>, vector<16xf32>,
        %bitcast3A = vector.bitcast %get3A_258 : vector<16xf32> to vector<16xi32>
        %shift_right_arithmetic3A = arith.constant 31 : i32
        %shift_right_arithmetic3A_259 = vector.broadcast %shift_right_arithmetic3A : i32 to vector<16xi32>
        %shift_right_arithmetic3A_260 = arith.shrsi %bitcast3A, %shift_right_arithmetic3A_259 : vector<16xi32>
        %or3A = arith.constant -2147483648 : i32
        %or3A_261 = vector.broadcast %or3A : i32 to vector<16xi32>
        %or3A_262 = arith.ori %shift_right_arithmetic3A_260, %or3A_261 : vector<16xi32>
        %xor3A = arith.xori %bitcast3A, %or3A_262 : vector<16xi32>
        %bitcast3A_263 = vector.bitcast %xor3A : vector<16xi32> to vector<16xi32>
        %mul3A_264 = arith.constant 16 : i32
        %mul3A_265 = arith.muli %while3A_252, %mul3A_264 : i32
        %get3A_266 = arith.index_cast %mul3A_265 : i32 to index
        %get3A_267 = tpu.vector_load %arg12[%get3A_266] {strides = array<i32>} : memref<4096xi32, #tpu.memory_space<vmem>>, vector<16xi32>,
        %lt3A = arith.cmpi ult, %bitcast3A_263, %scan3A_185 : vector<16xi32>
        %eq3A = arith.cmpi eq, %bitcast3A_263, %scan3A_185 : vector<16xi32>
        %jit3A_268 = arith.constant 1 : i32
        %jit3A_269 = arith.constant 0 : i32
        %broadcast_in_dim3A_270 = vector.broadcast %jit3A_268 : i32 to vector<16xi32>
        %broadcast_in_dim3A_271 = vector.broadcast %jit3A_269 : i32 to vector<16xi32>
        %select_n3A_272 = arith.select %lt3A, %broadcast_in_dim3A_270, %broadcast_in_dim3A_271 : vector<16xi1>, vector<16xi32>
        %broadcast_in_dim3A_273 = arith.constant true
        %broadcast_in_dim3A_274 = vector.broadcast %broadcast_in_dim3A_273 : i1 to vector<16xi1>
        %masked_cumsum3A = tpu.scan <sum>, %select_n3A_272 masked %broadcast_in_dim3A_274 : vector<16xi32>, vector<16xi1> -> vector<16xi32>
        %jit3A_275 = arith.constant 1 : i32
        %jit3A_276 = arith.constant 0 : i32
        %broadcast_in_dim3A_277 = vector.broadcast %jit3A_275 : i32 to vector<16xi32>
        %broadcast_in_dim3A_278 = vector.broadcast %jit3A_276 : i32 to vector<16xi32>
        %select_n3A_279 = arith.select %eq3A, %broadcast_in_dim3A_277, %broadcast_in_dim3A_278 : vector<16xi1>, vector<16xi32>
        %broadcast_in_dim3A_280 = arith.constant true
        %broadcast_in_dim3A_281 = vector.broadcast %broadcast_in_dim3A_280 : i1 to vector<16xi1>
        %masked_cumsum3A_282 = tpu.scan <sum>, %select_n3A_279 masked %broadcast_in_dim3A_281 : vector<16xi32>, vector<16xi1> -> vector<16xi32>
        %add3A_283 = arith.addi %while3A_253, %masked_cumsum3A : vector<16xi32>
        %sub3A_284 = arith.constant 1 : i32
        %sub3A_285 = vector.broadcast %sub3A_284 : i32 to vector<16xi32>
        %sub3A_286 = arith.subi %add3A_283, %sub3A_285 : vector<16xi32>
        %add3A_287 = arith.addi %parallel_loop3A_189, %while3A_254 : vector<16xi32>
        %add3A_288 = arith.addi %add3A_287, %masked_cumsum3A_282 : vector<16xi32>
        %sub3A_289 = arith.constant 1 : i32
        %sub3A_290 = vector.broadcast %sub3A_289 : i32 to vector<16xi32>
        %sub3A_291 = arith.subi %add3A_288, %sub3A_290 : vector<16xi32>
        %select_n3A_292 = arith.select %lt3A, %sub3A_286, %sub3A_291 : vector<16xi1>, vector<16xi32>
        %or3A_293 = arith.ori %lt3A, %eq3A : vector<16xi1>
        %lt3A_294 = arith.constant 96 : i32
        %lt3A_295 = vector.broadcast %lt3A_294 : i32 to vector<16xi32>
        %lt3A_296 = arith.cmpi slt, %select_n3A_292, %lt3A_295 : vector<16xi32>
        %and3A_297 = arith.andi %or3A_293, %lt3A_296 : vector<16xi1>
        tpu.vector_store_idx %arg13[%select_n3A_292], %get3A_267 masked %and3A_297 : memref<128xi32, #tpu.memory_space<vmem>>[vector<16xi32>], vector<16xi32>, vector<16xi1>
        %all_reduce_population_count3A = tpu.all_reduce %lt3A {dim = 0 : i64, kind = #tpu.reduction_kind<sum>} : vector<16xi1> -> vector<16xi32>
        %add3A_298 = arith.addi %while3A_253, %all_reduce_population_count3A : vector<16xi32>
        %all_reduce_population_count3A_299 = tpu.all_reduce %eq3A {dim = 0 : i64, kind = #tpu.reduction_kind<sum>} : vector<16xi1> -> vector<16xi32>
        %add3A_300 = arith.addi %while3A_254, %all_reduce_population_count3A_299 : vector<16xi32>
        scf.yield %add3A_298, %add3A_300 : vector<16xi32>, vector<16xi32>
      }
      %dma_start3A_200 = arith.constant 0 : i32
      %dma_start3A_201 = tpu.memref_slice %arg13[%dma_start3A_200] : memref<128xi32, #tpu.memory_space<vmem>> -> memref<96xi32, #tpu.memory_space<vmem>>
      %dma_start3A_202 = arith.constant 0 : i32
      %dma_start3A_203 = arith.constant 0 : i32
      %dma_start3A_204 = tpu.memref_slice %arg4[%dma_start3A_202, %dma_start3A_203] : memref<50176x256xf32, #tpu.memory_space<hbm>> -> memref<50176x256xf32, #tpu.memory_space<hbm>>
      tpu.enqueue_indirect_dma source(%dma_start3A_204 : memref<50176x256xf32, #tpu.memory_space<hbm>>) target(%arg14 : memref<96x256xf32, #tpu.memory_space<vmem>>) offsets(%dma_start3A_201 : memref<96xi32, #tpu.memory_space<vmem>>) semaphore(%arg17 : memref<!tpu.dma_semaphore, #tpu.memory_space<semaphore_mem>>)
      %get3A_205 = arith.constant 0 : index
      %get3A_206 = tpu.vector_load %arg13[%get3A_205] {strides = array<i32>} : memref<128xi32, #tpu.memory_space<vmem>>, vector<16xi32>,
      %gather3A = tpu.vector_load_idx %arg15[%get3A_206] : memref<50176xi32, #tpu.memory_space<vmem>>[vector<16xi32>], vector<16xi32>,
      %convert_element_type3A = arith.sitofp %gather3A : vector<16xi32> to vector<16xf32>
      %swap3A = arith.constant 0 : index
      %swap3A_207 = tpu.vector_load %arg16[%swap3A] {strides = array<i32>} : memref<128xf32, #tpu.memory_space<vmem>>, vector<16xf32>,
      tpu.vector_store %arg16[%swap3A], %convert_element_type3A {strides = array<i32>} : memref<128xf32, #tpu.memory_space<vmem>>, vector<16xf32>,
      %get3A_208 = arith.constant 16 : index
      %get3A_209 = tpu.vector_load %arg13[%get3A_208] {strides = array<i32>} : memref<128xi32, #tpu.memory_space<vmem>>, vector<16xi32>,
      %gather3A_210 = tpu.vector_load_idx %arg15[%get3A_209] : memref<50176xi32, #tpu.memory_space<vmem>>[vector<16xi32>], vector<16xi32>,
      %convert_element_type3A_211 = arith.sitofp %gather3A_210 : vector<16xi32> to vector<16xf32>
      %swap3A_212 = arith.constant 16 : index
      %swap3A_213 = tpu.vector_load %arg16[%swap3A_212] {strides = array<i32>} : memref<128xf32, #tpu.memory_space<vmem>>, vector<16xf32>,
      tpu.vector_store %arg16[%swap3A_212], %convert_element_type3A_211 {strides = array<i32>} : memref<128xf32, #tpu.memory_space<vmem>>, vector<16xf32>,
      %get3A_214 = arith.constant 32 : index
      %get3A_215 = tpu.vector_load %arg13[%get3A_214] {strides = array<i32>} : memref<128xi32, #tpu.memory_space<vmem>>, vector<16xi32>,
      %gather3A_216 = tpu.vector_load_idx %arg15[%get3A_215] : memref<50176xi32, #tpu.memory_space<vmem>>[vector<16xi32>], vector<16xi32>,
      %convert_element_type3A_217 = arith.sitofp %gather3A_216 : vector<16xi32> to vector<16xf32>
      %swap3A_218 = arith.constant 32 : index
      %swap3A_219 = tpu.vector_load %arg16[%swap3A_218] {strides = array<i32>} : memref<128xf32, #tpu.memory_space<vmem>>, vector<16xf32>,
      tpu.vector_store %arg16[%swap3A_218], %convert_element_type3A_217 {strides = array<i32>} : memref<128xf32, #tpu.memory_space<vmem>>, vector<16xf32>,
      %get3A_220 = arith.constant 48 : index
      %get3A_221 = tpu.vector_load %arg13[%get3A_220] {strides = array<i32>} : memref<128xi32, #tpu.memory_space<vmem>>, vector<16xi32>,
      %gather3A_222 = tpu.vector_load_idx %arg15[%get3A_221] : memref<50176xi32, #tpu.memory_space<vmem>>[vector<16xi32>], vector<16xi32>,
      %convert_element_type3A_223 = arith.sitofp %gather3A_222 : vector<16xi32> to vector<16xf32>
      %swap3A_224 = arith.constant 48 : index
      %swap3A_225 = tpu.vector_load %arg16[%swap3A_224] {strides = array<i32>} : memref<128xf32, #tpu.memory_space<vmem>>, vector<16xf32>,
      tpu.vector_store %arg16[%swap3A_224], %convert_element_type3A_223 {strides = array<i32>} : memref<128xf32, #tpu.memory_space<vmem>>, vector<16xf32>,
      %get3A_226 = arith.constant 64 : index
      %get3A_227 = tpu.vector_load %arg13[%get3A_226] {strides = array<i32>} : memref<128xi32, #tpu.memory_space<vmem>>, vector<16xi32>,
      %gather3A_228 = tpu.vector_load_idx %arg15[%get3A_227] : memref<50176xi32, #tpu.memory_space<vmem>>[vector<16xi32>], vector<16xi32>,
      %convert_element_type3A_229 = arith.sitofp %gather3A_228 : vector<16xi32> to vector<16xf32>
      %swap3A_230 = arith.constant 64 : index
      %swap3A_231 = tpu.vector_load %arg16[%swap3A_230] {strides = array<i32>} : memref<128xf32, #tpu.memory_space<vmem>>, vector<16xf32>,
      tpu.vector_store %arg16[%swap3A_230], %convert_element_type3A_229 {strides = array<i32>} : memref<128xf32, #tpu.memory_space<vmem>>, vector<16xf32>,
      %get3A_232 = arith.constant 80 : index
      %get3A_233 = tpu.vector_load %arg13[%get3A_232] {strides = array<i32>} : memref<128xi32, #tpu.memory_space<vmem>>, vector<16xi32>,
      %gather3A_234 = tpu.vector_load_idx %arg15[%get3A_233] : memref<50176xi32, #tpu.memory_space<vmem>>[vector<16xi32>], vector<16xi32>,
      %convert_element_type3A_235 = arith.sitofp %gather3A_234 : vector<16xi32> to vector<16xf32>
      %swap3A_236 = arith.constant 80 : index
      %swap3A_237 = tpu.vector_load %arg16[%swap3A_236] {strides = array<i32>} : memref<128xf32, #tpu.memory_space<vmem>>, vector<16xf32>,
      tpu.vector_store %arg16[%swap3A_236], %convert_element_type3A_235 {strides = array<i32>} : memref<128xf32, #tpu.memory_space<vmem>>, vector<16xf32>,
      %broadcast_in_dim3A_238 = arith.constant 0.000000e+00 : f32
      %broadcast_in_dim3A_239 = vector.broadcast %broadcast_in_dim3A_238 : f32 to vector<16xf32>
      %swap3A_240 = arith.constant 96 : index
      %swap3A_241 = tpu.vector_load %arg16[%swap3A_240] {strides = array<i32>} : memref<128xf32, #tpu.memory_space<vmem>>, vector<16xf32>,
      tpu.vector_store %arg16[%swap3A_240], %broadcast_in_dim3A_239 {strides = array<i32>} : memref<128xf32, #tpu.memory_space<vmem>>, vector<16xf32>,
      %broadcast_in_dim3A_242 = arith.constant 0.000000e+00 : f32
      %broadcast_in_dim3A_243 = vector.broadcast %broadcast_in_dim3A_242 : f32 to vector<16xf32>
      %swap3A_244 = arith.constant 112 : index
      %swap3A_245 = tpu.vector_load %arg16[%swap3A_244] {strides = array<i32>} : memref<128xf32, #tpu.memory_space<vmem>>, vector<16xf32>,
      tpu.vector_store %arg16[%swap3A_244], %broadcast_in_dim3A_243 {strides = array<i32>} : memref<128xf32, #tpu.memory_space<vmem>>, vector<16xf32>,
      "tpu.region"() ({
        %run_scoped3A = tpu.sem_alloc : memref<!tpu.dma_semaphore, #tpu.memory_space<semaphore_mem>>
        %dma_start3A_252 = arith.constant 0 : i32
        %dma_start3A_253 = tpu.memref_slice %arg7[%add3A_12, %dma_start3A_252] : memref<512x128xf32, #tpu.memory_space<hbm>> -> memref<1x128xf32, #tpu.memory_space<hbm>>
        %dma_start3A_254 = tpu.memref_squeeze %dma_start3A_253 : memref<1x128xf32, #tpu.memory_space<hbm>> -> memref<128xf32, #tpu.memory_space<hbm>>
        %dma_start3A_255 = arith.constant 0 : i32
        %dma_start3A_256 = tpu.memref_slice %arg7[%add3A_12, %dma_start3A_255] : memref<512x128xf32, #tpu.memory_space<hbm>> -> memref<1x128xf32, #tpu.memory_space<hbm>>
        %dma_start3A_257 = tpu.memref_squeeze %dma_start3A_256 : memref<1x128xf32, #tpu.memory_space<hbm>> -> memref<128xf32, #tpu.memory_space<hbm>>
        tpu.enqueue_dma source(%arg16 : memref<128xf32, #tpu.memory_space<vmem>>) target(%dma_start3A_257 : memref<128xf32, #tpu.memory_space<hbm>>) target_semaphore(%run_scoped3A : memref<!tpu.dma_semaphore, #tpu.memory_space<semaphore_mem>>)
        %dma_wait3A_258 = arith.constant 0 : i32
        %dma_wait3A_259 = tpu.memref_slice %arg7[%add3A_12, %dma_wait3A_258] : memref<512x128xf32, #tpu.memory_space<hbm>> -> memref<1x128xf32, #tpu.memory_space<hbm>>
        %dma_wait3A_260 = tpu.memref_squeeze %dma_wait3A_259 : memref<1x128xf32, #tpu.memory_space<hbm>> -> memref<128xf32, #tpu.memory_space<hbm>>
        %dma_wait3A_261 = arith.constant 0 : i32
        %dma_wait3A_262 = tpu.memref_slice %arg7[%add3A_12, %dma_wait3A_261] : memref<512x128xf32, #tpu.memory_space<hbm>> -> memref<1x128xf32, #tpu.memory_space<hbm>>
        %dma_wait3A_263 = tpu.memref_squeeze %dma_wait3A_262 : memref<1x128xf32, #tpu.memory_space<hbm>> -> memref<128xf32, #tpu.memory_space<hbm>>
        tpu.wait_dma2 semaphore(%run_scoped3A : memref<!tpu.dma_semaphore, #tpu.memory_space<semaphore_mem>>) src(%arg16 : memref<128xf32, #tpu.memory_space<vmem>>) dst(%dma_wait3A_263 : memref<128xf32, #tpu.memory_space<hbm>>)
        tpu.yield
      }) : () -> ()
      %dma_wait3A_246 = arith.constant 0 : i32
      %dma_wait3A_247 = tpu.memref_slice %arg13[%dma_wait3A_246] : memref<128xi32, #tpu.memory_space<vmem>> -> memref<96xi32, #tpu.memory_space<vmem>>
      %dma_wait3A_248 = arith.constant 0 : i32
      %dma_wait3A_249 = arith.constant 0 : i32
      %dma_wait3A_250 = tpu.memref_slice %arg4[%dma_wait3A_248, %dma_wait3A_249] : memref<50176x256xf32, #tpu.memory_space<hbm>> -> memref<50176x256xf32, #tpu.memory_space<hbm>>
      tpu.wait_indirect_dma semaphore(%arg17 : memref<!tpu.dma_semaphore, #tpu.memory_space<semaphore_mem>>) src(%dma_wait3A_250 : memref<50176x256xf32, #tpu.memory_space<hbm>>) dst(%arg14 : memref<96x256xf32, #tpu.memory_space<vmem>>)
      "tpu.region"() ({
        %run_scoped3A = tpu.sem_alloc : memref<!tpu.dma_semaphore, #tpu.memory_space<semaphore_mem>>
        %dma_start3A_252 = arith.constant 0 : i32
        %dma_start3A_253 = arith.constant 0 : i32
        %dma_start3A_254 = tpu.memref_slice %arg6[%add3A_12, %dma_start3A_252, %dma_start3A_253] : memref<512x96x256xf32, #tpu.memory_space<hbm>> -> memref<1x96x256xf32, #tpu.memory_space<hbm>>
        %dma_start3A_255 = tpu.memref_squeeze %dma_start3A_254 : memref<1x96x256xf32, #tpu.memory_space<hbm>> -> memref<96x256xf32, #tpu.memory_space<hbm>>
        %dma_start3A_256 = arith.constant 0 : i32
        %dma_start3A_257 = arith.constant 0 : i32
        %dma_start3A_258 = tpu.memref_slice %arg6[%add3A_12, %dma_start3A_256, %dma_start3A_257] : memref<512x96x256xf32, #tpu.memory_space<hbm>> -> memref<1x96x256xf32, #tpu.memory_space<hbm>>
        %dma_start3A_259 = tpu.memref_squeeze %dma_start3A_258 : memref<1x96x256xf32, #tpu.memory_space<hbm>> -> memref<96x256xf32, #tpu.memory_space<hbm>>
        tpu.enqueue_dma source(%arg14 : memref<96x256xf32, #tpu.memory_space<vmem>>) target(%dma_start3A_259 : memref<96x256xf32, #tpu.memory_space<hbm>>) target_semaphore(%run_scoped3A : memref<!tpu.dma_semaphore, #tpu.memory_space<semaphore_mem>>)
        %dma_wait3A_260 = arith.constant 0 : i32
        %dma_wait3A_261 = arith.constant 0 : i32
        %dma_wait3A_262 = tpu.memref_slice %arg6[%add3A_12, %dma_wait3A_260, %dma_wait3A_261] : memref<512x96x256xf32, #tpu.memory_space<hbm>> -> memref<1x96x256xf32, #tpu.memory_space<hbm>>
        %dma_wait3A_263 = tpu.memref_squeeze %dma_wait3A_262 : memref<1x96x256xf32, #tpu.memory_space<hbm>> -> memref<96x256xf32, #tpu.memory_space<hbm>>
        %dma_wait3A_264 = arith.constant 0 : i32
        %dma_wait3A_265 = arith.constant 0 : i32
        %dma_wait3A_266 = tpu.memref_slice %arg6[%add3A_12, %dma_wait3A_264, %dma_wait3A_265] : memref<512x96x256xf32, #tpu.memory_space<hbm>> -> memref<1x96x256xf32, #tpu.memory_space<hbm>>
        %dma_wait3A_267 = tpu.memref_squeeze %dma_wait3A_266 : memref<1x96x256xf32, #tpu.memory_space<hbm>> -> memref<96x256xf32, #tpu.memory_space<hbm>>
        tpu.wait_dma2 semaphore(%run_scoped3A : memref<!tpu.dma_semaphore, #tpu.memory_space<semaphore_mem>>) src(%arg14 : memref<96x256xf32, #tpu.memory_space<vmem>>) dst(%dma_wait3A_267 : memref<96x256xf32, #tpu.memory_space<hbm>>)
        tpu.yield
      }) : () -> ()
      %scan3A_251 = arith.constant 0 : i32
      scf.yield %scan3A_251 : i32
    }
    %scan3A_9 = arith.constant 16 : i32
    return
  }
}

#map = affine_map<(d0, d1) -> (0, 0)>
#map1 = affine_map<(d0, d1) -> (0)>
#map2 = affine_map<(d0, d1) -> (0, 0, 0)>
module attributes {stable_mosaic.version = 14 : i64} {
  func.func @_sc_body(%arg0: i32, %arg1: i32, %arg2: memref<3584x7168xf32, #tpu.memory_space<hbm>>, %arg3: memref<512x16xf32, #tpu.memory_space<hbm>>, %arg4: memref<50176x256xf32, #tpu.memory_space<hbm>>, %arg5: memref<50176xi32, #tpu.memory_space<hbm>>, %arg6: memref<512x96x256xf32, #tpu.memory_space<hbm>>, %arg7: memref<512x128xf32, #tpu.memory_space<hbm>>, %arg8: memref<16xf32, #tpu.memory_space<vmem>>, %arg9: memref<7168xf32, #tpu.memory_space<vmem>>, %arg10: memref<7168xf32, #tpu.memory_space<vmem>>, %arg11: memref<4096xf32, #tpu.memory_space<vmem>>, %arg12: memref<4096xi32, #tpu.memory_space<vmem>>, %arg13: memref<128xi32, #tpu.memory_space<vmem>>, %arg14: memref<96x256xf32, #tpu.memory_space<vmem>>, %arg15: memref<50176xi32, #tpu.memory_space<vmem>>, %arg16: memref<128xf32, #tpu.memory_space<vmem>>, %arg17: memref<!tpu.dma_semaphore, #tpu.memory_space<semaphore_mem>>, %arg18: memref<!tpu.dma_semaphore, #tpu.memory_space<semaphore_mem>>, %arg19: memref<!tpu.dma_semaphore, #tpu.memory_space<semaphore_mem>>) attributes {dimension_semantics = [#tpu.dimension_semantics<core_parallel>, #tpu.dimension_semantics<subcore_parallel>], iteration_bounds = array<i64: 2, 16>, scalar_prefetch = 0 : i64, scratch_operands = 12 : i64, tpu.core_type = #tpu.core_type<sc_vector_subcore>, window_params = [{transform_indices = #map}, {transform_indices = #map}, {transform_indices = #map}, {transform_indices = #map1}, {transform_indices = #map2}, {transform_indices = #map}]} {
    %mul3A = arith.constant 2 : i32
    %mul3A_0 = arith.muli %arg1, %mul3A : i32
    %add3A = arith.addi %mul3A_0, %arg0 : i32
    %mul3A_1 = arith.constant 16 : i32
    %mul3A_2 = arith.muli %add3A, %mul3A_1 : i32
    %iota3A = tpu.iota {dimensions = array<i32: 0>} : vector<16xi32>
    %broadcast_in_dim3A = arith.constant 0 : i32
    %broadcast_in_dim3A_3 = vector.broadcast %broadcast_in_dim3A : i32 to vector<16xi32>
    "tpu.region"() ({
      %run_scoped3A = tpu.sem_alloc : memref<!tpu.dma_semaphore, #tpu.memory_space<semaphore_mem>>
      tpu.enqueue_dma source(%arg5 : memref<50176xi32, #tpu.memory_space<hbm>>) target(%arg15 : memref<50176xi32, #tpu.memory_space<vmem>>) target_semaphore(%run_scoped3A : memref<!tpu.dma_semaphore, #tpu.memory_space<semaphore_mem>>)
      tpu.wait_dma2 semaphore(%run_scoped3A : memref<!tpu.dma_semaphore, #tpu.memory_space<semaphore_mem>>) src(%arg5 : memref<50176xi32, #tpu.memory_space<hbm>>) dst(%arg15 : memref<50176xi32, #tpu.memory_space<vmem>>)
      tpu.yield
    }) : () -> ()
    %scan3A = arith.constant 0 : i32
    %scan3A_4 = arith.constant 0 : i32
    %scan3A_5 = arith.constant 16 : i32
    %scan3A_6 = arith.addi %scan3A_4, %scan3A_5 : i32
    %scan3A_7 = arith.constant 1 : i32
    %scan3A_8 = scf.for %scan3A_10 = %scan3A_4 to %scan3A_6 step %scan3A_7 iter_args(%scan3A_11 = %scan3A) -> (i32)  : i32 {
      %add3A_12 = arith.addi %mul3A_2, %scan3A_10 : i32
      "tpu.region"() ({
        %run_scoped3A = tpu.sem_alloc : memref<!tpu.dma_semaphore, #tpu.memory_space<semaphore_mem>>
        %dma_start3A_252 = arith.constant 0 : i32
        %dma_start3A_253 = tpu.memref_slice %arg3[%add3A_12, %dma_start3A_252] : memref<512x16xf32, #tpu.memory_space<hbm>> -> memref<1x16xf32, #tpu.memory_space<hbm>>
        %dma_start3A_254 = tpu.memref_squeeze %dma_start3A_253 : memref<1x16xf32, #tpu.memory_space<hbm>> -> memref<16xf32, #tpu.memory_space<hbm>>
        %dma_start3A_255 = arith.constant 0 : i32
        %dma_start3A_256 = tpu.memref_slice %arg3[%add3A_12, %dma_start3A_255] : memref<512x16xf32, #tpu.memory_space<hbm>> -> memref<1x16xf32, #tpu.memory_space<hbm>>
        %dma_start3A_257 = tpu.memref_squeeze %dma_start3A_256 : memref<1x16xf32, #tpu.memory_space<hbm>> -> memref<16xf32, #tpu.memory_space<hbm>>
        tpu.enqueue_dma source(%dma_start3A_257 : memref<16xf32, #tpu.memory_space<hbm>>) target(%arg8 : memref<16xf32, #tpu.memory_space<vmem>>) target_semaphore(%run_scoped3A : memref<!tpu.dma_semaphore, #tpu.memory_space<semaphore_mem>>)
        %dma_wait3A_258 = arith.constant 0 : i32
        %dma_wait3A_259 = tpu.memref_slice %arg3[%add3A_12, %dma_wait3A_258] : memref<512x16xf32, #tpu.memory_space<hbm>> -> memref<1x16xf32, #tpu.memory_space<hbm>>
        %dma_wait3A_260 = tpu.memref_squeeze %dma_wait3A_259 : memref<1x16xf32, #tpu.memory_space<hbm>> -> memref<16xf32, #tpu.memory_space<hbm>>
        %dma_wait3A_261 = arith.constant 0 : i32
        %dma_wait3A_262 = tpu.memref_slice %arg3[%add3A_12, %dma_wait3A_261] : memref<512x16xf32, #tpu.memory_space<hbm>> -> memref<1x16xf32, #tpu.memory_space<hbm>>
        %dma_wait3A_263 = tpu.memref_squeeze %dma_wait3A_262 : memref<1x16xf32, #tpu.memory_space<hbm>> -> memref<16xf32, #tpu.memory_space<hbm>>
        tpu.wait_dma2 semaphore(%run_scoped3A : memref<!tpu.dma_semaphore, #tpu.memory_space<semaphore_mem>>) src(%dma_wait3A_263 : memref<16xf32, #tpu.memory_space<hbm>>) dst(%arg8 : memref<16xf32, #tpu.memory_space<vmem>>)
        tpu.yield
      }) : () -> ()
      %get3A = arith.constant 0 : index
      %get3A_13 = tpu.vector_load %arg8[%get3A] {strides = array<i32>} : memref<16xf32, #tpu.memory_space<vmem>>, vector<16xf32>,
      %mul3A_14 = arith.constant 7 : i32
      %mul3A_15 = arith.muli %add3A_12, %mul3A_14 : i32
      %dma_start3A = arith.constant 0 : i32
      %dma_start3A_16 = tpu.memref_slice %arg2[%mul3A_15, %dma_start3A] : memref<3584x7168xf32, #tpu.memory_space<hbm>> -> memref<1x7168xf32, #tpu.memory_space<hbm>>
      %dma_start3A_17 = tpu.memref_squeeze %dma_start3A_16 : memref<1x7168xf32, #tpu.memory_space<hbm>> -> memref<7168xf32, #tpu.memory_space<hbm>>
      %dma_start3A_18 = arith.constant 0 : i32
      %dma_start3A_19 = tpu.memref_slice %arg2[%mul3A_15, %dma_start3A_18] : memref<3584x7168xf32, #tpu.memory_space<hbm>> -> memref<1x7168xf32, #tpu.memory_space<hbm>>
      %dma_start3A_20 = tpu.memref_squeeze %dma_start3A_19 : memref<1x7168xf32, #tpu.memory_space<hbm>> -> memref<7168xf32, #tpu.memory_space<hbm>>
      tpu.enqueue_dma source(%dma_start3A_20 : memref<7168xf32, #tpu.memory_space<hbm>>) target(%arg9 : memref<7168xf32, #tpu.memory_space<vmem>>) target_semaphore(%arg18 : memref<!tpu.dma_semaphore, #tpu.memory_space<semaphore_mem>>)
      %mul3A_21 = arith.constant 7 : i32
      %mul3A_22 = arith.muli %add3A_12, %mul3A_21 : i32
      %add3A_23 = arith.constant 1 : i32
      %add3A_24 = arith.addi %mul3A_22, %add3A_23 : i32
      %dma_start3A_25 = arith.constant 0 : i32
      %dma_start3A_26 = tpu.memref_slice %arg2[%add3A_24, %dma_start3A_25] : memref<3584x7168xf32, #tpu.memory_space<hbm>> -> memref<1x7168xf32, #tpu.memory_space<hbm>>
      %dma_start3A_27 = tpu.memref_squeeze %dma_start3A_26 : memref<1x7168xf32, #tpu.memory_space<hbm>> -> memref<7168xf32, #tpu.memory_space<hbm>>
      %dma_start3A_28 = arith.constant 0 : i32
      %dma_start3A_29 = tpu.memref_slice %arg2[%add3A_24, %dma_start3A_28] : memref<3584x7168xf32, #tpu.memory_space<hbm>> -> memref<1x7168xf32, #tpu.memory_space<hbm>>
      %dma_start3A_30 = tpu.memref_squeeze %dma_start3A_29 : memref<1x7168xf32, #tpu.memory_space<hbm>> -> memref<7168xf32, #tpu.memory_space<hbm>>
      tpu.enqueue_dma source(%dma_start3A_30 : memref<7168xf32, #tpu.memory_space<hbm>>) target(%arg10 : memref<7168xf32, #tpu.memory_space<vmem>>) target_semaphore(%arg19 : memref<!tpu.dma_semaphore, #tpu.memory_space<semaphore_mem>>)
      %dma_wait3A = arith.constant 0 : i32
      %dma_wait3A_31 = tpu.memref_slice %arg2[%mul3A_15, %dma_wait3A] : memref<3584x7168xf32, #tpu.memory_space<hbm>> -> memref<1x7168xf32, #tpu.memory_space<hbm>>
      %dma_wait3A_32 = tpu.memref_squeeze %dma_wait3A_31 : memref<1x7168xf32, #tpu.memory_space<hbm>> -> memref<7168xf32, #tpu.memory_space<hbm>>
      %dma_wait3A_33 = arith.constant 0 : i32
      %dma_wait3A_34 = tpu.memref_slice %arg2[%mul3A_15, %dma_wait3A_33] : memref<3584x7168xf32, #tpu.memory_space<hbm>> -> memref<1x7168xf32, #tpu.memory_space<hbm>>
      %dma_wait3A_35 = tpu.memref_squeeze %dma_wait3A_34 : memref<1x7168xf32, #tpu.memory_space<hbm>> -> memref<7168xf32, #tpu.memory_space<hbm>>
      tpu.wait_dma2 semaphore(%arg18 : memref<!tpu.dma_semaphore, #tpu.memory_space<semaphore_mem>>) src(%dma_wait3A_35 : memref<7168xf32, #tpu.memory_space<hbm>>) dst(%arg9 : memref<7168xf32, #tpu.memory_space<vmem>>)
      %parallel_loop3A = arith.constant 0 : i32
      %parallel_loop3A_36 = arith.constant 448 : i32
      %parallel_loop3A_37 = arith.constant 1 : i32
      %parallel_loop3A_38 = scf.for %parallel_loop3A_252 = %parallel_loop3A to %parallel_loop3A_36 step %parallel_loop3A_37 iter_args(%parallel_loop3A_253 = %broadcast_in_dim3A_3) -> (vector<16xi32>)  : i32 {
        %parallel_loop3A_254 = arith.constant 16 : i32
        %parallel_loop3A_255 = arith.muli %parallel_loop3A_252, %parallel_loop3A_254 : i32
        %parallel_loop3A_256 = arith.index_cast %parallel_loop3A_255 : i32 to index
        %parallel_loop3A_257 = tpu.vector_load %arg9[%parallel_loop3A_256] {strides = array<i32>} : memref<7168xf32, #tpu.memory_space<vmem>>, vector<16xf32>,
        %parallel_loop3A_258 = arith.cmpf ole, %parallel_loop3A_257, %get3A_13 : vector<16xf32>
        %parallel_loop3A_259 = arith.constant 1 : i32
        %parallel_loop3A_260 = arith.constant 0 : i32
        %parallel_loop3A_261 = vector.broadcast %parallel_loop3A_259 : i32 to vector<16xi32>
        %parallel_loop3A_262 = vector.broadcast %parallel_loop3A_260 : i32 to vector<16xi32>
        %parallel_loop3A_263 = arith.select %parallel_loop3A_258, %parallel_loop3A_261, %parallel_loop3A_262 : vector<16xi1>, vector<16xi32>
        %parallel_loop3A_264 = arith.constant true
        %parallel_loop3A_265 = vector.broadcast %parallel_loop3A_264 : i1 to vector<16xi1>
        %parallel_loop3A_266 = tpu.scan <sum>, %parallel_loop3A_263 masked %parallel_loop3A_265 : vector<16xi32>, vector<16xi1> -> vector<16xi32>
        %parallel_loop3A_267 = arith.addi %parallel_loop3A_253, %parallel_loop3A_266 : vector<16xi32>
        %parallel_loop3A_268 = arith.constant 1 : i32
        %parallel_loop3A_269 = vector.broadcast %parallel_loop3A_268 : i32 to vector<16xi32>
        %parallel_loop3A_270 = arith.subi %parallel_loop3A_267, %parallel_loop3A_269 : vector<16xi32>
        %parallel_loop3A_271 = arith.constant 16 : i32
        %parallel_loop3A_272 = arith.muli %parallel_loop3A_252, %parallel_loop3A_271 : i32
        %parallel_loop3A_273 = arith.constant 0 : i32
        %parallel_loop3A_274 = arith.addi %parallel_loop3A_273, %parallel_loop3A_272 : i32
        %parallel_loop3A_275 = vector.broadcast %parallel_loop3A_274 : i32 to vector<16xi32>
        %parallel_loop3A_276 = arith.addi %parallel_loop3A_275, %iota3A : vector<16xi32>
        %parallel_loop3A_277 = arith.constant 4096 : i32
        %parallel_loop3A_278 = vector.broadcast %parallel_loop3A_277 : i32 to vector<16xi32>
        %parallel_loop3A_279 = arith.cmpi slt, %parallel_loop3A_270, %parallel_loop3A_278 : vector<16xi32>
        %parallel_loop3A_280 = arith.andi %parallel_loop3A_258, %parallel_loop3A_279 : vector<16xi1>
        tpu.vector_store_idx %arg11[%parallel_loop3A_270], %parallel_loop3A_257 masked %parallel_loop3A_280 : memref<4096xf32, #tpu.memory_space<vmem>>[vector<16xi32>], vector<16xf32>, vector<16xi1>
        tpu.vector_store_idx %arg12[%parallel_loop3A_270], %parallel_loop3A_276 masked %parallel_loop3A_280 : memref<4096xi32, #tpu.memory_space<vmem>>[vector<16xi32>], vector<16xi32>, vector<16xi1>
        %parallel_loop3A_281 = tpu.all_reduce %parallel_loop3A_258 {dim = 0 : i64, kind = #tpu.reduction_kind<sum>} : vector<16xi1> -> vector<16xi32>
        %parallel_loop3A_282 = arith.addi %parallel_loop3A_253, %parallel_loop3A_281 : vector<16xi32>
        scf.yield %parallel_loop3A_282 : vector<16xi32>
      } {sc.loop_unroll_factor = 4 : i64, sc.parallel_access}
      %mul3A_39 = arith.constant 7 : i32
      %mul3A_40 = arith.muli %add3A_12, %mul3A_39 : i32
      %add3A_41 = arith.constant 2 : i32
      %add3A_42 = arith.addi %mul3A_40, %add3A_41 : i32
      %dma_start3A_43 = arith.constant 0 : i32
      %dma_start3A_44 = tpu.memref_slice %arg2[%add3A_42, %dma_start3A_43] : memref<3584x7168xf32, #tpu.memory_space<hbm>> -> memref<1x7168xf32, #tpu.memory_space<hbm>>
      %dma_start3A_45 = tpu.memref_squeeze %dma_start3A_44 : memref<1x7168xf32, #tpu.memory_space<hbm>> -> memref<7168xf32, #tpu.memory_space<hbm>>
      %dma_start3A_46 = arith.constant 0 : i32
      %dma_start3A_47 = tpu.memref_slice %arg2[%add3A_42, %dma_start3A_46] : memref<3584x7168xf32, #tpu.memory_space<hbm>> -> memref<1x7168xf32, #tpu.memory_space<hbm>>
      %dma_start3A_48 = tpu.memref_squeeze %dma_start3A_47 : memref<1x7168xf32, #tpu.memory_space<hbm>> -> memref<7168xf32, #tpu.memory_space<hbm>>
      tpu.enqueue_dma source(%dma_start3A_48 : memref<7168xf32, #tpu.memory_space<hbm>>) target(%arg9 : memref<7168xf32, #tpu.memory_space<vmem>>) target_semaphore(%arg18 : memref<!tpu.dma_semaphore, #tpu.memory_space<semaphore_mem>>)
      %dma_wait3A_49 = arith.constant 0 : i32
      %dma_wait3A_50 = tpu.memref_slice %arg2[%add3A_24, %dma_wait3A_49] : memref<3584x7168xf32, #tpu.memory_space<hbm>> -> memref<1x7168xf32, #tpu.memory_space<hbm>>
      %dma_wait3A_51 = tpu.memref_squeeze %dma_wait3A_50 : memref<1x7168xf32, #tpu.memory_space<hbm>> -> memref<7168xf32, #tpu.memory_space<hbm>>
      %dma_wait3A_52 = arith.constant 0 : i32
      %dma_wait3A_53 = tpu.memref_slice %arg2[%add3A_24, %dma_wait3A_52] : memref<3584x7168xf32, #tpu.memory_space<hbm>> -> memref<1x7168xf32, #tpu.memory_space<hbm>>
      %dma_wait3A_54 = tpu.memref_squeeze %dma_wait3A_53 : memref<1x7168xf32, #tpu.memory_space<hbm>> -> memref<7168xf32, #tpu.memory_space<hbm>>
      tpu.wait_dma2 semaphore(%arg19 : memref<!tpu.dma_semaphore, #tpu.memory_space<semaphore_mem>>) src(%dma_wait3A_54 : memref<7168xf32, #tpu.memory_space<hbm>>) dst(%arg10 : memref<7168xf32, #tpu.memory_space<vmem>>)
      %parallel_loop3A_55 = arith.constant 0 : i32
      %parallel_loop3A_56 = arith.constant 448 : i32
      %parallel_loop3A_57 = arith.constant 1 : i32
      %parallel_loop3A_58 = scf.for %parallel_loop3A_252 = %parallel_loop3A_55 to %parallel_loop3A_56 step %parallel_loop3A_57 iter_args(%parallel_loop3A_253 = %parallel_loop3A_38) -> (vector<16xi32>)  : i32 {
        %parallel_loop3A_254 = arith.constant 16 : i32
        %parallel_loop3A_255 = arith.muli %parallel_loop3A_252, %parallel_loop3A_254 : i32
        %parallel_loop3A_256 = arith.index_cast %parallel_loop3A_255 : i32 to index
        %parallel_loop3A_257 = tpu.vector_load %arg10[%parallel_loop3A_256] {strides = array<i32>} : memref<7168xf32, #tpu.memory_space<vmem>>, vector<16xf32>,
        %parallel_loop3A_258 = arith.cmpf ole, %parallel_loop3A_257, %get3A_13 : vector<16xf32>
        %parallel_loop3A_259 = arith.constant 1 : i32
        %parallel_loop3A_260 = arith.constant 0 : i32
        %parallel_loop3A_261 = vector.broadcast %parallel_loop3A_259 : i32 to vector<16xi32>
        %parallel_loop3A_262 = vector.broadcast %parallel_loop3A_260 : i32 to vector<16xi32>
        %parallel_loop3A_263 = arith.select %parallel_loop3A_258, %parallel_loop3A_261, %parallel_loop3A_262 : vector<16xi1>, vector<16xi32>
        %parallel_loop3A_264 = arith.constant true
        %parallel_loop3A_265 = vector.broadcast %parallel_loop3A_264 : i1 to vector<16xi1>
        %parallel_loop3A_266 = tpu.scan <sum>, %parallel_loop3A_263 masked %parallel_loop3A_265 : vector<16xi32>, vector<16xi1> -> vector<16xi32>
        %parallel_loop3A_267 = arith.addi %parallel_loop3A_253, %parallel_loop3A_266 : vector<16xi32>
        %parallel_loop3A_268 = arith.constant 1 : i32
        %parallel_loop3A_269 = vector.broadcast %parallel_loop3A_268 : i32 to vector<16xi32>
        %parallel_loop3A_270 = arith.subi %parallel_loop3A_267, %parallel_loop3A_269 : vector<16xi32>
        %parallel_loop3A_271 = arith.constant 16 : i32
        %parallel_loop3A_272 = arith.muli %parallel_loop3A_252, %parallel_loop3A_271 : i32
        %parallel_loop3A_273 = arith.constant 7168 : i32
        %parallel_loop3A_274 = arith.addi %parallel_loop3A_273, %parallel_loop3A_272 : i32
        %parallel_loop3A_275 = vector.broadcast %parallel_loop3A_274 : i32 to vector<16xi32>
        %parallel_loop3A_276 = arith.addi %parallel_loop3A_275, %iota3A : vector<16xi32>
        %parallel_loop3A_277 = arith.constant 4096 : i32
        %parallel_loop3A_278 = vector.broadcast %parallel_loop3A_277 : i32 to vector<16xi32>
        %parallel_loop3A_279 = arith.cmpi slt, %parallel_loop3A_270, %parallel_loop3A_278 : vector<16xi32>
        %parallel_loop3A_280 = arith.andi %parallel_loop3A_258, %parallel_loop3A_279 : vector<16xi1>
        tpu.vector_store_idx %arg11[%parallel_loop3A_270], %parallel_loop3A_257 masked %parallel_loop3A_280 : memref<4096xf32, #tpu.memory_space<vmem>>[vector<16xi32>], vector<16xf32>, vector<16xi1>
        tpu.vector_store_idx %arg12[%parallel_loop3A_270], %parallel_loop3A_276 masked %parallel_loop3A_280 : memref<4096xi32, #tpu.memory_space<vmem>>[vector<16xi32>], vector<16xi32>, vector<16xi1>
        %parallel_loop3A_281 = tpu.all_reduce %parallel_loop3A_258 {dim = 0 : i64, kind = #tpu.reduction_kind<sum>} : vector<16xi1> -> vector<16xi32>
        %parallel_loop3A_282 = arith.addi %parallel_loop3A_253, %parallel_loop3A_281 : vector<16xi32>
        scf.yield %parallel_loop3A_282 : vector<16xi32>
      } {sc.loop_unroll_factor = 4 : i64, sc.parallel_access}
      %mul3A_59 = arith.constant 7 : i32
      %mul3A_60 = arith.muli %add3A_12, %mul3A_59 : i32
      %add3A_61 = arith.constant 3 : i32
      %add3A_62 = arith.addi %mul3A_60, %add3A_61 : i32
      %dma_start3A_63 = arith.constant 0 : i32
      %dma_start3A_64 = tpu.memref_slice %arg2[%add3A_62, %dma_start3A_63] : memref<3584x7168xf32, #tpu.memory_space<hbm>> -> memref<1x7168xf32, #tpu.memory_space<hbm>>
      %dma_start3A_65 = tpu.memref_squeeze %dma_start3A_64 : memref<1x7168xf32, #tpu.memory_space<hbm>> -> memref<7168xf32, #tpu.memory_space<hbm>>
      %dma_start3A_66 = arith.constant 0 : i32
      %dma_start3A_67 = tpu.memref_slice %arg2[%add3A_62, %dma_start3A_66] : memref<3584x7168xf32, #tpu.memory_space<hbm>> -> memref<1x7168xf32, #tpu.memory_space<hbm>>
      %dma_start3A_68 = tpu.memref_squeeze %dma_start3A_67 : memref<1x7168xf32, #tpu.memory_space<hbm>> -> memref<7168xf32, #tpu.memory_space<hbm>>
      tpu.enqueue_dma source(%dma_start3A_68 : memref<7168xf32, #tpu.memory_space<hbm>>) target(%arg10 : memref<7168xf32, #tpu.memory_space<vmem>>) target_semaphore(%arg19 : memref<!tpu.dma_semaphore, #tpu.memory_space<semaphore_mem>>)
      %dma_wait3A_69 = arith.constant 0 : i32
      %dma_wait3A_70 = tpu.memref_slice %arg2[%add3A_42, %dma_wait3A_69] : memref<3584x7168xf32, #tpu.memory_space<hbm>> -> memref<1x7168xf32, #tpu.memory_space<hbm>>
      %dma_wait3A_71 = tpu.memref_squeeze %dma_wait3A_70 : memref<1x7168xf32, #tpu.memory_space<hbm>> -> memref<7168xf32, #tpu.memory_space<hbm>>
      %dma_wait3A_72 = arith.constant 0 : i32
      %dma_wait3A_73 = tpu.memref_slice %arg2[%add3A_42, %dma_wait3A_72] : memref<3584x7168xf32, #tpu.memory_space<hbm>> -> memref<1x7168xf32, #tpu.memory_space<hbm>>
      %dma_wait3A_74 = tpu.memref_squeeze %dma_wait3A_73 : memref<1x7168xf32, #tpu.memory_space<hbm>> -> memref<7168xf32, #tpu.memory_space<hbm>>
      tpu.wait_dma2 semaphore(%arg18 : memref<!tpu.dma_semaphore, #tpu.memory_space<semaphore_mem>>) src(%dma_wait3A_74 : memref<7168xf32, #tpu.memory_space<hbm>>) dst(%arg9 : memref<7168xf32, #tpu.memory_space<vmem>>)
      %parallel_loop3A_75 = arith.constant 0 : i32
      %parallel_loop3A_76 = arith.constant 448 : i32
      %parallel_loop3A_77 = arith.constant 1 : i32
      %parallel_loop3A_78 = scf.for %parallel_loop3A_252 = %parallel_loop3A_75 to %parallel_loop3A_76 step %parallel_loop3A_77 iter_args(%parallel_loop3A_253 = %parallel_loop3A_58) -> (vector<16xi32>)  : i32 {
        %parallel_loop3A_254 = arith.constant 16 : i32
        %parallel_loop3A_255 = arith.muli %parallel_loop3A_252, %parallel_loop3A_254 : i32
        %parallel_loop3A_256 = arith.index_cast %parallel_loop3A_255 : i32 to index
        %parallel_loop3A_257 = tpu.vector_load %arg9[%parallel_loop3A_256] {strides = array<i32>} : memref<7168xf32, #tpu.memory_space<vmem>>, vector<16xf32>,
        %parallel_loop3A_258 = arith.cmpf ole, %parallel_loop3A_257, %get3A_13 : vector<16xf32>
        %parallel_loop3A_259 = arith.constant 1 : i32
        %parallel_loop3A_260 = arith.constant 0 : i32
        %parallel_loop3A_261 = vector.broadcast %parallel_loop3A_259 : i32 to vector<16xi32>
        %parallel_loop3A_262 = vector.broadcast %parallel_loop3A_260 : i32 to vector<16xi32>
        %parallel_loop3A_263 = arith.select %parallel_loop3A_258, %parallel_loop3A_261, %parallel_loop3A_262 : vector<16xi1>, vector<16xi32>
        %parallel_loop3A_264 = arith.constant true
        %parallel_loop3A_265 = vector.broadcast %parallel_loop3A_264 : i1 to vector<16xi1>
        %parallel_loop3A_266 = tpu.scan <sum>, %parallel_loop3A_263 masked %parallel_loop3A_265 : vector<16xi32>, vector<16xi1> -> vector<16xi32>
        %parallel_loop3A_267 = arith.addi %parallel_loop3A_253, %parallel_loop3A_266 : vector<16xi32>
        %parallel_loop3A_268 = arith.constant 1 : i32
        %parallel_loop3A_269 = vector.broadcast %parallel_loop3A_268 : i32 to vector<16xi32>
        %parallel_loop3A_270 = arith.subi %parallel_loop3A_267, %parallel_loop3A_269 : vector<16xi32>
        %parallel_loop3A_271 = arith.constant 16 : i32
        %parallel_loop3A_272 = arith.muli %parallel_loop3A_252, %parallel_loop3A_271 : i32
        %parallel_loop3A_273 = arith.constant 14336 : i32
        %parallel_loop3A_274 = arith.addi %parallel_loop3A_273, %parallel_loop3A_272 : i32
        %parallel_loop3A_275 = vector.broadcast %parallel_loop3A_274 : i32 to vector<16xi32>
        %parallel_loop3A_276 = arith.addi %parallel_loop3A_275, %iota3A : vector<16xi32>
        %parallel_loop3A_277 = arith.constant 4096 : i32
        %parallel_loop3A_278 = vector.broadcast %parallel_loop3A_277 : i32 to vector<16xi32>
        %parallel_loop3A_279 = arith.cmpi slt, %parallel_loop3A_270, %parallel_loop3A_278 : vector<16xi32>
        %parallel_loop3A_280 = arith.andi %parallel_loop3A_258, %parallel_loop3A_279 : vector<16xi1>
        tpu.vector_store_idx %arg11[%parallel_loop3A_270], %parallel_loop3A_257 masked %parallel_loop3A_280 : memref<4096xf32, #tpu.memory_space<vmem>>[vector<16xi32>], vector<16xf32>, vector<16xi1>
        tpu.vector_store_idx %arg12[%parallel_loop3A_270], %parallel_loop3A_276 masked %parallel_loop3A_280 : memref<4096xi32, #tpu.memory_space<vmem>>[vector<16xi32>], vector<16xi32>, vector<16xi1>
        %parallel_loop3A_281 = tpu.all_reduce %parallel_loop3A_258 {dim = 0 : i64, kind = #tpu.reduction_kind<sum>} : vector<16xi1> -> vector<16xi32>
        %parallel_loop3A_282 = arith.addi %parallel_loop3A_253, %parallel_loop3A_281 : vector<16xi32>
        scf.yield %parallel_loop3A_282 : vector<16xi32>
      } {sc.loop_unroll_factor = 4 : i64, sc.parallel_access}
      %mul3A_79 = arith.constant 7 : i32
      %mul3A_80 = arith.muli %add3A_12, %mul3A_79 : i32
      %add3A_81 = arith.constant 4 : i32
      %add3A_82 = arith.addi %mul3A_80, %add3A_81 : i32
      %dma_start3A_83 = arith.constant 0 : i32
      %dma_start3A_84 = tpu.memref_slice %arg2[%add3A_82, %dma_start3A_83] : memref<3584x7168xf32, #tpu.memory_space<hbm>> -> memref<1x7168xf32, #tpu.memory_space<hbm>>
      %dma_start3A_85 = tpu.memref_squeeze %dma_start3A_84 : memref<1x7168xf32, #tpu.memory_space<hbm>> -> memref<7168xf32, #tpu.memory_space<hbm>>
      %dma_start3A_86 = arith.constant 0 : i32
      %dma_start3A_87 = tpu.memref_slice %arg2[%add3A_82, %dma_start3A_86] : memref<3584x7168xf32, #tpu.memory_space<hbm>> -> memref<1x7168xf32, #tpu.memory_space<hbm>>
      %dma_start3A_88 = tpu.memref_squeeze %dma_start3A_87 : memref<1x7168xf32, #tpu.memory_space<hbm>> -> memref<7168xf32, #tpu.memory_space<hbm>>
      tpu.enqueue_dma source(%dma_start3A_88 : memref<7168xf32, #tpu.memory_space<hbm>>) target(%arg9 : memref<7168xf32, #tpu.memory_space<vmem>>) target_semaphore(%arg18 : memref<!tpu.dma_semaphore, #tpu.memory_space<semaphore_mem>>)
      %dma_wait3A_89 = arith.constant 0 : i32
      %dma_wait3A_90 = tpu.memref_slice %arg2[%add3A_62, %dma_wait3A_89] : memref<3584x7168xf32, #tpu.memory_space<hbm>> -> memref<1x7168xf32, #tpu.memory_space<hbm>>
      %dma_wait3A_91 = tpu.memref_squeeze %dma_wait3A_90 : memref<1x7168xf32, #tpu.memory_space<hbm>> -> memref<7168xf32, #tpu.memory_space<hbm>>
      %dma_wait3A_92 = arith.constant 0 : i32
      %dma_wait3A_93 = tpu.memref_slice %arg2[%add3A_62, %dma_wait3A_92] : memref<3584x7168xf32, #tpu.memory_space<hbm>> -> memref<1x7168xf32, #tpu.memory_space<hbm>>
      %dma_wait3A_94 = tpu.memref_squeeze %dma_wait3A_93 : memref<1x7168xf32, #tpu.memory_space<hbm>> -> memref<7168xf32, #tpu.memory_space<hbm>>
      tpu.wait_dma2 semaphore(%arg19 : memref<!tpu.dma_semaphore, #tpu.memory_space<semaphore_mem>>) src(%dma_wait3A_94 : memref<7168xf32, #tpu.memory_space<hbm>>) dst(%arg10 : memref<7168xf32, #tpu.memory_space<vmem>>)
      %parallel_loop3A_95 = arith.constant 0 : i32
      %parallel_loop3A_96 = arith.constant 448 : i32
      %parallel_loop3A_97 = arith.constant 1 : i32
      %parallel_loop3A_98 = scf.for %parallel_loop3A_252 = %parallel_loop3A_95 to %parallel_loop3A_96 step %parallel_loop3A_97 iter_args(%parallel_loop3A_253 = %parallel_loop3A_78) -> (vector<16xi32>)  : i32 {
        %parallel_loop3A_254 = arith.constant 16 : i32
        %parallel_loop3A_255 = arith.muli %parallel_loop3A_252, %parallel_loop3A_254 : i32
        %parallel_loop3A_256 = arith.index_cast %parallel_loop3A_255 : i32 to index
        %parallel_loop3A_257 = tpu.vector_load %arg10[%parallel_loop3A_256] {strides = array<i32>} : memref<7168xf32, #tpu.memory_space<vmem>>, vector<16xf32>,
        %parallel_loop3A_258 = arith.cmpf ole, %parallel_loop3A_257, %get3A_13 : vector<16xf32>
        %parallel_loop3A_259 = arith.constant 1 : i32
        %parallel_loop3A_260 = arith.constant 0 : i32
        %parallel_loop3A_261 = vector.broadcast %parallel_loop3A_259 : i32 to vector<16xi32>
        %parallel_loop3A_262 = vector.broadcast %parallel_loop3A_260 : i32 to vector<16xi32>
        %parallel_loop3A_263 = arith.select %parallel_loop3A_258, %parallel_loop3A_261, %parallel_loop3A_262 : vector<16xi1>, vector<16xi32>
        %parallel_loop3A_264 = arith.constant true
        %parallel_loop3A_265 = vector.broadcast %parallel_loop3A_264 : i1 to vector<16xi1>
        %parallel_loop3A_266 = tpu.scan <sum>, %parallel_loop3A_263 masked %parallel_loop3A_265 : vector<16xi32>, vector<16xi1> -> vector<16xi32>
        %parallel_loop3A_267 = arith.addi %parallel_loop3A_253, %parallel_loop3A_266 : vector<16xi32>
        %parallel_loop3A_268 = arith.constant 1 : i32
        %parallel_loop3A_269 = vector.broadcast %parallel_loop3A_268 : i32 to vector<16xi32>
        %parallel_loop3A_270 = arith.subi %parallel_loop3A_267, %parallel_loop3A_269 : vector<16xi32>
        %parallel_loop3A_271 = arith.constant 16 : i32
        %parallel_loop3A_272 = arith.muli %parallel_loop3A_252, %parallel_loop3A_271 : i32
        %parallel_loop3A_273 = arith.constant 21504 : i32
        %parallel_loop3A_274 = arith.addi %parallel_loop3A_273, %parallel_loop3A_272 : i32
        %parallel_loop3A_275 = vector.broadcast %parallel_loop3A_274 : i32 to vector<16xi32>
        %parallel_loop3A_276 = arith.addi %parallel_loop3A_275, %iota3A : vector<16xi32>
        %parallel_loop3A_277 = arith.constant 4096 : i32
        %parallel_loop3A_278 = vector.broadcast %parallel_loop3A_277 : i32 to vector<16xi32>
        %parallel_loop3A_279 = arith.cmpi slt, %parallel_loop3A_270, %parallel_loop3A_278 : vector<16xi32>
        %parallel_loop3A_280 = arith.andi %parallel_loop3A_258, %parallel_loop3A_279 : vector<16xi1>
        tpu.vector_store_idx %arg11[%parallel_loop3A_270], %parallel_loop3A_257 masked %parallel_loop3A_280 : memref<4096xf32, #tpu.memory_space<vmem>>[vector<16xi32>], vector<16xf32>, vector<16xi1>
        tpu.vector_store_idx %arg12[%parallel_loop3A_270], %parallel_loop3A_276 masked %parallel_loop3A_280 : memref<4096xi32, #tpu.memory_space<vmem>>[vector<16xi32>], vector<16xi32>, vector<16xi1>
        %parallel_loop3A_281 = tpu.all_reduce %parallel_loop3A_258 {dim = 0 : i64, kind = #tpu.reduction_kind<sum>} : vector<16xi1> -> vector<16xi32>
        %parallel_loop3A_282 = arith.addi %parallel_loop3A_253, %parallel_loop3A_281 : vector<16xi32>
        scf.yield %parallel_loop3A_282 : vector<16xi32>
      } {sc.loop_unroll_factor = 4 : i64, sc.parallel_access}
      %mul3A_99 = arith.constant 7 : i32
      %mul3A_100 = arith.muli %add3A_12, %mul3A_99 : i32
      %add3A_101 = arith.constant 5 : i32
      %add3A_102 = arith.addi %mul3A_100, %add3A_101 : i32
      %dma_start3A_103 = arith.constant 0 : i32
      %dma_start3A_104 = tpu.memref_slice %arg2[%add3A_102, %dma_start3A_103] : memref<3584x7168xf32, #tpu.memory_space<hbm>> -> memref<1x7168xf32, #tpu.memory_space<hbm>>
      %dma_start3A_105 = tpu.memref_squeeze %dma_start3A_104 : memref<1x7168xf32, #tpu.memory_space<hbm>> -> memref<7168xf32, #tpu.memory_space<hbm>>
      %dma_start3A_106 = arith.constant 0 : i32
      %dma_start3A_107 = tpu.memref_slice %arg2[%add3A_102, %dma_start3A_106] : memref<3584x7168xf32, #tpu.memory_space<hbm>> -> memref<1x7168xf32, #tpu.memory_space<hbm>>
      %dma_start3A_108 = tpu.memref_squeeze %dma_start3A_107 : memref<1x7168xf32, #tpu.memory_space<hbm>> -> memref<7168xf32, #tpu.memory_space<hbm>>
      tpu.enqueue_dma source(%dma_start3A_108 : memref<7168xf32, #tpu.memory_space<hbm>>) target(%arg10 : memref<7168xf32, #tpu.memory_space<vmem>>) target_semaphore(%arg19 : memref<!tpu.dma_semaphore, #tpu.memory_space<semaphore_mem>>)
      %dma_wait3A_109 = arith.constant 0 : i32
      %dma_wait3A_110 = tpu.memref_slice %arg2[%add3A_82, %dma_wait3A_109] : memref<3584x7168xf32, #tpu.memory_space<hbm>> -> memref<1x7168xf32, #tpu.memory_space<hbm>>
      %dma_wait3A_111 = tpu.memref_squeeze %dma_wait3A_110 : memref<1x7168xf32, #tpu.memory_space<hbm>> -> memref<7168xf32, #tpu.memory_space<hbm>>
      %dma_wait3A_112 = arith.constant 0 : i32
      %dma_wait3A_113 = tpu.memref_slice %arg2[%add3A_82, %dma_wait3A_112] : memref<3584x7168xf32, #tpu.memory_space<hbm>> -> memref<1x7168xf32, #tpu.memory_space<hbm>>
      %dma_wait3A_114 = tpu.memref_squeeze %dma_wait3A_113 : memref<1x7168xf32, #tpu.memory_space<hbm>> -> memref<7168xf32, #tpu.memory_space<hbm>>
      tpu.wait_dma2 semaphore(%arg18 : memref<!tpu.dma_semaphore, #tpu.memory_space<semaphore_mem>>) src(%dma_wait3A_114 : memref<7168xf32, #tpu.memory_space<hbm>>) dst(%arg9 : memref<7168xf32, #tpu.memory_space<vmem>>)
      %parallel_loop3A_115 = arith.constant 0 : i32
      %parallel_loop3A_116 = arith.constant 448 : i32
      %parallel_loop3A_117 = arith.constant 1 : i32
      %parallel_loop3A_118 = scf.for %parallel_loop3A_252 = %parallel_loop3A_115 to %parallel_loop3A_116 step %parallel_loop3A_117 iter_args(%parallel_loop3A_253 = %parallel_loop3A_98) -> (vector<16xi32>)  : i32 {
        %parallel_loop3A_254 = arith.constant 16 : i32
        %parallel_loop3A_255 = arith.muli %parallel_loop3A_252, %parallel_loop3A_254 : i32
        %parallel_loop3A_256 = arith.index_cast %parallel_loop3A_255 : i32 to index
        %parallel_loop3A_257 = tpu.vector_load %arg9[%parallel_loop3A_256] {strides = array<i32>} : memref<7168xf32, #tpu.memory_space<vmem>>, vector<16xf32>,
        %parallel_loop3A_258 = arith.cmpf ole, %parallel_loop3A_257, %get3A_13 : vector<16xf32>
        %parallel_loop3A_259 = arith.constant 1 : i32
        %parallel_loop3A_260 = arith.constant 0 : i32
        %parallel_loop3A_261 = vector.broadcast %parallel_loop3A_259 : i32 to vector<16xi32>
        %parallel_loop3A_262 = vector.broadcast %parallel_loop3A_260 : i32 to vector<16xi32>
        %parallel_loop3A_263 = arith.select %parallel_loop3A_258, %parallel_loop3A_261, %parallel_loop3A_262 : vector<16xi1>, vector<16xi32>
        %parallel_loop3A_264 = arith.constant true
        %parallel_loop3A_265 = vector.broadcast %parallel_loop3A_264 : i1 to vector<16xi1>
        %parallel_loop3A_266 = tpu.scan <sum>, %parallel_loop3A_263 masked %parallel_loop3A_265 : vector<16xi32>, vector<16xi1> -> vector<16xi32>
        %parallel_loop3A_267 = arith.addi %parallel_loop3A_253, %parallel_loop3A_266 : vector<16xi32>
        %parallel_loop3A_268 = arith.constant 1 : i32
        %parallel_loop3A_269 = vector.broadcast %parallel_loop3A_268 : i32 to vector<16xi32>
        %parallel_loop3A_270 = arith.subi %parallel_loop3A_267, %parallel_loop3A_269 : vector<16xi32>
        %parallel_loop3A_271 = arith.constant 16 : i32
        %parallel_loop3A_272 = arith.muli %parallel_loop3A_252, %parallel_loop3A_271 : i32
        %parallel_loop3A_273 = arith.constant 28672 : i32
        %parallel_loop3A_274 = arith.addi %parallel_loop3A_273, %parallel_loop3A_272 : i32
        %parallel_loop3A_275 = vector.broadcast %parallel_loop3A_274 : i32 to vector<16xi32>
        %parallel_loop3A_276 = arith.addi %parallel_loop3A_275, %iota3A : vector<16xi32>
        %parallel_loop3A_277 = arith.constant 4096 : i32
        %parallel_loop3A_278 = vector.broadcast %parallel_loop3A_277 : i32 to vector<16xi32>
        %parallel_loop3A_279 = arith.cmpi slt, %parallel_loop3A_270, %parallel_loop3A_278 : vector<16xi32>
        %parallel_loop3A_280 = arith.andi %parallel_loop3A_258, %parallel_loop3A_279 : vector<16xi1>
        tpu.vector_store_idx %arg11[%parallel_loop3A_270], %parallel_loop3A_257 masked %parallel_loop3A_280 : memref<4096xf32, #tpu.memory_space<vmem>>[vector<16xi32>], vector<16xf32>, vector<16xi1>
        tpu.vector_store_idx %arg12[%parallel_loop3A_270], %parallel_loop3A_276 masked %parallel_loop3A_280 : memref<4096xi32, #tpu.memory_space<vmem>>[vector<16xi32>], vector<16xi32>, vector<16xi1>
        %parallel_loop3A_281 = tpu.all_reduce %parallel_loop3A_258 {dim = 0 : i64, kind = #tpu.reduction_kind<sum>} : vector<16xi1> -> vector<16xi32>
        %parallel_loop3A_282 = arith.addi %parallel_loop3A_253, %parallel_loop3A_281 : vector<16xi32>
        scf.yield %parallel_loop3A_282 : vector<16xi32>
      } {sc.loop_unroll_factor = 4 : i64, sc.parallel_access}
      %mul3A_119 = arith.constant 7 : i32
      %mul3A_120 = arith.muli %add3A_12, %mul3A_119 : i32
      %add3A_121 = arith.constant 6 : i32
      %add3A_122 = arith.addi %mul3A_120, %add3A_121 : i32
      %dma_start3A_123 = arith.constant 0 : i32
      %dma_start3A_124 = tpu.memref_slice %arg2[%add3A_122, %dma_start3A_123] : memref<3584x7168xf32, #tpu.memory_space<hbm>> -> memref<1x7168xf32, #tpu.memory_space<hbm>>
      %dma_start3A_125 = tpu.memref_squeeze %dma_start3A_124 : memref<1x7168xf32, #tpu.memory_space<hbm>> -> memref<7168xf32, #tpu.memory_space<hbm>>
      %dma_start3A_126 = arith.constant 0 : i32
      %dma_start3A_127 = tpu.memref_slice %arg2[%add3A_122, %dma_start3A_126] : memref<3584x7168xf32, #tpu.memory_space<hbm>> -> memref<1x7168xf32, #tpu.memory_space<hbm>>
      %dma_start3A_128 = tpu.memref_squeeze %dma_start3A_127 : memref<1x7168xf32, #tpu.memory_space<hbm>> -> memref<7168xf32, #tpu.memory_space<hbm>>
      tpu.enqueue_dma source(%dma_start3A_128 : memref<7168xf32, #tpu.memory_space<hbm>>) target(%arg9 : memref<7168xf32, #tpu.memory_space<vmem>>) target_semaphore(%arg18 : memref<!tpu.dma_semaphore, #tpu.memory_space<semaphore_mem>>)
      %dma_wait3A_129 = arith.constant 0 : i32
      %dma_wait3A_130 = tpu.memref_slice %arg2[%add3A_102, %dma_wait3A_129] : memref<3584x7168xf32, #tpu.memory_space<hbm>> -> memref<1x7168xf32, #tpu.memory_space<hbm>>
      %dma_wait3A_131 = tpu.memref_squeeze %dma_wait3A_130 : memref<1x7168xf32, #tpu.memory_space<hbm>> -> memref<7168xf32, #tpu.memory_space<hbm>>
      %dma_wait3A_132 = arith.constant 0 : i32
      %dma_wait3A_133 = tpu.memref_slice %arg2[%add3A_102, %dma_wait3A_132] : memref<3584x7168xf32, #tpu.memory_space<hbm>> -> memref<1x7168xf32, #tpu.memory_space<hbm>>
      %dma_wait3A_134 = tpu.memref_squeeze %dma_wait3A_133 : memref<1x7168xf32, #tpu.memory_space<hbm>> -> memref<7168xf32, #tpu.memory_space<hbm>>
      tpu.wait_dma2 semaphore(%arg19 : memref<!tpu.dma_semaphore, #tpu.memory_space<semaphore_mem>>) src(%dma_wait3A_134 : memref<7168xf32, #tpu.memory_space<hbm>>) dst(%arg10 : memref<7168xf32, #tpu.memory_space<vmem>>)
      %parallel_loop3A_135 = arith.constant 0 : i32
      %parallel_loop3A_136 = arith.constant 448 : i32
      %parallel_loop3A_137 = arith.constant 1 : i32
      %parallel_loop3A_138 = scf.for %parallel_loop3A_252 = %parallel_loop3A_135 to %parallel_loop3A_136 step %parallel_loop3A_137 iter_args(%parallel_loop3A_253 = %parallel_loop3A_118) -> (vector<16xi32>)  : i32 {
        %parallel_loop3A_254 = arith.constant 16 : i32
        %parallel_loop3A_255 = arith.muli %parallel_loop3A_252, %parallel_loop3A_254 : i32
        %parallel_loop3A_256 = arith.index_cast %parallel_loop3A_255 : i32 to index
        %parallel_loop3A_257 = tpu.vector_load %arg10[%parallel_loop3A_256] {strides = array<i32>} : memref<7168xf32, #tpu.memory_space<vmem>>, vector<16xf32>,
        %parallel_loop3A_258 = arith.cmpf ole, %parallel_loop3A_257, %get3A_13 : vector<16xf32>
        %parallel_loop3A_259 = arith.constant 1 : i32
        %parallel_loop3A_260 = arith.constant 0 : i32
        %parallel_loop3A_261 = vector.broadcast %parallel_loop3A_259 : i32 to vector<16xi32>
        %parallel_loop3A_262 = vector.broadcast %parallel_loop3A_260 : i32 to vector<16xi32>
        %parallel_loop3A_263 = arith.select %parallel_loop3A_258, %parallel_loop3A_261, %parallel_loop3A_262 : vector<16xi1>, vector<16xi32>
        %parallel_loop3A_264 = arith.constant true
        %parallel_loop3A_265 = vector.broadcast %parallel_loop3A_264 : i1 to vector<16xi1>
        %parallel_loop3A_266 = tpu.scan <sum>, %parallel_loop3A_263 masked %parallel_loop3A_265 : vector<16xi32>, vector<16xi1> -> vector<16xi32>
        %parallel_loop3A_267 = arith.addi %parallel_loop3A_253, %parallel_loop3A_266 : vector<16xi32>
        %parallel_loop3A_268 = arith.constant 1 : i32
        %parallel_loop3A_269 = vector.broadcast %parallel_loop3A_268 : i32 to vector<16xi32>
        %parallel_loop3A_270 = arith.subi %parallel_loop3A_267, %parallel_loop3A_269 : vector<16xi32>
        %parallel_loop3A_271 = arith.constant 16 : i32
        %parallel_loop3A_272 = arith.muli %parallel_loop3A_252, %parallel_loop3A_271 : i32
        %parallel_loop3A_273 = arith.constant 35840 : i32
        %parallel_loop3A_274 = arith.addi %parallel_loop3A_273, %parallel_loop3A_272 : i32
        %parallel_loop3A_275 = vector.broadcast %parallel_loop3A_274 : i32 to vector<16xi32>
        %parallel_loop3A_276 = arith.addi %parallel_loop3A_275, %iota3A : vector<16xi32>
        %parallel_loop3A_277 = arith.constant 4096 : i32
        %parallel_loop3A_278 = vector.broadcast %parallel_loop3A_277 : i32 to vector<16xi32>
        %parallel_loop3A_279 = arith.cmpi slt, %parallel_loop3A_270, %parallel_loop3A_278 : vector<16xi32>
        %parallel_loop3A_280 = arith.andi %parallel_loop3A_258, %parallel_loop3A_279 : vector<16xi1>
        tpu.vector_store_idx %arg11[%parallel_loop3A_270], %parallel_loop3A_257 masked %parallel_loop3A_280 : memref<4096xf32, #tpu.memory_space<vmem>>[vector<16xi32>], vector<16xf32>, vector<16xi1>
        tpu.vector_store_idx %arg12[%parallel_loop3A_270], %parallel_loop3A_276 masked %parallel_loop3A_280 : memref<4096xi32, #tpu.memory_space<vmem>>[vector<16xi32>], vector<16xi32>, vector<16xi1>
        %parallel_loop3A_281 = tpu.all_reduce %parallel_loop3A_258 {dim = 0 : i64, kind = #tpu.reduction_kind<sum>} : vector<16xi1> -> vector<16xi32>
        %parallel_loop3A_282 = arith.addi %parallel_loop3A_253, %parallel_loop3A_281 : vector<16xi32>
        scf.yield %parallel_loop3A_282 : vector<16xi32>
      } {sc.loop_unroll_factor = 4 : i64, sc.parallel_access}
      %dma_wait3A_139 = arith.constant 0 : i32
      %dma_wait3A_140 = tpu.memref_slice %arg2[%add3A_122, %dma_wait3A_139] : memref<3584x7168xf32, #tpu.memory_space<hbm>> -> memref<1x7168xf32, #tpu.memory_space<hbm>>
      %dma_wait3A_141 = tpu.memref_squeeze %dma_wait3A_140 : memref<1x7168xf32, #tpu.memory_space<hbm>> -> memref<7168xf32, #tpu.memory_space<hbm>>
      %dma_wait3A_142 = arith.constant 0 : i32
      %dma_wait3A_143 = tpu.memref_slice %arg2[%add3A_122, %dma_wait3A_142] : memref<3584x7168xf32, #tpu.memory_space<hbm>> -> memref<1x7168xf32, #tpu.memory_space<hbm>>
      %dma_wait3A_144 = tpu.memref_squeeze %dma_wait3A_143 : memref<1x7168xf32, #tpu.memory_space<hbm>> -> memref<7168xf32, #tpu.memory_space<hbm>>
      tpu.wait_dma2 semaphore(%arg18 : memref<!tpu.dma_semaphore, #tpu.memory_space<semaphore_mem>>) src(%dma_wait3A_144 : memref<7168xf32, #tpu.memory_space<hbm>>) dst(%arg9 : memref<7168xf32, #tpu.memory_space<vmem>>)
      %parallel_loop3A_145 = arith.constant 0 : i32
      %parallel_loop3A_146 = arith.constant 448 : i32
      %parallel_loop3A_147 = arith.constant 1 : i32
      %parallel_loop3A_148 = scf.for %parallel_loop3A_252 = %parallel_loop3A_145 to %parallel_loop3A_146 step %parallel_loop3A_147 iter_args(%parallel_loop3A_253 = %parallel_loop3A_138) -> (vector<16xi32>)  : i32 {
        %parallel_loop3A_254 = arith.constant 16 : i32
        %parallel_loop3A_255 = arith.muli %parallel_loop3A_252, %parallel_loop3A_254 : i32
        %parallel_loop3A_256 = arith.index_cast %parallel_loop3A_255 : i32 to index
        %parallel_loop3A_257 = tpu.vector_load %arg9[%parallel_loop3A_256] {strides = array<i32>} : memref<7168xf32, #tpu.memory_space<vmem>>, vector<16xf32>,
        %parallel_loop3A_258 = arith.cmpf ole, %parallel_loop3A_257, %get3A_13 : vector<16xf32>
        %parallel_loop3A_259 = arith.constant 1 : i32
        %parallel_loop3A_260 = arith.constant 0 : i32
        %parallel_loop3A_261 = vector.broadcast %parallel_loop3A_259 : i32 to vector<16xi32>
        %parallel_loop3A_262 = vector.broadcast %parallel_loop3A_260 : i32 to vector<16xi32>
        %parallel_loop3A_263 = arith.select %parallel_loop3A_258, %parallel_loop3A_261, %parallel_loop3A_262 : vector<16xi1>, vector<16xi32>
        %parallel_loop3A_264 = arith.constant true
        %parallel_loop3A_265 = vector.broadcast %parallel_loop3A_264 : i1 to vector<16xi1>
        %parallel_loop3A_266 = tpu.scan <sum>, %parallel_loop3A_263 masked %parallel_loop3A_265 : vector<16xi32>, vector<16xi1> -> vector<16xi32>
        %parallel_loop3A_267 = arith.addi %parallel_loop3A_253, %parallel_loop3A_266 : vector<16xi32>
        %parallel_loop3A_268 = arith.constant 1 : i32
        %parallel_loop3A_269 = vector.broadcast %parallel_loop3A_268 : i32 to vector<16xi32>
        %parallel_loop3A_270 = arith.subi %parallel_loop3A_267, %parallel_loop3A_269 : vector<16xi32>
        %parallel_loop3A_271 = arith.constant 16 : i32
        %parallel_loop3A_272 = arith.muli %parallel_loop3A_252, %parallel_loop3A_271 : i32
        %parallel_loop3A_273 = arith.constant 43008 : i32
        %parallel_loop3A_274 = arith.addi %parallel_loop3A_273, %parallel_loop3A_272 : i32
        %parallel_loop3A_275 = vector.broadcast %parallel_loop3A_274 : i32 to vector<16xi32>
        %parallel_loop3A_276 = arith.addi %parallel_loop3A_275, %iota3A : vector<16xi32>
        %parallel_loop3A_277 = arith.constant 4096 : i32
        %parallel_loop3A_278 = vector.broadcast %parallel_loop3A_277 : i32 to vector<16xi32>
        %parallel_loop3A_279 = arith.cmpi slt, %parallel_loop3A_270, %parallel_loop3A_278 : vector<16xi32>
        %parallel_loop3A_280 = arith.andi %parallel_loop3A_258, %parallel_loop3A_279 : vector<16xi1>
        tpu.vector_store_idx %arg11[%parallel_loop3A_270], %parallel_loop3A_257 masked %parallel_loop3A_280 : memref<4096xf32, #tpu.memory_space<vmem>>[vector<16xi32>], vector<16xf32>, vector<16xi1>
        tpu.vector_store_idx %arg12[%parallel_loop3A_270], %parallel_loop3A_276 masked %parallel_loop3A_280 : memref<4096xi32, #tpu.memory_space<vmem>>[vector<16xi32>], vector<16xi32>, vector<16xi1>
        %parallel_loop3A_281 = tpu.all_reduce %parallel_loop3A_258 {dim = 0 : i64, kind = #tpu.reduction_kind<sum>} : vector<16xi1> -> vector<16xi32>
        %parallel_loop3A_282 = arith.addi %parallel_loop3A_253, %parallel_loop3A_281 : vector<16xi32>
        scf.yield %parallel_loop3A_282 : vector<16xi32>
      } {sc.loop_unroll_factor = 4 : i64, sc.parallel_access}
      %reduce_max3A = arith.constant true
      %reduce_max3A_149 = vector.broadcast %reduce_max3A : i1 to vector<16xi1>
      %reduce_max3A_150 = arith.constant -2147483648 : i32
      %reduce_max3A_151 = vector.broadcast %reduce_max3A_150 : i32 to vector<16xi32>
      %reduce_max3A_152 = arith.xori %parallel_loop3A_148, %reduce_max3A_151 : vector<16xi32>
      %reduce_max3A_153 = tpu.scan <max>, %reduce_max3A_152 masked %reduce_max3A_149 : vector<16xi32>, vector<16xi1> -> vector<16xi32>
      %reduce_max3A_154 = arith.xori %reduce_max3A_153, %reduce_max3A_151 : vector<16xi32>
      %reduce_max3A_155 = vector.extract %reduce_max3A_154[15] : i32 from vector<16xi32>
      %min3A = arith.constant 4080 : i32
      %min3A_156 = arith.minsi %reduce_max3A_155, %min3A : i32
      %broadcast_in_dim3A_157 = vector.broadcast %min3A_156 : i32 to vector<16xi32>
      %add3A_158 = arith.addi %broadcast_in_dim3A_157, %iota3A : vector<16xi32>
      %broadcast_in_dim3A_159 = arith.constant 3.000000e+38 : f32
      %broadcast_in_dim3A_160 = vector.broadcast %broadcast_in_dim3A_159 : f32 to vector<16xf32>
      tpu.vector_store_idx %arg11[%add3A_158], %broadcast_in_dim3A_160 : memref<4096xf32, #tpu.memory_space<vmem>>[vector<16xi32>], vector<16xf32>,
      %add3A_161 = arith.constant 15 : i32
      %add3A_162 = arith.addi %reduce_max3A_155, %add3A_161 : i32
      %jit3A = arith.constant 16 : i32
      %div3A = arith.divsi %add3A_162, %jit3A : i32
      %sign3A = arith.constant 0 : i32
      %sign3A_163 = arith.cmpi sgt, %add3A_162, %sign3A : i32
      %sign3A_164 = arith.extui %sign3A_163 : i1 to i32
      %sign3A_165 = arith.constant 0 : i32
      %sign3A_166 = arith.cmpi slt, %add3A_162, %sign3A_165 : i32
      %sign3A_167 = arith.extui %sign3A_166 : i1 to i32
      %sign3A_168 = arith.subi %sign3A_164, %sign3A_167 : i32
      %sign3A_169 = arith.constant 0 : i32
      %sign3A_170 = arith.cmpi sgt, %jit3A, %sign3A_169 : i32
      %sign3A_171 = arith.extui %sign3A_170 : i1 to i32
      %sign3A_172 = arith.constant 0 : i32
      %sign3A_173 = arith.cmpi slt, %jit3A, %sign3A_172 : i32
      %sign3A_174 = arith.extui %sign3A_173 : i1 to i32
      %sign3A_175 = arith.subi %sign3A_171, %sign3A_174 : i32
      %ne3A = arith.cmpi ne, %sign3A_168, %sign3A_175 : i32
      %rem3A = arith.remsi %add3A_162, %jit3A : i32
      %ne3A_176 = arith.constant 0 : i32
      %ne3A_177 = arith.cmpi ne, %rem3A, %ne3A_176 : i32
      %and3A = arith.andi %ne3A, %ne3A_177 : i1
      %sub3A = arith.constant 1 : i32
      %sub3A_178 = arith.subi %div3A, %sub3A : i32
      %select_n3A = arith.select %and3A, %sub3A_178, %div3A : i32
      %broadcast_in_dim3A_179 = arith.constant 0 : i32
      %broadcast_in_dim3A_180 = vector.broadcast %broadcast_in_dim3A_179 : i32 to vector<16xi32>
      %scan3A_181 = arith.constant 0 : i32
      %scan3A_182 = arith.constant 32 : i32
      %scan3A_183 = arith.addi %scan3A_181, %scan3A_182 : i32
      %scan3A_184 = arith.constant 1 : i32
      %scan3A_185 = scf.for %scan3A_252 = %scan3A_181 to %scan3A_183 step %scan3A_184 iter_args(%scan3A_253 = %broadcast_in_dim3A_180) -> (vector<16xi32>)  : i32 {
        %broadcast_in_dim3A_254 = arith.constant 1 : i32
        %broadcast_in_dim3A_255 = vector.broadcast %broadcast_in_dim3A_254 : i32 to vector<16xi32>
        %broadcast_in_dim3A_256 = arith.constant 31 : i32
        %broadcast_in_dim3A_257 = vector.broadcast %broadcast_in_dim3A_256 : i32 to vector<16xi32>
        %sub3A_258 = vector.broadcast %scan3A_252 : i32 to vector<16xi32>
        %sub3A_259 = arith.subi %broadcast_in_dim3A_257, %sub3A_258 : vector<16xi32>
        %shift_left3A = arith.shli %broadcast_in_dim3A_255, %sub3A_259 : vector<16xi32>
        %or3A = arith.ori %scan3A_253, %shift_left3A : vector<16xi32>
        %parallel_loop3A_260 = arith.constant 0 : i32
        %parallel_loop3A_261 = arith.constant 1 : i32
        %parallel_loop3A_262 = scf.for %parallel_loop3A_266 = %parallel_loop3A_260 to %select_n3A step %parallel_loop3A_261 iter_args(%parallel_loop3A_267 = %broadcast_in_dim3A_3) -> (vector<16xi32>)  : i32 {
          %parallel_loop3A_268 = arith.constant 16 : i32
          %parallel_loop3A_269 = arith.muli %parallel_loop3A_266, %parallel_loop3A_268 : i32
          %parallel_loop3A_270 = arith.index_cast %parallel_loop3A_269 : i32 to index
          %parallel_loop3A_271 = tpu.vector_load %arg11[%parallel_loop3A_270] {strides = array<i32>} : memref<4096xf32, #tpu.memory_space<vmem>>, vector<16xf32>,
          %parallel_loop3A_272 = vector.bitcast %parallel_loop3A_271 : vector<16xf32> to vector<16xi32>
          %parallel_loop3A_273 = arith.constant 31 : i32
          %parallel_loop3A_274 = vector.broadcast %parallel_loop3A_273 : i32 to vector<16xi32>
          %parallel_loop3A_275 = arith.shrsi %parallel_loop3A_272, %parallel_loop3A_274 : vector<16xi32>
          %parallel_loop3A_276 = arith.constant -2147483648 : i32
          %parallel_loop3A_277 = vector.broadcast %parallel_loop3A_276 : i32 to vector<16xi32>
          %parallel_loop3A_278 = arith.ori %parallel_loop3A_275, %parallel_loop3A_277 : vector<16xi32>
          %parallel_loop3A_279 = arith.xori %parallel_loop3A_272, %parallel_loop3A_278 : vector<16xi32>
          %parallel_loop3A_280 = vector.bitcast %parallel_loop3A_279 : vector<16xi32> to vector<16xi32>
          %parallel_loop3A_281 = arith.cmpi ult, %parallel_loop3A_280, %or3A : vector<16xi32>
          %parallel_loop3A_282 = tpu.all_reduce %parallel_loop3A_281 {dim = 0 : i64, kind = #tpu.reduction_kind<sum>} : vector<16xi1> -> vector<16xi32>
          %parallel_loop3A_283 = arith.addi %parallel_loop3A_267, %parallel_loop3A_282 : vector<16xi32>
          scf.yield %parallel_loop3A_283 : vector<16xi32>
        } {sc.loop_unroll_factor = 4 : i64, sc.parallel_access}
        %le3A = arith.constant 95 : i32
        %le3A_263 = vector.broadcast %le3A : i32 to vector<16xi32>
        %le3A_264 = arith.cmpi sle, %parallel_loop3A_262, %le3A_263 : vector<16xi32>
        %select_n3A_265 = arith.select %le3A_264, %or3A, %scan3A_253 : vector<16xi1>, vector<16xi32>
        scf.yield %select_n3A_265 : vector<16xi32>
      }
      %scan3A_186 = arith.constant 32 : i32
      %parallel_loop3A_187 = arith.constant 0 : i32
      %parallel_loop3A_188 = arith.constant 1 : i32
      %parallel_loop3A_189 = scf.for %parallel_loop3A_252 = %parallel_loop3A_187 to %select_n3A step %parallel_loop3A_188 iter_args(%parallel_loop3A_253 = %broadcast_in_dim3A_3) -> (vector<16xi32>)  : i32 {
        %parallel_loop3A_254 = arith.constant 16 : i32
        %parallel_loop3A_255 = arith.muli %parallel_loop3A_252, %parallel_loop3A_254 : i32
        %parallel_loop3A_256 = arith.index_cast %parallel_loop3A_255 : i32 to index
        %parallel_loop3A_257 = tpu.vector_load %arg11[%parallel_loop3A_256] {strides = array<i32>} : memref<4096xf32, #tpu.memory_space<vmem>>, vector<16xf32>,
        %parallel_loop3A_258 = vector.bitcast %parallel_loop3A_257 : vector<16xf32> to vector<16xi32>
        %parallel_loop3A_259 = arith.constant 31 : i32
        %parallel_loop3A_260 = vector.broadcast %parallel_loop3A_259 : i32 to vector<16xi32>
        %parallel_loop3A_261 = arith.shrsi %parallel_loop3A_258, %parallel_loop3A_260 : vector<16xi32>
        %parallel_loop3A_262 = arith.constant -2147483648 : i32
        %parallel_loop3A_263 = vector.broadcast %parallel_loop3A_262 : i32 to vector<16xi32>
        %parallel_loop3A_264 = arith.ori %parallel_loop3A_261, %parallel_loop3A_263 : vector<16xi32>
        %parallel_loop3A_265 = arith.xori %parallel_loop3A_258, %parallel_loop3A_264 : vector<16xi32>
        %parallel_loop3A_266 = vector.bitcast %parallel_loop3A_265 : vector<16xi32> to vector<16xi32>
        %parallel_loop3A_267 = arith.cmpi ult, %parallel_loop3A_266, %scan3A_185 : vector<16xi32>
        %parallel_loop3A_268 = tpu.all_reduce %parallel_loop3A_267 {dim = 0 : i64, kind = #tpu.reduction_kind<sum>} : vector<16xi1> -> vector<16xi32>
        %parallel_loop3A_269 = arith.addi %parallel_loop3A_253, %parallel_loop3A_268 : vector<16xi32>
        scf.yield %parallel_loop3A_269 : vector<16xi32>
      } {sc.loop_unroll_factor = 4 : i64, sc.parallel_access}
      %while3A = arith.constant 0 : i32
      %while3A_190 = arith.subi %select_n3A, %while3A : i32
      %while3A_191 = arith.addi %while3A, %while3A_190 : i32
      %while3A_192 = arith.constant 1 : i32
      %while3A_193 = arith.divsi %while3A_190, %while3A_192 : i32
      %while3A_194 = arith.muli %while3A_193, %while3A_192 : i32
      %while3A_195 = arith.addi %while3A, %while3A_194 : i32
      %while3A_196 = arith.constant 1 : i32
      %while3A_197:2 = scf.for %while3A_252 = %while3A to %while3A_195 step %while3A_196 iter_args(%while3A_253 = %broadcast_in_dim3A_3, %while3A_254 = %broadcast_in_dim3A_3) -> (vector<16xi32>, vector<16xi32>)  : i32 {
        %mul3A_255 = arith.constant 16 : i32
        %mul3A_256 = arith.muli %while3A_252, %mul3A_255 : i32
        %get3A_257 = arith.index_cast %mul3A_256 : i32 to index
        %get3A_258 = tpu.vector_load %arg11[%get3A_257] {strides = array<i32>} : memref<4096xf32, #tpu.memory_space<vmem>>, vector<16xf32>,
        %bitcast3A = vector.bitcast %get3A_258 : vector<16xf32> to vector<16xi32>
        %shift_right_arithmetic3A = arith.constant 31 : i32
        %shift_right_arithmetic3A_259 = vector.broadcast %shift_right_arithmetic3A : i32 to vector<16xi32>
        %shift_right_arithmetic3A_260 = arith.shrsi %bitcast3A, %shift_right_arithmetic3A_259 : vector<16xi32>
        %or3A = arith.constant -2147483648 : i32
        %or3A_261 = vector.broadcast %or3A : i32 to vector<16xi32>
        %or3A_262 = arith.ori %shift_right_arithmetic3A_260, %or3A_261 : vector<16xi32>
        %xor3A = arith.xori %bitcast3A, %or3A_262 : vector<16xi32>
        %bitcast3A_263 = vector.bitcast %xor3A : vector<16xi32> to vector<16xi32>
        %mul3A_264 = arith.constant 16 : i32
        %mul3A_265 = arith.muli %while3A_252, %mul3A_264 : i32
        %get3A_266 = arith.index_cast %mul3A_265 : i32 to index
        %get3A_267 = tpu.vector_load %arg12[%get3A_266] {strides = array<i32>} : memref<4096xi32, #tpu.memory_space<vmem>>, vector<16xi32>,
        %lt3A = arith.cmpi ult, %bitcast3A_263, %scan3A_185 : vector<16xi32>
        %eq3A = arith.cmpi eq, %bitcast3A_263, %scan3A_185 : vector<16xi32>
        %jit3A_268 = arith.constant 1 : i32
        %jit3A_269 = arith.constant 0 : i32
        %broadcast_in_dim3A_270 = vector.broadcast %jit3A_268 : i32 to vector<16xi32>
        %broadcast_in_dim3A_271 = vector.broadcast %jit3A_269 : i32 to vector<16xi32>
        %select_n3A_272 = arith.select %lt3A, %broadcast_in_dim3A_270, %broadcast_in_dim3A_271 : vector<16xi1>, vector<16xi32>
        %broadcast_in_dim3A_273 = arith.constant true
        %broadcast_in_dim3A_274 = vector.broadcast %broadcast_in_dim3A_273 : i1 to vector<16xi1>
        %masked_cumsum3A = tpu.scan <sum>, %select_n3A_272 masked %broadcast_in_dim3A_274 : vector<16xi32>, vector<16xi1> -> vector<16xi32>
        %jit3A_275 = arith.constant 1 : i32
        %jit3A_276 = arith.constant 0 : i32
        %broadcast_in_dim3A_277 = vector.broadcast %jit3A_275 : i32 to vector<16xi32>
        %broadcast_in_dim3A_278 = vector.broadcast %jit3A_276 : i32 to vector<16xi32>
        %select_n3A_279 = arith.select %eq3A, %broadcast_in_dim3A_277, %broadcast_in_dim3A_278 : vector<16xi1>, vector<16xi32>
        %broadcast_in_dim3A_280 = arith.constant true
        %broadcast_in_dim3A_281 = vector.broadcast %broadcast_in_dim3A_280 : i1 to vector<16xi1>
        %masked_cumsum3A_282 = tpu.scan <sum>, %select_n3A_279 masked %broadcast_in_dim3A_281 : vector<16xi32>, vector<16xi1> -> vector<16xi32>
        %add3A_283 = arith.addi %while3A_253, %masked_cumsum3A : vector<16xi32>
        %sub3A_284 = arith.constant 1 : i32
        %sub3A_285 = vector.broadcast %sub3A_284 : i32 to vector<16xi32>
        %sub3A_286 = arith.subi %add3A_283, %sub3A_285 : vector<16xi32>
        %add3A_287 = arith.addi %parallel_loop3A_189, %while3A_254 : vector<16xi32>
        %add3A_288 = arith.addi %add3A_287, %masked_cumsum3A_282 : vector<16xi32>
        %sub3A_289 = arith.constant 1 : i32
        %sub3A_290 = vector.broadcast %sub3A_289 : i32 to vector<16xi32>
        %sub3A_291 = arith.subi %add3A_288, %sub3A_290 : vector<16xi32>
        %select_n3A_292 = arith.select %lt3A, %sub3A_286, %sub3A_291 : vector<16xi1>, vector<16xi32>
        %or3A_293 = arith.ori %lt3A, %eq3A : vector<16xi1>
        %lt3A_294 = arith.constant 96 : i32
        %lt3A_295 = vector.broadcast %lt3A_294 : i32 to vector<16xi32>
        %lt3A_296 = arith.cmpi slt, %select_n3A_292, %lt3A_295 : vector<16xi32>
        %and3A_297 = arith.andi %or3A_293, %lt3A_296 : vector<16xi1>
        tpu.vector_store_idx %arg13[%select_n3A_292], %get3A_267 masked %and3A_297 : memref<128xi32, #tpu.memory_space<vmem>>[vector<16xi32>], vector<16xi32>, vector<16xi1>
        %all_reduce_population_count3A = tpu.all_reduce %lt3A {dim = 0 : i64, kind = #tpu.reduction_kind<sum>} : vector<16xi1> -> vector<16xi32>
        %add3A_298 = arith.addi %while3A_253, %all_reduce_population_count3A : vector<16xi32>
        %all_reduce_population_count3A_299 = tpu.all_reduce %eq3A {dim = 0 : i64, kind = #tpu.reduction_kind<sum>} : vector<16xi1> -> vector<16xi32>
        %add3A_300 = arith.addi %while3A_254, %all_reduce_population_count3A_299 : vector<16xi32>
        scf.yield %add3A_298, %add3A_300 : vector<16xi32>, vector<16xi32>
      }
      %while3A_198 = arith.constant 1 : i32
      %while3A_199:2 = scf.for %while3A_252 = %while3A_195 to %while3A_191 step %while3A_198 iter_args(%while3A_253 = %while3A_197#0, %while3A_254 = %while3A_197#1) -> (vector<16xi32>, vector<16xi32>)  : i32 {
        %mul3A_255 = arith.constant 16 : i32
        %mul3A_256 = arith.muli %while3A_252, %mul3A_255 : i32
        %get3A_257 = arith.index_cast %mul3A_256 : i32 to index
        %get3A_258 = tpu.vector_load %arg11[%get3A_257] {strides = array<i32>} : memref<4096xf32, #tpu.memory_space<vmem>>, vector<16xf32>,
        %bitcast3A = vector.bitcast %get3A_258 : vector<16xf32> to vector<16xi32>
        %shift_right_arithmetic3A = arith.constant 31 : i32
        %shift_right_arithmetic3A_259 = vector.broadcast %shift_right_arithmetic3A : i32 to vector<16xi32>
        %shift_right_arithmetic3A_260 = arith.shrsi %bitcast3A, %shift_right_arithmetic3A_259 : vector<16xi32>
        %or3A = arith.constant -2147483648 : i32
        %or3A_261 = vector.broadcast %or3A : i32 to vector<16xi32>
        %or3A_262 = arith.ori %shift_right_arithmetic3A_260, %or3A_261 : vector<16xi32>
        %xor3A = arith.xori %bitcast3A, %or3A_262 : vector<16xi32>
        %bitcast3A_263 = vector.bitcast %xor3A : vector<16xi32> to vector<16xi32>
        %mul3A_264 = arith.constant 16 : i32
        %mul3A_265 = arith.muli %while3A_252, %mul3A_264 : i32
        %get3A_266 = arith.index_cast %mul3A_265 : i32 to index
        %get3A_267 = tpu.vector_load %arg12[%get3A_266] {strides = array<i32>} : memref<4096xi32, #tpu.memory_space<vmem>>, vector<16xi32>,
        %lt3A = arith.cmpi ult, %bitcast3A_263, %scan3A_185 : vector<16xi32>
        %eq3A = arith.cmpi eq, %bitcast3A_263, %scan3A_185 : vector<16xi32>
        %jit3A_268 = arith.constant 1 : i32
        %jit3A_269 = arith.constant 0 : i32
        %broadcast_in_dim3A_270 = vector.broadcast %jit3A_268 : i32 to vector<16xi32>
        %broadcast_in_dim3A_271 = vector.broadcast %jit3A_269 : i32 to vector<16xi32>
        %select_n3A_272 = arith.select %lt3A, %broadcast_in_dim3A_270, %broadcast_in_dim3A_271 : vector<16xi1>, vector<16xi32>
        %broadcast_in_dim3A_273 = arith.constant true
        %broadcast_in_dim3A_274 = vector.broadcast %broadcast_in_dim3A_273 : i1 to vector<16xi1>
        %masked_cumsum3A = tpu.scan <sum>, %select_n3A_272 masked %broadcast_in_dim3A_274 : vector<16xi32>, vector<16xi1> -> vector<16xi32>
        %jit3A_275 = arith.constant 1 : i32
        %jit3A_276 = arith.constant 0 : i32
        %broadcast_in_dim3A_277 = vector.broadcast %jit3A_275 : i32 to vector<16xi32>
        %broadcast_in_dim3A_278 = vector.broadcast %jit3A_276 : i32 to vector<16xi32>
        %select_n3A_279 = arith.select %eq3A, %broadcast_in_dim3A_277, %broadcast_in_dim3A_278 : vector<16xi1>, vector<16xi32>
        %broadcast_in_dim3A_280 = arith.constant true
        %broadcast_in_dim3A_281 = vector.broadcast %broadcast_in_dim3A_280 : i1 to vector<16xi1>
        %masked_cumsum3A_282 = tpu.scan <sum>, %select_n3A_279 masked %broadcast_in_dim3A_281 : vector<16xi32>, vector<16xi1> -> vector<16xi32>
        %add3A_283 = arith.addi %while3A_253, %masked_cumsum3A : vector<16xi32>
        %sub3A_284 = arith.constant 1 : i32
        %sub3A_285 = vector.broadcast %sub3A_284 : i32 to vector<16xi32>
        %sub3A_286 = arith.subi %add3A_283, %sub3A_285 : vector<16xi32>
        %add3A_287 = arith.addi %parallel_loop3A_189, %while3A_254 : vector<16xi32>
        %add3A_288 = arith.addi %add3A_287, %masked_cumsum3A_282 : vector<16xi32>
        %sub3A_289 = arith.constant 1 : i32
        %sub3A_290 = vector.broadcast %sub3A_289 : i32 to vector<16xi32>
        %sub3A_291 = arith.subi %add3A_288, %sub3A_290 : vector<16xi32>
        %select_n3A_292 = arith.select %lt3A, %sub3A_286, %sub3A_291 : vector<16xi1>, vector<16xi32>
        %or3A_293 = arith.ori %lt3A, %eq3A : vector<16xi1>
        %lt3A_294 = arith.constant 96 : i32
        %lt3A_295 = vector.broadcast %lt3A_294 : i32 to vector<16xi32>
        %lt3A_296 = arith.cmpi slt, %select_n3A_292, %lt3A_295 : vector<16xi32>
        %and3A_297 = arith.andi %or3A_293, %lt3A_296 : vector<16xi1>
        tpu.vector_store_idx %arg13[%select_n3A_292], %get3A_267 masked %and3A_297 : memref<128xi32, #tpu.memory_space<vmem>>[vector<16xi32>], vector<16xi32>, vector<16xi1>
        %all_reduce_population_count3A = tpu.all_reduce %lt3A {dim = 0 : i64, kind = #tpu.reduction_kind<sum>} : vector<16xi1> -> vector<16xi32>
        %add3A_298 = arith.addi %while3A_253, %all_reduce_population_count3A : vector<16xi32>
        %all_reduce_population_count3A_299 = tpu.all_reduce %eq3A {dim = 0 : i64, kind = #tpu.reduction_kind<sum>} : vector<16xi1> -> vector<16xi32>
        %add3A_300 = arith.addi %while3A_254, %all_reduce_population_count3A_299 : vector<16xi32>
        scf.yield %add3A_298, %add3A_300 : vector<16xi32>, vector<16xi32>
      }
      %dma_start3A_200 = arith.constant 0 : i32
      %dma_start3A_201 = tpu.memref_slice %arg13[%dma_start3A_200] : memref<128xi32, #tpu.memory_space<vmem>> -> memref<96xi32, #tpu.memory_space<vmem>>
      %dma_start3A_202 = arith.constant 0 : i32
      %dma_start3A_203 = arith.constant 0 : i32
      %dma_start3A_204 = tpu.memref_slice %arg4[%dma_start3A_202, %dma_start3A_203] : memref<50176x256xf32, #tpu.memory_space<hbm>> -> memref<50176x256xf32, #tpu.memory_space<hbm>>
      tpu.enqueue_indirect_dma source(%dma_start3A_204 : memref<50176x256xf32, #tpu.memory_space<hbm>>) target(%arg14 : memref<96x256xf32, #tpu.memory_space<vmem>>) offsets(%dma_start3A_201 : memref<96xi32, #tpu.memory_space<vmem>>) semaphore(%arg17 : memref<!tpu.dma_semaphore, #tpu.memory_space<semaphore_mem>>)
      %get3A_205 = arith.constant 0 : index
      %get3A_206 = tpu.vector_load %arg13[%get3A_205] {strides = array<i32>} : memref<128xi32, #tpu.memory_space<vmem>>, vector<16xi32>,
      %gather3A = tpu.vector_load_idx %arg15[%get3A_206] : memref<50176xi32, #tpu.memory_space<vmem>>[vector<16xi32>], vector<16xi32>,
      %convert_element_type3A = arith.sitofp %gather3A : vector<16xi32> to vector<16xf32>
      %swap3A = arith.constant 0 : index
      %swap3A_207 = tpu.vector_load %arg16[%swap3A] {strides = array<i32>} : memref<128xf32, #tpu.memory_space<vmem>>, vector<16xf32>,
      tpu.vector_store %arg16[%swap3A], %convert_element_type3A {strides = array<i32>} : memref<128xf32, #tpu.memory_space<vmem>>, vector<16xf32>,
      %get3A_208 = arith.constant 16 : index
      %get3A_209 = tpu.vector_load %arg13[%get3A_208] {strides = array<i32>} : memref<128xi32, #tpu.memory_space<vmem>>, vector<16xi32>,
      %gather3A_210 = tpu.vector_load_idx %arg15[%get3A_209] : memref<50176xi32, #tpu.memory_space<vmem>>[vector<16xi32>], vector<16xi32>,
      %convert_element_type3A_211 = arith.sitofp %gather3A_210 : vector<16xi32> to vector<16xf32>
      %swap3A_212 = arith.constant 16 : index
      %swap3A_213 = tpu.vector_load %arg16[%swap3A_212] {strides = array<i32>} : memref<128xf32, #tpu.memory_space<vmem>>, vector<16xf32>,
      tpu.vector_store %arg16[%swap3A_212], %convert_element_type3A_211 {strides = array<i32>} : memref<128xf32, #tpu.memory_space<vmem>>, vector<16xf32>,
      %get3A_214 = arith.constant 32 : index
      %get3A_215 = tpu.vector_load %arg13[%get3A_214] {strides = array<i32>} : memref<128xi32, #tpu.memory_space<vmem>>, vector<16xi32>,
      %gather3A_216 = tpu.vector_load_idx %arg15[%get3A_215] : memref<50176xi32, #tpu.memory_space<vmem>>[vector<16xi32>], vector<16xi32>,
      %convert_element_type3A_217 = arith.sitofp %gather3A_216 : vector<16xi32> to vector<16xf32>
      %swap3A_218 = arith.constant 32 : index
      %swap3A_219 = tpu.vector_load %arg16[%swap3A_218] {strides = array<i32>} : memref<128xf32, #tpu.memory_space<vmem>>, vector<16xf32>,
      tpu.vector_store %arg16[%swap3A_218], %convert_element_type3A_217 {strides = array<i32>} : memref<128xf32, #tpu.memory_space<vmem>>, vector<16xf32>,
      %get3A_220 = arith.constant 48 : index
      %get3A_221 = tpu.vector_load %arg13[%get3A_220] {strides = array<i32>} : memref<128xi32, #tpu.memory_space<vmem>>, vector<16xi32>,
      %gather3A_222 = tpu.vector_load_idx %arg15[%get3A_221] : memref<50176xi32, #tpu.memory_space<vmem>>[vector<16xi32>], vector<16xi32>,
      %convert_element_type3A_223 = arith.sitofp %gather3A_222 : vector<16xi32> to vector<16xf32>
      %swap3A_224 = arith.constant 48 : index
      %swap3A_225 = tpu.vector_load %arg16[%swap3A_224] {strides = array<i32>} : memref<128xf32, #tpu.memory_space<vmem>>, vector<16xf32>,
      tpu.vector_store %arg16[%swap3A_224], %convert_element_type3A_223 {strides = array<i32>} : memref<128xf32, #tpu.memory_space<vmem>>, vector<16xf32>,
      %get3A_226 = arith.constant 64 : index
      %get3A_227 = tpu.vector_load %arg13[%get3A_226] {strides = array<i32>} : memref<128xi32, #tpu.memory_space<vmem>>, vector<16xi32>,
      %gather3A_228 = tpu.vector_load_idx %arg15[%get3A_227] : memref<50176xi32, #tpu.memory_space<vmem>>[vector<16xi32>], vector<16xi32>,
      %convert_element_type3A_229 = arith.sitofp %gather3A_228 : vector<16xi32> to vector<16xf32>
      %swap3A_230 = arith.constant 64 : index
      %swap3A_231 = tpu.vector_load %arg16[%swap3A_230] {strides = array<i32>} : memref<128xf32, #tpu.memory_space<vmem>>, vector<16xf32>,
      tpu.vector_store %arg16[%swap3A_230], %convert_element_type3A_229 {strides = array<i32>} : memref<128xf32, #tpu.memory_space<vmem>>, vector<16xf32>,
      %get3A_232 = arith.constant 80 : index
      %get3A_233 = tpu.vector_load %arg13[%get3A_232] {strides = array<i32>} : memref<128xi32, #tpu.memory_space<vmem>>, vector<16xi32>,
      %gather3A_234 = tpu.vector_load_idx %arg15[%get3A_233] : memref<50176xi32, #tpu.memory_space<vmem>>[vector<16xi32>], vector<16xi32>,
      %convert_element_type3A_235 = arith.sitofp %gather3A_234 : vector<16xi32> to vector<16xf32>
      %swap3A_236 = arith.constant 80 : index
      %swap3A_237 = tpu.vector_load %arg16[%swap3A_236] {strides = array<i32>} : memref<128xf32, #tpu.memory_space<vmem>>, vector<16xf32>,
      tpu.vector_store %arg16[%swap3A_236], %convert_element_type3A_235 {strides = array<i32>} : memref<128xf32, #tpu.memory_space<vmem>>, vector<16xf32>,
      %broadcast_in_dim3A_238 = arith.constant 0.000000e+00 : f32
      %broadcast_in_dim3A_239 = vector.broadcast %broadcast_in_dim3A_238 : f32 to vector<16xf32>
      %swap3A_240 = arith.constant 96 : index
      %swap3A_241 = tpu.vector_load %arg16[%swap3A_240] {strides = array<i32>} : memref<128xf32, #tpu.memory_space<vmem>>, vector<16xf32>,
      tpu.vector_store %arg16[%swap3A_240], %broadcast_in_dim3A_239 {strides = array<i32>} : memref<128xf32, #tpu.memory_space<vmem>>, vector<16xf32>,
      %broadcast_in_dim3A_242 = arith.constant 0.000000e+00 : f32
      %broadcast_in_dim3A_243 = vector.broadcast %broadcast_in_dim3A_242 : f32 to vector<16xf32>
      %swap3A_244 = arith.constant 112 : index
      %swap3A_245 = tpu.vector_load %arg16[%swap3A_244] {strides = array<i32>} : memref<128xf32, #tpu.memory_space<vmem>>, vector<16xf32>,
      tpu.vector_store %arg16[%swap3A_244], %broadcast_in_dim3A_243 {strides = array<i32>} : memref<128xf32, #tpu.memory_space<vmem>>, vector<16xf32>,
      "tpu.region"() ({
        %run_scoped3A = tpu.sem_alloc : memref<!tpu.dma_semaphore, #tpu.memory_space<semaphore_mem>>
        %dma_start3A_252 = arith.constant 0 : i32
        %dma_start3A_253 = tpu.memref_slice %arg7[%add3A_12, %dma_start3A_252] : memref<512x128xf32, #tpu.memory_space<hbm>> -> memref<1x128xf32, #tpu.memory_space<hbm>>
        %dma_start3A_254 = tpu.memref_squeeze %dma_start3A_253 : memref<1x128xf32, #tpu.memory_space<hbm>> -> memref<128xf32, #tpu.memory_space<hbm>>
        %dma_start3A_255 = arith.constant 0 : i32
        %dma_start3A_256 = tpu.memref_slice %arg7[%add3A_12, %dma_start3A_255] : memref<512x128xf32, #tpu.memory_space<hbm>> -> memref<1x128xf32, #tpu.memory_space<hbm>>
        %dma_start3A_257 = tpu.memref_squeeze %dma_start3A_256 : memref<1x128xf32, #tpu.memory_space<hbm>> -> memref<128xf32, #tpu.memory_space<hbm>>
        tpu.enqueue_dma source(%arg16 : memref<128xf32, #tpu.memory_space<vmem>>) target(%dma_start3A_257 : memref<128xf32, #tpu.memory_space<hbm>>) target_semaphore(%run_scoped3A : memref<!tpu.dma_semaphore, #tpu.memory_space<semaphore_mem>>)
        %dma_wait3A_258 = arith.constant 0 : i32
        %dma_wait3A_259 = tpu.memref_slice %arg7[%add3A_12, %dma_wait3A_258] : memref<512x128xf32, #tpu.memory_space<hbm>> -> memref<1x128xf32, #tpu.memory_space<hbm>>
        %dma_wait3A_260 = tpu.memref_squeeze %dma_wait3A_259 : memref<1x128xf32, #tpu.memory_space<hbm>> -> memref<128xf32, #tpu.memory_space<hbm>>
        %dma_wait3A_261 = arith.constant 0 : i32
        %dma_wait3A_262 = tpu.memref_slice %arg7[%add3A_12, %dma_wait3A_261] : memref<512x128xf32, #tpu.memory_space<hbm>> -> memref<1x128xf32, #tpu.memory_space<hbm>>
        %dma_wait3A_263 = tpu.memref_squeeze %dma_wait3A_262 : memref<1x128xf32, #tpu.memory_space<hbm>> -> memref<128xf32, #tpu.memory_space<hbm>>
        tpu.wait_dma2 semaphore(%run_scoped3A : memref<!tpu.dma_semaphore, #tpu.memory_space<semaphore_mem>>) src(%arg16 : memref<128xf32, #tpu.memory_space<vmem>>) dst(%dma_wait3A_263 : memref<128xf32, #tpu.memory_space<hbm>>)
        tpu.yield
      }) : () -> ()
      %dma_wait3A_246 = arith.constant 0 : i32
      %dma_wait3A_247 = tpu.memref_slice %arg13[%dma_wait3A_246] : memref<128xi32, #tpu.memory_space<vmem>> -> memref<96xi32, #tpu.memory_space<vmem>>
      %dma_wait3A_248 = arith.constant 0 : i32
      %dma_wait3A_249 = arith.constant 0 : i32
      %dma_wait3A_250 = tpu.memref_slice %arg4[%dma_wait3A_248, %dma_wait3A_249] : memref<50176x256xf32, #tpu.memory_space<hbm>> -> memref<50176x256xf32, #tpu.memory_space<hbm>>
      tpu.wait_indirect_dma semaphore(%arg17 : memref<!tpu.dma_semaphore, #tpu.memory_space<semaphore_mem>>) src(%dma_wait3A_250 : memref<50176x256xf32, #tpu.memory_space<hbm>>) dst(%arg14 : memref<96x256xf32, #tpu.memory_space<vmem>>)
      "tpu.region"() ({
        %run_scoped3A = tpu.sem_alloc : memref<!tpu.dma_semaphore, #tpu.memory_space<semaphore_mem>>
        %dma_start3A_252 = arith.constant 0 : i32
        %dma_start3A_253 = arith.constant 0 : i32
        %dma_start3A_254 = tpu.memref_slice %arg6[%add3A_12, %dma_start3A_252, %dma_start3A_253] : memref<512x96x256xf32, #tpu.memory_space<hbm>> -> memref<1x96x256xf32, #tpu.memory_space<hbm>>
        %dma_start3A_255 = tpu.memref_squeeze %dma_start3A_254 : memref<1x96x256xf32, #tpu.memory_space<hbm>> -> memref<96x256xf32, #tpu.memory_space<hbm>>
        %dma_start3A_256 = arith.constant 0 : i32
        %dma_start3A_257 = arith.constant 0 : i32
        %dma_start3A_258 = tpu.memref_slice %arg6[%add3A_12, %dma_start3A_256, %dma_start3A_257] : memref<512x96x256xf32, #tpu.memory_space<hbm>> -> memref<1x96x256xf32, #tpu.memory_space<hbm>>
        %dma_start3A_259 = tpu.memref_squeeze %dma_start3A_258 : memref<1x96x256xf32, #tpu.memory_space<hbm>> -> memref<96x256xf32, #tpu.memory_space<hbm>>
        tpu.enqueue_dma source(%arg14 : memref<96x256xf32, #tpu.memory_space<vmem>>) target(%dma_start3A_259 : memref<96x256xf32, #tpu.memory_space<hbm>>) target_semaphore(%run_scoped3A : memref<!tpu.dma_semaphore, #tpu.memory_space<semaphore_mem>>)
        %dma_wait3A_260 = arith.constant 0 : i32
        %dma_wait3A_261 = arith.constant 0 : i32
        %dma_wait3A_262 = tpu.memref_slice %arg6[%add3A_12, %dma_wait3A_260, %dma_wait3A_261] : memref<512x96x256xf32, #tpu.memory_space<hbm>> -> memref<1x96x256xf32, #tpu.memory_space<hbm>>
        %dma_wait3A_263 = tpu.memref_squeeze %dma_wait3A_262 : memref<1x96x256xf32, #tpu.memory_space<hbm>> -> memref<96x256xf32, #tpu.memory_space<hbm>>
        %dma_wait3A_264 = arith.constant 0 : i32
        %dma_wait3A_265 = arith.constant 0 : i32
        %dma_wait3A_266 = tpu.memref_slice %arg6[%add3A_12, %dma_wait3A_264, %dma_wait3A_265] : memref<512x96x256xf32, #tpu.memory_space<hbm>> -> memref<1x96x256xf32, #tpu.memory_space<hbm>>
        %dma_wait3A_267 = tpu.memref_squeeze %dma_wait3A_266 : memref<1x96x256xf32, #tpu.memory_space<hbm>> -> memref<96x256xf32, #tpu.memory_space<hbm>>
        tpu.wait_dma2 semaphore(%run_scoped3A : memref<!tpu.dma_semaphore, #tpu.memory_space<semaphore_mem>>) src(%arg14 : memref<96x256xf32, #tpu.memory_space<vmem>>) dst(%dma_wait3A_267 : memref<96x256xf32, #tpu.memory_space<hbm>>)
        tpu.yield
      }) : () -> ()
      %scan3A_251 = arith.constant 0 : i32
      scf.yield %scan3A_251 : i32
    }
    %scan3A_9 = arith.constant 16 : i32
    return
  }
}

module attributes {stable_mosaic.version = 14 : i64} {
  func.func @_enc_train_body(%arg0: i32, %arg1: memref<512x128xf32, #tpu.memory_space<vmem>>, %arg2: memref<128x256xf32, #tpu.memory_space<vmem>>, %arg3: memref<256xf32, #tpu.memory_space<vmem>>, %arg4: memref<256x512xf32, #tpu.memory_space<vmem>>, %arg5: memref<512xf32, #tpu.memory_space<vmem>>, %arg6: memref<512x256xf32, #tpu.memory_space<vmem>>, %arg7: memref<256xf32, #tpu.memory_space<vmem>>, %arg8: memref<256xf32, #tpu.memory_space<vmem>>, %arg9: memref<256xf32, #tpu.memory_space<vmem>>, %arg10: memref<256x256xf32, #tpu.memory_space<vmem>>, %arg11: memref<256xf32, #tpu.memory_space<vmem>>, %arg12: memref<512x272xf32, #tpu.memory_space<vmem>>, %arg13: memref<512x256xf32, #tpu.memory_space<vmem>>) attributes {dimension_semantics = [#tpu.dimension_semantics<arbitrary>], iteration_bounds = array<i64: 98>, scalar_prefetch = 0 : i64, scratch_operands = 0 : i64, tpu.core_type = #tpu.core_type<tc>, window_params = [{transform_indices = @transform_0, window_bounds = array<i64: 512, 128>}, {pipeline_mode = #tpu.pipeline_mode<synchronous>, transform_indices = @transform_1, window_bounds = array<i64: 128, 256>}, {pipeline_mode = #tpu.pipeline_mode<synchronous>, transform_indices = @transform_2, window_bounds = array<i64: 256>}, {pipeline_mode = #tpu.pipeline_mode<synchronous>, transform_indices = @transform_3, window_bounds = array<i64: 256, 512>}, {pipeline_mode = #tpu.pipeline_mode<synchronous>, transform_indices = @transform_4, window_bounds = array<i64: 512>}, {pipeline_mode = #tpu.pipeline_mode<synchronous>, transform_indices = @transform_5, window_bounds = array<i64: 512, 256>}, {pipeline_mode = #tpu.pipeline_mode<synchronous>, transform_indices = @transform_6, window_bounds = array<i64: 256>}, {pipeline_mode = #tpu.pipeline_mode<synchronous>, transform_indices = @transform_7, window_bounds = array<i64: 256>}, {pipeline_mode = #tpu.pipeline_mode<synchronous>, transform_indices = @transform_8, window_bounds = array<i64: 256>}, {pipeline_mode = #tpu.pipeline_mode<synchronous>, transform_indices = @transform_9, window_bounds = array<i64: 256, 256>}, {pipeline_mode = #tpu.pipeline_mode<synchronous>, transform_indices = @transform_10, window_bounds = array<i64: 256>}, {transform_indices = @transform_11, window_bounds = array<i64: 512, 272>}, {transform_indices = @transform_12, window_bounds = array<i64: 512, 256>}]} {
    %get3A = arith.constant 0 : index
    %get3A_0 = arith.constant 0 : index
    %get3A_1 = vector.load %arg1[%get3A, %get3A_0] : memref<512x128xf32, #tpu.memory_space<vmem>>, vector<512x128xf32>
    %get3A_2 = arith.constant 0 : index
    %get3A_3 = arith.constant 0 : index
    %get3A_4 = vector.load %arg2[%get3A_2, %get3A_3] : memref<128x256xf32, #tpu.memory_space<vmem>>, vector<128x256xf32>
    %get3A_5 = arith.constant 0 : index
    %get3A_6 = vector.load %arg3[%get3A_5] : memref<256xf32, #tpu.memory_space<vmem>>, vector<256xf32>
    %get3A_7 = arith.constant 0 : index
    %get3A_8 = arith.constant 0 : index
    %get3A_9 = vector.load %arg4[%get3A_7, %get3A_8] : memref<256x512xf32, #tpu.memory_space<vmem>>, vector<256x512xf32>
    %get3A_10 = arith.constant 0 : index
    %get3A_11 = vector.load %arg5[%get3A_10] : memref<512xf32, #tpu.memory_space<vmem>>, vector<512xf32>
    %get3A_12 = arith.constant 0 : index
    %get3A_13 = arith.constant 0 : index
    %get3A_14 = vector.load %arg6[%get3A_12, %get3A_13] : memref<512x256xf32, #tpu.memory_space<vmem>>, vector<512x256xf32>
    %get3A_15 = arith.constant 0 : index
    %get3A_16 = vector.load %arg7[%get3A_15] : memref<256xf32, #tpu.memory_space<vmem>>, vector<256xf32>
    %get3A_17 = arith.constant 0 : index
    %get3A_18 = vector.load %arg8[%get3A_17] : memref<256xf32, #tpu.memory_space<vmem>>, vector<256xf32>
    %get3A_19 = arith.constant 0 : index
    %get3A_20 = vector.load %arg9[%get3A_19] : memref<256xf32, #tpu.memory_space<vmem>>, vector<256xf32>
    %get3A_21 = arith.constant 0 : index
    %get3A_22 = arith.constant 0 : index
    %get3A_23 = vector.load %arg10[%get3A_21, %get3A_22] : memref<256x256xf32, #tpu.memory_space<vmem>>, vector<256x256xf32>
    %get3A_24 = arith.constant 0 : index
    %get3A_25 = vector.load %arg11[%get3A_24] : memref<256xf32, #tpu.memory_space<vmem>>, vector<256xf32>
    %dot_general3A = arith.constant dense<0.000000e+00> : vector<512x256xf32>
    %dot_general3A_26 = tpu.matmul %get3A_1, %get3A_4, %dot_general3A {dimension_numbers = #tpu.dot_dimension_numbers<[1], [0], [0], [1], [0, 0, 1, 1], [], []>, transpose_lhs_hint = false} : vector<512x128xf32>, vector<128x256xf32>, vector<512x256xf32> -> vector<512x256xf32>
    %broadcast_in_dim3A = vector.shape_cast %get3A_6 : vector<256xf32> to vector<1x256xf32>
    %add3A = vector.broadcast %broadcast_in_dim3A : vector<1x256xf32> to vector<512x256xf32>
    %add3A_27 = arith.addf %dot_general3A_26, %add3A : vector<512x256xf32>
    %dot_general3A_28 = arith.constant dense<0.000000e+00> : vector<512x512xf32>
    %dot_general3A_29 = tpu.matmul %add3A_27, %get3A_9, %dot_general3A_28 {dimension_numbers = #tpu.dot_dimension_numbers<[1], [0], [0], [1], [0, 0, 1, 1], [], []>, transpose_lhs_hint = false} : vector<512x256xf32>, vector<256x512xf32>, vector<512x512xf32> -> vector<512x512xf32>
    %broadcast_in_dim3A_30 = vector.shape_cast %get3A_11 : vector<512xf32> to vector<1x512xf32>
    %add3A_31 = vector.broadcast %broadcast_in_dim3A_30 : vector<1x512xf32> to vector<512x512xf32>
    %add3A_32 = arith.addf %dot_general3A_29, %add3A_31 : vector<512x512xf32>
    %max3A = arith.constant 0.000000e+00 : f32
    %max3A_33 = vector.broadcast %max3A : f32 to vector<512x512xf32>
    %max3A_34 = arith.maximumf %add3A_32, %max3A_33 : vector<512x512xf32>
    %dot_general3A_35 = arith.constant dense<0.000000e+00> : vector<512x256xf32>
    %dot_general3A_36 = tpu.matmul %max3A_34, %get3A_14, %dot_general3A_35 {dimension_numbers = #tpu.dot_dimension_numbers<[1], [0], [0], [1], [0, 0, 1, 1], [], []>, transpose_lhs_hint = false} : vector<512x512xf32>, vector<512x256xf32>, vector<512x256xf32> -> vector<512x256xf32>
    %broadcast_in_dim3A_37 = vector.shape_cast %get3A_16 : vector<256xf32> to vector<1x256xf32>
    %add3A_38 = vector.broadcast %broadcast_in_dim3A_37 : vector<1x256xf32> to vector<512x256xf32>
    %add3A_39 = arith.addf %dot_general3A_36, %add3A_38 : vector<512x256xf32>
    %add3A_40 = arith.addf %add3A_27, %add3A_39 : vector<512x256xf32>
    %reduce_sum3A = arith.constant dense<0.000000e+00> : vector<512xf32>
    %reduce_sum3A_41 = vector.multi_reduction <add>, %add3A_40, %reduce_sum3A [1] : vector<512x256xf32> to vector<512xf32>
    %broadcast_in_dim3A_42 = vector.shape_cast %reduce_sum3A_41 : vector<512xf32> to vector<512x1xf32>
    %div3A = arith.constant 2.560000e+02 : f32
    %div3A_43 = vector.broadcast %div3A : f32 to vector<512x1xf32>
    %div3A_44 = arith.divf %broadcast_in_dim3A_42, %div3A_43 : vector<512x1xf32>
    %sub3A = vector.broadcast %div3A_44 : vector<512x1xf32> to vector<512x256xf32>
    %sub3A_45 = arith.subf %add3A_40, %sub3A : vector<512x256xf32>
    %sub3A_46 = vector.broadcast %div3A_44 : vector<512x1xf32> to vector<512x256xf32>
    %sub3A_47 = arith.subf %add3A_40, %sub3A_46 : vector<512x256xf32>
    %mul3A = arith.mulf %sub3A_45, %sub3A_47 : vector<512x256xf32>
    %reduce_sum3A_48 = arith.constant dense<0.000000e+00> : vector<512xf32>
    %reduce_sum3A_49 = vector.multi_reduction <add>, %mul3A, %reduce_sum3A_48 [1] : vector<512x256xf32> to vector<512xf32>
    %broadcast_in_dim3A_50 = vector.shape_cast %reduce_sum3A_49 : vector<512xf32> to vector<512x1xf32>
    %div3A_51 = arith.constant 2.560000e+02 : f32
    %div3A_52 = vector.broadcast %div3A_51 : f32 to vector<512x1xf32>
    %div3A_53 = arith.divf %broadcast_in_dim3A_50, %div3A_52 : vector<512x1xf32>
    %sub3A_54 = vector.broadcast %div3A_44 : vector<512x1xf32> to vector<512x256xf32>
    %sub3A_55 = arith.subf %add3A_40, %sub3A_54 : vector<512x256xf32>
    %add3A_56 = arith.constant 9.99999974E-6 : f32
    %add3A_57 = vector.broadcast %add3A_56 : f32 to vector<512x1xf32>
    %add3A_58 = arith.addf %div3A_53, %add3A_57 : vector<512x1xf32>
    %sqrt3A = math.sqrt %add3A_58 : vector<512x1xf32>
    %div3A_59 = vector.broadcast %sqrt3A : vector<512x1xf32> to vector<512x256xf32>
    %div3A_60 = arith.divf %sub3A_55, %div3A_59 : vector<512x256xf32>
    %broadcast_in_dim3A_61 = vector.shape_cast %get3A_18 : vector<256xf32> to vector<1x256xf32>
    %mul3A_62 = vector.broadcast %broadcast_in_dim3A_61 : vector<1x256xf32> to vector<512x256xf32>
    %mul3A_63 = arith.mulf %div3A_60, %mul3A_62 : vector<512x256xf32>
    %broadcast_in_dim3A_64 = vector.shape_cast %get3A_20 : vector<256xf32> to vector<1x256xf32>
    %add3A_65 = vector.broadcast %broadcast_in_dim3A_64 : vector<1x256xf32> to vector<512x256xf32>
    %add3A_66 = arith.addf %mul3A_63, %add3A_65 : vector<512x256xf32>
    %dot_general3A_67 = arith.constant dense<0.000000e+00> : vector<512x256xf32>
    %dot_general3A_68 = tpu.matmul %add3A_66, %get3A_23, %dot_general3A_67 {dimension_numbers = #tpu.dot_dimension_numbers<[1], [0], [0], [1], [0, 0, 1, 1], [], []>, transpose_lhs_hint = false} : vector<512x256xf32>, vector<256x256xf32>, vector<512x256xf32> -> vector<512x256xf32>
    %broadcast_in_dim3A_69 = vector.shape_cast %get3A_25 : vector<256xf32> to vector<1x256xf32>
    %add3A_70 = vector.broadcast %broadcast_in_dim3A_69 : vector<1x256xf32> to vector<512x256xf32>
    %add3A_71 = arith.addf %dot_general3A_68, %add3A_70 : vector<512x256xf32>
    %mul3A_72 = arith.mulf %add3A_71, %add3A_71 : vector<512x256xf32>
    %reduce_sum3A_73 = arith.constant dense<0.000000e+00> : vector<512xf32>
    %reduce_sum3A_74 = vector.multi_reduction <add>, %mul3A_72, %reduce_sum3A_73 [1] : vector<512x256xf32> to vector<512xf32>
    %broadcast_in_dim3A_75 = vector.shape_cast %reduce_sum3A_74 : vector<512xf32> to vector<512x1xf32>
    %broadcast_in_dim3A_76 = arith.constant 0.000000e+00 : f32
    %broadcast_in_dim3A_77 = vector.broadcast %broadcast_in_dim3A_76 : f32 to vector<512x15xf32>
    %concatenate3A = tpu.concatenate %add3A_71, %broadcast_in_dim3A_75, %broadcast_in_dim3A_77 in 1 : vector<512x256xf32>, vector<512x1xf32>, vector<512x15xf32> -> vector<512x272xf32>
    %swap3A = arith.constant 0 : index
    %swap3A_78 = arith.constant 0 : index
    %swap3A_79 = vector.load %arg12[%swap3A, %swap3A_78] : memref<512x272xf32, #tpu.memory_space<vmem>>, vector<512x272xf32>
    tpu.vector_store %arg12[%swap3A, %swap3A_78], %concatenate3A {strides = array<i32>} : memref<512x272xf32, #tpu.memory_space<vmem>>, vector<512x272xf32>,
    %swap3A_80 = arith.constant 0 : index
    %swap3A_81 = arith.constant 0 : index
    %swap3A_82 = vector.load %arg13[%swap3A_80, %swap3A_81] : memref<512x256xf32, #tpu.memory_space<vmem>>, vector<512x256xf32>
    tpu.vector_store %arg13[%swap3A_80, %swap3A_81], %add3A_71 {strides = array<i32>} : memref<512x256xf32, #tpu.memory_space<vmem>>, vector<512x256xf32>,
    return
  }
  func.func @transform_0(%arg0: i32) -> (i32, i32) {
    %c0_i32 = arith.constant 0 : i32
    %c0_i32_0 = arith.constant 0 : i32
    return %arg0, %c0_i32 : i32, i32
  }
  func.func @transform_1(%arg0: i32) -> (i32, i32) {
    %c0_i32 = arith.constant 0 : i32
    %c0_i32_0 = arith.constant 0 : i32
    %c0_i32_1 = arith.constant 0 : i32
    return %c0_i32, %c0_i32_0 : i32, i32
  }
  func.func @transform_2(%arg0: i32) -> i32 {
    %c0_i32 = arith.constant 0 : i32
    %c0_i32_0 = arith.constant 0 : i32
    return %c0_i32 : i32
  }
  func.func @transform_3(%arg0: i32) -> (i32, i32) {
    %c0_i32 = arith.constant 0 : i32
    %c0_i32_0 = arith.constant 0 : i32
    %c0_i32_1 = arith.constant 0 : i32
    return %c0_i32, %c0_i32_0 : i32, i32
  }
  func.func @transform_4(%arg0: i32) -> i32 {
    %c0_i32 = arith.constant 0 : i32
    %c0_i32_0 = arith.constant 0 : i32
    return %c0_i32 : i32
  }
  func.func @transform_5(%arg0: i32) -> (i32, i32) {
    %c0_i32 = arith.constant 0 : i32
    %c0_i32_0 = arith.constant 0 : i32
    %c0_i32_1 = arith.constant 0 : i32
    return %c0_i32, %c0_i32_0 : i32, i32
  }
  func.func @transform_6(%arg0: i32) -> i32 {
    %c0_i32 = arith.constant 0 : i32
    %c0_i32_0 = arith.constant 0 : i32
    return %c0_i32 : i32
  }
  func.func @transform_7(%arg0: i32) -> i32 {
    %c0_i32 = arith.constant 0 : i32
    %c0_i32_0 = arith.constant 0 : i32
    return %c0_i32 : i32
  }
  func.func @transform_8(%arg0: i32) -> i32 {
    %c0_i32 = arith.constant 0 : i32
    %c0_i32_0 = arith.constant 0 : i32
    return %c0_i32 : i32
  }
  func.func @transform_9(%arg0: i32) -> (i32, i32) {
    %c0_i32 = arith.constant 0 : i32
    %c0_i32_0 = arith.constant 0 : i32
    %c0_i32_1 = arith.constant 0 : i32
    return %c0_i32, %c0_i32_0 : i32, i32
  }
  func.func @transform_10(%arg0: i32) -> i32 {
    %c0_i32 = arith.constant 0 : i32
    %c0_i32_0 = arith.constant 0 : i32
    return %c0_i32 : i32
  }
  func.func @transform_11(%arg0: i32) -> (i32, i32) {
    %c0_i32 = arith.constant 0 : i32
    %c0_i32_0 = arith.constant 0 : i32
    return %arg0, %c0_i32 : i32, i32
  }
  func.func @transform_12(%arg0: i32) -> (i32, i32) {
    %c0_i32 = arith.constant 0 : i32
    %c0_i32_0 = arith.constant 0 : i32
    return %arg0, %c0_i32 : i32, i32
  }
}

module attributes {stable_mosaic.version = 14 : i64} {
  func.func @_enc_q_body(%arg0: i32, %arg1: memref<512x128xf32, #tpu.memory_space<vmem>>, %arg2: memref<128x256xf32, #tpu.memory_space<vmem>>, %arg3: memref<256xf32, #tpu.memory_space<vmem>>, %arg4: memref<256x512xf32, #tpu.memory_space<vmem>>, %arg5: memref<512xf32, #tpu.memory_space<vmem>>, %arg6: memref<512x256xf32, #tpu.memory_space<vmem>>, %arg7: memref<256xf32, #tpu.memory_space<vmem>>, %arg8: memref<256xf32, #tpu.memory_space<vmem>>, %arg9: memref<256xf32, #tpu.memory_space<vmem>>, %arg10: memref<256x256xf32, #tpu.memory_space<vmem>>, %arg11: memref<256xf32, #tpu.memory_space<vmem>>, %arg12: memref<512x256xf32, #tpu.memory_space<vmem>>, %arg13: memref<512x256xf32, #tpu.memory_space<vmem>>) attributes {dimension_semantics = [#tpu.dimension_semantics<arbitrary>], iteration_bounds = array<i64: 2>, scalar_prefetch = 0 : i64, scratch_operands = 0 : i64, tpu.core_type = #tpu.core_type<tc>, window_params = [{transform_indices = @transform_0, window_bounds = array<i64: 512, 128>}, {pipeline_mode = #tpu.pipeline_mode<synchronous>, transform_indices = @transform_1, window_bounds = array<i64: 128, 256>}, {pipeline_mode = #tpu.pipeline_mode<synchronous>, transform_indices = @transform_2, window_bounds = array<i64: 256>}, {pipeline_mode = #tpu.pipeline_mode<synchronous>, transform_indices = @transform_3, window_bounds = array<i64: 256, 512>}, {pipeline_mode = #tpu.pipeline_mode<synchronous>, transform_indices = @transform_4, window_bounds = array<i64: 512>}, {pipeline_mode = #tpu.pipeline_mode<synchronous>, transform_indices = @transform_5, window_bounds = array<i64: 512, 256>}, {pipeline_mode = #tpu.pipeline_mode<synchronous>, transform_indices = @transform_6, window_bounds = array<i64: 256>}, {pipeline_mode = #tpu.pipeline_mode<synchronous>, transform_indices = @transform_7, window_bounds = array<i64: 256>}, {pipeline_mode = #tpu.pipeline_mode<synchronous>, transform_indices = @transform_8, window_bounds = array<i64: 256>}, {pipeline_mode = #tpu.pipeline_mode<synchronous>, transform_indices = @transform_9, window_bounds = array<i64: 256, 256>}, {pipeline_mode = #tpu.pipeline_mode<synchronous>, transform_indices = @transform_10, window_bounds = array<i64: 256>}, {transform_indices = @transform_11, window_bounds = array<i64: 512, 256>}, {transform_indices = @transform_12, window_bounds = array<i64: 512, 256>}]} {
    %get3A = arith.constant 0 : index
    %get3A_0 = arith.constant 0 : index
    %get3A_1 = vector.load %arg1[%get3A, %get3A_0] : memref<512x128xf32, #tpu.memory_space<vmem>>, vector<512x128xf32>
    %get3A_2 = arith.constant 0 : index
    %get3A_3 = arith.constant 0 : index
    %get3A_4 = vector.load %arg2[%get3A_2, %get3A_3] : memref<128x256xf32, #tpu.memory_space<vmem>>, vector<128x256xf32>
    %get3A_5 = arith.constant 0 : index
    %get3A_6 = vector.load %arg3[%get3A_5] : memref<256xf32, #tpu.memory_space<vmem>>, vector<256xf32>
    %get3A_7 = arith.constant 0 : index
    %get3A_8 = arith.constant 0 : index
    %get3A_9 = vector.load %arg4[%get3A_7, %get3A_8] : memref<256x512xf32, #tpu.memory_space<vmem>>, vector<256x512xf32>
    %get3A_10 = arith.constant 0 : index
    %get3A_11 = vector.load %arg5[%get3A_10] : memref<512xf32, #tpu.memory_space<vmem>>, vector<512xf32>
    %get3A_12 = arith.constant 0 : index
    %get3A_13 = arith.constant 0 : index
    %get3A_14 = vector.load %arg6[%get3A_12, %get3A_13] : memref<512x256xf32, #tpu.memory_space<vmem>>, vector<512x256xf32>
    %get3A_15 = arith.constant 0 : index
    %get3A_16 = vector.load %arg7[%get3A_15] : memref<256xf32, #tpu.memory_space<vmem>>, vector<256xf32>
    %get3A_17 = arith.constant 0 : index
    %get3A_18 = vector.load %arg8[%get3A_17] : memref<256xf32, #tpu.memory_space<vmem>>, vector<256xf32>
    %get3A_19 = arith.constant 0 : index
    %get3A_20 = vector.load %arg9[%get3A_19] : memref<256xf32, #tpu.memory_space<vmem>>, vector<256xf32>
    %get3A_21 = arith.constant 0 : index
    %get3A_22 = arith.constant 0 : index
    %get3A_23 = vector.load %arg10[%get3A_21, %get3A_22] : memref<256x256xf32, #tpu.memory_space<vmem>>, vector<256x256xf32>
    %get3A_24 = arith.constant 0 : index
    %get3A_25 = vector.load %arg11[%get3A_24] : memref<256xf32, #tpu.memory_space<vmem>>, vector<256xf32>
    %dot_general3A = arith.constant dense<0.000000e+00> : vector<512x256xf32>
    %dot_general3A_26 = tpu.matmul %get3A_1, %get3A_4, %dot_general3A {dimension_numbers = #tpu.dot_dimension_numbers<[1], [0], [0], [1], [0, 0, 1, 1], [], []>, transpose_lhs_hint = false} : vector<512x128xf32>, vector<128x256xf32>, vector<512x256xf32> -> vector<512x256xf32>
    %broadcast_in_dim3A = vector.shape_cast %get3A_6 : vector<256xf32> to vector<1x256xf32>
    %add3A = vector.broadcast %broadcast_in_dim3A : vector<1x256xf32> to vector<512x256xf32>
    %add3A_27 = arith.addf %dot_general3A_26, %add3A : vector<512x256xf32>
    %dot_general3A_28 = arith.constant dense<0.000000e+00> : vector<512x512xf32>
    %dot_general3A_29 = tpu.matmul %add3A_27, %get3A_9, %dot_general3A_28 {dimension_numbers = #tpu.dot_dimension_numbers<[1], [0], [0], [1], [0, 0, 1, 1], [], []>, transpose_lhs_hint = false} : vector<512x256xf32>, vector<256x512xf32>, vector<512x512xf32> -> vector<512x512xf32>
    %broadcast_in_dim3A_30 = vector.shape_cast %get3A_11 : vector<512xf32> to vector<1x512xf32>
    %add3A_31 = vector.broadcast %broadcast_in_dim3A_30 : vector<1x512xf32> to vector<512x512xf32>
    %add3A_32 = arith.addf %dot_general3A_29, %add3A_31 : vector<512x512xf32>
    %max3A = arith.constant 0.000000e+00 : f32
    %max3A_33 = vector.broadcast %max3A : f32 to vector<512x512xf32>
    %max3A_34 = arith.maximumf %add3A_32, %max3A_33 : vector<512x512xf32>
    %dot_general3A_35 = arith.constant dense<0.000000e+00> : vector<512x256xf32>
    %dot_general3A_36 = tpu.matmul %max3A_34, %get3A_14, %dot_general3A_35 {dimension_numbers = #tpu.dot_dimension_numbers<[1], [0], [0], [1], [0, 0, 1, 1], [], []>, transpose_lhs_hint = false} : vector<512x512xf32>, vector<512x256xf32>, vector<512x256xf32> -> vector<512x256xf32>
    %broadcast_in_dim3A_37 = vector.shape_cast %get3A_16 : vector<256xf32> to vector<1x256xf32>
    %add3A_38 = vector.broadcast %broadcast_in_dim3A_37 : vector<1x256xf32> to vector<512x256xf32>
    %add3A_39 = arith.addf %dot_general3A_36, %add3A_38 : vector<512x256xf32>
    %add3A_40 = arith.addf %add3A_27, %add3A_39 : vector<512x256xf32>
    %reduce_sum3A = arith.constant dense<0.000000e+00> : vector<512xf32>
    %reduce_sum3A_41 = vector.multi_reduction <add>, %add3A_40, %reduce_sum3A [1] : vector<512x256xf32> to vector<512xf32>
    %broadcast_in_dim3A_42 = vector.shape_cast %reduce_sum3A_41 : vector<512xf32> to vector<512x1xf32>
    %div3A = arith.constant 2.560000e+02 : f32
    %div3A_43 = vector.broadcast %div3A : f32 to vector<512x1xf32>
    %div3A_44 = arith.divf %broadcast_in_dim3A_42, %div3A_43 : vector<512x1xf32>
    %sub3A = vector.broadcast %div3A_44 : vector<512x1xf32> to vector<512x256xf32>
    %sub3A_45 = arith.subf %add3A_40, %sub3A : vector<512x256xf32>
    %sub3A_46 = vector.broadcast %div3A_44 : vector<512x1xf32> to vector<512x256xf32>
    %sub3A_47 = arith.subf %add3A_40, %sub3A_46 : vector<512x256xf32>
    %mul3A = arith.mulf %sub3A_45, %sub3A_47 : vector<512x256xf32>
    %reduce_sum3A_48 = arith.constant dense<0.000000e+00> : vector<512xf32>
    %reduce_sum3A_49 = vector.multi_reduction <add>, %mul3A, %reduce_sum3A_48 [1] : vector<512x256xf32> to vector<512xf32>
    %broadcast_in_dim3A_50 = vector.shape_cast %reduce_sum3A_49 : vector<512xf32> to vector<512x1xf32>
    %div3A_51 = arith.constant 2.560000e+02 : f32
    %div3A_52 = vector.broadcast %div3A_51 : f32 to vector<512x1xf32>
    %div3A_53 = arith.divf %broadcast_in_dim3A_50, %div3A_52 : vector<512x1xf32>
    %sub3A_54 = vector.broadcast %div3A_44 : vector<512x1xf32> to vector<512x256xf32>
    %sub3A_55 = arith.subf %add3A_40, %sub3A_54 : vector<512x256xf32>
    %add3A_56 = arith.constant 9.99999974E-6 : f32
    %add3A_57 = vector.broadcast %add3A_56 : f32 to vector<512x1xf32>
    %add3A_58 = arith.addf %div3A_53, %add3A_57 : vector<512x1xf32>
    %sqrt3A = math.sqrt %add3A_58 : vector<512x1xf32>
    %div3A_59 = vector.broadcast %sqrt3A : vector<512x1xf32> to vector<512x256xf32>
    %div3A_60 = arith.divf %sub3A_55, %div3A_59 : vector<512x256xf32>
    %broadcast_in_dim3A_61 = vector.shape_cast %get3A_18 : vector<256xf32> to vector<1x256xf32>
    %mul3A_62 = vector.broadcast %broadcast_in_dim3A_61 : vector<1x256xf32> to vector<512x256xf32>
    %mul3A_63 = arith.mulf %div3A_60, %mul3A_62 : vector<512x256xf32>
    %broadcast_in_dim3A_64 = vector.shape_cast %get3A_20 : vector<256xf32> to vector<1x256xf32>
    %add3A_65 = vector.broadcast %broadcast_in_dim3A_64 : vector<1x256xf32> to vector<512x256xf32>
    %add3A_66 = arith.addf %mul3A_63, %add3A_65 : vector<512x256xf32>
    %dot_general3A_67 = arith.constant dense<0.000000e+00> : vector<512x256xf32>
    %dot_general3A_68 = tpu.matmul %add3A_66, %get3A_23, %dot_general3A_67 {dimension_numbers = #tpu.dot_dimension_numbers<[1], [0], [0], [1], [0, 0, 1, 1], [], []>, transpose_lhs_hint = false} : vector<512x256xf32>, vector<256x256xf32>, vector<512x256xf32> -> vector<512x256xf32>
    %broadcast_in_dim3A_69 = vector.shape_cast %get3A_25 : vector<256xf32> to vector<1x256xf32>
    %add3A_70 = vector.broadcast %broadcast_in_dim3A_69 : vector<1x256xf32> to vector<512x256xf32>
    %add3A_71 = arith.addf %dot_general3A_68, %add3A_70 : vector<512x256xf32>
    %swap3A = arith.constant 0 : index
    %swap3A_72 = arith.constant 0 : index
    %swap3A_73 = vector.load %arg12[%swap3A, %swap3A_72] : memref<512x256xf32, #tpu.memory_space<vmem>>, vector<512x256xf32>
    tpu.vector_store %arg12[%swap3A, %swap3A_72], %add3A_40 {strides = array<i32>} : memref<512x256xf32, #tpu.memory_space<vmem>>, vector<512x256xf32>,
    %swap3A_74 = arith.constant 0 : index
    %swap3A_75 = arith.constant 0 : index
    %swap3A_76 = vector.load %arg13[%swap3A_74, %swap3A_75] : memref<512x256xf32, #tpu.memory_space<vmem>>, vector<512x256xf32>
    tpu.vector_store %arg13[%swap3A_74, %swap3A_75], %add3A_71 {strides = array<i32>} : memref<512x256xf32, #tpu.memory_space<vmem>>, vector<512x256xf32>,
    return
  }
  func.func @transform_0(%arg0: i32) -> (i32, i32) {
    %c0_i32 = arith.constant 0 : i32
    %c0_i32_0 = arith.constant 0 : i32
    return %arg0, %c0_i32 : i32, i32
  }
  func.func @transform_1(%arg0: i32) -> (i32, i32) {
    %c0_i32 = arith.constant 0 : i32
    %c0_i32_0 = arith.constant 0 : i32
    %c0_i32_1 = arith.constant 0 : i32
    return %c0_i32, %c0_i32_0 : i32, i32
  }
  func.func @transform_2(%arg0: i32) -> i32 {
    %c0_i32 = arith.constant 0 : i32
    %c0_i32_0 = arith.constant 0 : i32
    return %c0_i32 : i32
  }
  func.func @transform_3(%arg0: i32) -> (i32, i32) {
    %c0_i32 = arith.constant 0 : i32
    %c0_i32_0 = arith.constant 0 : i32
    %c0_i32_1 = arith.constant 0 : i32
    return %c0_i32, %c0_i32_0 : i32, i32
  }
  func.func @transform_4(%arg0: i32) -> i32 {
    %c0_i32 = arith.constant 0 : i32
    %c0_i32_0 = arith.constant 0 : i32
    return %c0_i32 : i32
  }
  func.func @transform_5(%arg0: i32) -> (i32, i32) {
    %c0_i32 = arith.constant 0 : i32
    %c0_i32_0 = arith.constant 0 : i32
    %c0_i32_1 = arith.constant 0 : i32
    return %c0_i32, %c0_i32_0 : i32, i32
  }
  func.func @transform_6(%arg0: i32) -> i32 {
    %c0_i32 = arith.constant 0 : i32
    %c0_i32_0 = arith.constant 0 : i32
    return %c0_i32 : i32
  }
  func.func @transform_7(%arg0: i32) -> i32 {
    %c0_i32 = arith.constant 0 : i32
    %c0_i32_0 = arith.constant 0 : i32
    return %c0_i32 : i32
  }
  func.func @transform_8(%arg0: i32) -> i32 {
    %c0_i32 = arith.constant 0 : i32
    %c0_i32_0 = arith.constant 0 : i32
    return %c0_i32 : i32
  }
  func.func @transform_9(%arg0: i32) -> (i32, i32) {
    %c0_i32 = arith.constant 0 : i32
    %c0_i32_0 = arith.constant 0 : i32
    %c0_i32_1 = arith.constant 0 : i32
    return %c0_i32, %c0_i32_0 : i32, i32
  }
  func.func @transform_10(%arg0: i32) -> i32 {
    %c0_i32 = arith.constant 0 : i32
    %c0_i32_0 = arith.constant 0 : i32
    return %c0_i32 : i32
  }
  func.func @transform_11(%arg0: i32) -> (i32, i32) {
    %c0_i32 = arith.constant 0 : i32
    %c0_i32_0 = arith.constant 0 : i32
    return %arg0, %c0_i32 : i32, i32
  }
  func.func @transform_12(%arg0: i32) -> (i32, i32) {
    %c0_i32 = arith.constant 0 : i32
    %c0_i32_0 = arith.constant 0 : i32
    return %arg0, %c0_i32 : i32, i32
  }
}

module attributes {stable_mosaic.version = 14 : i64} {
  func.func @_scores_body(%arg0: i32, %arg1: memref<512x256xf32, #tpu.memory_space<vmem>>, %arg2: memref<512x272xf32, #tpu.memory_space<vmem>>, %arg3: memref<512x512xf32, #tpu.memory_space<vmem>>, %arg4: memref<512x16xf32, #tpu.memory_space<vmem>>, %arg5: memref<512x1xf32, #tpu.memory_space<vmem>>) attributes {dimension_semantics = [#tpu.dimension_semantics<arbitrary>], iteration_bounds = array<i64: 98>, scalar_prefetch = 0 : i64, scratch_operands = 1 : i64, tpu.core_type = #tpu.core_type<tc>, window_params = [{pipeline_mode = #tpu.pipeline_mode<synchronous>, transform_indices = @transform_0, window_bounds = array<i64: 512, 256>}, {transform_indices = @transform_1, window_bounds = array<i64: 512, 272>}, {transform_indices = @transform_2, window_bounds = array<i64: 512, 512>}, {pipeline_mode = #tpu.pipeline_mode<synchronous>, transform_indices = @transform_3, window_bounds = array<i64: 512, 16>}]} {
    %get3A = arith.constant 0 : index
    %get3A_0 = arith.constant 0 : index
    %get3A_1 = vector.load %arg1[%get3A, %get3A_0] : memref<512x256xf32, #tpu.memory_space<vmem>>, vector<512x256xf32>
    %mul3A = arith.constant -2.000000e+00 : f32
    %mul3A_2 = vector.broadcast %mul3A : f32 to vector<512x256xf32>
    %mul3A_3 = arith.mulf %mul3A_2, %get3A_1 : vector<512x256xf32>
    %broadcast_in_dim3A = arith.constant 1.000000e+00 : f32
    %broadcast_in_dim3A_4 = vector.broadcast %broadcast_in_dim3A : f32 to vector<512x1xf32>
    %broadcast_in_dim3A_5 = arith.constant 0.000000e+00 : f32
    %broadcast_in_dim3A_6 = vector.broadcast %broadcast_in_dim3A_5 : f32 to vector<512x15xf32>
    %concatenate3A = tpu.concatenate %mul3A_3, %broadcast_in_dim3A_4, %broadcast_in_dim3A_6 in 1 : vector<512x256xf32>, vector<512x1xf32>, vector<512x15xf32> -> vector<512x272xf32>
    %get3A_7 = arith.constant 0 : index
    %get3A_8 = arith.constant 0 : index
    %get3A_9 = vector.load %arg2[%get3A_7, %get3A_8] : memref<512x272xf32, #tpu.memory_space<vmem>>, vector<512x272xf32>
    %transpose3A = tpu.transpose %get3A_9, [1, 0] : vector<512x272xf32> -> vector<272x512xf32>
    %dot_general3A = arith.constant dense<0.000000e+00> : vector<512x512xf32>
    %dot_general3A_10 = tpu.matmul %concatenate3A, %transpose3A, %dot_general3A {dimension_numbers = #tpu.dot_dimension_numbers<[1], [0], [0], [1], [0, 0, 1, 1], [], []>, transpose_lhs_hint = false} : vector<512x272xf32>, vector<272x512xf32>, vector<512x512xf32> -> vector<512x512xf32>
    %mul3A_11 = arith.constant 512 : i32
    %mul3A_12 = arith.muli %arg0, %mul3A_11 : i32
    %iota3A = tpu.iota {dimensions = array<i32: 1>} : vector<512x512xi32>
    %add3A = vector.broadcast %mul3A_12 : i32 to vector<512x512xi32>
    %add3A_13 = arith.addi %add3A, %iota3A : vector<512x512xi32>
    %lt3A = arith.constant 50000 : i32
    %lt3A_14 = vector.broadcast %lt3A : i32 to vector<512x512xi32>
    %lt3A_15 = arith.cmpi slt, %add3A_13, %lt3A_14 : vector<512x512xi32>
    %jit3A = arith.constant 3.000000e+38 : f32
    %broadcast_in_dim3A_16 = vector.broadcast %jit3A : f32 to vector<512x512xf32>
    %select_n3A = arith.select %lt3A_15, %dot_general3A_10, %broadcast_in_dim3A_16 : vector<512x512xi1>, vector<512x512xf32>
    %swap3A = arith.constant 0 : index
    %swap3A_17 = arith.constant 0 : index
    %swap3A_18 = vector.load %arg3[%swap3A, %swap3A_17] : memref<512x512xf32, #tpu.memory_space<vmem>>, vector<512x512xf32>
    tpu.vector_store %arg3[%swap3A, %swap3A_17], %select_n3A {strides = array<i32>} : memref<512x512xf32, #tpu.memory_space<vmem>>, vector<512x512xf32>,
    %reduce_min3A = arith.constant dense<0x7F800000> : vector<512xf32>
    %reduce_min3A_19 = vector.multi_reduction <minimumf>, %select_n3A, %reduce_min3A [1] : vector<512x512xf32> to vector<512xf32>
    %broadcast_in_dim3A_20 = vector.shape_cast %reduce_min3A_19 : vector<512xf32> to vector<512x1xf32>
    %eq3A = arith.constant 0 : i32
    %eq3A_21 = arith.cmpi eq, %arg0, %eq3A : i32
    %convert_element_type3A = arith.extui %eq3A_21 : i1 to i32
    %cond3A = arith.constant 0 : i32
    %cond3A_22 = arith.cmpi ne, %convert_element_type3A, %cond3A : i32
    scf.if %cond3A_22 {
      %swap3A_35 = arith.constant 0 : index
      %swap3A_36 = arith.constant 0 : index
      %swap3A_37 = vector.load %arg5[%swap3A_35, %swap3A_36] : memref<512x1xf32, #tpu.memory_space<vmem>>, vector<512x1xf32>
      tpu.vector_store %arg5[%swap3A_35, %swap3A_36], %broadcast_in_dim3A_20 {strides = array<i32>} : memref<512x1xf32, #tpu.memory_space<vmem>>, vector<512x1xf32>,
    } else {
    }
    %gt3A = arith.constant 0 : i32
    %gt3A_23 = arith.cmpi sgt, %arg0, %gt3A : i32
    %convert_element_type3A_24 = arith.extui %gt3A_23 : i1 to i32
    %cond3A_25 = arith.constant 0 : i32
    %cond3A_26 = arith.cmpi ne, %convert_element_type3A_24, %cond3A_25 : i32
    scf.if %cond3A_26 {
      %get3A_35 = arith.constant 0 : index
      %get3A_36 = arith.constant 0 : index
      %get3A_37 = vector.load %arg5[%get3A_35, %get3A_36] : memref<512x1xf32, #tpu.memory_space<vmem>>, vector<512x1xf32>
      %max3A = arith.maximumf %get3A_37, %broadcast_in_dim3A_20 : vector<512x1xf32>
      %swap3A_38 = arith.constant 0 : index
      %swap3A_39 = arith.constant 0 : index
      %swap3A_40 = vector.load %arg5[%swap3A_38, %swap3A_39] : memref<512x1xf32, #tpu.memory_space<vmem>>, vector<512x1xf32>
      tpu.vector_store %arg5[%swap3A_38, %swap3A_39], %max3A {strides = array<i32>} : memref<512x1xf32, #tpu.memory_space<vmem>>, vector<512x1xf32>,
    } else {
    }
    %get3A_27 = arith.constant 0 : index
    %get3A_28 = arith.constant 0 : index
    %get3A_29 = vector.load %arg5[%get3A_27, %get3A_28] : memref<512x1xf32, #tpu.memory_space<vmem>>, vector<512x1xf32>
    %broadcast_in_dim3A_30 = vector.shape_cast %get3A_29 : vector<512x1xf32> to vector<512x1xf32>
    %broadcast_in_dim3A_31 = vector.broadcast %broadcast_in_dim3A_30 : vector<512x1xf32> to vector<512x16xf32>
    %swap3A_32 = arith.constant 0 : index
    %swap3A_33 = arith.constant 0 : index
    %swap3A_34 = vector.load %arg4[%swap3A_32, %swap3A_33] : memref<512x16xf32, #tpu.memory_space<vmem>>, vector<512x16xf32>
    tpu.vector_store %arg4[%swap3A_32, %swap3A_33], %broadcast_in_dim3A_31 {strides = array<i32>} : memref<512x16xf32, #tpu.memory_space<vmem>>, vector<512x16xf32>,
    return
  }
  func.func @transform_0(%arg0: i32) -> (i32, i32) {
    %c0_i32 = arith.constant 0 : i32
    %c0_i32_0 = arith.constant 0 : i32
    %c0_i32_1 = arith.constant 0 : i32
    return %c0_i32, %c0_i32_0 : i32, i32
  }
  func.func @transform_1(%arg0: i32) -> (i32, i32) {
    %c0_i32 = arith.constant 0 : i32
    %c0_i32_0 = arith.constant 0 : i32
    return %arg0, %c0_i32 : i32, i32
  }
  func.func @transform_2(%arg0: i32) -> (i32, i32) {
    %c0_i32 = arith.constant 0 : i32
    %c0_i32_0 = arith.constant 0 : i32
    return %c0_i32, %arg0 : i32, i32
  }
  func.func @transform_3(%arg0: i32) -> (i32, i32) {
    %c0_i32 = arith.constant 0 : i32
    %c0_i32_0 = arith.constant 0 : i32
    %c0_i32_1 = arith.constant 0 : i32
    return %c0_i32, %c0_i32_0 : i32, i32
  }
}

module attributes {stable_mosaic.version = 14 : i64} {
  func.func @_tail_body(%arg0: i32, %arg1: memref<64x256xf32, #tpu.memory_space<vmem>>, %arg2: memref<64x256xf32, #tpu.memory_space<vmem>>, %arg3: memref<64x96x256xf32, #tpu.memory_space<vmem>>, %arg4: memref<64x128xf32, #tpu.memory_space<vmem>>, %arg5: memref<2x256xf32, #tpu.memory_space<vmem>>, %arg6: memref<256x512xf32, #tpu.memory_space<vmem>>, %arg7: memref<512xf32, #tpu.memory_space<vmem>>, %arg8: memref<512x256xf32, #tpu.memory_space<vmem>>, %arg9: memref<256xf32, #tpu.memory_space<vmem>>, %arg10: memref<256xf32, #tpu.memory_space<vmem>>, %arg11: memref<256x512xf32, #tpu.memory_space<vmem>>, %arg12: memref<512xf32, #tpu.memory_space<vmem>>, %arg13: memref<512x256xf32, #tpu.memory_space<vmem>>, %arg14: memref<256xf32, #tpu.memory_space<vmem>>, %arg15: memref<256xf32, #tpu.memory_space<vmem>>, %arg16: memref<256xf32, #tpu.memory_space<vmem>>, %arg17: memref<256x2xf32, #tpu.memory_space<vmem>>, %arg18: memref<2xf32, #tpu.memory_space<vmem>>, %arg19: memref<64x2xf32, #tpu.memory_space<vmem>>) attributes {dimension_semantics = [#tpu.dimension_semantics<arbitrary>], iteration_bounds = array<i64: 8>, scalar_prefetch = 0 : i64, scratch_operands = 0 : i64, tpu.core_type = #tpu.core_type<tc>, window_params = [{transform_indices = @transform_0, window_bounds = array<i64: 64, 256>}, {transform_indices = @transform_1, window_bounds = array<i64: 64, 256>}, {transform_indices = @transform_2, window_bounds = array<i64: 64, 96, 256>}, {transform_indices = @transform_3, window_bounds = array<i64: 64, 128>}, {pipeline_mode = #tpu.pipeline_mode<synchronous>, transform_indices = @transform_4, window_bounds = array<i64: 2, 256>}, {pipeline_mode = #tpu.pipeline_mode<synchronous>, transform_indices = @transform_5, window_bounds = array<i64: 256, 512>}, {pipeline_mode = #tpu.pipeline_mode<synchronous>, transform_indices = @transform_6, window_bounds = array<i64: 512>}, {pipeline_mode = #tpu.pipeline_mode<synchronous>, transform_indices = @transform_7, window_bounds = array<i64: 512, 256>}, {pipeline_mode = #tpu.pipeline_mode<synchronous>, transform_indices = @transform_8, window_bounds = array<i64: 256>}, {pipeline_mode = #tpu.pipeline_mode<synchronous>, transform_indices = @transform_9, window_bounds = array<i64: 256>}, {pipeline_mode = #tpu.pipeline_mode<synchronous>, transform_indices = @transform_10, window_bounds = array<i64: 256, 512>}, {pipeline_mode = #tpu.pipeline_mode<synchronous>, transform_indices = @transform_11, window_bounds = array<i64: 512>}, {pipeline_mode = #tpu.pipeline_mode<synchronous>, transform_indices = @transform_12, window_bounds = array<i64: 512, 256>}, {pipeline_mode = #tpu.pipeline_mode<synchronous>, transform_indices = @transform_13, window_bounds = array<i64: 256>}, {pipeline_mode = #tpu.pipeline_mode<synchronous>, transform_indices = @transform_14, window_bounds = array<i64: 256>}, {pipeline_mode = #tpu.pipeline_mode<synchronous>, transform_indices = @transform_15, window_bounds = array<i64: 256>}, {pipeline_mode = #tpu.pipeline_mode<synchronous>, transform_indices = @transform_16, window_bounds = array<i64: 256, 2>}, {pipeline_mode = #tpu.pipeline_mode<synchronous>, transform_indices = @transform_17, window_bounds = array<i64: 2>}, {transform_indices = @transform_18, window_bounds = array<i64: 64, 2>}]} {
    %get3A = arith.constant 0 : index
    %get3A_0 = arith.constant 0 : index
    %get3A_1 = vector.load %arg1[%get3A, %get3A_0] : memref<64x256xf32, #tpu.memory_space<vmem>>, vector<64x256xf32>
    %get3A_2 = arith.constant 0 : index
    %get3A_3 = arith.constant 0 : index
    %get3A_4 = vector.load %arg2[%get3A_2, %get3A_3] : memref<64x256xf32, #tpu.memory_space<vmem>>, vector<64x256xf32>
    %get3A_5 = arith.constant 0 : index
    %get3A_6 = arith.constant 0 : index
    %get3A_7 = arith.constant 0 : index
    %get3A_8 = vector.load %arg3[%get3A_5, %get3A_6, %get3A_7] : memref<64x96x256xf32, #tpu.memory_space<vmem>>, vector<64x96x256xf32>
    %get3A_9 = arith.constant 0 : index
    %get3A_10 = arith.constant 0 : index
    %get3A_11 = vector.load %arg4[%get3A_9, %get3A_10] : memref<64x128xf32, #tpu.memory_space<vmem>>, vector<64x96xf32>
    %broadcast_in_dim3A = vector.shape_cast %get3A_4 : vector<64x256xf32> to vector<64x1x256xf32>
    %sub3A = vector.broadcast %broadcast_in_dim3A : vector<64x1x256xf32> to vector<64x96x256xf32>
    %sub3A_12 = arith.subf %sub3A, %get3A_8 : vector<64x96x256xf32>
    %mul3A = arith.mulf %sub3A_12, %sub3A_12 : vector<64x96x256xf32>
    %reduce_sum3A = arith.constant dense<0.000000e+00> : vector<64x96xf32>
    %reduce_sum3A_13 = vector.multi_reduction <add>, %mul3A, %reduce_sum3A [2] : vector<64x96x256xf32> to vector<64x96xf32>
    %neg3A = arith.constant 0.000000e+00 : f32
    %neg3A_14 = vector.broadcast %neg3A : f32 to vector<64x96xf32>
    %neg3A_15 = arith.subf %neg3A_14, %reduce_sum3A_13 : vector<64x96xf32>
    %reduce_max3A = arith.constant dense<0xFF800000> : vector<64xf32>
    %reduce_max3A_16 = vector.multi_reduction <maximumf>, %neg3A_15, %reduce_max3A [1] : vector<64x96xf32> to vector<64xf32>
    %broadcast_in_dim3A_17 = vector.shape_cast %reduce_max3A_16 : vector<64xf32> to vector<64x1xf32>
    %sub3A_18 = vector.broadcast %broadcast_in_dim3A_17 : vector<64x1xf32> to vector<64x96xf32>
    %sub3A_19 = arith.subf %neg3A_15, %sub3A_18 : vector<64x96xf32>
    %exp3A = math.exp %sub3A_19 : vector<64x96xf32>
    %reduce_sum3A_20 = arith.constant dense<0.000000e+00> : vector<64xf32>
    %reduce_sum3A_21 = vector.multi_reduction <add>, %exp3A, %reduce_sum3A_20 [1] : vector<64x96xf32> to vector<64xf32>
    %broadcast_in_dim3A_22 = vector.shape_cast %reduce_sum3A_21 : vector<64xf32> to vector<64x1xf32>
    %div3A = vector.broadcast %broadcast_in_dim3A_22 : vector<64x1xf32> to vector<64x96xf32>
    %div3A_23 = arith.divf %exp3A, %div3A : vector<64x96xf32>
    %reshape3A = vector.shape_cast %sub3A_12 : vector<64x96x256xf32> to vector<6144x256xf32>
    %get3A_24 = arith.constant 0 : index
    %get3A_25 = arith.constant 0 : index
    %get3A_26 = vector.load %arg6[%get3A_24, %get3A_25] : memref<256x512xf32, #tpu.memory_space<vmem>>, vector<256x512xf32>
    %dot_general3A = arith.constant dense<0.000000e+00> : vector<6144x512xf32>
    %dot_general3A_27 = tpu.matmul %reshape3A, %get3A_26, %dot_general3A {dimension_numbers = #tpu.dot_dimension_numbers<[1], [0], [0], [1], [0, 0, 1, 1], [], []>, transpose_lhs_hint = false} : vector<6144x256xf32>, vector<256x512xf32>, vector<6144x512xf32> -> vector<6144x512xf32>
    %get3A_28 = arith.constant 0 : index
    %get3A_29 = vector.load %arg7[%get3A_28] : memref<512xf32, #tpu.memory_space<vmem>>, vector<512xf32>
    %broadcast_in_dim3A_30 = vector.shape_cast %get3A_29 : vector<512xf32> to vector<1x512xf32>
    %add3A = vector.broadcast %broadcast_in_dim3A_30 : vector<1x512xf32> to vector<6144x512xf32>
    %add3A_31 = arith.addf %dot_general3A_27, %add3A : vector<6144x512xf32>
    %max3A = arith.constant 0.000000e+00 : f32
    %max3A_32 = vector.broadcast %max3A : f32 to vector<6144x512xf32>
    %max3A_33 = arith.maximumf %add3A_31, %max3A_32 : vector<6144x512xf32>
    %get3A_34 = arith.constant 0 : index
    %get3A_35 = arith.constant 0 : index
    %get3A_36 = vector.load %arg8[%get3A_34, %get3A_35] : memref<512x256xf32, #tpu.memory_space<vmem>>, vector<512x256xf32>
    %dot_general3A_37 = arith.constant dense<0.000000e+00> : vector<6144x256xf32>
    %dot_general3A_38 = tpu.matmul %max3A_33, %get3A_36, %dot_general3A_37 {dimension_numbers = #tpu.dot_dimension_numbers<[1], [0], [0], [1], [0, 0, 1, 1], [], []>, transpose_lhs_hint = false} : vector<6144x512xf32>, vector<512x256xf32>, vector<6144x256xf32> -> vector<6144x256xf32>
    %mul3A_39 = arith.mulf %div3A_23, %get3A_11 : vector<64x96xf32>
    %reduce_sum3A_40 = arith.constant dense<0.000000e+00> : vector<64xf32>
    %reduce_sum3A_41 = vector.multi_reduction <add>, %mul3A_39, %reduce_sum3A_40 [1] : vector<64x96xf32> to vector<64xf32>
    %broadcast_in_dim3A_42 = vector.shape_cast %reduce_sum3A_41 : vector<64xf32> to vector<64x1xf32>
    %get3A_43 = arith.constant 0 : index
    %get3A_44 = arith.constant 0 : index
    %get3A_45 = vector.load %arg5[%get3A_43, %get3A_44] : memref<2x256xf32, #tpu.memory_space<vmem>>, vector<2x256xf32>
    %slice3A = vector.extract_strided_slice %get3A_45 {offsets = [0, 0], sizes = [1, 256], strides = [1, 1]} : vector<2x256xf32> to vector<1x256xf32>
    %squeeze3A = vector.shape_cast %slice3A : vector<1x256xf32> to vector<256xf32>
    %broadcast_in_dim3A_46 = vector.shape_cast %squeeze3A : vector<256xf32> to vector<1x256xf32>
    %slice3A_47 = vector.extract_strided_slice %get3A_45 {offsets = [1, 0], sizes = [1, 256], strides = [1, 1]} : vector<2x256xf32> to vector<1x256xf32>
    %squeeze3A_48 = vector.shape_cast %slice3A_47 : vector<1x256xf32> to vector<256xf32>
    %slice3A_49 = vector.extract_strided_slice %get3A_45 {offsets = [0, 0], sizes = [1, 256], strides = [1, 1]} : vector<2x256xf32> to vector<1x256xf32>
    %squeeze3A_50 = vector.shape_cast %slice3A_49 : vector<1x256xf32> to vector<256xf32>
    %sub3A_51 = arith.subf %squeeze3A_48, %squeeze3A_50 : vector<256xf32>
    %broadcast_in_dim3A_52 = vector.shape_cast %sub3A_51 : vector<256xf32> to vector<1x256xf32>
    %mul3A_53 = vector.broadcast %broadcast_in_dim3A_42 : vector<64x1xf32> to vector<64x256xf32>
    %mul3A_54 = vector.broadcast %broadcast_in_dim3A_52 : vector<1x256xf32> to vector<64x256xf32>
    %mul3A_55 = arith.mulf %mul3A_53, %mul3A_54 : vector<64x256xf32>
    %add3A_56 = vector.broadcast %broadcast_in_dim3A_46 : vector<1x256xf32> to vector<64x256xf32>
    %add3A_57 = arith.addf %add3A_56, %mul3A_55 : vector<64x256xf32>
    %reshape3A_58 = vector.shape_cast %div3A_23 : vector<64x96xf32> to vector<6144x1xf32>
    %mul3A_59 = vector.broadcast %reshape3A_58 : vector<6144x1xf32> to vector<6144x256xf32>
    %mul3A_60 = arith.mulf %mul3A_59, %dot_general3A_38 : vector<6144x256xf32>
    %reshape3A_61 = vector.shape_cast %mul3A_60 : vector<6144x256xf32> to vector<64x96x256xf32>
    %reduce_sum3A_62 = arith.constant dense<0.000000e+00> : vector<64x256xf32>
    %reduce_sum3A_63 = vector.multi_reduction <add>, %reshape3A_61, %reduce_sum3A_62 [1] : vector<64x96x256xf32> to vector<64x256xf32>
    %add3A_64 = arith.addf %get3A_1, %add3A_57 : vector<64x256xf32>
    %add3A_65 = arith.addf %add3A_64, %reduce_sum3A_63 : vector<64x256xf32>
    %reduce_sum3A_66 = arith.constant dense<0.000000e+00> : vector<64xf32>
    %reduce_sum3A_67 = vector.multi_reduction <add>, %add3A_65, %reduce_sum3A_66 [1] : vector<64x256xf32> to vector<64xf32>
    %broadcast_in_dim3A_68 = vector.shape_cast %reduce_sum3A_67 : vector<64xf32> to vector<64x1xf32>
    %div3A_69 = arith.constant 2.560000e+02 : f32
    %div3A_70 = vector.broadcast %div3A_69 : f32 to vector<64x1xf32>
    %div3A_71 = arith.divf %broadcast_in_dim3A_68, %div3A_70 : vector<64x1xf32>
    %sub3A_72 = vector.broadcast %div3A_71 : vector<64x1xf32> to vector<64x256xf32>
    %sub3A_73 = arith.subf %add3A_65, %sub3A_72 : vector<64x256xf32>
    %sub3A_74 = vector.broadcast %div3A_71 : vector<64x1xf32> to vector<64x256xf32>
    %sub3A_75 = arith.subf %add3A_65, %sub3A_74 : vector<64x256xf32>
    %mul3A_76 = arith.mulf %sub3A_73, %sub3A_75 : vector<64x256xf32>
    %reduce_sum3A_77 = arith.constant dense<0.000000e+00> : vector<64xf32>
    %reduce_sum3A_78 = vector.multi_reduction <add>, %mul3A_76, %reduce_sum3A_77 [1] : vector<64x256xf32> to vector<64xf32>
    %broadcast_in_dim3A_79 = vector.shape_cast %reduce_sum3A_78 : vector<64xf32> to vector<64x1xf32>
    %div3A_80 = arith.constant 2.560000e+02 : f32
    %div3A_81 = vector.broadcast %div3A_80 : f32 to vector<64x1xf32>
    %div3A_82 = arith.divf %broadcast_in_dim3A_79, %div3A_81 : vector<64x1xf32>
    %sub3A_83 = vector.broadcast %div3A_71 : vector<64x1xf32> to vector<64x256xf32>
    %sub3A_84 = arith.subf %add3A_65, %sub3A_83 : vector<64x256xf32>
    %add3A_85 = arith.constant 9.99999974E-6 : f32
    %add3A_86 = vector.broadcast %add3A_85 : f32 to vector<64x1xf32>
    %add3A_87 = arith.addf %div3A_82, %add3A_86 : vector<64x1xf32>
    %sqrt3A = math.sqrt %add3A_87 : vector<64x1xf32>
    %div3A_88 = vector.broadcast %sqrt3A : vector<64x1xf32> to vector<64x256xf32>
    %div3A_89 = arith.divf %sub3A_84, %div3A_88 : vector<64x256xf32>
    %get3A_90 = arith.constant 0 : index
    %get3A_91 = vector.load %arg9[%get3A_90] : memref<256xf32, #tpu.memory_space<vmem>>, vector<256xf32>
    %broadcast_in_dim3A_92 = vector.shape_cast %get3A_91 : vector<256xf32> to vector<1x256xf32>
    %mul3A_93 = vector.broadcast %broadcast_in_dim3A_92 : vector<1x256xf32> to vector<64x256xf32>
    %mul3A_94 = arith.mulf %div3A_89, %mul3A_93 : vector<64x256xf32>
    %get3A_95 = arith.constant 0 : index
    %get3A_96 = vector.load %arg10[%get3A_95] : memref<256xf32, #tpu.memory_space<vmem>>, vector<256xf32>
    %broadcast_in_dim3A_97 = vector.shape_cast %get3A_96 : vector<256xf32> to vector<1x256xf32>
    %add3A_98 = vector.broadcast %broadcast_in_dim3A_97 : vector<1x256xf32> to vector<64x256xf32>
    %add3A_99 = arith.addf %mul3A_94, %add3A_98 : vector<64x256xf32>
    %get3A_100 = arith.constant 0 : index
    %get3A_101 = arith.constant 0 : index
    %get3A_102 = vector.load %arg11[%get3A_100, %get3A_101] : memref<256x512xf32, #tpu.memory_space<vmem>>, vector<256x512xf32>
    %dot_general3A_103 = arith.constant dense<0.000000e+00> : vector<64x512xf32>
    %dot_general3A_104 = tpu.matmul %add3A_99, %get3A_102, %dot_general3A_103 {dimension_numbers = #tpu.dot_dimension_numbers<[1], [0], [0], [1], [0, 0, 1, 1], [], []>, transpose_lhs_hint = false} : vector<64x256xf32>, vector<256x512xf32>, vector<64x512xf32> -> vector<64x512xf32>
    %get3A_105 = arith.constant 0 : index
    %get3A_106 = vector.load %arg12[%get3A_105] : memref<512xf32, #tpu.memory_space<vmem>>, vector<512xf32>
    %broadcast_in_dim3A_107 = vector.shape_cast %get3A_106 : vector<512xf32> to vector<1x512xf32>
    %add3A_108 = vector.broadcast %broadcast_in_dim3A_107 : vector<1x512xf32> to vector<64x512xf32>
    %add3A_109 = arith.addf %dot_general3A_104, %add3A_108 : vector<64x512xf32>
    %max3A_110 = arith.constant 0.000000e+00 : f32
    %max3A_111 = vector.broadcast %max3A_110 : f32 to vector<64x512xf32>
    %max3A_112 = arith.maximumf %add3A_109, %max3A_111 : vector<64x512xf32>
    %get3A_113 = arith.constant 0 : index
    %get3A_114 = arith.constant 0 : index
    %get3A_115 = vector.load %arg13[%get3A_113, %get3A_114] : memref<512x256xf32, #tpu.memory_space<vmem>>, vector<512x256xf32>
    %dot_general3A_116 = arith.constant dense<0.000000e+00> : vector<64x256xf32>
    %dot_general3A_117 = tpu.matmul %max3A_112, %get3A_115, %dot_general3A_116 {dimension_numbers = #tpu.dot_dimension_numbers<[1], [0], [0], [1], [0, 0, 1, 1], [], []>, transpose_lhs_hint = false} : vector<64x512xf32>, vector<512x256xf32>, vector<64x256xf32> -> vector<64x256xf32>
    %get3A_118 = arith.constant 0 : index
    %get3A_119 = vector.load %arg14[%get3A_118] : memref<256xf32, #tpu.memory_space<vmem>>, vector<256xf32>
    %broadcast_in_dim3A_120 = vector.shape_cast %get3A_119 : vector<256xf32> to vector<1x256xf32>
    %add3A_121 = vector.broadcast %broadcast_in_dim3A_120 : vector<1x256xf32> to vector<64x256xf32>
    %add3A_122 = arith.addf %dot_general3A_117, %add3A_121 : vector<64x256xf32>
    %add3A_123 = arith.addf %add3A_65, %add3A_122 : vector<64x256xf32>
    %reduce_sum3A_124 = arith.constant dense<0.000000e+00> : vector<64xf32>
    %reduce_sum3A_125 = vector.multi_reduction <add>, %add3A_123, %reduce_sum3A_124 [1] : vector<64x256xf32> to vector<64xf32>
    %broadcast_in_dim3A_126 = vector.shape_cast %reduce_sum3A_125 : vector<64xf32> to vector<64x1xf32>
    %div3A_127 = arith.constant 2.560000e+02 : f32
    %div3A_128 = vector.broadcast %div3A_127 : f32 to vector<64x1xf32>
    %div3A_129 = arith.divf %broadcast_in_dim3A_126, %div3A_128 : vector<64x1xf32>
    %sub3A_130 = vector.broadcast %div3A_129 : vector<64x1xf32> to vector<64x256xf32>
    %sub3A_131 = arith.subf %add3A_123, %sub3A_130 : vector<64x256xf32>
    %sub3A_132 = vector.broadcast %div3A_129 : vector<64x1xf32> to vector<64x256xf32>
    %sub3A_133 = arith.subf %add3A_123, %sub3A_132 : vector<64x256xf32>
    %mul3A_134 = arith.mulf %sub3A_131, %sub3A_133 : vector<64x256xf32>
    %reduce_sum3A_135 = arith.constant dense<0.000000e+00> : vector<64xf32>
    %reduce_sum3A_136 = vector.multi_reduction <add>, %mul3A_134, %reduce_sum3A_135 [1] : vector<64x256xf32> to vector<64xf32>
    %broadcast_in_dim3A_137 = vector.shape_cast %reduce_sum3A_136 : vector<64xf32> to vector<64x1xf32>
    %div3A_138 = arith.constant 2.560000e+02 : f32
    %div3A_139 = vector.broadcast %div3A_138 : f32 to vector<64x1xf32>
    %div3A_140 = arith.divf %broadcast_in_dim3A_137, %div3A_139 : vector<64x1xf32>
    %sub3A_141 = vector.broadcast %div3A_129 : vector<64x1xf32> to vector<64x256xf32>
    %sub3A_142 = arith.subf %add3A_123, %sub3A_141 : vector<64x256xf32>
    %add3A_143 = arith.constant 9.99999974E-6 : f32
    %add3A_144 = vector.broadcast %add3A_143 : f32 to vector<64x1xf32>
    %add3A_145 = arith.addf %div3A_140, %add3A_144 : vector<64x1xf32>
    %sqrt3A_146 = math.sqrt %add3A_145 : vector<64x1xf32>
    %div3A_147 = vector.broadcast %sqrt3A_146 : vector<64x1xf32> to vector<64x256xf32>
    %div3A_148 = arith.divf %sub3A_142, %div3A_147 : vector<64x256xf32>
    %get3A_149 = arith.constant 0 : index
    %get3A_150 = vector.load %arg15[%get3A_149] : memref<256xf32, #tpu.memory_space<vmem>>, vector<256xf32>
    %broadcast_in_dim3A_151 = vector.shape_cast %get3A_150 : vector<256xf32> to vector<1x256xf32>
    %mul3A_152 = vector.broadcast %broadcast_in_dim3A_151 : vector<1x256xf32> to vector<64x256xf32>
    %mul3A_153 = arith.mulf %div3A_148, %mul3A_152 : vector<64x256xf32>
    %get3A_154 = arith.constant 0 : index
    %get3A_155 = vector.load %arg16[%get3A_154] : memref<256xf32, #tpu.memory_space<vmem>>, vector<256xf32>
    %broadcast_in_dim3A_156 = vector.shape_cast %get3A_155 : vector<256xf32> to vector<1x256xf32>
    %add3A_157 = vector.broadcast %broadcast_in_dim3A_156 : vector<1x256xf32> to vector<64x256xf32>
    %add3A_158 = arith.addf %mul3A_153, %add3A_157 : vector<64x256xf32>
    %max3A_159 = arith.constant 0.000000e+00 : f32
    %max3A_160 = vector.broadcast %max3A_159 : f32 to vector<64x256xf32>
    %max3A_161 = arith.maximumf %add3A_158, %max3A_160 : vector<64x256xf32>
    %get3A_162 = arith.constant 0 : index
    %get3A_163 = arith.constant 0 : index
    %get3A_164 = vector.load %arg17[%get3A_162, %get3A_163] : memref<256x2xf32, #tpu.memory_space<vmem>>, vector<256x2xf32>
    %dot_general3A_165 = arith.constant dense<0.000000e+00> : vector<64x2xf32>
    %dot_general3A_166 = tpu.matmul %max3A_161, %get3A_164, %dot_general3A_165 {dimension_numbers = #tpu.dot_dimension_numbers<[1], [0], [0], [1], [0, 0, 1, 1], [], []>, transpose_lhs_hint = false} : vector<64x256xf32>, vector<256x2xf32>, vector<64x2xf32> -> vector<64x2xf32>
    %get3A_167 = arith.constant 0 : index
    %get3A_168 = vector.load %arg18[%get3A_167] : memref<2xf32, #tpu.memory_space<vmem>>, vector<2xf32>
    %broadcast_in_dim3A_169 = vector.shape_cast %get3A_168 : vector<2xf32> to vector<1x2xf32>
    %add3A_170 = vector.broadcast %broadcast_in_dim3A_169 : vector<1x2xf32> to vector<64x2xf32>
    %add3A_171 = arith.addf %dot_general3A_166, %add3A_170 : vector<64x2xf32>
    %swap3A = arith.constant 0 : index
    %swap3A_172 = arith.constant 0 : index
    %swap3A_173 = vector.load %arg19[%swap3A, %swap3A_172] : memref<64x2xf32, #tpu.memory_space<vmem>>, vector<64x2xf32>
    tpu.vector_store %arg19[%swap3A, %swap3A_172], %add3A_171 {strides = array<i32>} : memref<64x2xf32, #tpu.memory_space<vmem>>, vector<64x2xf32>,
    return
  }
  func.func @transform_0(%arg0: i32) -> (i32, i32) {
    %c0_i32 = arith.constant 0 : i32
    %c0_i32_0 = arith.constant 0 : i32
    return %arg0, %c0_i32 : i32, i32
  }
  func.func @transform_1(%arg0: i32) -> (i32, i32) {
    %c0_i32 = arith.constant 0 : i32
    %c0_i32_0 = arith.constant 0 : i32
    return %arg0, %c0_i32 : i32, i32
  }
  func.func @transform_2(%arg0: i32) -> (i32, i32, i32) {
    %c0_i32 = arith.constant 0 : i32
    %c0_i32_0 = arith.constant 0 : i32
    %c0_i32_1 = arith.constant 0 : i32
    return %arg0, %c0_i32, %c0_i32_0 : i32, i32, i32
  }
  func.func @transform_3(%arg0: i32) -> (i32, i32) {
    %c0_i32 = arith.constant 0 : i32
    %c0_i32_0 = arith.constant 0 : i32
    return %arg0, %c0_i32 : i32, i32
  }
  func.func @transform_4(%arg0: i32) -> (i32, i32) {
    %c0_i32 = arith.constant 0 : i32
    %c0_i32_0 = arith.constant 0 : i32
    %c0_i32_1 = arith.constant 0 : i32
    return %c0_i32, %c0_i32_0 : i32, i32
  }
  func.func @transform_5(%arg0: i32) -> (i32, i32) {
    %c0_i32 = arith.constant 0 : i32
    %c0_i32_0 = arith.constant 0 : i32
    %c0_i32_1 = arith.constant 0 : i32
    return %c0_i32, %c0_i32_0 : i32, i32
  }
  func.func @transform_6(%arg0: i32) -> i32 {
    %c0_i32 = arith.constant 0 : i32
    %c0_i32_0 = arith.constant 0 : i32
    return %c0_i32 : i32
  }
  func.func @transform_7(%arg0: i32) -> (i32, i32) {
    %c0_i32 = arith.constant 0 : i32
    %c0_i32_0 = arith.constant 0 : i32
    %c0_i32_1 = arith.constant 0 : i32
    return %c0_i32, %c0_i32_0 : i32, i32
  }
  func.func @transform_8(%arg0: i32) -> i32 {
    %c0_i32 = arith.constant 0 : i32
    %c0_i32_0 = arith.constant 0 : i32
    return %c0_i32 : i32
  }
  func.func @transform_9(%arg0: i32) -> i32 {
    %c0_i32 = arith.constant 0 : i32
    %c0_i32_0 = arith.constant 0 : i32
    return %c0_i32 : i32
  }
  func.func @transform_10(%arg0: i32) -> (i32, i32) {
    %c0_i32 = arith.constant 0 : i32
    %c0_i32_0 = arith.constant 0 : i32
    %c0_i32_1 = arith.constant 0 : i32
    return %c0_i32, %c0_i32_0 : i32, i32
  }
  func.func @transform_11(%arg0: i32) -> i32 {
    %c0_i32 = arith.constant 0 : i32
    %c0_i32_0 = arith.constant 0 : i32
    return %c0_i32 : i32
  }
  func.func @transform_12(%arg0: i32) -> (i32, i32) {
    %c0_i32 = arith.constant 0 : i32
    %c0_i32_0 = arith.constant 0 : i32
    %c0_i32_1 = arith.constant 0 : i32
    return %c0_i32, %c0_i32_0 : i32, i32
  }
  func.func @transform_13(%arg0: i32) -> i32 {
    %c0_i32 = arith.constant 0 : i32
    %c0_i32_0 = arith.constant 0 : i32
    return %c0_i32 : i32
  }
  func.func @transform_14(%arg0: i32) -> i32 {
    %c0_i32 = arith.constant 0 : i32
    %c0_i32_0 = arith.constant 0 : i32
    return %c0_i32 : i32
  }
  func.func @transform_15(%arg0: i32) -> i32 {
    %c0_i32 = arith.constant 0 : i32
    %c0_i32_0 = arith.constant 0 : i32
    return %c0_i32 : i32
  }
  func.func @transform_16(%arg0: i32) -> (i32, i32) {
    %c0_i32 = arith.constant 0 : i32
    %c0_i32_0 = arith.constant 0 : i32
    %c0_i32_1 = arith.constant 0 : i32
    return %c0_i32, %c0_i32_0 : i32, i32
  }
  func.func @transform_17(%arg0: i32) -> i32 {
    %c0_i32 = arith.constant 0 : i32
    %c0_i32_0 = arith.constant 0 : i32
    return %c0_i32 : i32
  }
  func.func @transform_18(%arg0: i32) -> (i32, i32) {
    %c0_i32 = arith.constant 0 : i32
    %c0_i32_0 = arith.constant 0 : i32
    return %arg0, %c0_i32 : i32, i32
  }
}

</mosaic_0001>

<sc_bundles>
// kernel: kernel.10.cloned.1.call-start
scs
__scs_entry_jumppad:
0x0: {  	(pc) =	sbr.rel $0x88, $3  }
0x1: {  	(tag) =	ssettag $0x0;
	lr =	simm.s32 $0x1  }
0x2: {  	[smem:$0x3F86] =	sst lr;
	_ =	strace $0xD0000000  }
0x3: {  	_ = 	snop  }
0x4: {  	_ = 	snop  }
0x5: {  	_ = 	snop  }
0x6: {  	_ = 	snop  }
0x7: {  	_ = 	snop  }
__scs_overlays_trampoline_lowered:
0x8: {  	[smem:$0x3F95] =	sst s0  }
0x9: {  	[smem:$0x3F96] =	sst s1  }
0xa: {  	[smem:$0x3F97] =	sst s2  }
0xb: {  	[smem:$0x3F98] =	sst s3  }
0xc: {  	[smem:$0x3F99] =	sst s4  }
0xd: {  	[smem:$0x3F9A] =	sst s5  }
0xe: {  	[smem:$0x3F9B] =	sst s6  }
0xf: {  	[smem:$0x3F9C] =	sst s7  }
0x10: {  	[smem:$0x3F9D] =	sst s8  }
0x11: {  	[smem:$0x3F9E] =	sst s9;
	s0 =	simm.s32 @!p0 $0x0  }
0x12: {  	s1 =	sld [smem:$0x3F84];
	s0 =	simm.s32 @p0 $0x1  }
0x13: {  	[smem:$0x3F9F] =	sst s0;
	s0 =	simm.s32 @!p1 $0x0  }
0x14: {  	s2 =	sld [smem:$0x3F83];
	s0 =	simm.s32 @p1 $0x1  }
0x15: {  	[smem:$0x3FA0] =	sst s0;
	s0 =	simm.s32 @!p2 $0x0  }
0x16: {  	s3 =	sld [smem:$0x3FDB];
	s0 =	simm.s32 @p2 $0x1  }
0x17: {  	s4 =	simm.s32 $0x1BF5;
	[smem:$0x3FA2] =	sst s0  }
0x18: {  	s0 =	sld [smem:$0x3F85];
	_ =	swait.ge [sflag:s4], $0x0  }
0x19: {  	s7 =	sld [smem:$0x3F86]  }
0x1a: {  	s8 =	sadd.s32 $0xFFFFE003, lr  }
0x1b: {  	s9 =	sadd.s32 $0xFFFFFEF7, lr;
	s5 =	simm.s32 $0xFFFFFFFF;
	p2 =	slt.u32 s8, $0xFFFFF086  }
0x1c: {  	p1 =	slt.u32 s9, $0xF7A;
	s5 =	simm.s32 @!p2 $0x0  }
0x1d: {  	s5 =	simm.s32 @p1 $0x1;
	p0 =	seq.s32 s7, s2  }
0x1e: {  	s7 =	smul.u32 @!p0 $0xF7A, s2;
	p2 =	seq.s32 @!p0 s5, $0x0  }
0x1f: {  	s9 =	smul.u32 $0xF7A, s1;
	s8 =	simm.s32 @!p0 $0x1BF5;
	p2 =	por !p2, p0  }
0x20: {  	[sflag:s8] =	ssyncset.s32 @!p0 $0xFFFFF086;
	s6 =	sadd.s32 @!p0 s3, s7;
	s7 =	simm.s32 @!p0 $0x108  }
0x21: {  	s3 =	sadd.s32 s3, s9;
	s6 =	sadd.s32 @!p0 $0x88, s6;
	s7 =	simm.s32 @p2 $0x1082  }
0x22: {  	[simem:s7], [sflag:s8] =	dma.local @!p0 [hbm:s6], $0xF7A  }
0x23: {  	s9 =	sor.u32 $0xD0000000, s2;
	s6 =	simm.s32 $0x108;
	_ =	swait.ge @!p0 [sflag:s8], $0x0  }
0x24: {  	s3 =	sadd.s32 $0x88, s3;
	s6 =	simm.s32 @!p1 $0x1082;
	[sflag:s4] =	ssyncset.s32 $0xFFFFF086  }
0x25: {  	[simem:s6], [sflag:s4] =	dma.local [hbm:s3], $0xF7A  }
0x26: {  	[smem:$0x3F86] =	sst s1;
	(tag) =	ssettag s2;
	_ =	strace s9  }
0x27: {  	s1 =	sld [smem:$0x3F96]  }
0x28: {  	s2 =	sld [smem:$0x3F97]  }
0x29: {  	s4 =	sld [smem:$0x3F99]  }
0x2a: {  	p0 =	seq.s32 s5, $0x0;
	s5 =	sld [smem:$0x3F9A]  }
0x2b: {  	s6 =	sld [smem:$0x3F9B]  }
0x2c: {  	s7 =	sld [smem:$0x3F9C]  }
0x2d: {  	s3 =	simm.s32 $0x108;
	s8 =	sld [smem:$0x3F9D]  }
0x2e: {  	s3 =	simm.s32 @!p0 $0x1082;
	s9 =	sld [smem:$0x3F9E]  }
0x2f: {  	lr =	sadd.s32 s0, s3;
	s0 =	sld [smem:$0x3F95]  }
0x30: {  	s3 =	sld [smem:$0x3F98]  }
0x31: {  	[smem:$0x3FA1] =	sst s10  }
0x32: {  	s10 =	sld [smem:$0x3F9F];
	_ =	sdelay $0x3  }
0x33: {  	p0 =	seq.s32 s10, $0x1;
	s10 =	sld [smem:$0x3FA1];
	_ =	sdelay $0x3  }
0x34: {  	[smem:$0x3FA1] =	sst s10  }
0x35: {  	s10 =	sld [smem:$0x3FA0];
	_ =	sdelay $0x3  }
0x36: {  	p1 =	seq.s32 s10, $0x1;
	s10 =	sld [smem:$0x3FA1];
	_ =	sdelay $0x3  }
0x37: {  	[smem:$0x3FA1] =	sst s10  }
0x38: {  	s10 =	sld [smem:$0x3FA2]  }
0x39: {  	_ = 	snop;
	(pc) =	sbr.ind lr, $3  }
0x3a: {  	_ = 	snop  }
0x3b: {  	_ = 	snop  }
0x3c: {  	p2 =	seq.s32 s10, $0x1;
	s10 =	sld [smem:$0x3FA1]  }
0x3d: {  	_ =	shalt  }
0x3e: {  	_ =	shalt  }
0x3f: {  	_ =	shalt  }
0x40: {  	_ =	shalt  }
0x41: {  	_ =	shalt  }
0x42: {  	_ =	shalt  }
0x43: {  	_ =	shalt  }
0x44: {  	_ =	shalt  }
0x45: {  	_ =	shalt  }
0x46: {  	_ =	shalt  }
0x47: {  	_ =	shalt  }
0x48: {  	_ =	shalt  }
0x49: {  	_ =	shalt  }
0x4a: {  	_ =	shalt  }
0x4b: {  	_ =	shalt  }
0x4c: {  	_ =	shalt  }
0x4d: {  	_ =	shalt  }
0x4e: {  	_ =	shalt  }
0x4f: {  	_ =	shalt  }
0x50: {  	_ =	shalt  }
0x51: {  	_ =	shalt  }
0x52: {  	_ =	shalt  }
0x53: {  	_ =	shalt  }
0x54: {  	_ =	shalt  }
0x55: {  	_ =	shalt  }
0x56: {  	_ =	shalt  }
0x57: {  	_ =	shalt  }
0x58: {  	_ =	shalt  }
0x59: {  	_ =	shalt  }
0x5a: {  	_ =	shalt  }
0x5b: {  	_ =	shalt  }
0x5c: {  	_ =	shalt  }
0x5d: {  	_ =	shalt  }
0x5e: {  	_ =	shalt  }
0x5f: {  	_ =	shalt  }
0x60: {  	_ =	shalt  }
0x61: {  	_ =	shalt  }
0x62: {  	_ =	shalt  }
0x63: {  	_ =	shalt  }
0x64: {  	_ =	shalt  }
0x65: {  	_ =	shalt  }
0x66: {  	_ =	shalt  }
0x67: {  	_ =	shalt  }
0x68: {  	_ =	shalt  }
0x69: {  	_ =	shalt  }
0x6a: {  	_ =	shalt  }
0x6b: {  	_ =	shalt  }
0x6c: {  	_ =	shalt  }
0x6d: {  	_ =	shalt  }
0x6e: {  	_ =	shalt  }
0x6f: {  	_ =	shalt  }
0x70: {  	_ =	shalt  }
0x71: {  	_ =	shalt  }
0x72: {  	_ =	shalt  }
0x73: {  	_ =	shalt  }
0x74: {  	_ =	shalt  }
0x75: {  	_ =	shalt  }
0x76: {  	_ =	shalt  }
0x77: {  	_ =	shalt  }
0x78: {  	_ =	shalt  }
0x79: {  	_ =	shalt  }
0x7a: {  	_ =	shalt  }
0x7b: {  	_ =	shalt  }
0x7c: {  	_ =	shalt  }
0x7d: {  	_ =	shalt  }
0x7e: {  	_ =	shalt  }
0x7f: {  	_ =	shalt  }
0x80: {  	_ =	shalt  }
0x81: {  	_ =	shalt  }
0x82: {  	_ =	shalt  }
0x83: {  	_ =	shalt  }
0x84: {  	_ =	shalt  }
0x85: {  	_ =	shalt  }
0x86: {  	_ =	shalt  }
0x87: {  	_ =	shalt  }
.Lfunc_end0:
.L_simem_size_0:
called_computation_lowered:
.L_overlay_start_0:
0x88: {  	s2 =	sld [smem:$0x3FD9]  }
0x89: {  	s3 =	sld [smem:$0x3FFE];
	_ =	sdelay $0x1  }
0x8a: {  	s1 =	srdreg.scid  }
0x8b: {  	s0 =	sand.u32 $0x1, s1  }
0x8c: {  	s16 =	sshll.u32 s0, $0xA;
	s2 =	sadd.s32 s3, s2  }
0x8d: {  	s2 =	sadd.s32 s2, s16  }
0x8e: {  	[smem:$0x3FAD] =	sst s2  }
0x8f: {  	_ = 	snop  }
0x90: {  	(tm) =	ssettm $0x1  }
0x91: {  	s17 =	sld [smem:$0x3FFB];
	_ =	sdelay $0x3  }
0x92: {  	_ =	strace s17  }
0x93: {  	s2 =	sld [smem:$0x3FFC];
	_ =	sdelay $0x3  }
0x94: {  	_ =	strace s2  }
0x95: {  	s2 =	sld [smem:$0x3FFD];
	_ =	sdelay $0x3  }
0x96: {  	_ =	strace s2  }
0x97: {  	_ =	strace $0x8FFFFFFF  }
0x98: {  	s18 =	sld [smem:$0x3FDB];
	_ =	sdelay $0x1  }
0x99: {  	s19 =	simm.s32 $_scs_section_size  }
0x9a: {  	s4 =	simm.s32 $_size__tile_overlayer_lowered;
	s5 =	simm.s32 $_tile_overlayer_lowered  }
0x9b: {  	s22 =	simm.s32 $0x1BFF;
	s21 =	sshll.u32 s5, $0x1;
	s2 =	sadd.s32 s19, s18  }
0x9c: {  	s6 =	simm.s32 $0x0;
	s20 =	sshll.u32 s4, $0x1;
	s4 =	sadd.s32 s21, s2  }
0x9d: {  	[timem:s6], [sflag:s22] =	dma.local [hbm:s4], s20  }
0x9e: {  	_ =	swait.ge [sflag:s22], s20  }
0x9f: {  	s3 =	ssub.s32 $0x0, s20;
	[sflag:s22] =	ssyncset.done $0x0  }
0xa0: {  	[sflag:s22] =	ssyncadd.s32 s3;
	_ =	sdelay $0x1  }
0xa1: {  	s23 =	simm.s32 $0x1B8B  }
0xa2: {  	_ =	swait.ge [sflag:s23], $0x1  }
0xa3: {  	[sflag:s23] =	ssyncset.done $0x0  }
0xa4: {  	s25 =	simm.s32 $0x1B8E;
	s24 =	sld [smem:$0x3FFE];
	[sflag:s23] =	ssyncadd.s32 $0xFFFFFFFF  }
0xa5: {  	s26 =	simm.s32 $execute0_lowered;
	[smem:$0x3FD2] =	sst s25  }
0xa6: {  	s4 =	sshll.u32 s26, $0x1;
	_ =	strace $0x80000046;
	[dreg:$0x1] =	wrdreg $0xFFFFFFFF  }
0xa7: {  	s28 =	simm.s32 $_size_execute0_lowered;
	s2 =	sadd.s32 s2, s4;
	[dreg:$0x0] =	wrdreg $0x0  }
0xa8: {  	s4 =	sshll.u32 s28, $0x1;
	[dreg:$0x2] =	wrdreg s2  }
0xa9: {  	[dreg:$0x3] =	wrdreg s4  }
0xaa: {  	[dreg:$0x4] =	wrdreg $0xC0  }
0xab: {  	_ =	task [dreg:s6], $0x5FFFF  }
0xac: {  	[dreg:$0x1] =	wrdreg $0xFFFFFFFF  }
0xad: {  	[dreg:$0x0] =	wrdreg $0x60  }
0xae: {  	[dreg:$0x2] =	wrdreg s24  }
0xaf: {  	[dreg:$0x3] =	wrdreg $0x9  }
0xb0: {  	_ =	task.clear_ibuf [dreg:s6], $0x4FFFF;
	_ =	strace $0x90000046  }
0xb1: {  	s29 =	simm.s32 $0x9;
	_ =	strace $0x80000048  }
0xb2: {  	_ =	swait.ge [sflag:s29], $0x1  }
0xb3: {  	[sflag:s29] =	ssyncadd.s32 $0xFFFFFFFF  }
0xb4: {  	_ =	strace $0x90000048  }
0xb5: {  	_ =	sfence  }
0xb6: {  	s30 =	sld [smem:$0x0];
	_ =	sdelay $0x2  }
0xb7: {  	s31 =	sshll.u32 s1, $0xD;
	s1 =	sshrl.u32 s1, $0x2  }
0xb8: {  	s3 =	sand.u32 $0x4000, s31;
	s1 =	sadd.s32 s1, s30  }
0xb9: {  	s0 =	sor.u32 s3, s0;
	s1 =	sshll.u32 s1, $0x11  }
0xba: {  	s0 =	sor.u32 s1, s0  }
0xbb: {  	s0 =	sadd.s32 $0x8F2B, s0  }
0xbc: {  	[sflag:s0] =	ssyncadd.remote.s32 $0x1  }
0xbd: {  	_ =	sfence.sel $0xFFFF  }
0xbe: {  	[dreg:$0x0] =	wrdreg $0xFFFFFFFF;
	(pc) =	sbr.abs _section_cstart, $3  }
0xbf: {  	[dreg:$0x1] =	wrdreg $0xFFFFFFFF  }
0xc0: {  	_ =	task.clear_ibuf [dreg:s6], $0x2FFFF;
	_ =	strace $0x9FFFFFFF  }
0xc1: {  	(tm) =	ssettm $0x7FFFFFFF  }
tec
execute0_lowered:
.L_overlay_start_1:
0x0: {  	(tag) =	ssettag $0x1  }
0x1: {  	s0 =	rddreg [dreg:$0x0]  }
0x2: {  	s1 =	simm.s32 $0x0;
	s5 =	srdreg.scid;
	s9 =	stileid.u32  }
0x3: {  	s11 =	simm.s32 $0xB900;
	s12 =	simm.s32 $0x4;
	s13 =	simm.s32 $0x400  }
0x4: {  	s14 =	simm.s32 $0x80;
	s15 =	simm.s32 $0x1C80;
	s16 =	simm.s32 $0x2  }
0x5: {  	s17 =	simm.s32 $0x3880;
	s18 =	simm.s32 $0x4880;
	s19 =	simm.s32 $0x3  }
0x6: {  	s20 =	simm.s32 $0x1;
	s21 =	simm.s32 $0x5880;
	s22 =	simm.s32 $0x5900  }
0x7: {  	s10 =	simm.s32 $0x17D00;
	[smem:$0x7FF] =	sst s1;
	s2 =	sadd.s32 $0x7AEC00, s0  }
0x8: {  	s3 =	sadd.s32 $0x16C00, s0;
	s4 =	sadd.s32 $0x316C00, s0;
	s5 =	sand.u32 $0x1, s5  }
.Ltmp0:
0x9: {  	s6 =	sadd.s32 $0x18C00, s0;
	s29 =	ssub.s32 $0x2, s5;
	(pc) =	sbr.rel .LBB2_1-.Ltmp0, $4  }
0xa: {  	s7 =	sadd.s32 $0x49EC00, s0;
	s8 =	sadd.s32 $0x1A600, s0;
	s30 =	sshrl.u32 s29, $0x1  }
0xb: {  	s31 =	sshll.u32 s9, $0x5;
	_ =	strace $0x80000047;
	s0 =	ssub.s32 s29, s30  }
0xc: {  	v0 =	vimm.s32 $0x0;
	v1 =	vlaneseq.u32;
	[dreg:$0x2] =	wrdreg s6;
	s5 =	sshll.u32 s5, $0x4;
	s0 =	smax.u32 s0, $0x1  }
0xd: {  	v2 =	vimm.f32 $3.000000010e+38;
	v3 =	vimm.s32 $0x1;
	v4 =	vimm.f32 $0.0e+00;
	s9 =	sor.u32 s5, s31;
	s5 =	simm.s32 $0x0;
	[dreg:$0x3] =	wrdreg s0  }
.LBB2_46:
0xe: {  	s5 =	rddreg [dreg:$0x4]  }
0xf: {  	s0 =	rddreg [dreg:$0x3];
	s5 =	sadd.s32 $0x1, s5  }
0x10: {  	p0 =	sne.s32 s5, s0  }
.Ltmp1:
0x11: {  	_ = 	snop;
	(pc) =	sbr.rel @!p0 .LBB2_47-.Ltmp1, $1  }
0x12: {  	_ =	sdelay $0x3  }
.LBB2_1:
0x13: {  	[dreg:$0x4] =	wrdreg s5  }
.Ltmp2:
0x14: {  	s0 =	rddreg [dreg:$0x2];
	(pc) =	sbr.rel .LBB2_2-.Ltmp2, $4  }
0x15: {  	[tilespmem:s11], [sflag:$0x4] =	stream.linear.gather [hbm4b:s0+s1], $0xC400, $0x38;
	[tilespmem:$0x17D80] =	vst v63  }
0x16: {  	_ =	swait.ge [sflag:s12], $0xC400  }
0x17: {  	[sflag:s12] =	ssyncset.done $0x0  }
0x18: {  	s23 =	simm.s32 $0x0;
	[sflag:s12] =	ssyncadd.s32 $0xFFFF3C00  }
.LBB2_32:
0x19: {  	v7 =	vimm.s32 $0x0;
	s0 =	simm.s32 $0x4880  }
.LBB2_44:
0x1a: {  	v9 =	vshra.s32 v11, $0x1F  }
0x1b: {  	v9 =	vor.u32 $0x80000000, v9  }
0x1c: {  	v9 =	vxor.u32 v11, v9  }
0x1d: {  	vm0 =	vlt.u32 v9, v5  }
0x1e: {  	vm1 =	veq.s32 v9, v5;
	v10 =	vsel vm0, $0x1, v0  }
0x1f: {  	v62 =	vsel vm1, $0x1, v0;
	(xrf0) =	vadd.scan.msk.s32 $0xffff, v10  }
0x20: {  	(xrf0) =	vadd.scan.msk.s32 $0xffff, v62;
	_ =	sdelay $0x4  }
0x21: {  	v10, _, _ =	vpop (xrf0)  }
0x22: {  	v6 =	vadd.s32 v6, v8;
	v63, _, _ =	vpop (xrf0)  }
0x23: {  	v7 =	vadd.s32 v7, v10;
	v6 =	vadd.s32 v63, v6  }
0x24: {  	v6 =	vsel vm0, v7, v6  }
0x25: {  	v6 =	vadd.s32 $0xFFFFFFFF, v6  }
0x26: {  	s0 =	sadd.s32 @p0 $0x10, s0;
	vm14 =	vle.u32 v9, v5;
	vm15 =	vlt.s32 v6, $0x60  }
0x27: {  	s28 =	smov.u32 @p0 s0;
	vm0 =	vmand vm14, vm15  }
0x28: {  	v5 =	vld [tilespmem:s28+$0x0];
	_ =	sdelay $0x4  }
0x29: {  	[tilespmem:v6+s21+$0x0] =	vst.idx.msk vm0, v5  }
.LBB2_45:
0x2a: {  	v5 =	vld [tilespmem:$0x5880];
	_ =	sdelay $0x4  }
0x2b: {  	v6 =	vshll.u32 v5, $0x1  }
0x2c: {  	v5 =	vand.u32 $0x7, v5;
	v6 =	vand.u32 $0xFFFFFFF0, v6  }
0x2d: {  	v7 =	vshrl.u32 v1, $0x3;
	v5 =	vor.u32 v5, v6;
	v6 =	vand.u32 $0x7, v1  }
0x2e: {  	v7 =	vmul.u32 $0x8, v7;
	v8 =	vperm.xlane v5, v6  }
0x2f: {  	v9 =	vor.u32 $0x8, v1  }
0x30: {  	v5 =	vperm.xlane v5, v9;
	v8 =	vadd.s32 v7, v8;
	_ =	sdelay $0x1  }
0x31: {  	v5 =	vadd.s32 v7, v5;
	_ =	sdelay $0x1  }
0x32: {  	vm0 =	vmmov $0xffff  }
0x33: {  	[tilespmem:s22], [sflag:$0x1] =	stream.indirect_vreg.gather [hbm4b:s4+s1], $0x80, v8, vm0, $0xb8;
	[tilespmem:$0x17D80] =	vst v63  }
0x34: {  	s0 =	simm.s32 $0x6100  }
0x35: {  	[tilespmem:s0], [sflag:$0x1] =	stream.indirect_vreg.gather [hbm4b:s4+s1], $0x80, v5, vm0, $0xb8;
	[tilespmem:$0x17D80] =	vst v63  }
0x36: {  	v5 =	vld [tilespmem:$0x5890];
	_ =	sdelay $0x4  }
0x37: {  	v59 =	vshll.u32 v5, $0x1  }
0x38: {  	v5 =	vand.u32 $0x7, v5;
	v8 =	vand.u32 $0xFFFFFFF0, v59  }
0x39: {  	v5 =	vor.u32 v5, v8  }
0x3a: {  	v8 =	vperm.xlane v5, v6;
	_ =	sdelay $0x1  }
0x3b: {  	v5 =	vperm.xlane v5, v9;
	v8 =	vadd.s32 v7, v8;
	_ =	sdelay $0x1  }
0x3c: {  	v5 =	vadd.s32 v7, v5;
	_ =	sdelay $0x1  }
0x3d: {  	s26 =	simm.s32 $0x6900  }
0x3e: {  	[tilespmem:s26], [sflag:$0x1] =	stream.indirect_vreg.gather [hbm4b:s4+s1], $0x80, v8, vm0, $0xb8;
	[tilespmem:$0x17D80] =	vst v63  }
0x3f: {  	s28 =	simm.s32 $0x7100  }
0x40: {  	[tilespmem:s28], [sflag:$0x1] =	stream.indirect_vreg.gather [hbm4b:s4+s1], $0x80, v5, vm0, $0xb8;
	[tilespmem:$0x17D80] =	vst v63  }
0x41: {  	v5 =	vld [tilespmem:$0x58A0];
	_ =	sdelay $0x4  }
0x42: {  	v60 =	vshll.u32 v5, $0x1  }
0x43: {  	v5 =	vand.u32 $0x7, v5;
	v8 =	vand.u32 $0xFFFFFFF0, v60  }
0x44: {  	v5 =	vor.u32 v5, v8  }
0x45: {  	v8 =	vperm.xlane v5, v6;
	_ =	sdelay $0x1  }
0x46: {  	v5 =	vperm.xlane v5, v9;
	v8 =	vadd.s32 v7, v8;
	_ =	sdelay $0x1  }
0x47: {  	v5 =	vadd.s32 v7, v5;
	_ =	sdelay $0x1  }
0x48: {  	s29 =	simm.s32 $0x7900  }
0x49: {  	[tilespmem:s29], [sflag:$0x1] =	stream.indirect_vreg.gather [hbm4b:s4+s1], $0x80, v8, vm0, $0xb8;
	[tilespmem:$0x17D80] =	vst v63  }
0x4a: {  	s30 =	simm.s32 $0x8100  }
0x4b: {  	[tilespmem:s30], [sflag:$0x1] =	stream.indirect_vreg.gather [hbm4b:s4+s1], $0x80, v5, vm0, $0xb8;
	[tilespmem:$0x17D80] =	vst v63  }
0x4c: {  	v5 =	vld [tilespmem:$0x58B0];
	_ =	sdelay $0x4  }
0x4d: {  	v61 =	vshll.u32 v5, $0x1  }
0x4e: {  	v5 =	vand.u32 $0x7, v5;
	v8 =	vand.u32 $0xFFFFFFF0, v61  }
0x4f: {  	v5 =	vor.u32 v5, v8  }
0x50: {  	v8 =	vperm.xlane v5, v6;
	_ =	sdelay $0x1  }
0x51: {  	v5 =	vperm.xlane v5, v9;
	v8 =	vadd.s32 v7, v8;
	_ =	sdelay $0x1  }
0x52: {  	v5 =	vadd.s32 v7, v5;
	_ =	sdelay $0x1  }
0x53: {  	s31 =	simm.s32 $0x8900  }
0x54: {  	[tilespmem:s31], [sflag:$0x1] =	stream.indirect_vreg.gather [hbm4b:s4+s1], $0x80, v8, vm0, $0xb8;
	[tilespmem:$0x17D80] =	vst v63  }
0x55: {  	s5 =	simm.s32 $0x9100  }
0x56: {  	[tilespmem:s5], [sflag:$0x1] =	stream.indirect_vreg.gather [hbm4b:s4+s1], $0x80, v5, vm0, $0xb8;
	[tilespmem:$0x17D80] =	vst v63  }
0x57: {  	v5 =	vld [tilespmem:$0x58C0];
	_ =	sdelay $0x4  }
0x58: {  	v62 =	vshll.u32 v5, $0x1  }
0x59: {  	v5 =	vand.u32 $0x7, v5;
	v8 =	vand.u32 $0xFFFFFFF0, v62  }
0x5a: {  	v5 =	vor.u32 v5, v8  }
0x5b: {  	v8 =	vperm.xlane v5, v6;
	_ =	sdelay $0x1  }
0x5c: {  	v5 =	vperm.xlane v5, v9;
	v8 =	vadd.s32 v7, v8;
	_ =	sdelay $0x1  }
0x5d: {  	v5 =	vadd.s32 v7, v5;
	_ =	sdelay $0x1  }
0x5e: {  	s6 =	simm.s32 $0x9900  }
0x5f: {  	[tilespmem:s6], [sflag:$0x1] =	stream.indirect_vreg.gather [hbm4b:s4+s1], $0x80, v8, vm0, $0xb8;
	[tilespmem:$0x17D80] =	vst v63  }
0x60: {  	s26 =	simm.s32 $0xA100  }
0x61: {  	[tilespmem:s26], [sflag:$0x1] =	stream.indirect_vreg.gather [hbm4b:s4+s1], $0x80, v5, vm0, $0xb8;
	[tilespmem:$0x17D80] =	vst v63  }
0x62: {  	v5 =	vld [tilespmem:$0x58D0];
	_ =	sdelay $0x4  }
0x63: {  	v63 =	vshll.u32 v5, $0x1  }
0x64: {  	v5 =	vand.u32 $0x7, v5;
	v8 =	vand.u32 $0xFFFFFFF0, v63  }
0x65: {  	v5 =	vor.u32 v5, v8  }
0x66: {  	v6 =	vperm.xlane v5, v6;
	_ =	sdelay $0x1  }
0x67: {  	v5 =	vperm.xlane v5, v9;
	v6 =	vadd.s32 v7, v6;
	_ =	sdelay $0x1  }
0x68: {  	v5 =	vadd.s32 v7, v5;
	_ =	sdelay $0x1  }
0x69: {  	s28 =	simm.s32 $0xA900  }
0x6a: {  	[tilespmem:s28], [sflag:$0x1] =	stream.indirect_vreg.gather [hbm4b:s4+s1], $0x80, v6, vm0, $0xb8;
	[tilespmem:$0x17D80] =	vst v63  }
0x6b: {  	s29 =	simm.s32 $0xB100  }
0x6c: {  	[tilespmem:s29], [sflag:$0x1] =	stream.indirect_vreg.gather [hbm4b:s4+s1], $0x80, v5, vm0, $0xb8;
	[tilespmem:$0x17D80] =	vst v63  }
0x6d: {  	v5 =	vld [tilespmem:$0x5880];
	_ =	sdelay $0x6  }
0x6e: {  	v6 =	vld [tilespmem:$0x5890]  }
0x6f: {  	v5 =	vld.idx.msk [tilespmem:v5+s11+$0x0], $0xffff;
	_ =	sdelay $0x4  }
0x70: {  	v5 =	vcvt.s32.f32 v5;
	_ =	sdelay $0x1  }
0x71: {  	[tilespmem:$0x17D00] =	vst v5  }
0x72: {  	v5 =	vld.idx.msk [tilespmem:v6+s11+$0x0], $0xffff  }
0x73: {  	v6 =	vld [tilespmem:$0x58A0];
	_ =	sdelay $0x4  }
0x74: {  	v5 =	vcvt.s32.f32 v5;
	_ =	sdelay $0x1  }
0x75: {  	[tilespmem:$0x17D10] =	vst v5  }
0x76: {  	v5 =	vld.idx.msk [tilespmem:v6+s11+$0x0], $0xffff  }
0x77: {  	v6 =	vld [tilespmem:$0x58B0];
	_ =	sdelay $0x4  }
0x78: {  	v5 =	vcvt.s32.f32 v5;
	_ =	sdelay $0x1  }
0x79: {  	[tilespmem:$0x17D20] =	vst v5  }
0x7a: {  	v5 =	vld.idx.msk [tilespmem:v6+s11+$0x0], $0xffff  }
0x7b: {  	v6 =	vld [tilespmem:$0x58C0];
	_ =	sdelay $0x4  }
0x7c: {  	v5 =	vcvt.s32.f32 v5;
	_ =	sdelay $0x1  }
0x7d: {  	[tilespmem:$0x17D30] =	vst v5  }
0x7e: {  	v5 =	vld.idx.msk [tilespmem:v6+s11+$0x0], $0xffff  }
0x7f: {  	v6 =	vld [tilespmem:$0x58D0];
	_ =	sdelay $0x4  }
0x80: {  	v5 =	vcvt.s32.f32 v5;
	_ =	sdelay $0x1  }
0x81: {  	[tilespmem:$0x17D40] =	vst v5  }
0x82: {  	v5 =	vld.idx.msk [tilespmem:v6+s11+$0x0], $0xffff;
	_ =	sdelay $0x4  }
0x83: {  	[tilespmem:$0x17D60] =	vst v4;
	v5 =	vcvt.s32.f32 v5  }
0x84: {  	[tilespmem:$0x17D70] =	vst v4  }
0x85: {  	s30 =	sadd.s32 s8, s25;
	[tilespmem:$0x17D50] =	vst v5  }
0x86: {  	[hbm4b:s30+s1] =	stream.linear.scatter [tilespmem:s10], [sflag:$0x4], $0x80, $0x38;
	[tilespmem:$0x17D80] =	vst v63  }
0x87: {  	_ =	swait.ge [sflag:s12], $0x80  }
0x88: {  	[sflag:s12] =	ssyncset.done $0x0  }
0x89: {  	[sflag:s12] =	ssyncadd.s32 $0xFFFFFF80  }
0x8a: {  	s23 =	sadd.s32 $0x1, s23;
	s31 =	smul.u32 $0xC00, s24;
	_ =	swait.ge [sflag:s20], $0x6000  }
0x8b: {  	p0 =	sne.s32 s23, $0x10;
	[sflag:s20] =	ssyncset.done $0x0  }
.Ltmp3:
0x8c: {  	s0 =	sadd.s32 s7, s31;
	[sflag:s20] =	ssyncadd.s32 $0xFFFFA000;
	(pc) =	sbr.rel @!p0 .LBB2_46-.Ltmp3, $4  }
0x8d: {  	[hbm4b:s0+s1] =	stream.linear.scatter [tilespmem:s22], [sflag:$0x4], $0x6000, $0x38;
	[tilespmem:$0x17D80] =	vst v63  }
0x8e: {  	_ =	swait.ge [sflag:s12], $0x6000  }
0x8f: {  	[sflag:s12] =	ssyncset.done $0x0  }
0x90: {  	[sflag:s12] =	ssyncadd.s32 $0xFFFFA000  }
.LBB2_2:
0x91: {  	s24 =	sadd.s32 s9, s23  }
0x92: {  	s5 =	sshll.u32 s23, $0x4;
	s0 =	sshll.u32 s24, $0x4  }
0x93: {  	s5 =	sand.u32 $0x70, s5;
	s26 =	smul.u32 $0x7, s24;
	s0 =	sand.u32 $0x1F80, s0  }
0x94: {  	s28 =	simm.s32 $0x0;
	s25 =	sor.u32 s5, s0  }
0x95: {  	s6 =	smul.u32 $0x380, s24;
	s5 =	sshrl.u32 s26, $0x3;
	s0 =	sadd.s32 s3, s25  }
0x96: {  	[tilespmem:s28], [sflag:$0x4] =	stream.linear.gather [hbm4b:s0+s28], $0x80, $0x38;
	[tilespmem:$0x17D80] =	vst v63  }
0x97: {  	s0 =	smul.u32 $0xE000, s5  }
0x98: {  	s5 =	sand.u32 $0x380, s6  }
0x99: {  	_ =	swait.ge [sflag:s12], $0x80;
	s0 =	sor.u32 s5, s0  }
0x9a: {  	[sflag:s12] =	ssyncset.done $0x0;
	s0 =	sshrl.u32 s0, $0x3  }
0x9b: {  	[sflag:s12] =	ssyncadd.s32 $0xFFFFFF80;
	s0 =	sadd.s32 s2, s0  }
0x9c: {  	v5 =	vld [tilespmem:$0x0];
	[tilespmem:s14], [sflag:$0x2] =	stream.strided.gather [hbm4b:s0+s14], $0x1C00, s13, s14, $0x38  }
0x9d: {  	s0 =	sadd.s32 $0x1, s26  }
0x9e: {  	s6 =	sshrl.u32 s0, $0x3  }
0x9f: {  	s0 =	sshll.u32 s0, $0x7;
	s5 =	smul.u32 $0xE000, s6  }
0xa0: {  	s0 =	sand.u32 $0x380, s0  }
0xa1: {  	s0 =	sor.u32 s0, s5  }
0xa2: {  	s0 =	sshrl.u32 s0, $0x3  }
0xa3: {  	s0 =	sadd.s32 s2, s0  }
0xa4: {  	[tilespmem:s15], [sflag:$0x3] =	stream.strided.gather [hbm4b:s0+s14], $0x1C00, s13, s14, $0x38;
	[tilespmem:$0x17D80] =	vst v63  }
0xa5: {  	_ =	swait.ge [sflag:s16], $0x1C00  }
0xa6: {  	[sflag:s16] =	ssyncset.done $0x0  }
0xa7: {  	s5 =	simm.s32 $0xA0;
	[sflag:s16] =	ssyncadd.s32 $0xFFFFE400  }
0xa8: {  	v21 =	vld [tilespmem:s5+$0xFFFFFFF0]  }
0xa9: {  	v6 =	vld [tilespmem:s5+$0x10]  }
0xaa: {  	v15 =	vld [tilespmem:s5+$0x0]  }
0xab: {  	v12 =	vld [tilespmem:s5+$0xFFFFFFE0];
	_ =	sdelay $0x1  }
0xac: {  	vm1 =	vle.f32 v21, v5  }
0xad: {  	s5 =	simm.s32 $0xE0;
	vm0 =	vle.f32 v6, v5;
	v7 =	vsel vm1, $0x1, v0  }
0xae: {  	v11 =	vld [tilespmem:s5+$0x0];
	vm2 =	vle.f32 v15, v5;
	(xrf0) =	vadd.scan.msk.s32 $0xffff, v7;
	v7 =	vsel vm0, $0x1, v0  }
0xaf: {  	vm3 =	vle.f32 v12, v5;
	v8 =	vsel vm2, $0x1, v0;
	(xrf0) =	vadd.scan.msk.s32 $0xffff, v7  }
0xb0: {  	v7 =	vsel vm3, $0x1, v0;
	(xrf0) =	vadd.scan.msk.s32 $0xffff, v8  }
0xb1: {  	v13 =	vimm.s32 $0x0;
	s6 =	simm.s32 $0x10;
	v8 =	vmpcnt.ones.xlane vm3;
	(xrf0) =	vadd.scan.msk.s32 $0xffff, v7;
	v7 =	vld [tilespmem:s5+$0x10]  }
0xb2: {  	v14 =	vor.u32 s6, v1;
	vm4 =	vmmov vm2;
	v18 =	vmpcnt.ones.xlane vm1  }
0xb3: {  	vm7 =	vle.f32 v11, v5;
	vm0 =	vmmov vm0;
	v17 =	vadd.s32 v13, v8;
	v8 =	vld [tilespmem:s5+$0xFFFFFFF0]  }
0xb4: {  	s6 =	simm.s32 $0x50;
	v20 =	vmpcnt.ones.xlane vm4;
	v22 =	vmpcnt.ones.xlane vm0;
	vm3 =	vmmov vm3;
	v9, _, _ =	vpop (xrf0)  }
0xb5: {  	v10 =	vadd.s32 v9, v17;
	v9 =	vor.u32 s6, v1;
	v19, _, _ =	vpop (xrf0);
	v17 =	vadd.s32 v17, v18  }
0xb6: {  	v16 =	vadd.s32 $0xFFFFFFFF, v10;
	v10 =	vld [tilespmem:s5+$0xFFFFFFE0];
	v18, _, _ =	vpop (xrf0);
	v20 =	vadd.s32 v17, v20;
	vm8 =	vle.f32 v7, v5  }
0xb7: {  	vm2 =	vlt.s32 v16, $0x1000;
	v18 =	vadd.s32 v18, v17;
	v23, _, _ =	vpop (xrf0);
	v19 =	vadd.s32 v19, v20  }
0xb8: {  	vm2 =	vmand vm1, vm2;
	vm1 =	vle.f32 v8, v5;
	v13 =	vadd.s32 v23, v13  }
0xb9: {  	v17 =	vadd.s32 $0xFFFFFFFF, v18;
	v23 =	vsel vm8, $0x1, v0;
	v18 =	vsel vm1, $0x1, v0  }
0xba: {  	v13 =	vadd.s32 $0xFFFFFFFF, v13;
	vm5 =	vlt.s32 v17, $0x1000;
	(xrf0) =	vadd.scan.msk.s32 $0xffff, v18;
	v18 =	vsel vm7, $0x1, v0  }
0xbb: {  	vm4 =	vmand vm4, vm5;
	vm5 =	vlt.s32 v13, $0x1000;
	vm6 =	vle.f32 v10, v5;
	(xrf0) =	vadd.scan.msk.s32 $0xffff, v23  }
0xbc: {  	v23 =	vsel vm6, $0x1, v0;
	v24 =	vmpcnt.ones.xlane vm6;
	(xrf0) =	vadd.scan.msk.s32 $0xffff, v18;
	v18 =	vadd.s32 $0xFFFFFFFF, v19  }
0xbd: {  	s29 =	simm.s32 $0x40;
	s30 =	simm.s32 $0x4;
	vm3 =	vmand vm3, vm5;
	v19 =	vadd.s32 v20, v22;
	(xrf0) =	vadd.scan.msk.s32 $0xffff, v23;
	vm5 =	vlt.s32 v18, $0x1000  }
0xbe: {  	s31 =	simm.s32 $0x80;
	s0 =	simm.s32 $0x120;
	s5 =	simm.s32 $0x30;
	v20 =	vadd.s32 v19, v24;
	[tilespmem:v16+s17+$0x0] =	vst.idx.msk vm2, v21;
	vm5 =	vmand vm0, vm5;
	vm0 =	vmmov vm8  }
.LBB2_3:
0xbf: {  	v23 =	vor.u32 s28, v1  }
0xc0: {  	s6 =	sadd.s32 $0x10, s31;
	v21 =	vld [tilespmem:s0+$0xFFFFFFF0];
	s30 =	sadd.s32 $0x4, s30;
	v22, _, _ =	vpop (xrf0);
	v24 =	vor.u32 s5, v1;
	vm9 =	vmmov vm7;
	vm8 =	vmmov vm6  }
0xc1: {  	v31 =	vmpcnt.ones.xlane vm1;
	s5 =	sadd.s32 $0x20, s28;
	s28 =	smov.u32 s29;
	v25 =	vor.u32 s6, v1;
	v26 =	vld [tilespmem:s0+$0x10];
	p0 =	slt.u32 s30, $0x1BC;
	v22 =	vadd.s32 v22, v20;
	v28, _, _ =	vpop (xrf0);
	[tilespmem:v16+s18+$0x0] =	vst.idx.msk vm2, v14  }
0xc2: {  	s29 =	smov.u32 s31;
	v30 =	vor.u32 s5, v1;
	v14 =	vmovc v9;
	v29 =	vld [tilespmem:s0+$0x0];
	v16 =	vadd.s32 $0xFFFFFFFF, v22;
	v22 =	vmpcnt.ones.xlane vm9;
	[tilespmem:v17+s17+$0x0] =	vst.idx.msk vm4, v15;
	v9 =	vmovc v25  }
0xc3: {  	v31 =	vadd.s32 v20, v31;
	v20 =	vmpcnt.ones.xlane vm0;
	v25 =	vld [tilespmem:s0+$0xFFFFFFE0];
	vm2 =	vlt.s32 v16, $0x1000;
	v27, _, _ =	vpop (xrf0);
	[tilespmem:v17+s18+$0x0] =	vst.idx.msk vm4, v30  }
0xc4: {  	vm2 =	vmand vm1, vm2;
	v17 =	vadd.s32 v27, v31;
	v22 =	vadd.s32 v31, v22;
	v15, _, _ =	vpop (xrf0);
	[tilespmem:v13+s17+$0x0] =	vst.idx.msk vm3, v12  }
0xc5: {  	vm1 =	vle.f32 v21, v5;
	v12 =	vadd.s32 v15, v19;
	v17 =	vadd.s32 $0xFFFFFFFF, v17;
	[tilespmem:v18+s17+$0x0] =	vst.idx.msk vm5, v6  }
0xc6: {  	v6 =	vmovc v7;
	v19 =	vsel vm1, $0x1, v0;
	vm10 =	vle.f32 v26, v5;
	[tilespmem:v13+s18+$0x0] =	vst.idx.msk vm3, v23;
	v13 =	vadd.s32 $0xFFFFFFFF, v12  }
0xc7: {  	v7 =	vmovc v26;
	vm7 =	vle.f32 v29, v5;
	v27 =	vsel vm10, $0x1, v0;
	(xrf0) =	vadd.scan.msk.s32 $0xffff, v19;
	[tilespmem:v18+s18+$0x0] =	vst.idx.msk vm5, v24  }
.Ltmp4:
0xc8: {  	v15 =	vmovc v11;
	vm3 =	vlt.s32 v17, $0x1000;
	vm6 =	vle.f32 v25, v5;
	v18 =	vsel vm7, $0x1, v0;
	(xrf0) =	vadd.scan.msk.s32 $0xffff, v27;
	(pc) =	sbr.rel @p0 .LBB2_3-.Ltmp4, $4  }
0xc9: {  	v23 =	vadd.s32 v28, v22;
	vm4 =	vmand vm9, vm3;
	v11 =	vmovc v29;
	v12 =	vmovc v10;
	v19 =	vsel vm6, $0x1, v0  }
0xca: {  	vm3 =	vlt.s32 v13, $0x1000;
	v10 =	vmovc v25;
	v24 =	vmpcnt.ones.xlane vm6;
	(xrf0) =	vadd.scan.msk.s32 $0xffff, v18;
	v18 =	vadd.s32 $0xFFFFFFFF, v23  }
0xcb: {  	vm3 =	vmand vm8, vm3;
	(xrf0) =	vadd.scan.msk.s32 $0xffff, v19;
	vm5 =	vlt.s32 v18, $0x1000;
	v19 =	vadd.s32 v22, v20  }
0xcc: {  	s31 =	sadd.s32 $0x40, s31;
	s5 =	sadd.s32 $0x30, s28;
	s0 =	sadd.s32 $0x40, s0;
	v20 =	vadd.s32 v19, v24;
	[tilespmem:v16+s17+$0x0] =	vst.idx.msk vm2, v8;
	vm5 =	vmand vm0, vm5;
	v8 =	vmovc v21;
	vm0 =	vmmov vm10  }
0xcd: {  	_ = 	snop  }
0xce: {  	v22 =	vmpcnt.ones.xlane vm1;
	_ =	sdelay $0x1  }
0xcf: {  	v21, _, _ =	vpop (xrf0)  }
0xd0: {  	vm7 =	vmmov vm7;
	v21 =	vadd.s32 v21, v20;
	v24, _, _ =	vpop (xrf0)  }
0xd1: {  	[tilespmem:v16+s18+$0x0] =	vst.idx.msk vm2, v14;
	v14 =	vmpcnt.ones.xlane vm7;
	v21 =	vadd.s32 $0xFFFFFFFF, v21;
	v20 =	vadd.s32 v20, v22;
	v22, _, _ =	vpop (xrf0)  }
0xd2: {  	v23 =	vor.u32 s28, v1;
	vm2 =	vlt.s32 v21, $0x1000;
	v16 =	vadd.s32 v22, v20  }
0xd3: {  	s0 =	sadd.s32 $0x20, s28;
	[tilespmem:v17+s17+$0x0] =	vst.idx.msk vm4, v15;
	v14 =	vadd.s32 v20, v14;
	vm1 =	vmand vm1, vm2;
	v15, _, _ =	vpop (xrf0);
	v16 =	vadd.s32 $0xFFFFFFFF, v16  }
0xd4: {  	[tilespmem:v13+s17+$0x0] =	vst.idx.msk vm3, v12;
	v22 =	vor.u32 s0, v1;
	v15 =	vadd.s32 v15, v19;
	vm2 =	vlt.s32 v16, $0x1000  }
0xd5: {  	[tilespmem:v18+s17+$0x0] =	vst.idx.msk vm5, v6;
	v12 =	vadd.s32 $0xFFFFFFFF, v15;
	v15 =	vadd.s32 v24, v14;
	vm2 =	vmand vm7, vm2  }
0xd6: {  	[tilespmem:v17+s18+$0x0] =	vst.idx.msk vm4, v22;
	vm4 =	vmmov vm6;
	vm6 =	vlt.s32 v12, $0x1000;
	v6 =	vadd.s32 $0xFFFFFFFF, v15  }
0xd7: {  	[tilespmem:v13+s18+$0x0] =	vst.idx.msk vm3, v23;
	v15 =	vor.u32 s5, v1;
	vm3 =	vmand vm4, vm6;
	vm4 =	vlt.s32 v6, $0x1000  }
0xd8: {  	[tilespmem:v18+s18+$0x0] =	vst.idx.msk vm5, v15;
	vm4 =	vmand vm0, vm4  }
0xd9: {  	[tilespmem:v21+s17+$0x0] =	vst.idx.msk vm1, v8  }
0xda: {  	s6 =	sadd.s32 $0x20, s29;
	s5 =	sadd.s32 $0x2, s26;
	[tilespmem:v21+s18+$0x0] =	vst.idx.msk vm1, v9  }
0xdb: {  	v8 =	vor.u32 s6, v1;
	s6 =	sshrl.u32 s5, $0x3;
	[tilespmem:v16+s17+$0x0] =	vst.idx.msk vm2, v11  }
0xdc: {  	s5 =	sshll.u32 s5, $0x7;
	s0 =	smul.u32 $0xE000, s6;
	[tilespmem:v16+s18+$0x0] =	vst.idx.msk vm2, v8  }
0xdd: {  	s5 =	sand.u32 $0x380, s5;
	[tilespmem:v12+s17+$0x0] =	vst.idx.msk vm3, v10  }
0xde: {  	s6 =	sadd.s32 $0x30, s29;
	s0 =	sor.u32 s5, s0;
	v8 =	vor.u32 s29, v1;
	[tilespmem:v6+s17+$0x0] =	vst.idx.msk vm4, v7  }
0xdf: {  	s0 =	sshrl.u32 s0, $0x3;
	v7 =	vor.u32 s6, v1;
	[tilespmem:v12+s18+$0x0] =	vst.idx.msk vm3, v8  }
0xe0: {  	s0 =	sadd.s32 s2, s0;
	[tilespmem:v6+s18+$0x0] =	vst.idx.msk vm4, v7  }
0xe1: {  	[tilespmem:s14], [sflag:$0x2] =	stream.strided.gather [hbm4b:s0+s14], $0x1C00, s13, s14, $0x38;
	[tilespmem:$0x17D80] =	vst v63  }
0xe2: {  	_ =	swait.ge [sflag:s19], $0x1C00  }
0xe3: {  	[sflag:s19] =	ssyncset.done $0x0  }
0xe4: {  	s5 =	simm.s32 $0x1CA0;
	[sflag:s19] =	ssyncadd.s32 $0xFFFFE400  }
0xe5: {  	v12 =	vld [tilespmem:s5+$0xFFFFFFE0]  }
0xe6: {  	v15 =	vld [tilespmem:s5+$0xFFFFFFF0];
	_ =	sdelay $0x1  }
0xe7: {  	v11 =	vld [tilespmem:s5+$0x0]  }
0xe8: {  	v6 =	vld [tilespmem:s5+$0x10]  }
0xe9: {  	vm2 =	vle.f32 v12, v5  }
0xea: {  	vm1 =	vle.f32 v15, v5;
	v7 =	vsel vm2, $0x1, v0  }
0xeb: {  	v8 =	vsel vm1, $0x1, v0;
	(xrf0) =	vadd.scan.msk.s32 $0xffff, v7  }
0xec: {  	v7 =	vmpcnt.ones.xlane vm0;
	(xrf0) =	vadd.scan.msk.s32 $0xffff, v8  }
0xed: {  	vm3 =	vle.f32 v6, v5;
	vm0 =	vle.f32 v11, v5;
	v8 =	vmpcnt.ones.xlane vm2  }
0xee: {  	v10 =	vmpcnt.ones.xlane vm1;
	v9 =	vsel vm0, $0x1, v0;
	v7 =	vadd.s32 v14, v7  }
0xef: {  	v13 =	vsel vm3, $0x1, v0;
	(xrf0) =	vadd.scan.msk.s32 $0xffff, v9;
	v9 =	vadd.s32 v7, v8;
	v8 =	vmpcnt.ones.xlane vm0  }
0xf0: {  	s0 =	simm.s32 $0x1CE0;
	(xrf0) =	vadd.scan.msk.s32 $0xffff, v13;
	v14 =	vadd.s32 v9, v10;
	v10 =	vmpcnt.ones.xlane vm3  }
0xf1: {  	v13 =	vadd.s32 v14, v8;
	v8 =	vld [tilespmem:s0+$0xFFFFFFE0];
	v16, _, _ =	vpop (xrf0)  }
0xf2: {  	v17 =	vadd.s32 v13, v10;
	v10 =	vadd.s32 v16, v7;
	v16, _, _ =	vpop (xrf0)  }
0xf3: {  	v7 =	vld [tilespmem:s0+$0xFFFFFFF0];
	v18 =	vadd.s32 $0xFFFFFFFF, v10;
	v9 =	vadd.s32 v16, v9  }
0xf4: {  	v10 =	vld [tilespmem:s0+$0x0];
	vm4 =	vlt.s32 v18, $0x1000;
	v23 =	vadd.s32 $0xFFFFFFFF, v9  }
0xf5: {  	v16, _, _ =	vpop (xrf0);
	v9 =	vld [tilespmem:s0+$0x10];
	vm7 =	vmand vm2, vm4;
	vm2 =	vlt.s32 v23, $0x1000  }
0xf6: {  	v14 =	vadd.s32 v16, v14;
	v16, _, _ =	vpop (xrf0);
	vm6 =	vmand vm1, vm2;
	vm2 =	vle.f32 v8, v5  }
0xf7: {  	s6 =	simm.s32 $0x1C00;
	v13 =	vadd.s32 v16, v13;
	v16 =	vsel vm2, $0x1, v0  }
0xf8: {  	v19 =	vor.u32 s6, v1;
	vm1 =	vle.f32 v7, v5;
	(xrf0) =	vadd.scan.msk.s32 $0xffff, v16  }
0xf9: {  	vm0 =	vmmov vm0;
	v20 =	vmpcnt.ones.xlane vm2;
	v21 =	vsel vm1, $0x1, v0  }
0xfa: {  	v16 =	vmpcnt.ones.xlane vm1;
	vm8 =	vle.f32 v10, v5;
	vm9 =	vle.f32 v9, v5  }
0xfb: {  	(xrf0) =	vadd.scan.msk.s32 $0xffff, v21;
	v63 =	vadd.s32 v17, v20;
	[tilespmem:v18+s17+$0x0] =	vst.idx.msk vm7, v12;
	v12 =	vsel vm9, $0x1, v0  }
0xfc: {  	v14 =	vadd.s32 $0xFFFFFFFF, v14;
	v20 =	vadd.s32 v63, v16;
	v16 =	vsel vm8, $0x1, v0  }
0xfd: {  	vm3 =	vmmov vm3;
	vm4 =	vlt.s32 v14, $0x1000;
	v13 =	vadd.s32 $0xFFFFFFFF, v13;
	(xrf0) =	vadd.scan.msk.s32 $0xffff, v16  }
0xfe: {  	vm10 =	vlt.s32 v13, $0x1000;
	vm5 =	vmand vm0, vm4;
	v21 =	vmpcnt.ones.xlane vm8;
	(xrf0) =	vadd.scan.msk.s32 $0xffff, v12;
	v12, _, _ =	vpop (xrf0)  }
0xff: {  	vm4 =	vmand vm3, vm10;
	v22 =	vmpcnt.ones.xlane vm9;
	v17 =	vadd.s32 v12, v17  }
0x100: {  	s30 =	simm.s32 $0x1D20;
	s6 =	simm.s32 $0x1C10;
	s0 =	simm.s32 $0x1C30;
	vm3 =	vmmov vm8;
	vm0 =	vmmov vm9;
	v21 =	vadd.s32 v20, v21;
	[tilespmem:v18+s18+$0x0] =	vst.idx.msk vm7, v19  }
0x101: {  	s31 =	simm.s32 $0x8;
	v16 =	vadd.s32 v21, v22;
	v18 =	vor.u32 s6, v1;
	[tilespmem:v23+s17+$0x0] =	vst.idx.msk vm6, v15;
	v15 =	vld [tilespmem:s30+$0xFFFFFFE0];
	s6 =	simm.s32 $0x1C40;
	v22 =	vor.u32 s0, v1;
	v25, _, _ =	vpop (xrf0)  }
0x102: {  	s28 =	simm.s32 $0x1C70;
	s29 =	simm.s32 $0x1C70;
	s0 =	simm.s32 $0x1C20;
	[tilespmem:v23+s18+$0x0] =	vst.idx.msk vm6, v18;
	v19 =	vor.u32 s6, v1;
	v12 =	vld [tilespmem:s30+$0xFFFFFFF0];
	v18 =	vadd.s32 $0xFFFFFFFF, v17;
	v23 =	vadd.s32 v25, v63;
	v17 =	vmovc v16  }
.LBB2_5:
0x103: {  	s31 =	sadd.s32 $0x4, s31;
	v24 =	vld [tilespmem:s30+$0x0];
	vm6 =	vlt.s32 v18, $0x1000;
	v23 =	vadd.s32 $0xFFFFFFFF, v23;
	v25, _, _ =	vpop (xrf0);
	v26 =	vor.u32 s0, v1  }
0x104: {  	p0 =	slt.u32 s31, $0x1BC;
	v27 =	vld [tilespmem:s30+$0x10];
	vm7 =	vmand vm2, vm6;
	vm2 =	vlt.s32 v23, $0x1000;
	v20 =	vadd.s32 v25, v20;
	v25, _, _ =	vpop (xrf0);
	[tilespmem:v14+s17+$0x0] =	vst.idx.msk vm5, v11  }
0x105: {  	v11 =	vmovc v10;
	vm6 =	vmand vm1, vm2;
	v21 =	vadd.s32 v25, v21;
	[tilespmem:v14+s18+$0x0] =	vst.idx.msk vm5, v26;
	v14 =	vadd.s32 $0xFFFFFFFF, v20  }
0x106: {  	vm2 =	vle.f32 v15, v5;
	vm5 =	vlt.s32 v14, $0x1000;
	v25 =	vadd.s32 $0xFFFFFFFF, v21;
	[tilespmem:v13+s17+$0x0] =	vst.idx.msk vm4, v6;
	v6 =	vmovc v9  }
0x107: {  	v26 =	vsel vm2, $0x1, v0;
	v20 =	vmpcnt.ones.xlane vm2;
	vm1 =	vle.f32 v12, v5;
	[tilespmem:v13+s18+$0x0] =	vst.idx.msk vm4, v22;
	v13 =	vmovc v25  }
0x108: {  	v21 =	vsel vm1, $0x1, v0;
	v22 =	vmpcnt.ones.xlane vm1;
	vm8 =	vle.f32 v24, v5;
	(xrf0) =	vadd.scan.msk.s32 $0xffff, v26;
	v10 =	vmovc v24  }
0x109: {  	v24 =	vadd.s32 v16, v20;
	v16 =	vmpcnt.ones.xlane vm8;
	vm9 =	vle.f32 v27, v5;
	(xrf0) =	vadd.scan.msk.s32 $0xffff, v21;
	v9 =	vmovc v27  }
0x10a: {  	v20 =	vadd.s32 v24, v22;
	v22 =	vsel vm8, $0x1, v0;
	v25 =	vmpcnt.ones.xlane vm9;
	[tilespmem:v18+s17+$0x0] =	vst.idx.msk vm7, v8;
	v8 =	vmovc v15  }
0x10b: {  	vm4 =	vlt.s32 v13, $0x1000;
	v15 =	vsel vm9, $0x1, v0;
	v21 =	vadd.s32 v20, v16;
	(xrf0) =	vadd.scan.msk.s32 $0xffff, v22  }
.Ltmp5:
0x10c: {  	vm5 =	vmand vm3, vm5;
	vm4 =	vmand vm0, vm4;
	v16 =	vadd.s32 v21, v25;
	(xrf0) =	vadd.scan.msk.s32 $0xffff, v15;
	(pc) =	sbr.rel @p0 .LBB2_5-.Ltmp5, $4  }
0x10d: {  	s0 =	sadd.s32 $0xFFFFFFE0, s28;
	vm3 =	vmmov vm8;
	vm0 =	vmmov vm9;
	[tilespmem:v18+s18+$0x0] =	vst.idx.msk vm7, v19  }
0x10e: {  	s28 =	sadd.s32 $0x40, s28;
	s30 =	sadd.s32 $0x40, s30;
	v19 =	vor.u32 s0, v1;
	v18, _, _ =	vpop (xrf0);
	[tilespmem:v23+s17+$0x0] =	vst.idx.msk vm6, v7;
	v7 =	vmov v12  }
0x10f: {  	v22 =	vor.u32 s29, v1;
	s0 =	sadd.s32 $0xFFFFFFD0, s28;
	v15 =	vld [tilespmem:s30+$0xFFFFFFE0];
	v18 =	vadd.s32 v18, v17;
	v25, _, _ =	vpop (xrf0);
	[tilespmem:v23+s18+$0x0] =	vst.idx.msk vm6, v19;
	v17 =	vmov v16  }
0x110: {  	v19 =	vor.u32 s0, v1;
	s0 =	sadd.s32 $0xFFFFFFF0, s29;
	s29 =	smov.u32 s28;
	v12 =	vld [tilespmem:s30+$0xFFFFFFF0];
	v18 =	vadd.s32 $0xFFFFFFFF, v18;
	v23 =	vadd.s32 v25, v24  }
0x111: {  	_ =	sdelay $0x1  }
0x112: {  	v24 =	vld [tilespmem:s30+$0x0]  }
0x113: {  	vm7 =	vle.f32 v15, v5  }
0x114: {  	v25 =	vld [tilespmem:s30+$0x10];
	v26 =	vsel vm7, $0x1, v0  }
0x115: {  	vm8 =	vlt.s32 v18, $0x1000;
	[tilespmem:v14+s17+$0x0] =	vst.idx.msk vm5, v11;
	vm6 =	vle.f32 v12, v5;
	(xrf0) =	vadd.scan.msk.s32 $0xffff, v26  }
0x116: {  	v23 =	vadd.s32 $0xFFFFFFFF, v23;
	v61 =	vor.u32 s0, v1;
	[tilespmem:v13+s17+$0x0] =	vst.idx.msk vm4, v6;
	v11 =	vsel vm6, $0x1, v0  }
0x117: {  	v27, _, _ =	vpop (xrf0);
	vm8 =	vmand vm2, vm8;
	vm9 =	vlt.s32 v23, $0x1000;
	vm2 =	vle.f32 v24, v5;
	(xrf0) =	vadd.scan.msk.s32 $0xffff, v11  }
0x118: {  	[tilespmem:v14+s18+$0x0] =	vst.idx.msk vm5, v61;
	v14, _, _ =	vpop (xrf0);
	vm5 =	vmand vm1, vm9;
	v11 =	vadd.s32 v27, v20;
	v20 =	vsel vm2, $0x1, v0  }
0x119: {  	v14 =	vadd.s32 v14, v21;
	vm1 =	vle.f32 v25, v5;
	v11 =	vadd.s32 $0xFFFFFFFF, v11;
	(xrf0) =	vadd.scan.msk.s32 $0xffff, v20  }
0x11a: {  	[tilespmem:v13+s18+$0x0] =	vst.idx.msk vm4, v22;
	v14 =	vadd.s32 $0xFFFFFFFF, v14;
	v20 =	vsel vm1, $0x1, v0;
	vm13 =	vlt.s32 v11, $0x1000  }
0x11b: {  	v6 =	vmpcnt.ones.xlane vm7;
	vm4 =	vlt.s32 v14, $0x1000;
	(xrf0) =	vadd.scan.msk.s32 $0xffff, v20;
	vm3 =	vmand vm3, vm13;
	v21, _, _ =	vpop (xrf0)  }
0x11c: {  	vm0 =	vmand vm0, vm4;
	v20 =	vmpcnt.ones.xlane vm6;
	v13 =	vadd.s32 v21, v17  }
0x11d: {  	v6 =	vadd.s32 v16, v6;
	v16 =	vmpcnt.ones.xlane vm2;
	[tilespmem:v18+s17+$0x0] =	vst.idx.msk vm8, v8;
	v8, _, _ =	vpop (xrf0);
	v13 =	vadd.s32 $0xFFFFFFFF, v13  }
0x11e: {  	s6 =	sadd.s32 $0xFFFFFFE0, s28;
	[tilespmem:v18+s18+$0x0] =	vst.idx.msk vm8, v19;
	v17 =	vadd.s32 v6, v20;
	v6 =	vadd.s32 v8, v6;
	vm4 =	vlt.s32 v13, $0x1000  }
0x11f: {  	[tilespmem:v23+s17+$0x0] =	vst.idx.msk vm5, v7;
	v8 =	vor.u32 s6, v1;
	v7, _, _ =	vpop (xrf0);
	v6 =	vadd.s32 $0xFFFFFFFF, v6;
	vm4 =	vmand vm7, vm4  }
0x120: {  	s5 =	sadd.s32 $0xFFFFFFF0, s29;
	v16 =	vadd.s32 v17, v16;
	[tilespmem:v23+s18+$0x0] =	vst.idx.msk vm5, v8;
	v7 =	vadd.s32 v7, v17;
	vm5 =	vlt.s32 v6, $0x1000  }
0x121: {  	v8 =	vor.u32 s5, v1;
	v17, _, _ =	vpop (xrf0);
	[tilespmem:v11+s17+$0x0] =	vst.idx.msk vm3, v10;
	v7 =	vadd.s32 $0xFFFFFFFF, v7;
	vm5 =	vmand vm6, vm5  }
0x122: {  	vm2 =	vmmov vm2;
	v10 =	vadd.s32 v17, v16;
	[tilespmem:v11+s18+$0x0] =	vst.idx.msk vm3, v8;
	vm3 =	vlt.s32 v7, $0x1000  }
0x123: {  	s0 =	sadd.s32 $0x40, s28;
	[tilespmem:v14+s17+$0x0] =	vst.idx.msk vm0, v9;
	v8 =	vor.u32 s29, v1;
	v10 =	vadd.s32 $0xFFFFFFFF, v10;
	vm2 =	vmand vm2, vm3  }
0x124: {  	s5 =	sadd.s32 $0xFFFFFFD0, s0;
	vm3 =	vmmov vm1;
	[tilespmem:v14+s18+$0x0] =	vst.idx.msk vm0, v8;
	vm0 =	vlt.s32 v10, $0x1000  }
0x125: {  	v8 =	vor.u32 s5, v1;
	vm0 =	vmand vm3, vm0;
	[tilespmem:v13+s17+$0x0] =	vst.idx.msk vm4, v15  }
0x126: {  	s6 =	sadd.s32 $0x3, s26;
	s5 =	sadd.s32 $0xFFFFFFE0, s0;
	[tilespmem:v13+s18+$0x0] =	vst.idx.msk vm4, v8  }
0x127: {  	v8 =	vor.u32 s5, v1;
	[tilespmem:v6+s17+$0x0] =	vst.idx.msk vm5, v12;
	s5 =	sshrl.u32 s6, $0x3  }
0x128: {  	s28 =	sadd.s32 $0xFFFFFFF0, s0;
	s6 =	sshll.u32 s6, $0x7;
	[tilespmem:v6+s18+$0x0] =	vst.idx.msk vm5, v8;
	s5 =	smul.u32 $0xE000, s5  }
0x129: {  	v6 =	vor.u32 s28, v1;
	[tilespmem:v7+s17+$0x0] =	vst.idx.msk vm2, v24;
	s6 =	sand.u32 $0x380, s6  }
0x12a: {  	[tilespmem:v7+s18+$0x0] =	vst.idx.msk vm2, v6;
	s5 =	sor.u32 s6, s5  }
0x12b: {  	v6 =	vor.u32 s0, v1;
	[tilespmem:v10+s17+$0x0] =	vst.idx.msk vm0, v25;
	s6 =	sshrl.u32 s5, $0x3  }
0x12c: {  	[tilespmem:v10+s18+$0x0] =	vst.idx.msk vm0, v6;
	s0 =	sadd.s32 s2, s6  }
0x12d: {  	[tilespmem:s15], [sflag:$0x3] =	stream.strided.gather [hbm4b:s0+s14], $0x1C00, s13, s14, $0x38;
	[tilespmem:$0x17D80] =	vst v63  }
0x12e: {  	_ =	swait.ge [sflag:s16], $0x1C00  }
0x12f: {  	[sflag:s16] =	ssyncset.done $0x0  }
0x130: {  	s5 =	simm.s32 $0xA0;
	[sflag:s16] =	ssyncadd.s32 $0xFFFFE400  }
0x131: {  	v12 =	vld [tilespmem:s5+$0xFFFFFFE0]  }
0x132: {  	v15 =	vld [tilespmem:s5+$0xFFFFFFF0];
	_ =	sdelay $0x1  }
0x133: {  	v11 =	vld [tilespmem:s5+$0x0];
	_ =	sdelay $0x1  }
0x134: {  	v6 =	vld [tilespmem:s5+$0x10];
	vm4 =	vle.f32 v12, v5  }
0x135: {  	vm2 =	vle.f32 v15, v5;
	v7 =	vsel vm4, $0x1, v0  }
0x136: {  	v8 =	vsel vm2, $0x1, v0;
	(xrf0) =	vadd.scan.msk.s32 $0xffff, v7  }
0x137: {  	vm0 =	vle.f32 v11, v5;
	v7 =	vmpcnt.ones.xlane vm1;
	(xrf0) =	vadd.scan.msk.s32 $0xffff, v8  }
0x138: {  	v9 =	vsel vm0, $0x1, v0;
	v8 =	vmpcnt.ones.xlane vm4  }
0x139: {  	v10 =	vmpcnt.ones.xlane vm2;
	vm1 =	vle.f32 v6, v5;
	v7 =	vadd.s32 v16, v7  }
0x13a: {  	v13 =	vsel vm1, $0x1, v0;
	(xrf0) =	vadd.scan.msk.s32 $0xffff, v9;
	v9 =	vadd.s32 v7, v8;
	v8 =	vmpcnt.ones.xlane vm0  }
0x13b: {  	s0 =	simm.s32 $0xE0;
	(xrf0) =	vadd.scan.msk.s32 $0xffff, v13;
	v14 =	vadd.s32 v9, v10;
	v10 =	vmpcnt.ones.xlane vm1  }
0x13c: {  	v13 =	vadd.s32 v14, v8;
	v8 =	vld [tilespmem:s0+$0xFFFFFFE0];
	v16, _, _ =	vpop (xrf0)  }
0x13d: {  	v17 =	vadd.s32 v13, v10;
	v10 =	vadd.s32 v16, v7;
	v16, _, _ =	vpop (xrf0)  }
0x13e: {  	v7 =	vld [tilespmem:s0+$0xFFFFFFF0];
	v18 =	vadd.s32 $0xFFFFFFFF, v10;
	v9 =	vadd.s32 v16, v9  }
0x13f: {  	vm3 =	vmmov vm1;
	v10 =	vld [tilespmem:s0+$0x0];
	vm1 =	vlt.s32 v18, $0x1000;
	v23 =	vadd.s32 $0xFFFFFFFF, v9  }
0x140: {  	v16, _, _ =	vpop (xrf0);
	v9 =	vld [tilespmem:s0+$0x10];
	vm7 =	vmand vm4, vm1;
	vm1 =	vlt.s32 v23, $0x1000  }
0x141: {  	v14 =	vadd.s32 v16, v14;
	v16, _, _ =	vpop (xrf0);
	vm6 =	vmand vm2, vm1;
	vm2 =	vle.f32 v8, v5  }
0x142: {  	v13 =	vadd.s32 v16, v13;
	v16 =	vsel vm2, $0x1, v0  }
0x143: {  	s6 =	simm.s32 $0x3800;
	vm1 =	vle.f32 v7, v5;
	(xrf0) =	vadd.scan.msk.s32 $0xffff, v16  }
0x144: {  	v19 =	vor.u32 s6, v1;
	v20 =	vmpcnt.ones.xlane vm2;
	v21 =	vsel vm1, $0x1, v0  }
0x145: {  	v16 =	vmpcnt.ones.xlane vm1;
	vm14 =	vle.f32 v10, v5;
	vm15 =	vle.f32 v9, v5  }
0x146: {  	(xrf0) =	vadd.scan.msk.s32 $0xffff, v21;
	v62 =	vadd.s32 v17, v20;
	[tilespmem:v18+s17+$0x0] =	vst.idx.msk vm7, v12;
	v12 =	vsel vm15, $0x1, v0  }
0x147: {  	v14 =	vadd.s32 $0xFFFFFFFF, v14;
	v20 =	vadd.s32 v62, v16;
	v16 =	vsel vm14, $0x1, v0  }
0x148: {  	vm0 =	vmmov vm0;
	vm4 =	vlt.s32 v14, $0x1000;
	v13 =	vadd.s32 $0xFFFFFFFF, v13;
	(xrf0) =	vadd.scan.msk.s32 $0xffff, v16  }
0x149: {  	vm10 =	vlt.s32 v13, $0x1000;
	vm5 =	vmand vm0, vm4;
	v21 =	vmpcnt.ones.xlane vm14;
	(xrf0) =	vadd.scan.msk.s32 $0xffff, v12;
	v12, _, _ =	vpop (xrf0)  }
0x14a: {  	vm4 =	vmand vm3, vm10;
	v22 =	vmpcnt.ones.xlane vm15;
	v17 =	vadd.s32 v12, v17  }
0x14b: {  	s30 =	simm.s32 $0x120;
	s6 =	simm.s32 $0x3810;
	s0 =	simm.s32 $0x3830;
	vm3 =	vmmov vm14;
	vm0 =	vmmov vm15;
	v21 =	vadd.s32 v20, v21;
	[tilespmem:v18+s18+$0x0] =	vst.idx.msk vm7, v19  }
0x14c: {  	s31 =	simm.s32 $0x8;
	v16 =	vadd.s32 v21, v22;
	v18 =	vor.u32 s6, v1;
	[tilespmem:v23+s17+$0x0] =	vst.idx.msk vm6, v15;
	v15 =	vld [tilespmem:s30+$0xFFFFFFE0];
	s6 =	simm.s32 $0x3840;
	v22 =	vor.u32 s0, v1;
	v63, _, _ =	vpop (xrf0)  }
0x14d: {  	s29 =	simm.s32 $0x3870;
	s28 =	simm.s32 $0x3870;
	s0 =	simm.s32 $0x3820;
	[tilespmem:v23+s18+$0x0] =	vst.idx.msk vm6, v18;
	v19 =	vor.u32 s6, v1;
	v12 =	vld [tilespmem:s30+$0xFFFFFFF0];
	v18 =	vadd.s32 $0xFFFFFFFF, v17;
	v23 =	vadd.s32 v63, v62;
	v17 =	vmovc v16  }
.LBB2_7:
0x14e: {  	s31 =	sadd.s32 $0x4, s31;
	v24 =	vld [tilespmem:s30+$0x0];
	vm6 =	vlt.s32 v18, $0x1000;
	v23 =	vadd.s32 $0xFFFFFFFF, v23;
	v25, _, _ =	vpop (xrf0);
	v26 =	vor.u32 s0, v1  }
0x14f: {  	p0 =	slt.u32 s31, $0x1BC;
	v27 =	vld [tilespmem:s30+$0x10];
	vm7 =	vmand vm2, vm6;
	vm2 =	vlt.s32 v23, $0x1000;
	v20 =	vadd.s32 v25, v20;
	v25, _, _ =	vpop (xrf0);
	[tilespmem:v14+s17+$0x0] =	vst.idx.msk vm5, v11  }
0x150: {  	v11 =	vmovc v10;
	vm6 =	vmand vm1, vm2;
	v21 =	vadd.s32 v25, v21;
	[tilespmem:v14+s18+$0x0] =	vst.idx.msk vm5, v26;
	v14 =	vadd.s32 $0xFFFFFFFF, v20  }
0x151: {  	vm2 =	vle.f32 v15, v5;
	vm5 =	vlt.s32 v14, $0x1000;
	v25 =	vadd.s32 $0xFFFFFFFF, v21;
	[tilespmem:v13+s17+$0x0] =	vst.idx.msk vm4, v6;
	v6 =	vmovc v9  }
0x152: {  	v26 =	vsel vm2, $0x1, v0;
	v20 =	vmpcnt.ones.xlane vm2;
	vm1 =	vle.f32 v12, v5;
	[tilespmem:v13+s18+$0x0] =	vst.idx.msk vm4, v22;
	v13 =	vmovc v25  }
0x153: {  	v21 =	vsel vm1, $0x1, v0;
	v22 =	vmpcnt.ones.xlane vm1;
	vm8 =	vle.f32 v24, v5;
	(xrf0) =	vadd.scan.msk.s32 $0xffff, v26;
	v10 =	vmovc v24  }
0x154: {  	v24 =	vadd.s32 v16, v20;
	v16 =	vmpcnt.ones.xlane vm8;
	vm9 =	vle.f32 v27, v5;
	(xrf0) =	vadd.scan.msk.s32 $0xffff, v21;
	v9 =	vmovc v27  }
0x155: {  	v20 =	vadd.s32 v24, v22;
	v22 =	vsel vm8, $0x1, v0;
	v25 =	vmpcnt.ones.xlane vm9;
	[tilespmem:v18+s17+$0x0] =	vst.idx.msk vm7, v8;
	v8 =	vmovc v15  }
0x156: {  	vm4 =	vlt.s32 v13, $0x1000;
	v15 =	vsel vm9, $0x1, v0;
	v21 =	vadd.s32 v20, v16;
	(xrf0) =	vadd.scan.msk.s32 $0xffff, v22  }
.Ltmp6:
0x157: {  	vm5 =	vmand vm3, vm5;
	vm4 =	vmand vm0, vm4;
	v16 =	vadd.s32 v21, v25;
	(xrf0) =	vadd.scan.msk.s32 $0xffff, v15;
	(pc) =	sbr.rel @p0 .LBB2_7-.Ltmp6, $4  }
0x158: {  	s0 =	sadd.s32 $0xFFFFFFE0, s28;
	vm3 =	vmmov vm8;
	vm0 =	vmmov vm9;
	[tilespmem:v18+s18+$0x0] =	vst.idx.msk vm7, v19  }
0x159: {  	s28 =	sadd.s32 $0x40, s28;
	s30 =	sadd.s32 $0x40, s30;
	v19 =	vor.u32 s0, v1;
	v18, _, _ =	vpop (xrf0);
	[tilespmem:v23+s17+$0x0] =	vst.idx.msk vm6, v7;
	v7 =	vmov v12  }
0x15a: {  	v22 =	vor.u32 s29, v1;
	s0 =	sadd.s32 $0xFFFFFFD0, s28;
	v15 =	vld [tilespmem:s30+$0xFFFFFFE0];
	v18 =	vadd.s32 v18, v17;
	v25, _, _ =	vpop (xrf0);
	[tilespmem:v23+s18+$0x0] =	vst.idx.msk vm6, v19;
	v17 =	vmov v16  }
0x15b: {  	v19 =	vor.u32 s0, v1;
	s0 =	sadd.s32 $0xFFFFFFF0, s29;
	s29 =	smov.u32 s28;
	v12 =	vld [tilespmem:s30+$0xFFFFFFF0];
	v18 =	vadd.s32 $0xFFFFFFFF, v18;
	v23 =	vadd.s32 v25, v24  }
0x15c: {  	_ =	sdelay $0x1  }
0x15d: {  	v24 =	vld [tilespmem:s30+$0x0]  }
0x15e: {  	vm7 =	vle.f32 v15, v5  }
0x15f: {  	v25 =	vld [tilespmem:s30+$0x10];
	v26 =	vsel vm7, $0x1, v0  }
0x160: {  	vm8 =	vlt.s32 v18, $0x1000;
	[tilespmem:v14+s17+$0x0] =	vst.idx.msk vm5, v11;
	vm6 =	vle.f32 v12, v5;
	(xrf0) =	vadd.scan.msk.s32 $0xffff, v26  }
0x161: {  	v23 =	vadd.s32 $0xFFFFFFFF, v23;
	v61 =	vor.u32 s0, v1;
	[tilespmem:v13+s17+$0x0] =	vst.idx.msk vm4, v6;
	v11 =	vsel vm6, $0x1, v0  }
0x162: {  	v27, _, _ =	vpop (xrf0);
	vm8 =	vmand vm2, vm8;
	vm9 =	vlt.s32 v23, $0x1000;
	vm2 =	vle.f32 v24, v5;
	(xrf0) =	vadd.scan.msk.s32 $0xffff, v11  }
0x163: {  	[tilespmem:v14+s18+$0x0] =	vst.idx.msk vm5, v61;
	v14, _, _ =	vpop (xrf0);
	vm5 =	vmand vm1, vm9;
	v11 =	vadd.s32 v27, v20;
	v20 =	vsel vm2, $0x1, v0  }
0x164: {  	v14 =	vadd.s32 v14, v21;
	vm1 =	vle.f32 v25, v5;
	v11 =	vadd.s32 $0xFFFFFFFF, v11;
	(xrf0) =	vadd.scan.msk.s32 $0xffff, v20  }
0x165: {  	[tilespmem:v13+s18+$0x0] =	vst.idx.msk vm4, v22;
	v14 =	vadd.s32 $0xFFFFFFFF, v14;
	v20 =	vsel vm1, $0x1, v0;
	vm13 =	vlt.s32 v11, $0x1000  }
0x166: {  	v6 =	vmpcnt.ones.xlane vm7;
	vm4 =	vlt.s32 v14, $0x1000;
	(xrf0) =	vadd.scan.msk.s32 $0xffff, v20;
	vm3 =	vmand vm3, vm13;
	v21, _, _ =	vpop (xrf0)  }
0x167: {  	vm0 =	vmand vm0, vm4;
	v20 =	vmpcnt.ones.xlane vm6;
	v13 =	vadd.s32 v21, v17  }
0x168: {  	v6 =	vadd.s32 v16, v6;
	v16 =	vmpcnt.ones.xlane vm2;
	[tilespmem:v18+s17+$0x0] =	vst.idx.msk vm8, v8;
	v8, _, _ =	vpop (xrf0);
	v13 =	vadd.s32 $0xFFFFFFFF, v13  }
0x169: {  	s6 =	sadd.s32 $0xFFFFFFE0, s28;
	[tilespmem:v18+s18+$0x0] =	vst.idx.msk vm8, v19;
	v17 =	vadd.s32 v6, v20;
	v6 =	vadd.s32 v8, v6;
	vm4 =	vlt.s32 v13, $0x1000  }
0x16a: {  	[tilespmem:v23+s17+$0x0] =	vst.idx.msk vm5, v7;
	v8 =	vor.u32 s6, v1;
	v7, _, _ =	vpop (xrf0);
	v6 =	vadd.s32 $0xFFFFFFFF, v6;
	vm4 =	vmand vm7, vm4  }
0x16b: {  	s5 =	sadd.s32 $0xFFFFFFF0, s29;
	v16 =	vadd.s32 v17, v16;
	[tilespmem:v23+s18+$0x0] =	vst.idx.msk vm5, v8;
	v7 =	vadd.s32 v7, v17;
	vm5 =	vlt.s32 v6, $0x1000  }
0x16c: {  	v8 =	vor.u32 s5, v1;
	v17, _, _ =	vpop (xrf0);
	[tilespmem:v11+s17+$0x0] =	vst.idx.msk vm3, v10;
	v7 =	vadd.s32 $0xFFFFFFFF, v7;
	vm5 =	vmand vm6, vm5  }
0x16d: {  	vm2 =	vmmov vm2;
	v10 =	vadd.s32 v17, v16;
	[tilespmem:v11+s18+$0x0] =	vst.idx.msk vm3, v8;
	vm3 =	vlt.s32 v7, $0x1000  }
0x16e: {  	s0 =	sadd.s32 $0x40, s28;
	[tilespmem:v14+s17+$0x0] =	vst.idx.msk vm0, v9;
	v8 =	vor.u32 s29, v1;
	v10 =	vadd.s32 $0xFFFFFFFF, v10;
	vm2 =	vmand vm2, vm3  }
0x16f: {  	s5 =	sadd.s32 $0xFFFFFFD0, s0;
	vm3 =	vmmov vm1;
	[tilespmem:v14+s18+$0x0] =	vst.idx.msk vm0, v8;
	vm0 =	vlt.s32 v10, $0x1000  }
0x170: {  	v8 =	vor.u32 s5, v1;
	vm0 =	vmand vm3, vm0;
	[tilespmem:v13+s17+$0x0] =	vst.idx.msk vm4, v15  }
0x171: {  	s6 =	sadd.s32 $0x4, s26;
	s5 =	sadd.s32 $0xFFFFFFE0, s0;
	[tilespmem:v13+s18+$0x0] =	vst.idx.msk vm4, v8  }
0x172: {  	v8 =	vor.u32 s5, v1;
	[tilespmem:v6+s17+$0x0] =	vst.idx.msk vm5, v12;
	s5 =	sshrl.u32 s6, $0x3  }
0x173: {  	s28 =	sadd.s32 $0xFFFFFFF0, s0;
	s6 =	sshll.u32 s6, $0x7;
	[tilespmem:v6+s18+$0x0] =	vst.idx.msk vm5, v8;
	s5 =	smul.u32 $0xE000, s5  }
0x174: {  	v6 =	vor.u32 s28, v1;
	[tilespmem:v7+s17+$0x0] =	vst.idx.msk vm2, v24;
	s6 =	sand.u32 $0x380, s6  }
0x175: {  	[tilespmem:v7+s18+$0x0] =	vst.idx.msk vm2, v6;
	s5 =	sor.u32 s6, s5  }
0x176: {  	v6 =	vor.u32 s0, v1;
	[tilespmem:v10+s17+$0x0] =	vst.idx.msk vm0, v25;
	s6 =	sshrl.u32 s5, $0x3  }
0x177: {  	[tilespmem:v10+s18+$0x0] =	vst.idx.msk vm0, v6;
	s0 =	sadd.s32 s2, s6  }
0x178: {  	[tilespmem:s14], [sflag:$0x2] =	stream.strided.gather [hbm4b:s0+s14], $0x1C00, s13, s14, $0x38;
	[tilespmem:$0x17D80] =	vst v63  }
0x179: {  	_ =	swait.ge [sflag:s19], $0x1C00  }
0x17a: {  	[sflag:s19] =	ssyncset.done $0x0  }
0x17b: {  	s5 =	simm.s32 $0x1CA0;
	[sflag:s19] =	ssyncadd.s32 $0xFFFFE400  }
0x17c: {  	v12 =	vld [tilespmem:s5+$0xFFFFFFE0]  }
0x17d: {  	v15 =	vld [tilespmem:s5+$0xFFFFFFF0];
	_ =	sdelay $0x1  }
0x17e: {  	v11 =	vld [tilespmem:s5+$0x0];
	_ =	sdelay $0x1  }
0x17f: {  	v6 =	vld [tilespmem:s5+$0x10];
	vm4 =	vle.f32 v12, v5  }
0x180: {  	vm2 =	vle.f32 v15, v5;
	v7 =	vsel vm4, $0x1, v0  }
0x181: {  	v8 =	vsel vm2, $0x1, v0;
	(xrf0) =	vadd.scan.msk.s32 $0xffff, v7  }
0x182: {  	vm0 =	vle.f32 v11, v5;
	v7 =	vmpcnt.ones.xlane vm1;
	(xrf0) =	vadd.scan.msk.s32 $0xffff, v8  }
0x183: {  	v9 =	vsel vm0, $0x1, v0;
	v8 =	vmpcnt.ones.xlane vm4  }
0x184: {  	v10 =	vmpcnt.ones.xlane vm2;
	vm1 =	vle.f32 v6, v5;
	v7 =	vadd.s32 v16, v7  }
0x185: {  	v13 =	vsel vm1, $0x1, v0;
	(xrf0) =	vadd.scan.msk.s32 $0xffff, v9;
	v9 =	vadd.s32 v7, v8;
	v8 =	vmpcnt.ones.xlane vm0  }
0x186: {  	s0 =	simm.s32 $0x1CE0;
	(xrf0) =	vadd.scan.msk.s32 $0xffff, v13;
	v14 =	vadd.s32 v9, v10;
	v10 =	vmpcnt.ones.xlane vm1  }
0x187: {  	v13 =	vadd.s32 v14, v8;
	v8 =	vld [tilespmem:s0+$0xFFFFFFE0];
	v16, _, _ =	vpop (xrf0)  }
0x188: {  	v17 =	vadd.s32 v13, v10;
	v10 =	vadd.s32 v16, v7;
	v16, _, _ =	vpop (xrf0)  }
0x189: {  	v7 =	vld [tilespmem:s0+$0xFFFFFFF0];
	v18 =	vadd.s32 $0xFFFFFFFF, v10;
	v9 =	vadd.s32 v16, v9  }
0x18a: {  	vm3 =	vmmov vm1;
	v10 =	vld [tilespmem:s0+$0x0];
	vm1 =	vlt.s32 v18, $0x1000;
	v23 =	vadd.s32 $0xFFFFFFFF, v9  }
0x18b: {  	v16, _, _ =	vpop (xrf0);
	v9 =	vld [tilespmem:s0+$0x10];
	vm7 =	vmand vm4, vm1;
	vm1 =	vlt.s32 v23, $0x1000  }
0x18c: {  	v14 =	vadd.s32 v16, v14;
	v16, _, _ =	vpop (xrf0);
	vm6 =	vmand vm2, vm1;
	vm2 =	vle.f32 v8, v5  }
0x18d: {  	v13 =	vadd.s32 v16, v13;
	v16 =	vsel vm2, $0x1, v0  }
0x18e: {  	s6 =	simm.s32 $0x5400;
	vm1 =	vle.f32 v7, v5;
	(xrf0) =	vadd.scan.msk.s32 $0xffff, v16  }
0x18f: {  	v19 =	vor.u32 s6, v1;
	v20 =	vmpcnt.ones.xlane vm2;
	v21 =	vsel vm1, $0x1, v0  }
0x190: {  	v16 =	vmpcnt.ones.xlane vm1;
	vm14 =	vle.f32 v10, v5;
	vm15 =	vle.f32 v9, v5  }
0x191: {  	(xrf0) =	vadd.scan.msk.s32 $0xffff, v21;
	v62 =	vadd.s32 v17, v20;
	[tilespmem:v18+s17+$0x0] =	vst.idx.msk vm7, v12;
	v12 =	vsel vm15, $0x1, v0  }
0x192: {  	v14 =	vadd.s32 $0xFFFFFFFF, v14;
	v20 =	vadd.s32 v62, v16;
	v16 =	vsel vm14, $0x1, v0  }
0x193: {  	vm0 =	vmmov vm0;
	vm4 =	vlt.s32 v14, $0x1000;
	v13 =	vadd.s32 $0xFFFFFFFF, v13;
	(xrf0) =	vadd.scan.msk.s32 $0xffff, v16  }
0x194: {  	vm10 =	vlt.s32 v13, $0x1000;
	vm5 =	vmand vm0, vm4;
	v21 =	vmpcnt.ones.xlane vm14;
	(xrf0) =	vadd.scan.msk.s32 $0xffff, v12;
	v12, _, _ =	vpop (xrf0)  }
0x195: {  	vm4 =	vmand vm3, vm10;
	v22 =	vmpcnt.ones.xlane vm15;
	v17 =	vadd.s32 v12, v17  }
0x196: {  	s30 =	simm.s32 $0x1D20;
	s6 =	simm.s32 $0x5410;
	s0 =	simm.s32 $0x5430;
	vm3 =	vmmov vm14;
	vm0 =	vmmov vm15;
	v21 =	vadd.s32 v20, v21;
	[tilespmem:v18+s18+$0x0] =	vst.idx.msk vm7, v19  }
0x197: {  	s31 =	simm.s32 $0x8;
	v16 =	vadd.s32 v21, v22;
	v18 =	vor.u32 s6, v1;
	[tilespmem:v23+s17+$0x0] =	vst.idx.msk vm6, v15;
	v15 =	vld [tilespmem:s30+$0xFFFFFFE0];
	s6 =	simm.s32 $0x5440;
	v22 =	vor.u32 s0, v1;
	v63, _, _ =	vpop (xrf0)  }
0x198: {  	s29 =	simm.s32 $0x5470;
	s28 =	simm.s32 $0x5470;
	s0 =	simm.s32 $0x5420;
	[tilespmem:v23+s18+$0x0] =	vst.idx.msk vm6, v18;
	v19 =	vor.u32 s6, v1;
	v12 =	vld [tilespmem:s30+$0xFFFFFFF0];
	v18 =	vadd.s32 $0xFFFFFFFF, v17;
	v23 =	vadd.s32 v63, v62;
	v17 =	vmovc v16  }
.LBB2_9:
0x199: {  	s31 =	sadd.s32 $0x4, s31;
	v24 =	vld [tilespmem:s30+$0x0];
	vm6 =	vlt.s32 v18, $0x1000;
	v23 =	vadd.s32 $0xFFFFFFFF, v23;
	v25, _, _ =	vpop (xrf0);
	v26 =	vor.u32 s0, v1  }
0x19a: {  	p0 =	slt.u32 s31, $0x1BC;
	v27 =	vld [tilespmem:s30+$0x10];
	vm7 =	vmand vm2, vm6;
	vm2 =	vlt.s32 v23, $0x1000;
	v20 =	vadd.s32 v25, v20;
	v25, _, _ =	vpop (xrf0);
	[tilespmem:v14+s17+$0x0] =	vst.idx.msk vm5, v11  }
0x19b: {  	v11 =	vmovc v10;
	vm6 =	vmand vm1, vm2;
	v21 =	vadd.s32 v25, v21;
	[tilespmem:v14+s18+$0x0] =	vst.idx.msk vm5, v26;
	v14 =	vadd.s32 $0xFFFFFFFF, v20  }
0x19c: {  	vm2 =	vle.f32 v15, v5;
	vm5 =	vlt.s32 v14, $0x1000;
	v25 =	vadd.s32 $0xFFFFFFFF, v21;
	[tilespmem:v13+s17+$0x0] =	vst.idx.msk vm4, v6;
	v6 =	vmovc v9  }
0x19d: {  	v26 =	vsel vm2, $0x1, v0;
	v20 =	vmpcnt.ones.xlane vm2;
	vm1 =	vle.f32 v12, v5;
	[tilespmem:v13+s18+$0x0] =	vst.idx.msk vm4, v22;
	v13 =	vmovc v25  }
0x19e: {  	v21 =	vsel vm1, $0x1, v0;
	v22 =	vmpcnt.ones.xlane vm1;
	vm8 =	vle.f32 v24, v5;
	(xrf0) =	vadd.scan.msk.s32 $0xffff, v26;
	v10 =	vmovc v24  }
0x19f: {  	v24 =	vadd.s32 v16, v20;
	v16 =	vmpcnt.ones.xlane vm8;
	vm9 =	vle.f32 v27, v5;
	(xrf0) =	vadd.scan.msk.s32 $0xffff, v21;
	v9 =	vmovc v27  }
0x1a0: {  	v20 =	vadd.s32 v24, v22;
	v22 =	vsel vm8, $0x1, v0;
	v25 =	vmpcnt.ones.xlane vm9;
	[tilespmem:v18+s17+$0x0] =	vst.idx.msk vm7, v8;
	v8 =	vmovc v15  }
0x1a1: {  	vm4 =	vlt.s32 v13, $0x1000;
	v15 =	vsel vm9, $0x1, v0;
	v21 =	vadd.s32 v20, v16;
	(xrf0) =	vadd.scan.msk.s32 $0xffff, v22  }
.Ltmp7:
0x1a2: {  	vm5 =	vmand vm3, vm5;
	vm4 =	vmand vm0, vm4;
	v16 =	vadd.s32 v21, v25;
	(xrf0) =	vadd.scan.msk.s32 $0xffff, v15;
	(pc) =	sbr.rel @p0 .LBB2_9-.Ltmp7, $4  }
0x1a3: {  	s0 =	sadd.s32 $0xFFFFFFE0, s28;
	vm3 =	vmmov vm8;
	vm0 =	vmmov vm9;
	[tilespmem:v18+s18+$0x0] =	vst.idx.msk vm7, v19  }
0x1a4: {  	s28 =	sadd.s32 $0x40, s28;
	s30 =	sadd.s32 $0x40, s30;
	v19 =	vor.u32 s0, v1;
	v18, _, _ =	vpop (xrf0);
	[tilespmem:v23+s17+$0x0] =	vst.idx.msk vm6, v7;
	v7 =	vmov v12  }
0x1a5: {  	v22 =	vor.u32 s29, v1;
	s0 =	sadd.s32 $0xFFFFFFD0, s28;
	v15 =	vld [tilespmem:s30+$0xFFFFFFE0];
	v18 =	vadd.s32 v18, v17;
	v25, _, _ =	vpop (xrf0);
	[tilespmem:v23+s18+$0x0] =	vst.idx.msk vm6, v19;
	v17 =	vmov v16  }
0x1a6: {  	v19 =	vor.u32 s0, v1;
	s0 =	sadd.s32 $0xFFFFFFF0, s29;
	s29 =	smov.u32 s28;
	v12 =	vld [tilespmem:s30+$0xFFFFFFF0];
	v18 =	vadd.s32 $0xFFFFFFFF, v18;
	v23 =	vadd.s32 v25, v24  }
0x1a7: {  	_ =	sdelay $0x1  }
0x1a8: {  	v24 =	vld [tilespmem:s30+$0x0]  }
0x1a9: {  	vm7 =	vle.f32 v15, v5  }
0x1aa: {  	v25 =	vld [tilespmem:s30+$0x10];
	v26 =	vsel vm7, $0x1, v0  }
0x1ab: {  	vm8 =	vlt.s32 v18, $0x1000;
	[tilespmem:v14+s17+$0x0] =	vst.idx.msk vm5, v11;
	vm6 =	vle.f32 v12, v5;
	(xrf0) =	vadd.scan.msk.s32 $0xffff, v26  }
0x1ac: {  	v23 =	vadd.s32 $0xFFFFFFFF, v23;
	v61 =	vor.u32 s0, v1;
	[tilespmem:v13+s17+$0x0] =	vst.idx.msk vm4, v6;
	v11 =	vsel vm6, $0x1, v0  }
0x1ad: {  	v27, _, _ =	vpop (xrf0);
	vm8 =	vmand vm2, vm8;
	vm9 =	vlt.s32 v23, $0x1000;
	vm2 =	vle.f32 v24, v5;
	(xrf0) =	vadd.scan.msk.s32 $0xffff, v11  }
0x1ae: {  	[tilespmem:v14+s18+$0x0] =	vst.idx.msk vm5, v61;
	v14, _, _ =	vpop (xrf0);
	vm5 =	vmand vm1, vm9;
	v11 =	vadd.s32 v27, v20;
	v20 =	vsel vm2, $0x1, v0  }
0x1af: {  	v14 =	vadd.s32 v14, v21;
	vm1 =	vle.f32 v25, v5;
	v11 =	vadd.s32 $0xFFFFFFFF, v11;
	(xrf0) =	vadd.scan.msk.s32 $0xffff, v20  }
0x1b0: {  	[tilespmem:v13+s18+$0x0] =	vst.idx.msk vm4, v22;
	v14 =	vadd.s32 $0xFFFFFFFF, v14;
	v20 =	vsel vm1, $0x1, v0;
	vm13 =	vlt.s32 v11, $0x1000  }
0x1b1: {  	v6 =	vmpcnt.ones.xlane vm7;
	vm4 =	vlt.s32 v14, $0x1000;
	(xrf0) =	vadd.scan.msk.s32 $0xffff, v20;
	vm3 =	vmand vm3, vm13;
	v21, _, _ =	vpop (xrf0)  }
0x1b2: {  	vm0 =	vmand vm0, vm4;
	v20 =	vmpcnt.ones.xlane vm6;
	v13 =	vadd.s32 v21, v17  }
0x1b3: {  	v6 =	vadd.s32 v16, v6;
	v16 =	vmpcnt.ones.xlane vm2;
	[tilespmem:v18+s17+$0x0] =	vst.idx.msk vm8, v8;
	v8, _, _ =	vpop (xrf0);
	v13 =	vadd.s32 $0xFFFFFFFF, v13  }
0x1b4: {  	s6 =	sadd.s32 $0xFFFFFFE0, s28;
	[tilespmem:v18+s18+$0x0] =	vst.idx.msk vm8, v19;
	v17 =	vadd.s32 v6, v20;
	v6 =	vadd.s32 v8, v6;
	vm4 =	vlt.s32 v13, $0x1000  }
0x1b5: {  	[tilespmem:v23+s17+$0x0] =	vst.idx.msk vm5, v7;
	v8 =	vor.u32 s6, v1;
	v7, _, _ =	vpop (xrf0);
	v6 =	vadd.s32 $0xFFFFFFFF, v6;
	vm4 =	vmand vm7, vm4  }
0x1b6: {  	s5 =	sadd.s32 $0xFFFFFFF0, s29;
	v16 =	vadd.s32 v17, v16;
	[tilespmem:v23+s18+$0x0] =	vst.idx.msk vm5, v8;
	v7 =	vadd.s32 v7, v17;
	vm5 =	vlt.s32 v6, $0x1000  }
0x1b7: {  	v8 =	vor.u32 s5, v1;
	v17, _, _ =	vpop (xrf0);
	[tilespmem:v11+s17+$0x0] =	vst.idx.msk vm3, v10;
	v7 =	vadd.s32 $0xFFFFFFFF, v7;
	vm5 =	vmand vm6, vm5  }
0x1b8: {  	vm2 =	vmmov vm2;
	v10 =	vadd.s32 v17, v16;
	[tilespmem:v11+s18+$0x0] =	vst.idx.msk vm3, v8;
	vm3 =	vlt.s32 v7, $0x1000  }
0x1b9: {  	s0 =	sadd.s32 $0x40, s28;
	[tilespmem:v14+s17+$0x0] =	vst.idx.msk vm0, v9;
	v8 =	vor.u32 s29, v1;
	v10 =	vadd.s32 $0xFFFFFFFF, v10;
	vm2 =	vmand vm2, vm3  }
0x1ba: {  	s5 =	sadd.s32 $0xFFFFFFD0, s0;
	vm3 =	vmmov vm1;
	[tilespmem:v14+s18+$0x0] =	vst.idx.msk vm0, v8;
	vm0 =	vlt.s32 v10, $0x1000  }
0x1bb: {  	v8 =	vor.u32 s5, v1;
	vm0 =	vmand vm3, vm0;
	[tilespmem:v13+s17+$0x0] =	vst.idx.msk vm4, v15  }
0x1bc: {  	s6 =	sadd.s32 $0x5, s26;
	s5 =	sadd.s32 $0xFFFFFFE0, s0;
	[tilespmem:v13+s18+$0x0] =	vst.idx.msk vm4, v8  }
0x1bd: {  	v8 =	vor.u32 s5, v1;
	[tilespmem:v6+s17+$0x0] =	vst.idx.msk vm5, v12;
	s5 =	sshrl.u32 s6, $0x3  }
0x1be: {  	s28 =	sadd.s32 $0xFFFFFFF0, s0;
	s6 =	sshll.u32 s6, $0x7;
	[tilespmem:v6+s18+$0x0] =	vst.idx.msk vm5, v8;
	s5 =	smul.u32 $0xE000, s5  }
0x1bf: {  	v6 =	vor.u32 s28, v1;
	[tilespmem:v7+s17+$0x0] =	vst.idx.msk vm2, v24;
	s6 =	sand.u32 $0x380, s6  }
0x1c0: {  	[tilespmem:v7+s18+$0x0] =	vst.idx.msk vm2, v6;
	s5 =	sor.u32 s6, s5  }
0x1c1: {  	v6 =	vor.u32 s0, v1;
	[tilespmem:v10+s17+$0x0] =	vst.idx.msk vm0, v25;
	s6 =	sshrl.u32 s5, $0x3  }
0x1c2: {  	[tilespmem:v10+s18+$0x0] =	vst.idx.msk vm0, v6;
	s0 =	sadd.s32 s2, s6  }
0x1c3: {  	[tilespmem:s15], [sflag:$0x3] =	stream.strided.gather [hbm4b:s0+s14], $0x1C00, s13, s14, $0x38;
	[tilespmem:$0x17D80] =	vst v63  }
0x1c4: {  	_ =	swait.ge [sflag:s16], $0x1C00  }
0x1c5: {  	[sflag:s16] =	ssyncset.done $0x0  }
0x1c6: {  	s5 =	simm.s32 $0xA0;
	[sflag:s16] =	ssyncadd.s32 $0xFFFFE400  }
0x1c7: {  	v12 =	vld [tilespmem:s5+$0xFFFFFFE0]  }
0x1c8: {  	v15 =	vld [tilespmem:s5+$0xFFFFFFF0];
	_ =	sdelay $0x1  }
0x1c9: {  	v11 =	vld [tilespmem:s5+$0x0];
	_ =	sdelay $0x1  }
0x1ca: {  	v6 =	vld [tilespmem:s5+$0x10];
	vm4 =	vle.f32 v12, v5  }
0x1cb: {  	vm2 =	vle.f32 v15, v5;
	v7 =	vsel vm4, $0x1, v0  }
0x1cc: {  	v8 =	vsel vm2, $0x1, v0;
	(xrf0) =	vadd.scan.msk.s32 $0xffff, v7  }
0x1cd: {  	vm0 =	vle.f32 v11, v5;
	v7 =	vmpcnt.ones.xlane vm1;
	(xrf0) =	vadd.scan.msk.s32 $0xffff, v8  }
0x1ce: {  	v9 =	vsel vm0, $0x1, v0;
	v8 =	vmpcnt.ones.xlane vm4  }
0x1cf: {  	v10 =	vmpcnt.ones.xlane vm2;
	vm1 =	vle.f32 v6, v5;
	v7 =	vadd.s32 v16, v7  }
0x1d0: {  	v13 =	vsel vm1, $0x1, v0;
	(xrf0) =	vadd.scan.msk.s32 $0xffff, v9;
	v9 =	vadd.s32 v7, v8;
	v8 =	vmpcnt.ones.xlane vm0  }
0x1d1: {  	s0 =	simm.s32 $0xE0;
	(xrf0) =	vadd.scan.msk.s32 $0xffff, v13;
	v14 =	vadd.s32 v9, v10;
	v10 =	vmpcnt.ones.xlane vm1  }
0x1d2: {  	v13 =	vadd.s32 v14, v8;
	v8 =	vld [tilespmem:s0+$0xFFFFFFE0];
	v16, _, _ =	vpop (xrf0)  }
0x1d3: {  	v17 =	vadd.s32 v13, v10;
	v10 =	vadd.s32 v16, v7;
	v16, _, _ =	vpop (xrf0)  }
0x1d4: {  	v7 =	vld [tilespmem:s0+$0xFFFFFFF0];
	v18 =	vadd.s32 $0xFFFFFFFF, v10;
	v9 =	vadd.s32 v16, v9  }
0x1d5: {  	vm3 =	vmmov vm1;
	v10 =	vld [tilespmem:s0+$0x0];
	vm1 =	vlt.s32 v18, $0x1000;
	v23 =	vadd.s32 $0xFFFFFFFF, v9  }
0x1d6: {  	v16, _, _ =	vpop (xrf0);
	v9 =	vld [tilespmem:s0+$0x10];
	vm7 =	vmand vm4, vm1;
	vm1 =	vlt.s32 v23, $0x1000  }
0x1d7: {  	v14 =	vadd.s32 v16, v14;
	v16, _, _ =	vpop (xrf0);
	vm6 =	vmand vm2, vm1;
	vm2 =	vle.f32 v8, v5  }
0x1d8: {  	v13 =	vadd.s32 v16, v13;
	v16 =	vsel vm2, $0x1, v0  }
0x1d9: {  	s6 =	simm.s32 $0x7000;
	vm1 =	vle.f32 v7, v5;
	(xrf0) =	vadd.scan.msk.s32 $0xffff, v16  }
0x1da: {  	v19 =	vor.u32 s6, v1;
	v20 =	vmpcnt.ones.xlane vm2;
	v21 =	vsel vm1, $0x1, v0  }
0x1db: {  	v16 =	vmpcnt.ones.xlane vm1;
	vm14 =	vle.f32 v10, v5;
	vm15 =	vle.f32 v9, v5  }
0x1dc: {  	(xrf0) =	vadd.scan.msk.s32 $0xffff, v21;
	v62 =	vadd.s32 v17, v20;
	[tilespmem:v18+s17+$0x0] =	vst.idx.msk vm7, v12;
	v12 =	vsel vm15, $0x1, v0  }
0x1dd: {  	v14 =	vadd.s32 $0xFFFFFFFF, v14;
	v20 =	vadd.s32 v62, v16;
	v16 =	vsel vm14, $0x1, v0  }
0x1de: {  	vm0 =	vmmov vm0;
	vm4 =	vlt.s32 v14, $0x1000;
	v13 =	vadd.s32 $0xFFFFFFFF, v13;
	(xrf0) =	vadd.scan.msk.s32 $0xffff, v16  }
0x1df: {  	vm10 =	vlt.s32 v13, $0x1000;
	vm5 =	vmand vm0, vm4;
	v21 =	vmpcnt.ones.xlane vm14;
	(xrf0) =	vadd.scan.msk.s32 $0xffff, v12;
	v12, _, _ =	vpop (xrf0)  }
0x1e0: {  	vm4 =	vmand vm3, vm10;
	v22 =	vmpcnt.ones.xlane vm15;
	v17 =	vadd.s32 v12, v17  }
0x1e1: {  	s30 =	simm.s32 $0x120;
	s6 =	simm.s32 $0x7010;
	s0 =	simm.s32 $0x7030;
	vm3 =	vmmov vm14;
	vm0 =	vmmov vm15;
	v21 =	vadd.s32 v20, v21;
	[tilespmem:v18+s18+$0x0] =	vst.idx.msk vm7, v19  }
0x1e2: {  	s31 =	simm.s32 $0x8;
	v16 =	vadd.s32 v21, v22;
	v18 =	vor.u32 s6, v1;
	[tilespmem:v23+s17+$0x0] =	vst.idx.msk vm6, v15;
	v15 =	vld [tilespmem:s30+$0xFFFFFFE0];
	s6 =	simm.s32 $0x7040;
	v22 =	vor.u32 s0, v1;
	v63, _, _ =	vpop (xrf0)  }
0x1e3: {  	s29 =	simm.s32 $0x7070;
	s28 =	simm.s32 $0x7070;
	s0 =	simm.s32 $0x7020;
	[tilespmem:v23+s18+$0x0] =	vst.idx.msk vm6, v18;
	v19 =	vor.u32 s6, v1;
	v12 =	vld [tilespmem:s30+$0xFFFFFFF0];
	v18 =	vadd.s32 $0xFFFFFFFF, v17;
	v23 =	vadd.s32 v63, v62;
	v17 =	vmovc v16  }
.LBB2_11:
0x1e4: {  	s31 =	sadd.s32 $0x4, s31;
	v24 =	vld [tilespmem:s30+$0x0];
	vm6 =	vlt.s32 v18, $0x1000;
	v23 =	vadd.s32 $0xFFFFFFFF, v23;
	v25, _, _ =	vpop (xrf0);
	v26 =	vor.u32 s0, v1  }
0x1e5: {  	p0 =	slt.u32 s31, $0x1BC;
	v27 =	vld [tilespmem:s30+$0x10];
	vm7 =	vmand vm2, vm6;
	vm2 =	vlt.s32 v23, $0x1000;
	v20 =	vadd.s32 v25, v20;
	v25, _, _ =	vpop (xrf0);
	[tilespmem:v14+s17+$0x0] =	vst.idx.msk vm5, v11  }
0x1e6: {  	v11 =	vmovc v10;
	vm6 =	vmand vm1, vm2;
	v21 =	vadd.s32 v25, v21;
	[tilespmem:v14+s18+$0x0] =	vst.idx.msk vm5, v26;
	v14 =	vadd.s32 $0xFFFFFFFF, v20  }
0x1e7: {  	vm2 =	vle.f32 v15, v5;
	vm5 =	vlt.s32 v14, $0x1000;
	v25 =	vadd.s32 $0xFFFFFFFF, v21;
	[tilespmem:v13+s17+$0x0] =	vst.idx.msk vm4, v6;
	v6 =	vmovc v9  }
0x1e8: {  	v26 =	vsel vm2, $0x1, v0;
	v20 =	vmpcnt.ones.xlane vm2;
	vm1 =	vle.f32 v12, v5;
	[tilespmem:v13+s18+$0x0] =	vst.idx.msk vm4, v22;
	v13 =	vmovc v25  }
0x1e9: {  	v21 =	vsel vm1, $0x1, v0;
	v22 =	vmpcnt.ones.xlane vm1;
	vm8 =	vle.f32 v24, v5;
	(xrf0) =	vadd.scan.msk.s32 $0xffff, v26;
	v10 =	vmovc v24  }
0x1ea: {  	v24 =	vadd.s32 v16, v20;
	v16 =	vmpcnt.ones.xlane vm8;
	vm9 =	vle.f32 v27, v5;
	(xrf0) =	vadd.scan.msk.s32 $0xffff, v21;
	v9 =	vmovc v27  }
0x1eb: {  	v20 =	vadd.s32 v24, v22;
	v22 =	vsel vm8, $0x1, v0;
	v25 =	vmpcnt.ones.xlane vm9;
	[tilespmem:v18+s17+$0x0] =	vst.idx.msk vm7, v8;
	v8 =	vmovc v15  }
0x1ec: {  	vm4 =	vlt.s32 v13, $0x1000;
	v15 =	vsel vm9, $0x1, v0;
	v21 =	vadd.s32 v20, v16;
	(xrf0) =	vadd.scan.msk.s32 $0xffff, v22  }
.Ltmp8:
0x1ed: {  	vm5 =	vmand vm3, vm5;
	vm4 =	vmand vm0, vm4;
	v16 =	vadd.s32 v21, v25;
	(xrf0) =	vadd.scan.msk.s32 $0xffff, v15;
	(pc) =	sbr.rel @p0 .LBB2_11-.Ltmp8, $4  }
0x1ee: {  	s0 =	sadd.s32 $0xFFFFFFE0, s28;
	vm3 =	vmmov vm8;
	vm0 =	vmmov vm9;
	[tilespmem:v18+s18+$0x0] =	vst.idx.msk vm7, v19  }
0x1ef: {  	s28 =	sadd.s32 $0x40, s28;
	s30 =	sadd.s32 $0x40, s30;
	v19 =	vor.u32 s0, v1;
	v18, _, _ =	vpop (xrf0);
	[tilespmem:v23+s17+$0x0] =	vst.idx.msk vm6, v7;
	v7 =	vmov v12  }
0x1f0: {  	v22 =	vor.u32 s29, v1;
	s0 =	sadd.s32 $0xFFFFFFD0, s28;
	v15 =	vld [tilespmem:s30+$0xFFFFFFE0];
	v18 =	vadd.s32 v18, v17;
	v25, _, _ =	vpop (xrf0);
	[tilespmem:v23+s18+$0x0] =	vst.idx.msk vm6, v19;
	v17 =	vmov v16  }
0x1f1: {  	v19 =	vor.u32 s0, v1;
	s0 =	sadd.s32 $0xFFFFFFF0, s29;
	s29 =	smov.u32 s28;
	v12 =	vld [tilespmem:s30+$0xFFFFFFF0];
	v18 =	vadd.s32 $0xFFFFFFFF, v18;
	v23 =	vadd.s32 v25, v24  }
0x1f2: {  	_ =	sdelay $0x1  }
0x1f3: {  	v24 =	vld [tilespmem:s30+$0x0]  }
0x1f4: {  	vm7 =	vle.f32 v15, v5  }
0x1f5: {  	v25 =	vld [tilespmem:s30+$0x10];
	v26 =	vsel vm7, $0x1, v0  }
0x1f6: {  	vm8 =	vlt.s32 v18, $0x1000;
	[tilespmem:v14+s17+$0x0] =	vst.idx.msk vm5, v11;
	vm6 =	vle.f32 v12, v5;
	(xrf0) =	vadd.scan.msk.s32 $0xffff, v26  }
0x1f7: {  	v23 =	vadd.s32 $0xFFFFFFFF, v23;
	v61 =	vor.u32 s0, v1;
	[tilespmem:v13+s17+$0x0] =	vst.idx.msk vm4, v6;
	v11 =	vsel vm6, $0x1, v0  }
0x1f8: {  	v27, _, _ =	vpop (xrf0);
	vm8 =	vmand vm2, vm8;
	vm9 =	vlt.s32 v23, $0x1000;
	vm2 =	vle.f32 v24, v5;
	(xrf0) =	vadd.scan.msk.s32 $0xffff, v11  }
0x1f9: {  	[tilespmem:v14+s18+$0x0] =	vst.idx.msk vm5, v61;
	v14, _, _ =	vpop (xrf0);
	vm5 =	vmand vm1, vm9;
	v11 =	vadd.s32 v27, v20;
	v20 =	vsel vm2, $0x1, v0  }
0x1fa: {  	v14 =	vadd.s32 v14, v21;
	vm1 =	vle.f32 v25, v5;
	v11 =	vadd.s32 $0xFFFFFFFF, v11;
	(xrf0) =	vadd.scan.msk.s32 $0xffff, v20  }
0x1fb: {  	[tilespmem:v13+s18+$0x0] =	vst.idx.msk vm4, v22;
	v14 =	vadd.s32 $0xFFFFFFFF, v14;
	v20 =	vsel vm1, $0x1, v0;
	vm13 =	vlt.s32 v11, $0x1000  }
0x1fc: {  	v6 =	vmpcnt.ones.xlane vm7;
	vm4 =	vlt.s32 v14, $0x1000;
	(xrf0) =	vadd.scan.msk.s32 $0xffff, v20;
	vm3 =	vmand vm3, vm13;
	v21, _, _ =	vpop (xrf0)  }
0x1fd: {  	vm0 =	vmand vm0, vm4;
	v20 =	vmpcnt.ones.xlane vm6;
	v13 =	vadd.s32 v21, v17  }
0x1fe: {  	v6 =	vadd.s32 v16, v6;
	v16 =	vmpcnt.ones.xlane vm2;
	[tilespmem:v18+s17+$0x0] =	vst.idx.msk vm8, v8;
	v8, _, _ =	vpop (xrf0);
	v13 =	vadd.s32 $0xFFFFFFFF, v13  }
0x1ff: {  	s5 =	sadd.s32 $0xFFFFFFE0, s28;
	[tilespmem:v18+s18+$0x0] =	vst.idx.msk vm8, v19;
	v17 =	vadd.s32 v6, v20;
	v6 =	vadd.s32 v8, v6;
	vm4 =	vlt.s32 v13, $0x1000  }
0x200: {  	[tilespmem:v23+s17+$0x0] =	vst.idx.msk vm5, v7;
	v8 =	vor.u32 s5, v1;
	v7, _, _ =	vpop (xrf0);
	v6 =	vadd.s32 $0xFFFFFFFF, v6;
	vm4 =	vmand vm7, vm4  }
0x201: {  	s6 =	sadd.s32 $0xFFFFFFF0, s29;
	v16 =	vadd.s32 v17, v16;
	[tilespmem:v23+s18+$0x0] =	vst.idx.msk vm5, v8;
	v7 =	vadd.s32 v7, v17;
	vm5 =	vlt.s32 v6, $0x1000  }
0x202: {  	v8 =	vor.u32 s6, v1;
	v17, _, _ =	vpop (xrf0);
	[tilespmem:v11+s17+$0x0] =	vst.idx.msk vm3, v10;
	v7 =	vadd.s32 $0xFFFFFFFF, v7;
	vm5 =	vmand vm6, vm5  }
0x203: {  	vm2 =	vmmov vm2;
	v10 =	vadd.s32 v17, v16;
	[tilespmem:v11+s18+$0x0] =	vst.idx.msk vm3, v8;
	vm3 =	vlt.s32 v7, $0x1000  }
0x204: {  	s0 =	sadd.s32 $0x40, s28;
	[tilespmem:v14+s17+$0x0] =	vst.idx.msk vm0, v9;
	v8 =	vor.u32 s29, v1;
	v10 =	vadd.s32 $0xFFFFFFFF, v10;
	vm2 =	vmand vm2, vm3  }
0x205: {  	s5 =	sadd.s32 $0xFFFFFFD0, s0;
	vm3 =	vmmov vm1;
	[tilespmem:v14+s18+$0x0] =	vst.idx.msk vm0, v8;
	vm0 =	vlt.s32 v10, $0x1000  }
0x206: {  	v8 =	vor.u32 s5, v1;
	vm0 =	vmand vm3, vm0;
	[tilespmem:v13+s17+$0x0] =	vst.idx.msk vm4, v15  }
0x207: {  	s31 =	sadd.s32 $0xFFFFFFE0, s0;
	s6 =	sadd.s32 $0x6, s26;
	[tilespmem:v13+s18+$0x0] =	vst.idx.msk vm4, v8  }
0x208: {  	s26 =	sshrl.u32 s6, $0x3;
	v8 =	vor.u32 s31, v1;
	[tilespmem:v6+s17+$0x0] =	vst.idx.msk vm5, v12  }
0x209: {  	s6 =	sshll.u32 s6, $0x7;
	s5 =	smul.u32 $0xE000, s26;
	s31 =	sadd.s32 $0xFFFFFFF0, s0;
	[tilespmem:v6+s18+$0x0] =	vst.idx.msk vm5, v8  }
0x20a: {  	s6 =	sand.u32 $0x380, s6;
	v6 =	vor.u32 s31, v1;
	[tilespmem:v7+s17+$0x0] =	vst.idx.msk vm2, v24  }
0x20b: {  	s5 =	sor.u32 s6, s5;
	[tilespmem:v7+s18+$0x0] =	vst.idx.msk vm2, v6  }
0x20c: {  	s5 =	sshrl.u32 s5, $0x3;
	v6 =	vor.u32 s0, v1;
	[tilespmem:v10+s17+$0x0] =	vst.idx.msk vm0, v25  }
0x20d: {  	s0 =	sadd.s32 s2, s5;
	[tilespmem:v10+s18+$0x0] =	vst.idx.msk vm0, v6  }
0x20e: {  	[tilespmem:s14], [sflag:$0x2] =	stream.strided.gather [hbm4b:s0+s14], $0x1C00, s13, s14, $0x38;
	[tilespmem:$0x17D80] =	vst v63  }
0x20f: {  	_ =	swait.ge [sflag:s19], $0x1C00  }
0x210: {  	[sflag:s19] =	ssyncset.done $0x0  }
0x211: {  	s6 =	simm.s32 $0x1CA0;
	[sflag:s19] =	ssyncadd.s32 $0xFFFFE400  }
0x212: {  	v12 =	vld [tilespmem:s6+$0xFFFFFFE0]  }
0x213: {  	v15 =	vld [tilespmem:s6+$0xFFFFFFF0];
	_ =	sdelay $0x1  }
0x214: {  	v11 =	vld [tilespmem:s6+$0x0];
	_ =	sdelay $0x1  }
0x215: {  	v6 =	vld [tilespmem:s6+$0x10];
	vm4 =	vle.f32 v12, v5  }
0x216: {  	vm2 =	vle.f32 v15, v5;
	v7 =	vsel vm4, $0x1, v0  }
0x217: {  	v8 =	vsel vm2, $0x1, v0;
	(xrf0) =	vadd.scan.msk.s32 $0xffff, v7  }
0x218: {  	vm0 =	vle.f32 v11, v5;
	v7 =	vmpcnt.ones.xlane vm1;
	(xrf0) =	vadd.scan.msk.s32 $0xffff, v8  }
0x219: {  	v9 =	vsel vm0, $0x1, v0;
	v8 =	vmpcnt.ones.xlane vm4  }
0x21a: {  	v10 =	vmpcnt.ones.xlane vm2;
	vm1 =	vle.f32 v6, v5;
	v7 =	vadd.s32 v16, v7  }
0x21b: {  	v13 =	vsel vm1, $0x1, v0;
	(xrf0) =	vadd.scan.msk.s32 $0xffff, v9;
	v9 =	vadd.s32 v7, v8;
	v8 =	vmpcnt.ones.xlane vm0  }
0x21c: {  	s26 =	simm.s32 $0x1CE0;
	(xrf0) =	vadd.scan.msk.s32 $0xffff, v13;
	v14 =	vadd.s32 v9, v10;
	v10 =	vmpcnt.ones.xlane vm1  }
0x21d: {  	v13 =	vadd.s32 v14, v8;
	v8 =	vld [tilespmem:s26+$0xFFFFFFE0];
	v16, _, _ =	vpop (xrf0)  }
0x21e: {  	v17 =	vadd.s32 v13, v10;
	v10 =	vadd.s32 v16, v7;
	v16, _, _ =	vpop (xrf0)  }
0x21f: {  	v7 =	vld [tilespmem:s26+$0xFFFFFFF0];
	v18 =	vadd.s32 $0xFFFFFFFF, v10;
	v9 =	vadd.s32 v16, v9  }
0x220: {  	vm3 =	vmmov vm1;
	v10 =	vld [tilespmem:s26+$0x0];
	vm1 =	vlt.s32 v18, $0x1000;
	v23 =	vadd.s32 $0xFFFFFFFF, v9  }
0x221: {  	v16, _, _ =	vpop (xrf0);
	v9 =	vld [tilespmem:s26+$0x10];
	vm7 =	vmand vm4, vm1;
	vm1 =	vlt.s32 v23, $0x1000  }
0x222: {  	v14 =	vadd.s32 v16, v14;
	v16, _, _ =	vpop (xrf0);
	vm6 =	vmand vm2, vm1;
	vm2 =	vle.f32 v8, v5  }
0x223: {  	v13 =	vadd.s32 v16, v13;
	v16 =	vsel vm2, $0x1, v0  }
0x224: {  	s31 =	simm.s32 $0x8C00;
	vm1 =	vle.f32 v7, v5;
	(xrf0) =	vadd.scan.msk.s32 $0xffff, v16  }
0x225: {  	v19 =	vor.u32 s31, v1;
	v20 =	vmpcnt.ones.xlane vm2;
	v21 =	vsel vm1, $0x1, v0  }
0x226: {  	v16 =	vmpcnt.ones.xlane vm1;
	vm14 =	vle.f32 v10, v5;
	vm15 =	vle.f32 v9, v5  }
0x227: {  	(xrf0) =	vadd.scan.msk.s32 $0xffff, v21;
	v62 =	vadd.s32 v17, v20;
	[tilespmem:v18+s17+$0x0] =	vst.idx.msk vm7, v12;
	v12 =	vsel vm15, $0x1, v0  }
0x228: {  	v14 =	vadd.s32 $0xFFFFFFFF, v14;
	v20 =	vadd.s32 v62, v16;
	v16 =	vsel vm14, $0x1, v0  }
0x229: {  	vm0 =	vmmov vm0;
	vm4 =	vlt.s32 v14, $0x1000;
	v13 =	vadd.s32 $0xFFFFFFFF, v13;
	(xrf0) =	vadd.scan.msk.s32 $0xffff, v16  }
0x22a: {  	vm10 =	vlt.s32 v13, $0x1000;
	vm5 =	vmand vm0, vm4;
	v21 =	vmpcnt.ones.xlane vm14;
	(xrf0) =	vadd.scan.msk.s32 $0xffff, v12;
	v12, _, _ =	vpop (xrf0)  }
0x22b: {  	vm4 =	vmand vm3, vm10;
	v22 =	vmpcnt.ones.xlane vm15;
	v17 =	vadd.s32 v12, v17  }
0x22c: {  	s29 =	simm.s32 $0x1D20;
	s6 =	simm.s32 $0x8C30;
	s26 =	simm.s32 $0x8C10;
	vm3 =	vmmov vm14;
	vm0 =	vmmov vm15;
	v21 =	vadd.s32 v20, v21;
	[tilespmem:v18+s18+$0x0] =	vst.idx.msk vm7, v19  }
0x22d: {  	s30 =	simm.s32 $0x8;
	s31 =	simm.s32 $0x8C40;
	v16 =	vadd.s32 v21, v22;
	v18 =	vor.u32 s26, v1;
	[tilespmem:v23+s17+$0x0] =	vst.idx.msk vm6, v15;
	v15 =	vld [tilespmem:s29+$0xFFFFFFE0];
	v22 =	vor.u32 s6, v1;
	v63, _, _ =	vpop (xrf0)  }
0x22e: {  	s28 =	simm.s32 $0x8C70;
	s0 =	simm.s32 $0x8C20;
	s26 =	simm.s32 $0x8C70;
	v19 =	vor.u32 s31, v1;
	[tilespmem:v23+s18+$0x0] =	vst.idx.msk vm6, v18;
	v12 =	vld [tilespmem:s29+$0xFFFFFFF0];
	v18 =	vadd.s32 $0xFFFFFFFF, v17;
	v23 =	vadd.s32 v63, v62;
	v17 =	vmovc v16  }
.LBB2_13:
0x22f: {  	s30 =	sadd.s32 $0x4, s30;
	v24 =	vld [tilespmem:s29+$0x0];
	vm6 =	vlt.s32 v18, $0x1000;
	v23 =	vadd.s32 $0xFFFFFFFF, v23;
	v25, _, _ =	vpop (xrf0);
	v26 =	vor.u32 s0, v1  }
0x230: {  	p0 =	slt.u32 s30, $0x1BC;
	v27 =	vld [tilespmem:s29+$0x10];
	vm7 =	vmand vm2, vm6;
	vm2 =	vlt.s32 v23, $0x1000;
	v20 =	vadd.s32 v25, v20;
	v25, _, _ =	vpop (xrf0);
	[tilespmem:v14+s17+$0x0] =	vst.idx.msk vm5, v11  }
0x231: {  	v11 =	vmovc v10;
	vm6 =	vmand vm1, vm2;
	v21 =	vadd.s32 v25, v21;
	[tilespmem:v14+s18+$0x0] =	vst.idx.msk vm5, v26;
	v14 =	vadd.s32 $0xFFFFFFFF, v20  }
0x232: {  	vm2 =	vle.f32 v15, v5;
	vm5 =	vlt.s32 v14, $0x1000;
	v25 =	vadd.s32 $0xFFFFFFFF, v21;
	[tilespmem:v13+s17+$0x0] =	vst.idx.msk vm4, v6;
	v6 =	vmovc v9  }
0x233: {  	v26 =	vsel vm2, $0x1, v0;
	v20 =	vmpcnt.ones.xlane vm2;
	vm1 =	vle.f32 v12, v5;
	[tilespmem:v13+s18+$0x0] =	vst.idx.msk vm4, v22;
	v13 =	vmovc v25  }
0x234: {  	v21 =	vsel vm1, $0x1, v0;
	v22 =	vmpcnt.ones.xlane vm1;
	vm8 =	vle.f32 v24, v5;
	(xrf0) =	vadd.scan.msk.s32 $0xffff, v26;
	v10 =	vmovc v24  }
0x235: {  	v24 =	vadd.s32 v16, v20;
	v16 =	vmpcnt.ones.xlane vm8;
	vm9 =	vle.f32 v27, v5;
	(xrf0) =	vadd.scan.msk.s32 $0xffff, v21;
	v9 =	vmovc v27  }
0x236: {  	v20 =	vadd.s32 v24, v22;
	v22 =	vsel vm8, $0x1, v0;
	v25 =	vmpcnt.ones.xlane vm9;
	[tilespmem:v18+s17+$0x0] =	vst.idx.msk vm7, v8;
	v8 =	vmovc v15  }
0x237: {  	vm4 =	vlt.s32 v13, $0x1000;
	v15 =	vsel vm9, $0x1, v0;
	v21 =	vadd.s32 v20, v16;
	(xrf0) =	vadd.scan.msk.s32 $0xffff, v22  }
.Ltmp9:
0x238: {  	vm5 =	vmand vm3, vm5;
	vm4 =	vmand vm0, vm4;
	v16 =	vadd.s32 v21, v25;
	(xrf0) =	vadd.scan.msk.s32 $0xffff, v15;
	(pc) =	sbr.rel @p0 .LBB2_13-.Ltmp9, $4  }
0x239: {  	s0 =	sadd.s32 $0xFFFFFFE0, s26;
	vm3 =	vmmov vm8;
	vm0 =	vmmov vm9;
	[tilespmem:v18+s18+$0x0] =	vst.idx.msk vm7, v19  }
0x23a: {  	s26 =	sadd.s32 $0x40, s26;
	s29 =	sadd.s32 $0x40, s29;
	v19 =	vor.u32 s0, v1;
	v18, _, _ =	vpop (xrf0);
	[tilespmem:v23+s17+$0x0] =	vst.idx.msk vm6, v7;
	v7 =	vmov v12  }
0x23b: {  	v22 =	vor.u32 s28, v1;
	s0 =	sadd.s32 $0xFFFFFFD0, s26;
	v15 =	vld [tilespmem:s29+$0xFFFFFFE0];
	v18 =	vadd.s32 v18, v17;
	v25, _, _ =	vpop (xrf0);
	[tilespmem:v23+s18+$0x0] =	vst.idx.msk vm6, v19;
	v17 =	vmov v16  }
0x23c: {  	v19 =	vor.u32 s0, v1;
	s0 =	sadd.s32 $0xFFFFFFF0, s28;
	s28 =	smov.u32 s26;
	v12 =	vld [tilespmem:s29+$0xFFFFFFF0];
	v18 =	vadd.s32 $0xFFFFFFFF, v18;
	v23 =	vadd.s32 v25, v24  }
0x23d: {  	_ =	sdelay $0x1  }
0x23e: {  	v24 =	vld [tilespmem:s29+$0x0]  }
0x23f: {  	vm7 =	vle.f32 v15, v5  }
0x240: {  	v25 =	vld [tilespmem:s29+$0x10];
	v26 =	vsel vm7, $0x1, v0  }
0x241: {  	vm8 =	vlt.s32 v18, $0x1000;
	[tilespmem:v14+s17+$0x0] =	vst.idx.msk vm5, v11;
	vm6 =	vle.f32 v12, v5;
	(xrf0) =	vadd.scan.msk.s32 $0xffff, v26  }
0x242: {  	v23 =	vadd.s32 $0xFFFFFFFF, v23;
	v61 =	vor.u32 s0, v1;
	[tilespmem:v13+s17+$0x0] =	vst.idx.msk vm4, v6;
	v11 =	vsel vm6, $0x1, v0  }
0x243: {  	v27, _, _ =	vpop (xrf0);
	vm8 =	vmand vm2, vm8;
	vm9 =	vlt.s32 v23, $0x1000;
	vm2 =	vle.f32 v24, v5;
	(xrf0) =	vadd.scan.msk.s32 $0xffff, v11  }
0x244: {  	[tilespmem:v14+s18+$0x0] =	vst.idx.msk vm5, v61;
	v14, _, _ =	vpop (xrf0);
	vm5 =	vmand vm1, vm9;
	v11 =	vadd.s32 v27, v20;
	v20 =	vsel vm2, $0x1, v0  }
0x245: {  	v14 =	vadd.s32 v14, v21;
	vm1 =	vle.f32 v25, v5;
	v11 =	vadd.s32 $0xFFFFFFFF, v11;
	(xrf0) =	vadd.scan.msk.s32 $0xffff, v20  }
0x246: {  	[tilespmem:v13+s18+$0x0] =	vst.idx.msk vm4, v22;
	v14 =	vadd.s32 $0xFFFFFFFF, v14;
	v20 =	vsel vm1, $0x1, v0;
	vm13 =	vlt.s32 v11, $0x1000  }
0x247: {  	v6 =	vmpcnt.ones.xlane vm7;
	vm4 =	vlt.s32 v14, $0x1000;
	(xrf0) =	vadd.scan.msk.s32 $0xffff, v20;
	vm3 =	vmand vm3, vm13;
	v21, _, _ =	vpop (xrf0)  }
0x248: {  	vm0 =	vmand vm0, vm4;
	v20 =	vmpcnt.ones.xlane vm6;
	v13 =	vadd.s32 v21, v17  }
0x249: {  	v6 =	vadd.s32 v16, v6;
	v16 =	vmpcnt.ones.xlane vm2;
	[tilespmem:v18+s17+$0x0] =	vst.idx.msk vm8, v8;
	v8, _, _ =	vpop (xrf0);
	v13 =	vadd.s32 $0xFFFFFFFF, v13  }
0x24a: {  	s31 =	sadd.s32 $0xFFFFFFE0, s26;
	[tilespmem:v18+s18+$0x0] =	vst.idx.msk vm8, v19;
	v17 =	vadd.s32 v6, v20;
	v6 =	vadd.s32 v8, v6;
	vm4 =	vlt.s32 v13, $0x1000  }
0x24b: {  	[tilespmem:v23+s17+$0x0] =	vst.idx.msk vm5, v7;
	v8 =	vor.u32 s31, v1;
	v7, _, _ =	vpop (xrf0);
	v6 =	vadd.s32 $0xFFFFFFFF, v6;
	vm4 =	vmand vm7, vm4  }
0x24c: {  	s5 =	sadd.s32 $0xFFFFFFF0, s28;
	v16 =	vadd.s32 v17, v16;
	[tilespmem:v23+s18+$0x0] =	vst.idx.msk vm5, v8;
	v7 =	vadd.s32 v7, v17;
	vm5 =	vlt.s32 v6, $0x1000  }
0x24d: {  	v8 =	vor.u32 s5, v1;
	v17, _, _ =	vpop (xrf0);
	[tilespmem:v11+s17+$0x0] =	vst.idx.msk vm3, v10;
	v7 =	vadd.s32 $0xFFFFFFFF, v7;
	vm5 =	vmand vm6, vm5  }
0x24e: {  	vm2 =	vmmov vm2;
	v10 =	vadd.s32 v17, v16;
	[tilespmem:v11+s18+$0x0] =	vst.idx.msk vm3, v8;
	vm3 =	vlt.s32 v7, $0x1000  }
0x24f: {  	s6 =	sadd.s32 $0x40, s26;
	[tilespmem:v14+s17+$0x0] =	vst.idx.msk vm0, v9;
	v8 =	vor.u32 s28, v1;
	v10 =	vadd.s32 $0xFFFFFFFF, v10;
	vm2 =	vmand vm2, vm3  }
0x250: {  	s5 =	sadd.s32 $0xFFFFFFD0, s6;
	vm3 =	vmmov vm1;
	[tilespmem:v14+s18+$0x0] =	vst.idx.msk vm0, v8;
	vm0 =	vlt.s32 v10, $0x1000  }
0x251: {  	v8 =	vor.u32 s5, v1;
	vm0 =	vmand vm3, vm0;
	[tilespmem:v13+s17+$0x0] =	vst.idx.msk vm4, v15  }
0x252: {  	s26 =	sadd.s32 $0xFFFFFFE0, s6;
	[tilespmem:v13+s18+$0x0] =	vst.idx.msk vm4, v8  }
0x253: {  	v8 =	vor.u32 s26, v1;
	[tilespmem:v6+s17+$0x0] =	vst.idx.msk vm5, v12  }
0x254: {  	s31 =	sadd.s32 $0xFFFFFFF0, s6;
	[tilespmem:v6+s18+$0x0] =	vst.idx.msk vm5, v8  }
0x255: {  	v6 =	vor.u32 s31, v1;
	[tilespmem:v7+s17+$0x0] =	vst.idx.msk vm2, v24  }
0x256: {  	[tilespmem:v7+s18+$0x0] =	vst.idx.msk vm2, v6  }
0x257: {  	v6 =	vor.u32 s6, v1;
	[tilespmem:v10+s17+$0x0] =	vst.idx.msk vm0, v25  }
0x258: {  	[tilespmem:v10+s18+$0x0] =	vst.idx.msk vm0, v6  }
0x259: {  	_ =	swait.ge [sflag:s16], $0x1C00  }
0x25a: {  	[sflag:s16] =	ssyncset.done $0x0  }
0x25b: {  	s6 =	simm.s32 $0xA0;
	[sflag:s16] =	ssyncadd.s32 $0xFFFFE400  }
0x25c: {  	v12 =	vld [tilespmem:s6+$0xFFFFFFE0]  }
0x25d: {  	v15 =	vld [tilespmem:s6+$0xFFFFFFF0];
	_ =	sdelay $0x1  }
0x25e: {  	v7 =	vld [tilespmem:s6+$0x0]  }
0x25f: {  	v6 =	vld [tilespmem:s6+$0x10]  }
0x260: {  	vm4 =	vle.f32 v12, v5  }
0x261: {  	vm0 =	vle.f32 v15, v5;
	v8 =	vsel vm4, $0x1, v0  }
0x262: {  	v9 =	vsel vm0, $0x1, v0;
	(xrf0) =	vadd.scan.msk.s32 $0xffff, v8  }
0x263: {  	v8 =	vmpcnt.ones.xlane vm1;
	vm1 =	vle.f32 v7, v5;
	(xrf0) =	vadd.scan.msk.s32 $0xffff, v9  }
0x264: {  	vm3 =	vle.f32 v6, v5;
	v9 =	vmpcnt.ones.xlane vm4;
	v10 =	vsel vm1, $0x1, v0  }
0x265: {  	v11 =	vmpcnt.ones.xlane vm0;
	v13 =	vsel vm3, $0x1, v0;
	v8 =	vadd.s32 v16, v8;
	(xrf0) =	vadd.scan.msk.s32 $0xffff, v10  }
0x266: {  	v10 =	vmpcnt.ones.xlane vm1;
	v9 =	vadd.s32 v8, v9;
	(xrf0) =	vadd.scan.msk.s32 $0xffff, v13  }
0x267: {  	s26 =	simm.s32 $0xE0;
	v14 =	vadd.s32 v9, v11;
	v11 =	vmpcnt.ones.xlane vm3  }
0x268: {  	s31 =	simm.s32 $0xA800;
	v16 =	vadd.s32 v14, v10;
	v10 =	vld [tilespmem:s26+$0xFFFFFFE0];
	v13, _, _ =	vpop (xrf0)  }
0x269: {  	v22 =	vor.u32 s31, v1;
	v18 =	vadd.s32 v16, v11;
	v11 =	vadd.s32 v13, v8;
	v13, _, _ =	vpop (xrf0);
	v8 =	vld [tilespmem:s26+$0xFFFFFFF0]  }
0x26a: {  	vm2 =	vmmov vm1;
	v20 =	vadd.s32 $0xFFFFFFFF, v11;
	v9 =	vadd.s32 v13, v9  }
0x26b: {  	vm3 =	vmmov vm3;
	v11 =	vld [tilespmem:s26+$0x0];
	v13, _, _ =	vpop (xrf0);
	vm1 =	vlt.s32 v20, $0x1000;
	v23 =	vadd.s32 $0xFFFFFFFF, v9  }
0x26c: {  	v9 =	vld [tilespmem:s26+$0x10];
	v13 =	vadd.s32 v13, v14;
	v14, _, _ =	vpop (xrf0);
	vm7 =	vmand vm4, vm1;
	vm1 =	vlt.s32 v23, $0x1000  }
0x26d: {  	v14 =	vadd.s32 v14, v16;
	vm6 =	vmand vm0, vm1;
	vm0 =	vle.f32 v10, v5  }
0x26e: {  	v16 =	vsel vm0, $0x1, v0;
	vm1 =	vle.f32 v8, v5;
	v17 =	vmpcnt.ones.xlane vm0  }
0x26f: {  	v13 =	vadd.s32 $0xFFFFFFFF, v13;
	v19 =	vsel vm1, $0x1, v0;
	(xrf0) =	vadd.scan.msk.s32 $0xffff, v16;
	v16 =	vmpcnt.ones.xlane vm1  }
0x270: {  	vm4 =	vlt.s32 v13, $0x1000;
	vm14 =	vle.f32 v11, v5;
	(xrf0) =	vadd.scan.msk.s32 $0xffff, v19;
	v62 =	vadd.s32 v18, v17  }
0x271: {  	vm15 =	vle.f32 v9, v5;
	v19 =	vadd.s32 v62, v16;
	v16 =	vsel vm14, $0x1, v0  }
0x272: {  	v14 =	vadd.s32 $0xFFFFFFFF, v14;
	[tilespmem:v20+s17+$0x0] =	vst.idx.msk vm7, v12;
	v12 =	vsel vm15, $0x1, v0;
	(xrf0) =	vadd.scan.msk.s32 $0xffff, v16  }
0x273: {  	s26 =	simm.s32 $0xA810;
	vm10 =	vlt.s32 v14, $0x1000;
	vm5 =	vmand vm2, vm4;
	v17 =	vmpcnt.ones.xlane vm14;
	(xrf0) =	vadd.scan.msk.s32 $0xffff, v12  }
0x274: {  	vm4 =	vmand vm3, vm10;
	v21 =	vmpcnt.ones.xlane vm15;
	v16 =	vor.u32 s26, v1  }
0x275: {  	s29 =	simm.s32 $0x120;
	s6 =	simm.s32 $0xA830;
	vm3 =	vmmov vm14;
	vm2 =	vmmov vm15;
	v17 =	vadd.s32 v19, v17;
	[tilespmem:v20+s18+$0x0] =	vst.idx.msk vm7, v22;
	v12, _, _ =	vpop (xrf0)  }
0x276: {  	s30 =	simm.s32 $0x8;
	s31 =	simm.s32 $0xA840;
	v21 =	vadd.s32 v17, v21;
	[tilespmem:v23+s17+$0x0] =	vst.idx.msk vm6, v15;
	v15 =	vld [tilespmem:s29+$0xFFFFFFE0];
	v22 =	vor.u32 s6, v1;
	v18 =	vadd.s32 v12, v18;
	v63, _, _ =	vpop (xrf0)  }
0x277: {  	s0 =	simm.s32 $0xA820;
	s28 =	simm.s32 $0xA870;
	s26 =	simm.s32 $0xA870;
	v20 =	vor.u32 s31, v1;
	[tilespmem:v23+s18+$0x0] =	vst.idx.msk vm6, v16;
	v16 =	vmovc v21;
	v12 =	vld [tilespmem:s29+$0xFFFFFFF0];
	v18 =	vadd.s32 $0xFFFFFFFF, v18;
	v23 =	vadd.s32 v63, v62  }
.LBB2_15:
0x278: {  	s30 =	sadd.s32 $0x4, s30;
	v24 =	vld [tilespmem:s29+$0x0];
	vm6 =	vlt.s32 v18, $0x1000;
	v23 =	vadd.s32 $0xFFFFFFFF, v23;
	v25, _, _ =	vpop (xrf0);
	v26 =	vor.u32 s0, v1  }
0x279: {  	p0 =	slt.u32 s30, $0x1BC;
	v27 =	vld [tilespmem:s29+$0x10];
	vm7 =	vmand vm0, vm6;
	vm0 =	vlt.s32 v23, $0x1000;
	v19 =	vadd.s32 v25, v19;
	v25, _, _ =	vpop (xrf0);
	[tilespmem:v13+s17+$0x0] =	vst.idx.msk vm5, v7  }
0x27a: {  	v7 =	vmovc v11;
	vm6 =	vmand vm1, vm0;
	v17 =	vadd.s32 v25, v17;
	[tilespmem:v13+s18+$0x0] =	vst.idx.msk vm5, v26;
	v13 =	vadd.s32 $0xFFFFFFFF, v19  }
0x27b: {  	vm0 =	vle.f32 v15, v5;
	vm5 =	vlt.s32 v13, $0x1000;
	v25 =	vadd.s32 $0xFFFFFFFF, v17;
	[tilespmem:v14+s17+$0x0] =	vst.idx.msk vm4, v6;
	v6 =	vmovc v9  }
0x27c: {  	v26 =	vsel vm0, $0x1, v0;
	v17 =	vmpcnt.ones.xlane vm0;
	vm1 =	vle.f32 v12, v5;
	[tilespmem:v14+s18+$0x0] =	vst.idx.msk vm4, v22;
	v14 =	vmovc v25  }
0x27d: {  	v19 =	vsel vm1, $0x1, v0;
	v22 =	vmpcnt.ones.xlane vm1;
	vm8 =	vle.f32 v24, v5;
	(xrf0) =	vadd.scan.msk.s32 $0xffff, v26;
	v11 =	vmovc v24  }
0x27e: {  	v24 =	vadd.s32 v21, v17;
	v17 =	vmpcnt.ones.xlane vm8;
	vm9 =	vle.f32 v27, v5;
	(xrf0) =	vadd.scan.msk.s32 $0xffff, v19;
	v9 =	vmovc v27  }
0x27f: {  	v21 =	vsel vm8, $0x1, v0;
	v19 =	vadd.s32 v24, v22;
	v22 =	vmpcnt.ones.xlane vm9;
	[tilespmem:v18+s17+$0x0] =	vst.idx.msk vm7, v10;
	v10 =	vmovc v15  }
0x280: {  	vm4 =	vlt.s32 v14, $0x1000;
	v15 =	vsel vm9, $0x1, v0;
	v17 =	vadd.s32 v19, v17;
	(xrf0) =	vadd.scan.msk.s32 $0xffff, v21  }
.Ltmp10:
0x281: {  	vm5 =	vmand vm3, vm5;
	vm4 =	vmand vm2, vm4;
	v21 =	vadd.s32 v17, v22;
	(xrf0) =	vadd.scan.msk.s32 $0xffff, v15;
	(pc) =	sbr.rel @p0 .LBB2_15-.Ltmp10, $4  }
0x282: {  	s0 =	sadd.s32 $0xFFFFFFE0, s28;
	vm3 =	vmmov vm8;
	vm2 =	vmmov vm9;
	[tilespmem:v18+s18+$0x0] =	vst.idx.msk vm7, v20  }
0x283: {  	s28 =	sadd.s32 $0x40, s28;
	s29 =	sadd.s32 $0x40, s29;
	v20 =	vor.u32 s0, v1;
	v18, _, _ =	vpop (xrf0);
	[tilespmem:v23+s17+$0x0] =	vst.idx.msk vm6, v8;
	v8 =	vmov v12  }
0x284: {  	v22 =	vor.u32 s26, v1;
	s0 =	sadd.s32 $0xFFFFFFD0, s28;
	v15 =	vld [tilespmem:s29+$0xFFFFFFE0];
	v18 =	vadd.s32 v18, v16;
	v25, _, _ =	vpop (xrf0);
	[tilespmem:v23+s18+$0x0] =	vst.idx.msk vm6, v20;
	v16 =	vmov v21  }
0x285: {  	v20 =	vor.u32 s0, v1;
	s0 =	sadd.s32 $0xFFFFFFF0, s26;
	s26 =	smov.u32 s28;
	v12 =	vld [tilespmem:s29+$0xFFFFFFF0];
	v18 =	vadd.s32 $0xFFFFFFFF, v18;
	v23 =	vadd.s32 v25, v24  }
0x286: {  	v24 =	vld [tilespmem:s29+$0x0]  }
0x287: {  	v25 =	vld [tilespmem:s29+$0x10];
	_ =	sdelay $0x1  }
0x288: {  	vm9 =	vle.f32 v15, v5  }
0x289: {  	v26 =	vmpcnt.ones.xlane vm9;
	vm7 =	vle.f32 v12, v5  }
0x28a: {  	v27 =	vsel vm9, $0x1, v0;
	v28 =	vmpcnt.ones.xlane vm7;
	vm8 =	vle.f32 v24, v5  }
0x28b: {  	vm6 =	vle.f32 v25, v5;
	v21 =	vadd.s32 v21, v26;
	v54 =	vmpcnt.ones.xlane vm8  }
0x28c: {  	v5 =	vsel vm7, $0x1, v0;
	(xrf0) =	vadd.scan.msk.s32 $0xffff, v27;
	v56 =	vmpcnt.ones.xlane vm6;
	v55 =	vadd.s32 v21, v28  }
0x28d: {  	(xrf0) =	vadd.scan.msk.s32 $0xffff, v5;
	v5 =	vsel vm8, $0x1, v0;
	v26 =	vadd.s32 v55, v54  }
0x28e: {  	(xrf0) =	vadd.scan.msk.s32 $0xffff, v5;
	v5 =	vadd.s32 v26, v56  }
0x28f: {  	v29 =	vsel vm6, $0x1, v0;
	v5 =	vxor.u32 $0x80000000, v5  }
0x290: {  	(xrf0) =	vadd.scan.msk.s32 $0xffff, v29  }
0x291: {  	v57, _, _ =	vpop (xrf0);
	(xrf0) =	vmax.scan.msk.u32 $0xffff, v5  }
0x292: {  	v5, _, _ =	vpop (xrf0)  }
0x293: {  	v58, _, _ =	vpop (xrf0)  }
0x294: {  	v30, _, _ =	vpop (xrf0)  }
0x295: {  	v31, _, _ =	vpop (xrf0)  }
0x296: {  	v32, _, _ =	vpop (xrf0)  }
0x297: {  	v33, _, _ =	vpop (xrf0)  }
0x298: {  	(v2sf) =	vpush v33, $0xF;
	_ =	sdelay $0x4  }
0x299: {  	vm10 =	vlt.s32 v18, $0x1000  }
0x29a: {  	v23 =	vadd.s32 $0xFFFFFFFF, v23;
	vm0 =	vmand vm0, vm10  }
0x29b: {  	v19 =	vadd.s32 v57, v19;
	vm13 =	vlt.s32 v23, $0x1000  }
0x29c: {  	[tilespmem:v13+s17+$0x0] =	vst.idx.msk vm5, v7;
	vm1 =	vmand vm1, vm13;
	v19 =	vadd.s32 $0xFFFFFFFF, v19  }
0x29d: {  	v7 =	vor.u32 s0, v1;
	[tilespmem:v14+s17+$0x0] =	vst.idx.msk vm4, v6;
	vm14 =	vlt.s32 v19, $0x1000;
	v5 =	vadd.s32 v5, v17  }
0x29e: {  	[tilespmem:v13+s18+$0x0] =	vst.idx.msk vm5, v7;
	vm3 =	vmand vm3, vm14;
	v5 =	vadd.s32 $0xFFFFFFFF, v5  }
0x29f: {  	[tilespmem:v14+s18+$0x0] =	vst.idx.msk vm4, v22;
	v6 =	vadd.s32 v58, v16;
	vm15 =	vlt.s32 v5, $0x1000  }
0x2a0: {  	[tilespmem:v18+s17+$0x0] =	vst.idx.msk vm0, v10;
	v6 =	vadd.s32 $0xFFFFFFFF, v6;
	v7 =	vadd.s32 v30, v21;
	vm2 =	vmand vm2, vm15  }
0x2a1: {  	s6 =	sadd.s32 $0xFFFFFFE0, s28;
	[tilespmem:v18+s18+$0x0] =	vst.idx.msk vm0, v20;
	vm10 =	vlt.s32 v6, $0x1000;
	v7 =	vadd.s32 $0xFFFFFFFF, v7  }
0x2a2: {  	v59 =	vor.u32 s6, v1;
	[tilespmem:v23+s17+$0x0] =	vst.idx.msk vm1, v8;
	vm0 =	vmand vm9, vm10;
	vm11 =	vlt.s32 v7, $0x1000  }
0x2a3: {  	s5 =	sadd.s32 $0xFFFFFFF0, s26;
	v63 =	vor.u32 s26, v1;
	[tilespmem:v23+s18+$0x0] =	vst.idx.msk vm1, v59;
	v60 =	vadd.s32 v31, v55;
	vm1 =	vmand vm7, vm11;
	s0 =	spop (v2sf)  }
0x2a4: {  	s29 =	sadd.s32 $0x40, s28;
	v61 =	vor.u32 s5, v1;
	[tilespmem:v19+s17+$0x0] =	vst.idx.msk vm3, v11;
	v8 =	vadd.s32 $0xFFFFFFFF, v60;
	v62 =	vadd.s32 v32, v26;
	s6 =	sadd.s32 $0x8000000F, s0  }
0x2a5: {  	s28 =	sadd.s32 $0xFFFFFFE0, s29;
	vm12 =	vmmov vm8;
	[tilespmem:v19+s18+$0x0] =	vst.idx.msk vm3, v61;
	vm13 =	vlt.s32 v8, $0x1000;
	v11 =	vadd.s32 $0xFFFFFFFF, v62;
	s0 =	sxor.u32 $0x80000000, s0;
	s31 =	sand.u32 $0xF, s6  }
0x2a6: {  	vm14 =	vmmov vm6;
	vm3 =	vmand vm12, vm13;
	vm15 =	vlt.s32 v11, $0x1000;
	[tilespmem:v5+s17+$0x0] =	vst.idx.msk vm2, v9;
	s5 =	sshra.s32 s6, $0x1F;
	p1 =	slt.s32 s6, $0x1;
	p0 =	sne.s32 s31, $0x0  }
0x2a7: {  	[tilespmem:v5+s18+$0x0] =	vst.idx.msk vm2, v63;
	vm2 =	vmand vm14, vm15;
	s31 =	sadd.s32 $0xFFFFFFD0, s29;
	s5 =	sshrl.u32 s5, $0x1C;
	p0 =	por !p1, !p0  }
0x2a8: {  	[tilespmem:v6+s17+$0x0] =	vst.idx.msk vm0, v15;
	s5 =	sadd.s32 s5, s6;
	s6 =	simm.s32 $0x1;
	p0 =	por !p0, !p0  }
0x2a9: {  	[tilespmem:v7+s17+$0x0] =	vst.idx.msk vm1, v12;
	v5 =	vor.u32 s31, v1;
	s5 =	sshra.s32 s5, $0x4;
	s6 =	simm.s32 @!p0 $0x0;
	p0 =	slt.s32 s0, $0xFF0  }
0x2aa: {  	[tilespmem:v6+s18+$0x0] =	vst.idx.msk vm0, v5;
	v5 =	vor.u32 s28, v1;
	s26 =	ssub.s32 s5, s6;
	s0 =	simm.s32 @!p0 $0xFF0  }
0x2ab: {  	[tilespmem:v7+s18+$0x0] =	vst.idx.msk vm1, v5;
	s5 =	sshrl.u32 s26, $0x1E;
	v5 =	vadd.s32 s0, v1  }
.Ltmp11:
0x2ac: {  	[tilespmem:v8+s17+$0x0] =	vst.idx.msk vm3, v24;
	s31 =	sadd.s32 $0xFFFFFFF0, s29;
	s5 =	sadd.s32 s5, s26;
	(pc) =	sbr.rel .LBB2_17-.Ltmp11, $4  }
0x2ad: {  	[tilespmem:v11+s17+$0x0] =	vst.idx.msk vm2, v25;
	v6 =	vor.u32 s31, v1;
	s28 =	sand.u32 $0xFFFFFFFC, s5  }
0x2ae: {  	[tilespmem:v8+s18+$0x0] =	vst.idx.msk vm3, v6;
	v6 =	vor.u32 s29, v1;
	s0 =	sshll.u32 s28, $0x6  }
0x2af: {  	s30 =	simm.s32 $0x0;
	[tilespmem:v11+s18+$0x0] =	vst.idx.msk vm2, v6;
	s31 =	ssub.s32 s26, s28;
	s0 =	sshra.s32 s0, $0x2  }
0x2b0: {  	p1 =	slt.s32 s28, $0x1;
	p0 =	slt.s32 s31, $0x1;
	s29 =	sadd.s32 $0x3880, s0;
	[tilespmem:v5+s17+$0x0] =	vst.idx.msk $0xffff, v2;
	v5 =	vimm.s32 $0x0  }
.LBB2_27:
0x2b1: {  	s30 =	sadd.s32 $0x1, s30  }
0x2b2: {  	p2 =	sne.s32 s30, $0x20  }
.Ltmp12:
0x2b3: {  	_ = 	snop;
	(pc) =	sbr.rel @!p2 .LBB2_28-.Ltmp12, $3  }
0x2b4: {  	_ =	sdelay $0x1  }
0x2b5: {  	vm0 =	vlt.s32 v7, $0x60  }
0x2b6: {  	v5 =	vsel vm0, v6, v5  }
.LBB2_17:
0x2b7: {  	v6 =	vmov s30  }
.Ltmp13:
0x2b8: {  	v6 =	vsub.s32 $0x1F, v6;
	(pc) =	sbr.rel @p1 .LBB2_25-.Ltmp13, $3  }
0x2b9: {  	v6 =	vshll.u32 v3, v6  }
0x2ba: {  	v6 =	vbroadcast v6, $0x0;
	_ =	sdelay $0x1  }
0x2bb: {  	v7 =	vimm.s32 $0x0;
	v6 =	vor.u32 v5, v6  }
0x2bc: {  	s0 =	simm.s32 $0x38A0  }
0x2bd: {  	v14 =	vld [tilespmem:s0+$0x10]  }
0x2be: {  	v15 =	vld [tilespmem:s0+$0x0]  }
0x2bf: {  	p3 =	sgt.s32 s28, $0x4;
	v8 =	vld [tilespmem:s0+$0xFFFFFFE0]  }
.Ltmp14:
0x2c0: {  	_ = 	snop;
	(pc) =	sbr.rel @!p3 .LBB2_19-.Ltmp14, $3  }
0x2c1: {  	_ =	sdelay $0x1  }
0x2c2: {  	v7 =	vimm.s32 $0x0  }
0x2c3: {  	s5 =	simm.s32 $0x38E0;
	p2 =	por $0x0, $0x0;
	v9 =	vld [tilespmem:s0+$0xFFFFFFF0];
	v11 =	vshra.s32 v14, $0x1F;
	v17 =	vshra.s32 v8, $0x1F;
	v13 =	vshra.s32 v15, $0x1F  }
0x2c4: {  	_ =	sdelay $0x3  }
0x2c5: {  	v16 =	vor.u32 $0x80000000, v17;
	v17 =	vshra.s32 v9, $0x1F  }
0x2c6: {  	v17 =	vor.u32 $0x80000000, v17  }
0x2c7: {  	v10 =	vld [tilespmem:s5+$0x10];
	v11 =	vor.u32 $0x80000000, v11;
	v13 =	vor.u32 $0x80000000, v13;
	v9 =	vxor.u32 v9, v17  }
0x2c8: {  	v16 =	vxor.u32 v8, v16;
	v8 =	vld [tilespmem:s5+$0xFFFFFFE0];
	vm13 =	vlt.u32 v9, v6;
	v9 =	vxor.u32 v15, v13  }
0x2c9: {  	v12 =	vld [tilespmem:s5+$0x0];
	p3 =	sgt.s32 s28, $0x8;
	vm0 =	vlt.u32 v16, v6;
	vm14 =	vlt.u32 v9, v6;
	v9 =	vxor.u32 v14, v11  }
.Ltmp15:
0x2ca: {  	v16 =	vmpcnt.ones.xlane vm0;
	vm15 =	vlt.u32 v9, v6;
	v9 =	vld [tilespmem:s5+$0xFFFFFFF0];
	(pc) =	sbr.rel @!p3 .LBB2_21-.Ltmp15, $4  }
0x2cb: {  	v13 =	vmpcnt.ones.xlane vm13  }
0x2cc: {  	v14 =	vadd.s32 v7, v16;
	v15 =	vmpcnt.ones.xlane vm14  }
0x2cd: {  	v17 =	vshra.s32 v8, $0x1F;
	v14 =	vadd.s32 v13, v14;
	v16 =	vmpcnt.ones.xlane vm15  }
0x2ce: {  	s0 =	simm.s32 $0x8;
	p2 =	por $0x1, $0x1;
	v11 =	vshra.s32 v10, $0x1F;
	s5 =	simm.s32 $0x3920;
	v13 =	vshra.s32 v12, $0x1F;
	v18 =	vadd.s32 v15, v14  }
.LBB2_22:
0x2cf: {  	v14 =	vld [tilespmem:s5+$0x10];
	v15 =	vor.u32 $0x80000000, v17;
	v17 =	vshra.s32 v9, $0x1F;
	v16 =	vadd.s32 v16, v18  }
0x2d0: {  	v11 =	vor.u32 $0x80000000, v11;
	s0 =	sadd.s32 $0x4, s0;
	v18 =	vld [tilespmem:s5+$0x0];
	v15 =	vxor.u32 v8, v15;
	v17 =	vor.u32 $0x80000000, v17  }
0x2d1: {  	v13 =	vor.u32 $0x80000000, v13;
	p3 =	slt.s32 s0, s28;
	v8 =	vld [tilespmem:s5+$0xFFFFFFE0];
	vm0 =	vlt.u32 v15, v6;
	v15 =	vxor.u32 v9, v17  }
.Ltmp16:
0x2d2: {  	v12 =	vxor.u32 v12, v13;
	v9 =	vld [tilespmem:s5+$0xFFFFFFF0];
	v17 =	vmpcnt.ones.xlane vm0;
	vm0 =	vlt.u32 v15, v6;
	(pc) =	sbr.rel @p3 .LBB2_22-.Ltmp16, $4  }
0x2d3: {  	v11 =	vxor.u32 v10, v11;
	v13 =	vmpcnt.ones.xlane vm0;
	vm0 =	vlt.u32 v12, v6  }
0x2d4: {  	v17 =	vadd.s32 v16, v17;
	v15 =	vmpcnt.ones.xlane vm0;
	vm0 =	vlt.u32 v11, v6;
	v10 =	vmovc v14  }
0x2d5: {  	v11 =	vshra.s32 v10, $0x1F;
	v14 =	vadd.s32 v13, v17;
	v16 =	vmpcnt.ones.xlane vm0;
	v12 =	vmovc v18  }
0x2d6: {  	s5 =	sadd.s32 $0x40, s5;
	v17 =	vshra.s32 v8, $0x1F;
	v13 =	vshra.s32 v12, $0x1F;
	v18 =	vadd.s32 v15, v14  }
0x2d7: {  	v15 =	vmov v12;
	v14 =	vmov v10  }
.LBB2_24:
0x2d8: {  	v10 =	vor.u32 $0x80000000, v17  }
0x2d9: {  	v12 =	vshra.s32 v9, $0x1F;
	v61 =	vor.u32 $0x80000000, v13;
	v8 =	vxor.u32 v8, v10  }
0x2da: {  	v60 =	vor.u32 $0x80000000, v12;
	v12 =	vadd.s32 @p2 v16, v18;
	vm0 =	vlt.u32 v8, v6  }
0x2db: {  	v8 =	vxor.u32 v9, v60;
	v9 =	vxor.u32 v15, v61;
	v7 =	vpsel p2, v12, v7  }
0x2dc: {  	v62 =	vmpcnt.ones.xlane vm0;
	vm13 =	vlt.u32 v8, v6;
	v8 =	vor.u32 $0x80000000, v11  }
0x2dd: {  	vm14 =	vlt.u32 v9, v6;
	v63 =	vmpcnt.ones.xlane vm13;
	v8 =	vxor.u32 v14, v8  }
0x2de: {  	v9 =	vmpcnt.ones.xlane vm14;
	v7 =	vadd.s32 v7, v62;
	vm15 =	vlt.u32 v8, v6  }
0x2df: {  	v7 =	vadd.s32 v63, v7;
	v8 =	vmpcnt.ones.xlane vm15  }
0x2e0: {  	v7 =	vadd.s32 v9, v7  }
0x2e1: {  	v7 =	vadd.s32 v8, v7  }
.LBB2_25:
.Ltmp17:
0x2e2: {  	(pc) =	sbr.rel @p0 .LBB2_27-.Ltmp17, $2  }
0x2e3: {  	_ =	sdelay $0x2  }
0x2e4: {  	s0 =	smov.u32 s29;
	s5 =	smov.u32 s28  }
.LBB2_26:
0x2e5: {  	v8 =	vld [tilespmem:s0+$0x0];
	_ =	sdelay $0x4  }
0x2e6: {  	s5 =	sadd.s32 $0x1, s5;
	v9 =	vshra.s32 v8, $0x1F  }
0x2e7: {  	p2 =	slt.s32 s5, s26;
	v9 =	vor.u32 $0x80000000, v9  }
.Ltmp18:
0x2e8: {  	v8 =	vxor.u32 v8, v9;
	(pc) =	sbr.rel @p2 .LBB2_26-.Ltmp18, $3  }
0x2e9: {  	vm0 =	vlt.u32 v8, v6  }
0x2ea: {  	v8 =	vmpcnt.ones.xlane vm0;
	_ =	sdelay $0x1  }
0x2eb: {  	s0 =	sadd.s32 $0x10, s0;
	v7 =	vadd.s32 v7, v8  }
.Ltmp19:
0x2ec: {  	_ = 	snop;
	(pc) =	sbr.rel .LBB2_27-.Ltmp19, $1  }
0x2ed: {  	_ =	sdelay $0x3  }
.LBB2_19:
.Ltmp20:
0x2ee: {  	(pc) =	sbr.rel .LBB2_24-.Ltmp20, $2  }
0x2ef: {  	_ =	sdelay $0x2  }
0x2f0: {  	_ = 	snop  }
.LBB2_21:
.Ltmp21:
0x2f1: {  	(pc) =	sbr.rel .LBB2_24-.Ltmp21, $2  }
0x2f2: {  	_ =	sdelay $0x2  }
0x2f3: {  	v15 =	vmov v12;
	v14 =	vmov v10  }
.LBB2_28:
.Ltmp22:
0x2f4: {  	(pc) =	sbr.rel @p1 .LBB2_29-.Ltmp22, $2  }
0x2f5: {  	_ =	sdelay $0x2  }
0x2f6: {  	v6 =	vimm.s32 $0x0  }
0x2f7: {  	s0 =	simm.s32 $0x38A0  }
0x2f8: {  	v13 =	vld [tilespmem:s0+$0x10]  }
0x2f9: {  	v14 =	vld [tilespmem:s0+$0x0]  }
0x2fa: {  	p2 =	sgt.s32 s28, $0x4;
	v7 =	vld [tilespmem:s0+$0xFFFFFFE0]  }
.Ltmp23:
0x2fb: {  	_ = 	snop;
	(pc) =	sbr.rel @!p2 .LBB2_34-.Ltmp23, $2  }
0x2fc: {  	_ =	sdelay $0x2  }
0x2fd: {  	s5 =	simm.s32 $0x38E0;
	p1 =	por $0x0, $0x0;
	v8 =	vld [tilespmem:s0+$0xFFFFFFF0];
	v10 =	vshra.s32 v13, $0x1F;
	v16 =	vshra.s32 v7, $0x1F;
	v12 =	vshra.s32 v14, $0x1F  }
0x2fe: {  	_ =	sdelay $0x3  }
0x2ff: {  	v15 =	vor.u32 $0x80000000, v16;
	v16 =	vshra.s32 v8, $0x1F  }
0x300: {  	v16 =	vor.u32 $0x80000000, v16  }
0x301: {  	v9 =	vld [tilespmem:s5+$0x10];
	v10 =	vor.u32 $0x80000000, v10;
	v12 =	vor.u32 $0x80000000, v12;
	v8 =	vxor.u32 v8, v16  }
0x302: {  	v15 =	vxor.u32 v7, v15;
	v7 =	vld [tilespmem:s5+$0xFFFFFFE0];
	vm13 =	vlt.u32 v8, v5;
	v8 =	vxor.u32 v14, v12  }
0x303: {  	v11 =	vld [tilespmem:s5+$0x0];
	p2 =	sgt.s32 s28, $0x8;
	vm0 =	vlt.u32 v15, v5;
	vm14 =	vlt.u32 v8, v5;
	v8 =	vxor.u32 v13, v10  }
.Ltmp24:
0x304: {  	v15 =	vmpcnt.ones.xlane vm0;
	vm15 =	vlt.u32 v8, v5;
	v8 =	vld [tilespmem:s5+$0xFFFFFFF0];
	(pc) =	sbr.rel @!p2 .LBB2_36-.Ltmp24, $4  }
0x305: {  	v12 =	vmpcnt.ones.xlane vm13  }
0x306: {  	v13 =	vadd.s32 v6, v15;
	v14 =	vmpcnt.ones.xlane vm14  }
0x307: {  	v16 =	vshra.s32 v7, $0x1F;
	v13 =	vadd.s32 v12, v13;
	v15 =	vmpcnt.ones.xlane vm15  }
0x308: {  	s0 =	simm.s32 $0x8;
	p1 =	por $0x1, $0x1;
	v10 =	vshra.s32 v9, $0x1F;
	s5 =	simm.s32 $0x3920;
	v12 =	vshra.s32 v11, $0x1F;
	v17 =	vadd.s32 v14, v13  }
.LBB2_37:
0x309: {  	v13 =	vld [tilespmem:s5+$0x10];
	v14 =	vor.u32 $0x80000000, v16;
	v16 =	vshra.s32 v8, $0x1F;
	v15 =	vadd.s32 v15, v17  }
0x30a: {  	v10 =	vor.u32 $0x80000000, v10;
	s0 =	sadd.s32 $0x4, s0;
	v17 =	vld [tilespmem:s5+$0x0];
	v14 =	vxor.u32 v7, v14;
	v16 =	vor.u32 $0x80000000, v16  }
0x30b: {  	v12 =	vor.u32 $0x80000000, v12;
	p2 =	slt.s32 s0, s28;
	v7 =	vld [tilespmem:s5+$0xFFFFFFE0];
	vm0 =	vlt.u32 v14, v5;
	v14 =	vxor.u32 v8, v16  }
.Ltmp25:
0x30c: {  	v11 =	vxor.u32 v11, v12;
	v8 =	vld [tilespmem:s5+$0xFFFFFFF0];
	v16 =	vmpcnt.ones.xlane vm0;
	vm0 =	vlt.u32 v14, v5;
	(pc) =	sbr.rel @p2 .LBB2_37-.Ltmp25, $4  }
0x30d: {  	v10 =	vxor.u32 v9, v10;
	v12 =	vmpcnt.ones.xlane vm0;
	vm0 =	vlt.u32 v11, v5  }
0x30e: {  	v16 =	vadd.s32 v15, v16;
	v14 =	vmpcnt.ones.xlane vm0;
	vm0 =	vlt.u32 v10, v5;
	v9 =	vmovc v13  }
0x30f: {  	v10 =	vshra.s32 v9, $0x1F;
	v13 =	vadd.s32 v12, v16;
	v15 =	vmpcnt.ones.xlane vm0;
	v11 =	vmovc v17  }
0x310: {  	s5 =	sadd.s32 $0x40, s5;
	v16 =	vshra.s32 v7, $0x1F;
	v12 =	vshra.s32 v11, $0x1F;
	v17 =	vadd.s32 v14, v13  }
0x311: {  	v14 =	vmov v11;
	v13 =	vmov v9  }
.LBB2_39:
0x312: {  	v9 =	vor.u32 $0x80000000, v16;
	v11 =	vshra.s32 v8, $0x1F  }
0x313: {  	v7 =	vxor.u32 v7, v9;
	v61 =	vor.u32 $0x80000000, v11  }
0x314: {  	v11 =	vadd.s32 @p1 v15, v17;
	vm0 =	vlt.u32 v7, v5;
	v7 =	vxor.u32 v8, v61  }
0x315: {  	v8 =	vor.u32 $0x80000000, v12;
	v6 =	vpsel p1, v11, v6;
	v62 =	vmpcnt.ones.xlane vm0  }
0x316: {  	vm13 =	vlt.u32 v7, v5;
	v7 =	vor.u32 $0x80000000, v10;
	v8 =	vxor.u32 v14, v8  }
0x317: {  	v63 =	vmpcnt.ones.xlane vm13;
	vm14 =	vlt.u32 v8, v5;
	v7 =	vxor.u32 v13, v7  }
0x318: {  	v6 =	vadd.s32 v6, v62;
	v8 =	vmpcnt.ones.xlane vm14;
	vm15 =	vlt.u32 v7, v5  }
0x319: {  	v6 =	vadd.s32 v63, v6;
	v7 =	vmpcnt.ones.xlane vm15  }
0x31a: {  	v6 =	vadd.s32 v8, v6  }
0x31b: {  	v6 =	vadd.s32 v7, v6  }
.LBB2_29:
.Ltmp26:
0x31c: {  	(pc) =	sbr.rel @p0 .LBB2_30-.Ltmp26, $1  }
0x31d: {  	_ =	sdelay $0x3  }
.LBB2_40:
0x31e: {  	v7 =	vld [tilespmem:s29+$0x0];
	_ =	sdelay $0x4  }
0x31f: {  	s28 =	sadd.s32 $0x1, s28;
	v8 =	vshra.s32 v7, $0x1F  }
0x320: {  	p0 =	slt.s32 s28, s26;
	v8 =	vor.u32 $0x80000000, v8  }
.Ltmp27:
0x321: {  	v7 =	vxor.u32 v7, v8;
	(pc) =	sbr.rel @p0 .LBB2_40-.Ltmp27, $3  }
0x322: {  	vm0 =	vlt.u32 v7, v5  }
0x323: {  	v7 =	vmpcnt.ones.xlane vm0;
	_ =	sdelay $0x1  }
0x324: {  	s29 =	sadd.s32 $0x10, s29;
	v6 =	vadd.s32 v6, v7  }
.LBB2_30:
0x325: {  	p0 =	sgt.s32 s26, $0x0  }
.Ltmp28:
0x326: {  	_ = 	snop;
	(pc) =	sbr.rel @!p0 .LBB2_45-.Ltmp28, $1  }
0x327: {  	_ =	sdelay $0x3  }
0x328: {  	s0 =	simm.s32 $0x3880;
	p1 =	sne.s32 s26, $0x1  }
.Ltmp29:
0x329: {  	v11 =	vld [tilespmem:s0+$0x0];
	(pc) =	sbr.rel @!p1 .LBB2_32-.Ltmp29, $2  }
0x32a: {  	_ =	sdelay $0x2  }
0x32b: {  	v8 =	vimm.s32 $0x0;
	s28 =	simm.s32 $0x4880;
	p0 =	por $0x0, $0x0;
	s0 =	sadd.s32 $0xFFFFFFFF, s26  }
0x32c: {  	v7 =	vshra.s32 v11, $0x1F  }
0x32d: {  	v7 =	vor.u32 $0x80000000, v7  }
0x32e: {  	v7 =	vxor.u32 v11, v7  }
0x32f: {  	vm0 =	vlt.u32 v7, v5  }
0x330: {  	vm1 =	veq.s32 v7, v5;
	v9 =	vsel vm0, $0x1, v0  }
0x331: {  	v10 =	vsel vm1, $0x1, v0;
	(xrf0) =	vadd.scan.msk.s32 $0xffff, v9  }
0x332: {  	(xrf0) =	vadd.scan.msk.s32 $0xffff, v10;
	_ =	sdelay $0x4  }
0x333: {  	v9, _, _ =	vpop (xrf0)  }
0x334: {  	v10 =	vadd.s32 v6, v8;
	v11, _, _ =	vpop (xrf0)  }
0x335: {  	v9 =	vadd.s32 v8, v9;
	v10 =	vadd.s32 v11, v10  }
0x336: {  	v9 =	vsel vm0, v9, v10  }
0x337: {  	v9 =	vadd.s32 $0xFFFFFFFF, v9  }
0x338: {  	vm2 =	vle.u32 v7, v5;
	vm3 =	vlt.s32 v9, $0x60  }
0x339: {  	vm2 =	vmand vm2, vm3  }
0x33a: {  	v10 =	vld [tilespmem:s28+$0x0];
	_ =	sdelay $0x3  }
0x33b: {  	v7 =	vmpcnt.ones.xlane vm0;
	v11 =	vmpcnt.ones.xlane vm1  }
0x33c: {  	p1 =	sne.s32 s0, $0x1;
	s26 =	simm.s32 $0x3890;
	[tilespmem:v9+s21+$0x0] =	vst.idx.msk vm2, v10  }
.Ltmp30:
0x33d: {  	v7 =	vadd.s32 v8, v7;
	v8 =	vadd.s32 v8, v11;
	v11 =	vld [tilespmem:s26+$0x0];
	(pc) =	sbr.rel @!p1 .LBB2_42-.Ltmp30, $2  }
0x33e: {  	_ =	sdelay $0x2  }
0x33f: {  	s29 =	sadd.s32 $0xFFFFFFFF, s0;
	p0 =	por $0x1, $0x1;
	s0 =	simm.s32 $0x4880;
	v9 =	vmov v7;
	v10 =	vmov v8  }
.LBB2_43:
0x340: {  	p1 =	sne.s32 s29, $0x1;
	_ =	sdelay $0x2  }
0x341: {  	v12 =	vshra.s32 v11, $0x1F  }
0x342: {  	v12 =	vor.u32 $0x80000000, v12  }
0x343: {  	v11 =	vxor.u32 v11, v12  }
0x344: {  	vm0 =	vlt.u32 v11, v5  }
0x345: {  	vm1 =	veq.s32 v11, v5;
	v12 =	vsel vm0, $0x1, v0;
	v13 =	vmpcnt.ones.xlane vm0  }
0x346: {  	v14 =	vsel vm1, $0x1, v0;
	v15 =	vmpcnt.ones.xlane vm1;
	(xrf0) =	vadd.scan.msk.s32 $0xffff, v12  }
0x347: {  	v9 =	vadd.s32 v9, v13;
	(xrf0) =	vadd.scan.msk.s32 $0xffff, v14  }
0x348: {  	v10 =	vadd.s32 v10, v15;
	_ =	sdelay $0x3  }
0x349: {  	v12, _, _ =	vpop (xrf0)  }
0x34a: {  	v13 =	vadd.s32 v6, v8;
	v8 =	vmov v10;
	v14, _, _ =	vpop (xrf0)  }
0x34b: {  	v12 =	vadd.s32 v7, v12;
	v7 =	vmov v9;
	v13 =	vadd.s32 v14, v13  }
0x34c: {  	v12 =	vsel vm0, v12, v13  }
0x34d: {  	v12 =	vadd.s32 $0xFFFFFFFF, v12  }
0x34e: {  	vm0 =	vle.u32 v11, v5;
	vm1 =	vlt.s32 v12, $0x60  }
0x34f: {  	s0 =	sadd.s32 $0x10, s0;
	vm0 =	vmand vm0, vm1  }
0x350: {  	v11 =	vld [tilespmem:s0+$0x0];
	_ =	sdelay $0x2  }
.Ltmp31:
0x351: {  	(pc) =	sbr.rel @p1 .LBB2_43-.Ltmp31, $4  }
0x352: {  	_ = 	snop  }
0x353: {  	s26 =	sadd.s32 $0x10, s26;
	[tilespmem:v12+s21+$0x0] =	vst.idx.msk vm0, v11  }
0x354: {  	v11 =	vld [tilespmem:s26+$0x0]  }
0x355: {  	s29 =	sadd.s32 $0xFFFFFFFF, s29  }
.Ltmp32:
0x356: {  	_ = 	snop;
	(pc) =	sbr.rel .LBB2_44-.Ltmp32, $1  }
0x357: {  	_ =	sdelay $0x3  }
.LBB2_34:
.Ltmp33:
0x358: {  	(pc) =	sbr.rel .LBB2_39-.Ltmp33, $2  }
0x359: {  	_ =	sdelay $0x2  }
0x35a: {  	_ = 	snop  }
.LBB2_36:
.Ltmp34:
0x35b: {  	(pc) =	sbr.rel .LBB2_39-.Ltmp34, $2  }
0x35c: {  	_ =	sdelay $0x2  }
0x35d: {  	v14 =	vmov v11;
	v13 =	vmov v9  }
.LBB2_42:
.Ltmp35:
0x35e: {  	(pc) =	sbr.rel .LBB2_44-.Ltmp35, $2  }
0x35f: {  	_ =	sdelay $0x2  }
0x360: {  	s0 =	simm.s32 $0x4880  }
.LBB2_47:
0x361: {  	_ =	sfence.sel $0x180000  }
0x362: {  	[bflag:$0x0] =	sbarrier.arrive $0xFFFF  }
0x363: {  	_ =	strace $0x90000047  }
0x364: {  	s0 =	stileid.u32;
	[bflag:$0x2] =	sbarrier.arrive $0xFFFF  }
0x365: {  	p0 =	sne.s32 s0, $0x0;
	s0 =	rddreg [dreg:$0x1]  }
0x366: {  	s0 =	sadd.s32 @!p0 $0x100000, s0  }
0x367: {  	[sflag:s0] =	ssyncadd.tile.s32 @!p0 $0x1;
	_ =	shalt  }
.Lfunc_end2:
_tile_overlayer_lowered:
.L_overlay_start_2:
0x368: {  	(tag) =	ssettag $0x2  }
0x369: {  	s0 =	rddreg [dreg:$0x0];
	s2 =	stileid.u32  }
0x36a: {  	s1 =	rddreg [dreg:$0x1];
	p0 =	sne.s32 s2, $0x0  }
0x36b: {  	s3 =	rddreg [dreg:$0x2];
	[bflag:$0x3] =	sbarrier.arrive $0xFFFF;
	s2 =	simm.s32 @!p0 $0x1C04  }
0x36c: {  	[timem:s3], [sflag:s2] =	dma.local @!p0 [hbm:s0], s1  }
0x36d: {  	s0 =	simm.s32 @!p0 $0x4  }
0x36e: {  	_ =	swait.ge @!p0 [sflag:s0], s1  }
0x36f: {  	s1 =	ssub.s32 @!p0 $0x0, s1;
	[sflag:s0] =	ssyncset.done @!p0 $0x0  }
0x370: {  	[sflag:s0] =	ssyncadd.s32 @!p0 s1  }
0x371: {  	[bflag:$0x3] =	sbarrier.arrive $0xFFFF  }
0x372: {  	_ =	shalt  }

// kernel: kernel.13.cloned.1.call-start
scs
__scs_entry_jumppad:
0x0: {  	(pc) =	sbr.rel $0x88, $3  }
0x1: {  	(tag) =	ssettag $0x0;
	lr =	simm.s32 $0x1  }
0x2: {  	[smem:$0x3F86] =	sst lr;
	_ =	strace $0xD0000000  }
0x3: {  	_ = 	snop  }
0x4: {  	_ = 	snop  }
0x5: {  	_ = 	snop  }
0x6: {  	_ = 	snop  }
0x7: {  	_ = 	snop  }
__scs_overlays_trampoline_lowered:
0x8: {  	[smem:$0x3F95] =	sst s0  }
0x9: {  	[smem:$0x3F96] =	sst s1  }
0xa: {  	[smem:$0x3F97] =	sst s2  }
0xb: {  	[smem:$0x3F98] =	sst s3  }
0xc: {  	[smem:$0x3F99] =	sst s4  }
0xd: {  	[smem:$0x3F9A] =	sst s5  }
0xe: {  	[smem:$0x3F9B] =	sst s6  }
0xf: {  	[smem:$0x3F9C] =	sst s7  }
0x10: {  	[smem:$0x3F9D] =	sst s8  }
0x11: {  	[smem:$0x3F9E] =	sst s9;
	s0 =	simm.s32 @!p0 $0x0  }
0x12: {  	s1 =	sld [smem:$0x3F84];
	s0 =	simm.s32 @p0 $0x1  }
0x13: {  	[smem:$0x3F9F] =	sst s0;
	s0 =	simm.s32 @!p1 $0x0  }
0x14: {  	s2 =	sld [smem:$0x3F83];
	s0 =	simm.s32 @p1 $0x1  }
0x15: {  	[smem:$0x3FA0] =	sst s0;
	s0 =	simm.s32 @!p2 $0x0  }
0x16: {  	s3 =	sld [smem:$0x3FDB];
	s0 =	simm.s32 @p2 $0x1  }
0x17: {  	s4 =	simm.s32 $0x1BF5;
	[smem:$0x3FA2] =	sst s0  }
0x18: {  	s0 =	sld [smem:$0x3F85];
	_ =	swait.ge [sflag:s4], $0x0  }
0x19: {  	s7 =	sld [smem:$0x3F86]  }
0x1a: {  	s8 =	sadd.s32 $0xFFFFE003, lr  }
0x1b: {  	s9 =	sadd.s32 $0xFFFFFEF7, lr;
	s5 =	simm.s32 $0xFFFFFFFF;
	p2 =	slt.u32 s8, $0xFFFFF086  }
0x1c: {  	p1 =	slt.u32 s9, $0xF7A;
	s5 =	simm.s32 @!p2 $0x0  }
0x1d: {  	s5 =	simm.s32 @p1 $0x1;
	p0 =	seq.s32 s7, s2  }
0x1e: {  	s7 =	smul.u32 @!p0 $0xF7A, s2;
	p2 =	seq.s32 @!p0 s5, $0x0  }
0x1f: {  	s9 =	smul.u32 $0xF7A, s1;
	s8 =	simm.s32 @!p0 $0x1BF5;
	p2 =	por !p2, p0  }
0x20: {  	[sflag:s8] =	ssyncset.s32 @!p0 $0xFFFFF086;
	s6 =	sadd.s32 @!p0 s3, s7;
	s7 =	simm.s32 @!p0 $0x108  }
0x21: {  	s3 =	sadd.s32 s3, s9;
	s6 =	sadd.s32 @!p0 $0x88, s6;
	s7 =	simm.s32 @p2 $0x1082  }
0x22: {  	[simem:s7], [sflag:s8] =	dma.local @!p0 [hbm:s6], $0xF7A  }
0x23: {  	s9 =	sor.u32 $0xD0000000, s2;
	s6 =	simm.s32 $0x108;
	_ =	swait.ge @!p0 [sflag:s8], $0x0  }
0x24: {  	s3 =	sadd.s32 $0x88, s3;
	s6 =	simm.s32 @!p1 $0x1082;
	[sflag:s4] =	ssyncset.s32 $0xFFFFF086  }
0x25: {  	[simem:s6], [sflag:s4] =	dma.local [hbm:s3], $0xF7A  }
0x26: {  	[smem:$0x3F86] =	sst s1;
	(tag) =	ssettag s2;
	_ =	strace s9  }
0x27: {  	s1 =	sld [smem:$0x3F96]  }
0x28: {  	s2 =	sld [smem:$0x3F97]  }
0x29: {  	s4 =	sld [smem:$0x3F99]  }
0x2a: {  	p0 =	seq.s32 s5, $0x0;
	s5 =	sld [smem:$0x3F9A]  }
0x2b: {  	s6 =	sld [smem:$0x3F9B]  }
0x2c: {  	s7 =	sld [smem:$0x3F9C]  }
0x2d: {  	s3 =	simm.s32 $0x108;
	s8 =	sld [smem:$0x3F9D]  }
0x2e: {  	s3 =	simm.s32 @!p0 $0x1082;
	s9 =	sld [smem:$0x3F9E]  }
0x2f: {  	lr =	sadd.s32 s0, s3;
	s0 =	sld [smem:$0x3F95]  }
0x30: {  	s3 =	sld [smem:$0x3F98]  }
0x31: {  	[smem:$0x3FA1] =	sst s10  }
0x32: {  	s10 =	sld [smem:$0x3F9F];
	_ =	sdelay $0x3  }
0x33: {  	p0 =	seq.s32 s10, $0x1;
	s10 =	sld [smem:$0x3FA1];
	_ =	sdelay $0x3  }
0x34: {  	[smem:$0x3FA1] =	sst s10  }
0x35: {  	s10 =	sld [smem:$0x3FA0];
	_ =	sdelay $0x3  }
0x36: {  	p1 =	seq.s32 s10, $0x1;
	s10 =	sld [smem:$0x3FA1];
	_ =	sdelay $0x3  }
0x37: {  	[smem:$0x3FA1] =	sst s10  }
0x38: {  	s10 =	sld [smem:$0x3FA2]  }
0x39: {  	_ = 	snop;
	(pc) =	sbr.ind lr, $3  }
0x3a: {  	_ = 	snop  }
0x3b: {  	_ = 	snop  }
0x3c: {  	p2 =	seq.s32 s10, $0x1;
	s10 =	sld [smem:$0x3FA1]  }
0x3d: {  	_ =	shalt  }
0x3e: {  	_ =	shalt  }
0x3f: {  	_ =	shalt  }
0x40: {  	_ =	shalt  }
0x41: {  	_ =	shalt  }
0x42: {  	_ =	shalt  }
0x43: {  	_ =	shalt  }
0x44: {  	_ =	shalt  }
0x45: {  	_ =	shalt  }
0x46: {  	_ =	shalt  }
0x47: {  	_ =	shalt  }
0x48: {  	_ =	shalt  }
0x49: {  	_ =	shalt  }
0x4a: {  	_ =	shalt  }
0x4b: {  	_ =	shalt  }
0x4c: {  	_ =	shalt  }
0x4d: {  	_ =	shalt  }
0x4e: {  	_ =	shalt  }
0x4f: {  	_ =	shalt  }
0x50: {  	_ =	shalt  }
0x51: {  	_ =	shalt  }
0x52: {  	_ =	shalt  }
0x53: {  	_ =	shalt  }
0x54: {  	_ =	shalt  }
0x55: {  	_ =	shalt  }
0x56: {  	_ =	shalt  }
0x57: {  	_ =	shalt  }
0x58: {  	_ =	shalt  }
0x59: {  	_ =	shalt  }
0x5a: {  	_ =	shalt  }
0x5b: {  	_ =	shalt  }
0x5c: {  	_ =	shalt  }
0x5d: {  	_ =	shalt  }
0x5e: {  	_ =	shalt  }
0x5f: {  	_ =	shalt  }
0x60: {  	_ =	shalt  }
0x61: {  	_ =	shalt  }
0x62: {  	_ =	shalt  }
0x63: {  	_ =	shalt  }
0x64: {  	_ =	shalt  }
0x65: {  	_ =	shalt  }
0x66: {  	_ =	shalt  }
0x67: {  	_ =	shalt  }
0x68: {  	_ =	shalt  }
0x69: {  	_ =	shalt  }
0x6a: {  	_ =	shalt  }
0x6b: {  	_ =	shalt  }
0x6c: {  	_ =	shalt  }
0x6d: {  	_ =	shalt  }
0x6e: {  	_ =	shalt  }
0x6f: {  	_ =	shalt  }
0x70: {  	_ =	shalt  }
0x71: {  	_ =	shalt  }
0x72: {  	_ =	shalt  }
0x73: {  	_ =	shalt  }
0x74: {  	_ =	shalt  }
0x75: {  	_ =	shalt  }
0x76: {  	_ =	shalt  }
0x77: {  	_ =	shalt  }
0x78: {  	_ =	shalt  }
0x79: {  	_ =	shalt  }
0x7a: {  	_ =	shalt  }
0x7b: {  	_ =	shalt  }
0x7c: {  	_ =	shalt  }
0x7d: {  	_ =	shalt  }
0x7e: {  	_ =	shalt  }
0x7f: {  	_ =	shalt  }
0x80: {  	_ =	shalt  }
0x81: {  	_ =	shalt  }
0x82: {  	_ =	shalt  }
0x83: {  	_ =	shalt  }
0x84: {  	_ =	shalt  }
0x85: {  	_ =	shalt  }
0x86: {  	_ =	shalt  }
0x87: {  	_ =	shalt  }
.Lfunc_end0:
.L_simem_size_0:
called_computation.1_lowered:
.L_overlay_start_0:
0x88: {  	s2 =	sld [smem:$0x3FD9]  }
0x89: {  	s3 =	sld [smem:$0x3FFE];
	_ =	sdelay $0x1  }
0x8a: {  	s1 =	srdreg.scid  }
0x8b: {  	s0 =	sand.u32 $0x1, s1  }
0x8c: {  	s17 =	sshll.u32 s0, $0xA;
	s2 =	sadd.s32 s3, s2  }
0x8d: {  	s2 =	sadd.s32 s2, s17  }
0x8e: {  	[smem:$0x3FAD] =	sst s2  }
0x8f: {  	_ = 	snop  }
0x90: {  	(tm) =	ssettm $0x1  }
0x91: {  	s18 =	sld [smem:$0x3FFB];
	_ =	sdelay $0x3  }
0x92: {  	_ =	strace s18  }
0x93: {  	s2 =	sld [smem:$0x3FFC];
	_ =	sdelay $0x3  }
0x94: {  	_ =	strace s2  }
0x95: {  	s2 =	sld [smem:$0x3FFD];
	_ =	sdelay $0x3  }
0x96: {  	_ =	strace s2  }
0x97: {  	_ =	strace $0x8FFFFFFF  }
0x98: {  	s19 =	sld [smem:$0x3FDB];
	_ =	sdelay $0x1  }
0x99: {  	s20 =	simm.s32 $_scs_section_size  }
0x9a: {  	s4 =	simm.s32 $_size__tile_overlayer_lowered;
	s5 =	simm.s32 $_tile_overlayer_lowered  }
0x9b: {  	s6 =	simm.s32 $0x1BFF;
	s21 =	sshll.u32 s5, $0x1;
	s3 =	sadd.s32 s20, s19  }
0x9c: {  	s22 =	simm.s32 $0x0;
	s4 =	sshll.u32 s4, $0x1;
	s5 =	sadd.s32 s21, s3  }
0x9d: {  	[timem:s22], [sflag:s6] =	dma.local [hbm:s5], s4  }
0x9e: {  	_ =	swait.ge [sflag:s6], s4  }
0x9f: {  	s4 =	ssub.s32 $0x0, s4;
	[sflag:s6] =	ssyncset.done $0x0  }
0xa0: {  	[sflag:s6] =	ssyncadd.s32 s4;
	_ =	sdelay $0x1  }
0xa1: {  	s23 =	simm.s32 $0x1B8B  }
0xa2: {  	_ =	swait.ge [sflag:s23], $0x1  }
0xa3: {  	[sflag:s23] =	ssyncset.done $0x0  }
0xa4: {  	[sflag:s23] =	ssyncadd.s32 $0xFFFFFFFF  }
0xa5: {  	s4 =	sld [smem:$0x0]  }
0xa6: {  	s5 =	sand.u32 $0xFFFFFFFE, s1  }
0xa7: {  	p0 =	sne.s32 s1, s5  }
0xa8: {  	s5 =	sshll.u32 @p0 s5, $0xE  }
0xa9: {  	s5 =	sadd.s32 @p0 $0x11B8D, s5;
	s6 =	sshll.u32 @p0 s4, $0x11  }
0xaa: {  	s5 =	sor.u32 @p0 s6, s5  }
0xab: {  	[sflag:s5] =	ssyncadd.remote.s32 @p0 $0x1;
	_ =	sdelay $0x1  }
0xac: {  	s5 =	simm.s32 @p0 $0x1B8D  }
0xad: {  	_ =	swait.eq @p0 [sflag:s5], $0x1  }
0xae: {  	[sflag:s5] =	ssyncadd.s32 @p0 $0xFFFFFFFF  }
0xaf: {  	s6 =	sshll.u32 @!p0 s1, $0xE  }
0xb0: {  	s6 =	sor.u32 @!p0 $0x4000, s6;
	s5 =	simm.s32 @!p0 $0x1B8D  }
0xb1: {  	s4 =	sshll.u32 @!p0 s4, $0x11;
	s6 =	sadd.s32 @!p0 $0x11B8D, s6;
	_ =	swait.eq @!p0 [sflag:s5], $0x1  }
0xb2: {  	s4 =	sor.u32 @!p0 s4, s6;
	[sflag:s5] =	ssyncadd.s32 @!p0 $0xFFFFFFFF  }
0xb3: {  	s25 =	simm.s32 $0x1B8E;
	s24 =	sld [smem:$0x3FFE];
	[sflag:s4] =	ssyncadd.remote.s32 @!p0 $0x1  }
0xb4: {  	s26 =	simm.s32 $execute0_lowered;
	[smem:$0x3FD2] =	sst s25  }
0xb5: {  	s5 =	sshll.u32 s26, $0x1;
	_ =	strace $0x80000049;
	[dreg:$0x1] =	wrdreg $0xFFFFFFFF  }
0xb6: {  	s28 =	simm.s32 $_size_execute0_lowered;
	s3 =	sadd.s32 s3, s5;
	[dreg:$0x0] =	wrdreg $0x0  }
0xb7: {  	s5 =	sshll.u32 s28, $0x1;
	[dreg:$0x2] =	wrdreg s3  }
0xb8: {  	[dreg:$0x3] =	wrdreg s5  }
0xb9: {  	[dreg:$0x4] =	wrdreg $0xC0  }
0xba: {  	_ =	task [dreg:s22], $0x5FFFF  }
0xbb: {  	[dreg:$0x1] =	wrdreg $0xFFFFFFFF  }
0xbc: {  	[dreg:$0x0] =	wrdreg $0x60  }
0xbd: {  	[dreg:$0x2] =	wrdreg s24  }
0xbe: {  	[dreg:$0x3] =	wrdreg $0xA  }
0xbf: {  	_ =	task.clear_ibuf [dreg:s22], $0x4FFFF;
	_ =	strace $0x90000049  }
0xc0: {  	s29 =	simm.s32 $0xA;
	_ =	strace $0x8000004B  }
0xc1: {  	_ =	swait.ge [sflag:s29], $0x1  }
0xc2: {  	[sflag:s29] =	ssyncadd.s32 $0xFFFFFFFF  }
0xc3: {  	_ =	strace $0x9000004B  }
0xc4: {  	_ =	sfence  }
0xc5: {  	s30 =	sld [smem:$0x0];
	_ =	sdelay $0x2  }
0xc6: {  	s31 =	sshll.u32 s1, $0xD;
	s1 =	sshrl.u32 s1, $0x2  }
0xc7: {  	s4 =	sand.u32 $0x4000, s31;
	s1 =	sadd.s32 s1, s30  }
0xc8: {  	s0 =	sor.u32 s4, s0;
	s1 =	sshll.u32 s1, $0x11  }
0xc9: {  	s0 =	sor.u32 s1, s0  }
0xca: {  	s0 =	sadd.s32 $0x8F2B, s0  }
0xcb: {  	[sflag:s0] =	ssyncadd.remote.s32 $0x1  }
0xcc: {  	_ =	sfence.sel $0xFFFF  }
0xcd: {  	[dreg:$0x0] =	wrdreg $0xFFFFFFFF;
	(pc) =	sbr.abs _section_cstart, $3  }
0xce: {  	[dreg:$0x1] =	wrdreg $0xFFFFFFFF  }
0xcf: {  	_ =	task.clear_ibuf [dreg:s22], $0x2FFFF;
	_ =	strace $0x9FFFFFFF  }
0xd0: {  	(tm) =	ssettm $0x7FFFFFFF  }
0xd1: {  	_ =	shalt  }
tec
execute0_lowered:
.L_overlay_start_1:
0x0: {  	(tag) =	ssettag $0x1  }
0x1: {  	s0 =	rddreg [dreg:$0x0]  }
0x2: {  	s1 =	simm.s32 $0x0;
	s5 =	srdreg.scid;
	s9 =	stileid.u32  }
0x3: {  	s11 =	simm.s32 $0xB900;
	s12 =	simm.s32 $0x4;
	s13 =	simm.s32 $0x400  }
0x4: {  	s14 =	simm.s32 $0x80;
	s15 =	simm.s32 $0x1C80;
	s16 =	simm.s32 $0x2  }
0x5: {  	s17 =	simm.s32 $0x3880;
	s18 =	simm.s32 $0x4880;
	s19 =	simm.s32 $0x3  }
0x6: {  	s20 =	simm.s32 $0x1;
	s21 =	simm.s32 $0x5880;
	s22 =	simm.s32 $0x5900  }
0x7: {  	s10 =	simm.s32 $0x17D00;
	[smem:$0x7FF] =	sst s1;
	s2 =	sadd.s32 $0xDCEC00, s0  }
0x8: {  	s3 =	sadd.s32 $0x61EC00, s0;
	s4 =	sadd.s32 $0x316C00, s0;
	s5 =	sand.u32 $0x1, s5  }
.Ltmp0:
0x9: {  	s6 =	sadd.s32 $0x18C00, s0;
	s29 =	ssub.s32 $0x2, s5;
	(pc) =	sbr.rel .LBB2_1-.Ltmp0, $4  }
0xa: {  	s7 =	sadd.s32 $0x622C00, s0;
	s8 =	sadd.s32 $0x620C00, s0;
	s30 =	sshrl.u32 s29, $0x1  }
0xb: {  	s31 =	sshll.u32 s9, $0x5;
	_ =	strace $0x8000004A;
	s0 =	ssub.s32 s29, s30  }
0xc: {  	v0 =	vimm.s32 $0x0;
	v1 =	vlaneseq.u32;
	[dreg:$0x2] =	wrdreg s6;
	s5 =	sshll.u32 s5, $0x4;
	s0 =	smax.u32 s0, $0x1  }
0xd: {  	v2 =	vimm.f32 $3.000000010e+38;
	v3 =	vimm.s32 $0x1;
	v4 =	vimm.f32 $0.0e+00;
	s9 =	sor.u32 s5, s31;
	s5 =	simm.s32 $0x0;
	[dreg:$0x3] =	wrdreg s0  }
.LBB2_46:
0xe: {  	s5 =	rddreg [dreg:$0x4]  }
0xf: {  	s0 =	rddreg [dreg:$0x3];
	s5 =	sadd.s32 $0x1, s5  }
0x10: {  	p0 =	sne.s32 s5, s0  }
.Ltmp1:
0x11: {  	_ = 	snop;
	(pc) =	sbr.rel @!p0 .LBB2_47-.Ltmp1, $1  }
0x12: {  	_ =	sdelay $0x3  }
.LBB2_1:
0x13: {  	[dreg:$0x4] =	wrdreg s5  }
.Ltmp2:
0x14: {  	s0 =	rddreg [dreg:$0x2];
	(pc) =	sbr.rel .LBB2_2-.Ltmp2, $4  }
0x15: {  	[tilespmem:s11], [sflag:$0x4] =	stream.linear.gather [hbm4b:s0+s1], $0xC400, $0x38;
	[tilespmem:$0x17D80] =	vst v63  }
0x16: {  	_ =	swait.ge [sflag:s12], $0xC400  }
0x17: {  	[sflag:s12] =	ssyncset.done $0x0  }
0x18: {  	s23 =	simm.s32 $0x0;
	[sflag:s12] =	ssyncadd.s32 $0xFFFF3C00  }
.LBB2_32:
0x19: {  	v7 =	vimm.s32 $0x0;
	s0 =	simm.s32 $0x4880  }
.LBB2_44:
0x1a: {  	v9 =	vshra.s32 v11, $0x1F  }
0x1b: {  	v9 =	vor.u32 $0x80000000, v9  }
0x1c: {  	v9 =	vxor.u32 v11, v9  }
0x1d: {  	vm0 =	vlt.u32 v9, v5  }
0x1e: {  	vm1 =	veq.s32 v9, v5;
	v10 =	vsel vm0, $0x1, v0  }
0x1f: {  	v62 =	vsel vm1, $0x1, v0;
	(xrf0) =	vadd.scan.msk.s32 $0xffff, v10  }
0x20: {  	(xrf0) =	vadd.scan.msk.s32 $0xffff, v62;
	_ =	sdelay $0x4  }
0x21: {  	v10, _, _ =	vpop (xrf0)  }
0x22: {  	v6 =	vadd.s32 v6, v8;
	v63, _, _ =	vpop (xrf0)  }
0x23: {  	v7 =	vadd.s32 v7, v10;
	v6 =	vadd.s32 v63, v6  }
0x24: {  	v6 =	vsel vm0, v7, v6  }
0x25: {  	v6 =	vadd.s32 $0xFFFFFFFF, v6  }
0x26: {  	s0 =	sadd.s32 @p0 $0x10, s0;
	vm14 =	vle.u32 v9, v5;
	vm15 =	vlt.s32 v6, $0x60  }
0x27: {  	s28 =	smov.u32 @p0 s0;
	vm0 =	vmand vm14, vm15  }
0x28: {  	v5 =	vld [tilespmem:s28+$0x0];
	_ =	sdelay $0x4  }
0x29: {  	[tilespmem:v6+s21+$0x0] =	vst.idx.msk vm0, v5  }
.LBB2_45:
0x2a: {  	v5 =	vld [tilespmem:$0x5880];
	_ =	sdelay $0x4  }
0x2b: {  	v6 =	vshll.u32 v5, $0x1  }
0x2c: {  	v5 =	vand.u32 $0x7, v5;
	v6 =	vand.u32 $0xFFFFFFF0, v6  }
0x2d: {  	v7 =	vshrl.u32 v1, $0x3;
	v5 =	vor.u32 v5, v6;
	v6 =	vand.u32 $0x7, v1  }
0x2e: {  	v7 =	vmul.u32 $0x8, v7;
	v8 =	vperm.xlane v5, v6  }
0x2f: {  	v9 =	vor.u32 $0x8, v1  }
0x30: {  	v5 =	vperm.xlane v5, v9;
	v8 =	vadd.s32 v7, v8;
	_ =	sdelay $0x1  }
0x31: {  	v5 =	vadd.s32 v7, v5;
	_ =	sdelay $0x1  }
0x32: {  	vm0 =	vmmov $0xffff  }
0x33: {  	[tilespmem:s22], [sflag:$0x1] =	stream.indirect_vreg.gather [hbm4b:s4+s1], $0x80, v8, vm0, $0xb8;
	[tilespmem:$0x17D80] =	vst v63  }
0x34: {  	s0 =	simm.s32 $0x6100  }
0x35: {  	[tilespmem:s0], [sflag:$0x1] =	stream.indirect_vreg.gather [hbm4b:s4+s1], $0x80, v5, vm0, $0xb8;
	[tilespmem:$0x17D80] =	vst v63  }
0x36: {  	v5 =	vld [tilespmem:$0x5890];
	_ =	sdelay $0x4  }
0x37: {  	v59 =	vshll.u32 v5, $0x1  }
0x38: {  	v5 =	vand.u32 $0x7, v5;
	v8 =	vand.u32 $0xFFFFFFF0, v59  }
0x39: {  	v5 =	vor.u32 v5, v8  }
0x3a: {  	v8 =	vperm.xlane v5, v6;
	_ =	sdelay $0x1  }
0x3b: {  	v5 =	vperm.xlane v5, v9;
	v8 =	vadd.s32 v7, v8;
	_ =	sdelay $0x1  }
0x3c: {  	v5 =	vadd.s32 v7, v5;
	_ =	sdelay $0x1  }
0x3d: {  	s26 =	simm.s32 $0x6900  }
0x3e: {  	[tilespmem:s26], [sflag:$0x1] =	stream.indirect_vreg.gather [hbm4b:s4+s1], $0x80, v8, vm0, $0xb8;
	[tilespmem:$0x17D80] =	vst v63  }
0x3f: {  	s28 =	simm.s32 $0x7100  }
0x40: {  	[tilespmem:s28], [sflag:$0x1] =	stream.indirect_vreg.gather [hbm4b:s4+s1], $0x80, v5, vm0, $0xb8;
	[tilespmem:$0x17D80] =	vst v63  }
0x41: {  	v5 =	vld [tilespmem:$0x58A0];
	_ =	sdelay $0x4  }
0x42: {  	v60 =	vshll.u32 v5, $0x1  }
0x43: {  	v5 =	vand.u32 $0x7, v5;
	v8 =	vand.u32 $0xFFFFFFF0, v60  }
0x44: {  	v5 =	vor.u32 v5, v8  }
0x45: {  	v8 =	vperm.xlane v5, v6;
	_ =	sdelay $0x1  }
0x46: {  	v5 =	vperm.xlane v5, v9;
	v8 =	vadd.s32 v7, v8;
	_ =	sdelay $0x1  }
0x47: {  	v5 =	vadd.s32 v7, v5;
	_ =	sdelay $0x1  }
0x48: {  	s29 =	simm.s32 $0x7900  }
0x49: {  	[tilespmem:s29], [sflag:$0x1] =	stream.indirect_vreg.gather [hbm4b:s4+s1], $0x80, v8, vm0, $0xb8;
	[tilespmem:$0x17D80] =	vst v63  }
0x4a: {  	s30 =	simm.s32 $0x8100  }
0x4b: {  	[tilespmem:s30], [sflag:$0x1] =	stream.indirect_vreg.gather [hbm4b:s4+s1], $0x80, v5, vm0, $0xb8;
	[tilespmem:$0x17D80] =	vst v63  }
0x4c: {  	v5 =	vld [tilespmem:$0x58B0];
	_ =	sdelay $0x4  }
0x4d: {  	v61 =	vshll.u32 v5, $0x1  }
0x4e: {  	v5 =	vand.u32 $0x7, v5;
	v8 =	vand.u32 $0xFFFFFFF0, v61  }
0x4f: {  	v5 =	vor.u32 v5, v8  }
0x50: {  	v8 =	vperm.xlane v5, v6;
	_ =	sdelay $0x1  }
0x51: {  	v5 =	vperm.xlane v5, v9;
	v8 =	vadd.s32 v7, v8;
	_ =	sdelay $0x1  }
0x52: {  	v5 =	vadd.s32 v7, v5;
	_ =	sdelay $0x1  }
0x53: {  	s31 =	simm.s32 $0x8900  }
0x54: {  	[tilespmem:s31], [sflag:$0x1] =	stream.indirect_vreg.gather [hbm4b:s4+s1], $0x80, v8, vm0, $0xb8;
	[tilespmem:$0x17D80] =	vst v63  }
0x55: {  	s5 =	simm.s32 $0x9100  }
0x56: {  	[tilespmem:s5], [sflag:$0x1] =	stream.indirect_vreg.gather [hbm4b:s4+s1], $0x80, v5, vm0, $0xb8;
	[tilespmem:$0x17D80] =	vst v63  }
0x57: {  	v5 =	vld [tilespmem:$0x58C0];
	_ =	sdelay $0x4  }
0x58: {  	v62 =	vshll.u32 v5, $0x1  }
0x59: {  	v5 =	vand.u32 $0x7, v5;
	v8 =	vand.u32 $0xFFFFFFF0, v62  }
0x5a: {  	v5 =	vor.u32 v5, v8  }
0x5b: {  	v8 =	vperm.xlane v5, v6;
	_ =	sdelay $0x1  }
0x5c: {  	v5 =	vperm.xlane v5, v9;
	v8 =	vadd.s32 v7, v8;
	_ =	sdelay $0x1  }
0x5d: {  	v5 =	vadd.s32 v7, v5;
	_ =	sdelay $0x1  }
0x5e: {  	s6 =	simm.s32 $0x9900  }
0x5f: {  	[tilespmem:s6], [sflag:$0x1] =	stream.indirect_vreg.gather [hbm4b:s4+s1], $0x80, v8, vm0, $0xb8;
	[tilespmem:$0x17D80] =	vst v63  }
0x60: {  	s26 =	simm.s32 $0xA100  }
0x61: {  	[tilespmem:s26], [sflag:$0x1] =	stream.indirect_vreg.gather [hbm4b:s4+s1], $0x80, v5, vm0, $0xb8;
	[tilespmem:$0x17D80] =	vst v63  }
0x62: {  	v5 =	vld [tilespmem:$0x58D0];
	_ =	sdelay $0x4  }
0x63: {  	v63 =	vshll.u32 v5, $0x1  }
0x64: {  	v5 =	vand.u32 $0x7, v5;
	v8 =	vand.u32 $0xFFFFFFF0, v63  }
0x65: {  	v5 =	vor.u32 v5, v8  }
0x66: {  	v6 =	vperm.xlane v5, v6;
	_ =	sdelay $0x1  }
0x67: {  	v5 =	vperm.xlane v5, v9;
	v6 =	vadd.s32 v7, v6;
	_ =	sdelay $0x1  }
0x68: {  	v5 =	vadd.s32 v7, v5;
	_ =	sdelay $0x1  }
0x69: {  	s28 =	simm.s32 $0xA900  }
0x6a: {  	[tilespmem:s28], [sflag:$0x1] =	stream.indirect_vreg.gather [hbm4b:s4+s1], $0x80, v6, vm0, $0xb8;
	[tilespmem:$0x17D80] =	vst v63  }
0x6b: {  	s29 =	simm.s32 $0xB100  }
0x6c: {  	[tilespmem:s29], [sflag:$0x1] =	stream.indirect_vreg.gather [hbm4b:s4+s1], $0x80, v5, vm0, $0xb8;
	[tilespmem:$0x17D80] =	vst v63  }
0x6d: {  	v5 =	vld [tilespmem:$0x5880];
	_ =	sdelay $0x6  }
0x6e: {  	v6 =	vld [tilespmem:$0x5890]  }
0x6f: {  	v5 =	vld.idx.msk [tilespmem:v5+s11+$0x0], $0xffff;
	_ =	sdelay $0x4  }
0x70: {  	v5 =	vcvt.s32.f32 v5;
	_ =	sdelay $0x1  }
0x71: {  	[tilespmem:$0x17D00] =	vst v5  }
0x72: {  	v5 =	vld.idx.msk [tilespmem:v6+s11+$0x0], $0xffff  }
0x73: {  	v6 =	vld [tilespmem:$0x58A0];
	_ =	sdelay $0x4  }
0x74: {  	v5 =	vcvt.s32.f32 v5;
	_ =	sdelay $0x1  }
0x75: {  	[tilespmem:$0x17D10] =	vst v5  }
0x76: {  	v5 =	vld.idx.msk [tilespmem:v6+s11+$0x0], $0xffff  }
0x77: {  	v6 =	vld [tilespmem:$0x58B0];
	_ =	sdelay $0x4  }
0x78: {  	v5 =	vcvt.s32.f32 v5;
	_ =	sdelay $0x1  }
0x79: {  	[tilespmem:$0x17D20] =	vst v5  }
0x7a: {  	v5 =	vld.idx.msk [tilespmem:v6+s11+$0x0], $0xffff  }
0x7b: {  	v6 =	vld [tilespmem:$0x58C0];
	_ =	sdelay $0x4  }
0x7c: {  	v5 =	vcvt.s32.f32 v5;
	_ =	sdelay $0x1  }
0x7d: {  	[tilespmem:$0x17D30] =	vst v5  }
0x7e: {  	v5 =	vld.idx.msk [tilespmem:v6+s11+$0x0], $0xffff  }
0x7f: {  	v6 =	vld [tilespmem:$0x58D0];
	_ =	sdelay $0x4  }
0x80: {  	v5 =	vcvt.s32.f32 v5;
	_ =	sdelay $0x1  }
0x81: {  	[tilespmem:$0x17D40] =	vst v5  }
0x82: {  	v5 =	vld.idx.msk [tilespmem:v6+s11+$0x0], $0xffff;
	_ =	sdelay $0x4  }
0x83: {  	[tilespmem:$0x17D60] =	vst v4;
	v5 =	vcvt.s32.f32 v5  }
0x84: {  	[tilespmem:$0x17D70] =	vst v4  }
0x85: {  	s30 =	sadd.s32 s8, s25;
	[tilespmem:$0x17D50] =	vst v5  }
0x86: {  	[hbm4b:s30+s1] =	stream.linear.scatter [tilespmem:s10], [sflag:$0x4], $0x80, $0x38;
	[tilespmem:$0x17D80] =	vst v63  }
0x87: {  	_ =	swait.ge [sflag:s12], $0x80  }
0x88: {  	[sflag:s12] =	ssyncset.done $0x0  }
0x89: {  	[sflag:s12] =	ssyncadd.s32 $0xFFFFFF80  }
0x8a: {  	s23 =	sadd.s32 $0x1, s23;
	s31 =	smul.u32 $0xC00, s24;
	_ =	swait.ge [sflag:s20], $0x6000  }
0x8b: {  	p0 =	sne.s32 s23, $0x10;
	[sflag:s20] =	ssyncset.done $0x0  }
.Ltmp3:
0x8c: {  	s0 =	sadd.s32 s7, s31;
	[sflag:s20] =	ssyncadd.s32 $0xFFFFA000;
	(pc) =	sbr.rel @!p0 .LBB2_46-.Ltmp3, $4  }
0x8d: {  	[hbm4b:s0+s1] =	stream.linear.scatter [tilespmem:s22], [sflag:$0x4], $0x6000, $0x38;
	[tilespmem:$0x17D80] =	vst v63  }
0x8e: {  	_ =	swait.ge [sflag:s12], $0x6000  }
0x8f: {  	[sflag:s12] =	ssyncset.done $0x0  }
0x90: {  	[sflag:s12] =	ssyncadd.s32 $0xFFFFA000  }
.LBB2_2:
0x91: {  	s24 =	sadd.s32 s9, s23  }
0x92: {  	s5 =	sshll.u32 s23, $0x4;
	s0 =	sshll.u32 s24, $0x4  }
0x93: {  	s5 =	sand.u32 $0x70, s5;
	s26 =	smul.u32 $0x7, s24;
	s0 =	sand.u32 $0x1F80, s0  }
0x94: {  	s28 =	simm.s32 $0x0;
	s25 =	sor.u32 s5, s0  }
0x95: {  	s6 =	smul.u32 $0x380, s24;
	s5 =	sshrl.u32 s26, $0x3;
	s0 =	sadd.s32 s3, s25  }
0x96: {  	[tilespmem:s28], [sflag:$0x4] =	stream.linear.gather [hbm4b:s0+s28], $0x80, $0x38;
	[tilespmem:$0x17D80] =	vst v63  }
0x97: {  	s0 =	smul.u32 $0xE000, s5  }
0x98: {  	s5 =	sand.u32 $0x380, s6  }
0x99: {  	_ =	swait.ge [sflag:s12], $0x80;
	s0 =	sor.u32 s5, s0  }
0x9a: {  	[sflag:s12] =	ssyncset.done $0x0;
	s0 =	sshrl.u32 s0, $0x3  }
0x9b: {  	[sflag:s12] =	ssyncadd.s32 $0xFFFFFF80;
	s0 =	sadd.s32 s2, s0  }
0x9c: {  	v5 =	vld [tilespmem:$0x0];
	[tilespmem:s14], [sflag:$0x2] =	stream.strided.gather [hbm4b:s0+s14], $0x1C00, s13, s14, $0x38  }
0x9d: {  	s0 =	sadd.s32 $0x1, s26  }
0x9e: {  	s6 =	sshrl.u32 s0, $0x3  }
0x9f: {  	s0 =	sshll.u32 s0, $0x7;
	s5 =	smul.u32 $0xE000, s6  }
0xa0: {  	s0 =	sand.u32 $0x380, s0  }
0xa1: {  	s0 =	sor.u32 s0, s5  }
0xa2: {  	s0 =	sshrl.u32 s0, $0x3  }
0xa3: {  	s0 =	sadd.s32 s2, s0  }
0xa4: {  	[tilespmem:s15], [sflag:$0x3] =	stream.strided.gather [hbm4b:s0+s14], $0x1C00, s13, s14, $0x38;
	[tilespmem:$0x17D80] =	vst v63  }
0xa5: {  	_ =	swait.ge [sflag:s16], $0x1C00  }
0xa6: {  	[sflag:s16] =	ssyncset.done $0x0  }
0xa7: {  	s5 =	simm.s32 $0xA0;
	[sflag:s16] =	ssyncadd.s32 $0xFFFFE400  }
0xa8: {  	v21 =	vld [tilespmem:s5+$0xFFFFFFF0]  }
0xa9: {  	v6 =	vld [tilespmem:s5+$0x10]  }
0xaa: {  	v15 =	vld [tilespmem:s5+$0x0]  }
0xab: {  	v12 =	vld [tilespmem:s5+$0xFFFFFFE0];
	_ =	sdelay $0x1  }
0xac: {  	vm1 =	vle.f32 v21, v5  }
0xad: {  	s5 =	simm.s32 $0xE0;
	vm0 =	vle.f32 v6, v5;
	v7 =	vsel vm1, $0x1, v0  }
0xae: {  	v11 =	vld [tilespmem:s5+$0x0];
	vm2 =	vle.f32 v15, v5;
	(xrf0) =	vadd.scan.msk.s32 $0xffff, v7;
	v7 =	vsel vm0, $0x1, v0  }
0xaf: {  	vm3 =	vle.f32 v12, v5;
	v8 =	vsel vm2, $0x1, v0;
	(xrf0) =	vadd.scan.msk.s32 $0xffff, v7  }
0xb0: {  	v7 =	vsel vm3, $0x1, v0;
	(xrf0) =	vadd.scan.msk.s32 $0xffff, v8  }
0xb1: {  	v13 =	vimm.s32 $0x0;
	s6 =	simm.s32 $0x10;
	v8 =	vmpcnt.ones.xlane vm3;
	(xrf0) =	vadd.scan.msk.s32 $0xffff, v7;
	v7 =	vld [tilespmem:s5+$0x10]  }
0xb2: {  	v14 =	vor.u32 s6, v1;
	vm4 =	vmmov vm2;
	v18 =	vmpcnt.ones.xlane vm1  }
0xb3: {  	vm7 =	vle.f32 v11, v5;
	vm0 =	vmmov vm0;
	v17 =	vadd.s32 v13, v8;
	v8 =	vld [tilespmem:s5+$0xFFFFFFF0]  }
0xb4: {  	s6 =	simm.s32 $0x50;
	v20 =	vmpcnt.ones.xlane vm4;
	v22 =	vmpcnt.ones.xlane vm0;
	vm3 =	vmmov vm3;
	v9, _, _ =	vpop (xrf0)  }
0xb5: {  	v10 =	vadd.s32 v9, v17;
	v9 =	vor.u32 s6, v1;
	v19, _, _ =	vpop (xrf0);
	v17 =	vadd.s32 v17, v18  }
0xb6: {  	v16 =	vadd.s32 $0xFFFFFFFF, v10;
	v10 =	vld [tilespmem:s5+$0xFFFFFFE0];
	v18, _, _ =	vpop (xrf0);
	v20 =	vadd.s32 v17, v20;
	vm8 =	vle.f32 v7, v5  }
0xb7: {  	vm2 =	vlt.s32 v16, $0x1000;
	v18 =	vadd.s32 v18, v17;
	v23, _, _ =	vpop (xrf0);
	v19 =	vadd.s32 v19, v20  }
0xb8: {  	vm2 =	vmand vm1, vm2;
	vm1 =	vle.f32 v8, v5;
	v13 =	vadd.s32 v23, v13  }
0xb9: {  	v17 =	vadd.s32 $0xFFFFFFFF, v18;
	v23 =	vsel vm8, $0x1, v0;
	v18 =	vsel vm1, $0x1, v0  }
0xba: {  	v13 =	vadd.s32 $0xFFFFFFFF, v13;
	vm5 =	vlt.s32 v17, $0x1000;
	(xrf0) =	vadd.scan.msk.s32 $0xffff, v18;
	v18 =	vsel vm7, $0x1, v0  }
0xbb: {  	vm4 =	vmand vm4, vm5;
	vm5 =	vlt.s32 v13, $0x1000;
	vm6 =	vle.f32 v10, v5;
	(xrf0) =	vadd.scan.msk.s32 $0xffff, v23  }
0xbc: {  	v23 =	vsel vm6, $0x1, v0;
	v24 =	vmpcnt.ones.xlane vm6;
	(xrf0) =	vadd.scan.msk.s32 $0xffff, v18;
	v18 =	vadd.s32 $0xFFFFFFFF, v19  }
0xbd: {  	s29 =	simm.s32 $0x40;
	s30 =	simm.s32 $0x4;
	vm3 =	vmand vm3, vm5;
	v19 =	vadd.s32 v20, v22;
	(xrf0) =	vadd.scan.msk.s32 $0xffff, v23;
	vm5 =	vlt.s32 v18, $0x1000  }
0xbe: {  	s31 =	simm.s32 $0x80;
	s0 =	simm.s32 $0x120;
	s5 =	simm.s32 $0x30;
	v20 =	vadd.s32 v19, v24;
	[tilespmem:v16+s17+$0x0] =	vst.idx.msk vm2, v21;
	vm5 =	vmand vm0, vm5;
	vm0 =	vmmov vm8  }
.LBB2_3:
0xbf: {  	v23 =	vor.u32 s28, v1  }
0xc0: {  	s6 =	sadd.s32 $0x10, s31;
	v21 =	vld [tilespmem:s0+$0xFFFFFFF0];
	s30 =	sadd.s32 $0x4, s30;
	v22, _, _ =	vpop (xrf0);
	v24 =	vor.u32 s5, v1;
	vm9 =	vmmov vm7;
	vm8 =	vmmov vm6  }
0xc1: {  	v31 =	vmpcnt.ones.xlane vm1;
	s5 =	sadd.s32 $0x20, s28;
	s28 =	smov.u32 s29;
	v25 =	vor.u32 s6, v1;
	v26 =	vld [tilespmem:s0+$0x10];
	p0 =	slt.u32 s30, $0x1BC;
	v22 =	vadd.s32 v22, v20;
	v28, _, _ =	vpop (xrf0);
	[tilespmem:v16+s18+$0x0] =	vst.idx.msk vm2, v14  }
0xc2: {  	s29 =	smov.u32 s31;
	v30 =	vor.u32 s5, v1;
	v14 =	vmovc v9;
	v29 =	vld [tilespmem:s0+$0x0];
	v16 =	vadd.s32 $0xFFFFFFFF, v22;
	v22 =	vmpcnt.ones.xlane vm9;
	[tilespmem:v17+s17+$0x0] =	vst.idx.msk vm4, v15;
	v9 =	vmovc v25  }
0xc3: {  	v31 =	vadd.s32 v20, v31;
	v20 =	vmpcnt.ones.xlane vm0;
	v25 =	vld [tilespmem:s0+$0xFFFFFFE0];
	vm2 =	vlt.s32 v16, $0x1000;
	v27, _, _ =	vpop (xrf0);
	[tilespmem:v17+s18+$0x0] =	vst.idx.msk vm4, v30  }
0xc4: {  	vm2 =	vmand vm1, vm2;
	v17 =	vadd.s32 v27, v31;
	v22 =	vadd.s32 v31, v22;
	v15, _, _ =	vpop (xrf0);
	[tilespmem:v13+s17+$0x0] =	vst.idx.msk vm3, v12  }
0xc5: {  	vm1 =	vle.f32 v21, v5;
	v12 =	vadd.s32 v15, v19;
	v17 =	vadd.s32 $0xFFFFFFFF, v17;
	[tilespmem:v18+s17+$0x0] =	vst.idx.msk vm5, v6  }
0xc6: {  	v6 =	vmovc v7;
	v19 =	vsel vm1, $0x1, v0;
	vm10 =	vle.f32 v26, v5;
	[tilespmem:v13+s18+$0x0] =	vst.idx.msk vm3, v23;
	v13 =	vadd.s32 $0xFFFFFFFF, v12  }
0xc7: {  	v7 =	vmovc v26;
	vm7 =	vle.f32 v29, v5;
	v27 =	vsel vm10, $0x1, v0;
	(xrf0) =	vadd.scan.msk.s32 $0xffff, v19;
	[tilespmem:v18+s18+$0x0] =	vst.idx.msk vm5, v24  }
.Ltmp4:
0xc8: {  	v15 =	vmovc v11;
	vm3 =	vlt.s32 v17, $0x1000;
	vm6 =	vle.f32 v25, v5;
	v18 =	vsel vm7, $0x1, v0;
	(xrf0) =	vadd.scan.msk.s32 $0xffff, v27;
	(pc) =	sbr.rel @p0 .LBB2_3-.Ltmp4, $4  }
0xc9: {  	v23 =	vadd.s32 v28, v22;
	vm4 =	vmand vm9, vm3;
	v11 =	vmovc v29;
	v12 =	vmovc v10;
	v19 =	vsel vm6, $0x1, v0  }
0xca: {  	vm3 =	vlt.s32 v13, $0x1000;
	v10 =	vmovc v25;
	v24 =	vmpcnt.ones.xlane vm6;
	(xrf0) =	vadd.scan.msk.s32 $0xffff, v18;
	v18 =	vadd.s32 $0xFFFFFFFF, v23  }
0xcb: {  	vm3 =	vmand vm8, vm3;
	(xrf0) =	vadd.scan.msk.s32 $0xffff, v19;
	vm5 =	vlt.s32 v18, $0x1000;
	v19 =	vadd.s32 v22, v20  }
0xcc: {  	s31 =	sadd.s32 $0x40, s31;
	s5 =	sadd.s32 $0x30, s28;
	s0 =	sadd.s32 $0x40, s0;
	v20 =	vadd.s32 v19, v24;
	[tilespmem:v16+s17+$0x0] =	vst.idx.msk vm2, v8;
	vm5 =	vmand vm0, vm5;
	v8 =	vmovc v21;
	vm0 =	vmmov vm10  }
0xcd: {  	_ = 	snop  }
0xce: {  	v22 =	vmpcnt.ones.xlane vm1;
	_ =	sdelay $0x1  }
0xcf: {  	v21, _, _ =	vpop (xrf0)  }
0xd0: {  	vm7 =	vmmov vm7;
	v21 =	vadd.s32 v21, v20;
	v24, _, _ =	vpop (xrf0)  }
0xd1: {  	[tilespmem:v16+s18+$0x0] =	vst.idx.msk vm2, v14;
	v14 =	vmpcnt.ones.xlane vm7;
	v21 =	vadd.s32 $0xFFFFFFFF, v21;
	v20 =	vadd.s32 v20, v22;
	v22, _, _ =	vpop (xrf0)  }
0xd2: {  	v23 =	vor.u32 s28, v1;
	vm2 =	vlt.s32 v21, $0x1000;
	v16 =	vadd.s32 v22, v20  }
0xd3: {  	s0 =	sadd.s32 $0x20, s28;
	[tilespmem:v17+s17+$0x0] =	vst.idx.msk vm4, v15;
	v14 =	vadd.s32 v20, v14;
	vm1 =	vmand vm1, vm2;
	v15, _, _ =	vpop (xrf0);
	v16 =	vadd.s32 $0xFFFFFFFF, v16  }
0xd4: {  	[tilespmem:v13+s17+$0x0] =	vst.idx.msk vm3, v12;
	v22 =	vor.u32 s0, v1;
	v15 =	vadd.s32 v15, v19;
	vm2 =	vlt.s32 v16, $0x1000  }
0xd5: {  	[tilespmem:v18+s17+$0x0] =	vst.idx.msk vm5, v6;
	v12 =	vadd.s32 $0xFFFFFFFF, v15;
	v15 =	vadd.s32 v24, v14;
	vm2 =	vmand vm7, vm2  }
0xd6: {  	[tilespmem:v17+s18+$0x0] =	vst.idx.msk vm4, v22;
	vm4 =	vmmov vm6;
	vm6 =	vlt.s32 v12, $0x1000;
	v6 =	vadd.s32 $0xFFFFFFFF, v15  }
0xd7: {  	[tilespmem:v13+s18+$0x0] =	vst.idx.msk vm3, v23;
	v15 =	vor.u32 s5, v1;
	vm3 =	vmand vm4, vm6;
	vm4 =	vlt.s32 v6, $0x1000  }
0xd8: {  	[tilespmem:v18+s18+$0x0] =	vst.idx.msk vm5, v15;
	vm4 =	vmand vm0, vm4  }
0xd9: {  	[tilespmem:v21+s17+$0x0] =	vst.idx.msk vm1, v8  }
0xda: {  	s6 =	sadd.s32 $0x20, s29;
	s5 =	sadd.s32 $0x2, s26;
	[tilespmem:v21+s18+$0x0] =	vst.idx.msk vm1, v9  }
0xdb: {  	v8 =	vor.u32 s6, v1;
	s6 =	sshrl.u32 s5, $0x3;
	[tilespmem:v16+s17+$0x0] =	vst.idx.msk vm2, v11  }
0xdc: {  	s5 =	sshll.u32 s5, $0x7;
	s0 =	smul.u32 $0xE000, s6;
	[tilespmem:v16+s18+$0x0] =	vst.idx.msk vm2, v8  }
0xdd: {  	s5 =	sand.u32 $0x380, s5;
	[tilespmem:v12+s17+$0x0] =	vst.idx.msk vm3, v10  }
0xde: {  	s6 =	sadd.s32 $0x30, s29;
	s0 =	sor.u32 s5, s0;
	v8 =	vor.u32 s29, v1;
	[tilespmem:v6+s17+$0x0] =	vst.idx.msk vm4, v7  }
0xdf: {  	s0 =	sshrl.u32 s0, $0x3;
	v7 =	vor.u32 s6, v1;
	[tilespmem:v12+s18+$0x0] =	vst.idx.msk vm3, v8  }
0xe0: {  	s0 =	sadd.s32 s2, s0;
	[tilespmem:v6+s18+$0x0] =	vst.idx.msk vm4, v7  }
0xe1: {  	[tilespmem:s14], [sflag:$0x2] =	stream.strided.gather [hbm4b:s0+s14], $0x1C00, s13, s14, $0x38;
	[tilespmem:$0x17D80] =	vst v63  }
0xe2: {  	_ =	swait.ge [sflag:s19], $0x1C00  }
0xe3: {  	[sflag:s19] =	ssyncset.done $0x0  }
0xe4: {  	s5 =	simm.s32 $0x1CA0;
	[sflag:s19] =	ssyncadd.s32 $0xFFFFE400  }
0xe5: {  	v12 =	vld [tilespmem:s5+$0xFFFFFFE0]  }
0xe6: {  	v15 =	vld [tilespmem:s5+$0xFFFFFFF0];
	_ =	sdelay $0x1  }
0xe7: {  	v11 =	vld [tilespmem:s5+$0x0]  }
0xe8: {  	v6 =	vld [tilespmem:s5+$0x10]  }
0xe9: {  	vm2 =	vle.f32 v12, v5  }
0xea: {  	vm1 =	vle.f32 v15, v5;
	v7 =	vsel vm2, $0x1, v0  }
0xeb: {  	v8 =	vsel vm1, $0x1, v0;
	(xrf0) =	vadd.scan.msk.s32 $0xffff, v7  }
0xec: {  	v7 =	vmpcnt.ones.xlane vm0;
	(xrf0) =	vadd.scan.msk.s32 $0xffff, v8  }
0xed: {  	vm3 =	vle.f32 v6, v5;
	vm0 =	vle.f32 v11, v5;
	v8 =	vmpcnt.ones.xlane vm2  }
0xee: {  	v10 =	vmpcnt.ones.xlane vm1;
	v9 =	vsel vm0, $0x1, v0;
	v7 =	vadd.s32 v14, v7  }
0xef: {  	v13 =	vsel vm3, $0x1, v0;
	(xrf0) =	vadd.scan.msk.s32 $0xffff, v9;
	v9 =	vadd.s32 v7, v8;
	v8 =	vmpcnt.ones.xlane vm0  }
0xf0: {  	s0 =	simm.s32 $0x1CE0;
	(xrf0) =	vadd.scan.msk.s32 $0xffff, v13;
	v14 =	vadd.s32 v9, v10;
	v10 =	vmpcnt.ones.xlane vm3  }
0xf1: {  	v13 =	vadd.s32 v14, v8;
	v8 =	vld [tilespmem:s0+$0xFFFFFFE0];
	v16, _, _ =	vpop (xrf0)  }
0xf2: {  	v17 =	vadd.s32 v13, v10;
	v10 =	vadd.s32 v16, v7;
	v16, _, _ =	vpop (xrf0)  }
0xf3: {  	v7 =	vld [tilespmem:s0+$0xFFFFFFF0];
	v18 =	vadd.s32 $0xFFFFFFFF, v10;
	v9 =	vadd.s32 v16, v9  }
0xf4: {  	v10 =	vld [tilespmem:s0+$0x0];
	vm4 =	vlt.s32 v18, $0x1000;
	v23 =	vadd.s32 $0xFFFFFFFF, v9  }
0xf5: {  	v16, _, _ =	vpop (xrf0);
	v9 =	vld [tilespmem:s0+$0x10];
	vm7 =	vmand vm2, vm4;
	vm2 =	vlt.s32 v23, $0x1000  }
0xf6: {  	v14 =	vadd.s32 v16, v14;
	v16, _, _ =	vpop (xrf0);
	vm6 =	vmand vm1, vm2;
	vm2 =	vle.f32 v8, v5  }
0xf7: {  	s6 =	simm.s32 $0x1C00;
	v13 =	vadd.s32 v16, v13;
	v16 =	vsel vm2, $0x1, v0  }
0xf8: {  	v19 =	vor.u32 s6, v1;
	vm1 =	vle.f32 v7, v5;
	(xrf0) =	vadd.scan.msk.s32 $0xffff, v16  }
0xf9: {  	vm0 =	vmmov vm0;
	v20 =	vmpcnt.ones.xlane vm2;
	v21 =	vsel vm1, $0x1, v0  }
0xfa: {  	v16 =	vmpcnt.ones.xlane vm1;
	vm8 =	vle.f32 v10, v5;
	vm9 =	vle.f32 v9, v5  }
0xfb: {  	(xrf0) =	vadd.scan.msk.s32 $0xffff, v21;
	v63 =	vadd.s32 v17, v20;
	[tilespmem:v18+s17+$0x0] =	vst.idx.msk vm7, v12;
	v12 =	vsel vm9, $0x1, v0  }
0xfc: {  	v14 =	vadd.s32 $0xFFFFFFFF, v14;
	v20 =	vadd.s32 v63, v16;
	v16 =	vsel vm8, $0x1, v0  }
0xfd: {  	vm3 =	vmmov vm3;
	vm4 =	vlt.s32 v14, $0x1000;
	v13 =	vadd.s32 $0xFFFFFFFF, v13;
	(xrf0) =	vadd.scan.msk.s32 $0xffff, v16  }
0xfe: {  	vm10 =	vlt.s32 v13, $0x1000;
	vm5 =	vmand vm0, vm4;
	v21 =	vmpcnt.ones.xlane vm8;
	(xrf0) =	vadd.scan.msk.s32 $0xffff, v12;
	v12, _, _ =	vpop (xrf0)  }
0xff: {  	vm4 =	vmand vm3, vm10;
	v22 =	vmpcnt.ones.xlane vm9;
	v17 =	vadd.s32 v12, v17  }
0x100: {  	s30 =	simm.s32 $0x1D20;
	s6 =	simm.s32 $0x1C10;
	s0 =	simm.s32 $0x1C30;
	vm3 =	vmmov vm8;
	vm0 =	vmmov vm9;
	v21 =	vadd.s32 v20, v21;
	[tilespmem:v18+s18+$0x0] =	vst.idx.msk vm7, v19  }
0x101: {  	s31 =	simm.s32 $0x8;
	v16 =	vadd.s32 v21, v22;
	v18 =	vor.u32 s6, v1;
	[tilespmem:v23+s17+$0x0] =	vst.idx.msk vm6, v15;
	v15 =	vld [tilespmem:s30+$0xFFFFFFE0];
	s6 =	simm.s32 $0x1C40;
	v22 =	vor.u32 s0, v1;
	v25, _, _ =	vpop (xrf0)  }
0x102: {  	s28 =	simm.s32 $0x1C70;
	s29 =	simm.s32 $0x1C70;
	s0 =	simm.s32 $0x1C20;
	[tilespmem:v23+s18+$0x0] =	vst.idx.msk vm6, v18;
	v19 =	vor.u32 s6, v1;
	v12 =	vld [tilespmem:s30+$0xFFFFFFF0];
	v18 =	vadd.s32 $0xFFFFFFFF, v17;
	v23 =	vadd.s32 v25, v63;
	v17 =	vmovc v16  }
.LBB2_5:
0x103: {  	s31 =	sadd.s32 $0x4, s31;
	v24 =	vld [tilespmem:s30+$0x0];
	vm6 =	vlt.s32 v18, $0x1000;
	v23 =	vadd.s32 $0xFFFFFFFF, v23;
	v25, _, _ =	vpop (xrf0);
	v26 =	vor.u32 s0, v1  }
0x104: {  	p0 =	slt.u32 s31, $0x1BC;
	v27 =	vld [tilespmem:s30+$0x10];
	vm7 =	vmand vm2, vm6;
	vm2 =	vlt.s32 v23, $0x1000;
	v20 =	vadd.s32 v25, v20;
	v25, _, _ =	vpop (xrf0);
	[tilespmem:v14+s17+$0x0] =	vst.idx.msk vm5, v11  }
0x105: {  	v11 =	vmovc v10;
	vm6 =	vmand vm1, vm2;
	v21 =	vadd.s32 v25, v21;
	[tilespmem:v14+s18+$0x0] =	vst.idx.msk vm5, v26;
	v14 =	vadd.s32 $0xFFFFFFFF, v20  }
0x106: {  	vm2 =	vle.f32 v15, v5;
	vm5 =	vlt.s32 v14, $0x1000;
	v25 =	vadd.s32 $0xFFFFFFFF, v21;
	[tilespmem:v13+s17+$0x0] =	vst.idx.msk vm4, v6;
	v6 =	vmovc v9  }
0x107: {  	v26 =	vsel vm2, $0x1, v0;
	v20 =	vmpcnt.ones.xlane vm2;
	vm1 =	vle.f32 v12, v5;
	[tilespmem:v13+s18+$0x0] =	vst.idx.msk vm4, v22;
	v13 =	vmovc v25  }
0x108: {  	v21 =	vsel vm1, $0x1, v0;
	v22 =	vmpcnt.ones.xlane vm1;
	vm8 =	vle.f32 v24, v5;
	(xrf0) =	vadd.scan.msk.s32 $0xffff, v26;
	v10 =	vmovc v24  }
0x109: {  	v24 =	vadd.s32 v16, v20;
	v16 =	vmpcnt.ones.xlane vm8;
	vm9 =	vle.f32 v27, v5;
	(xrf0) =	vadd.scan.msk.s32 $0xffff, v21;
	v9 =	vmovc v27  }
0x10a: {  	v20 =	vadd.s32 v24, v22;
	v22 =	vsel vm8, $0x1, v0;
	v25 =	vmpcnt.ones.xlane vm9;
	[tilespmem:v18+s17+$0x0] =	vst.idx.msk vm7, v8;
	v8 =	vmovc v15  }
0x10b: {  	vm4 =	vlt.s32 v13, $0x1000;
	v15 =	vsel vm9, $0x1, v0;
	v21 =	vadd.s32 v20, v16;
	(xrf0) =	vadd.scan.msk.s32 $0xffff, v22  }
.Ltmp5:
0x10c: {  	vm5 =	vmand vm3, vm5;
	vm4 =	vmand vm0, vm4;
	v16 =	vadd.s32 v21, v25;
	(xrf0) =	vadd.scan.msk.s32 $0xffff, v15;
	(pc) =	sbr.rel @p0 .LBB2_5-.Ltmp5, $4  }
0x10d: {  	s0 =	sadd.s32 $0xFFFFFFE0, s28;
	vm3 =	vmmov vm8;
	vm0 =	vmmov vm9;
	[tilespmem:v18+s18+$0x0] =	vst.idx.msk vm7, v19  }
0x10e: {  	s28 =	sadd.s32 $0x40, s28;
	s30 =	sadd.s32 $0x40, s30;
	v19 =	vor.u32 s0, v1;
	v18, _, _ =	vpop (xrf0);
	[tilespmem:v23+s17+$0x0] =	vst.idx.msk vm6, v7;
	v7 =	vmov v12  }
0x10f: {  	v22 =	vor.u32 s29, v1;
	s0 =	sadd.s32 $0xFFFFFFD0, s28;
	v15 =	vld [tilespmem:s30+$0xFFFFFFE0];
	v18 =	vadd.s32 v18, v17;
	v25, _, _ =	vpop (xrf0);
	[tilespmem:v23+s18+$0x0] =	vst.idx.msk vm6, v19;
	v17 =	vmov v16  }
0x110: {  	v19 =	vor.u32 s0, v1;
	s0 =	sadd.s32 $0xFFFFFFF0, s29;
	s29 =	smov.u32 s28;
	v12 =	vld [tilespmem:s30+$0xFFFFFFF0];
	v18 =	vadd.s32 $0xFFFFFFFF, v18;
	v23 =	vadd.s32 v25, v24  }
0x111: {  	_ =	sdelay $0x1  }
0x112: {  	v24 =	vld [tilespmem:s30+$0x0]  }
0x113: {  	vm7 =	vle.f32 v15, v5  }
0x114: {  	v25 =	vld [tilespmem:s30+$0x10];
	v26 =	vsel vm7, $0x1, v0  }
0x115: {  	vm8 =	vlt.s32 v18, $0x1000;
	[tilespmem:v14+s17+$0x0] =	vst.idx.msk vm5, v11;
	vm6 =	vle.f32 v12, v5;
	(xrf0) =	vadd.scan.msk.s32 $0xffff, v26  }
0x116: {  	v23 =	vadd.s32 $0xFFFFFFFF, v23;
	v61 =	vor.u32 s0, v1;
	[tilespmem:v13+s17+$0x0] =	vst.idx.msk vm4, v6;
	v11 =	vsel vm6, $0x1, v0  }
0x117: {  	v27, _, _ =	vpop (xrf0);
	vm8 =	vmand vm2, vm8;
	vm9 =	vlt.s32 v23, $0x1000;
	vm2 =	vle.f32 v24, v5;
	(xrf0) =	vadd.scan.msk.s32 $0xffff, v11  }
0x118: {  	[tilespmem:v14+s18+$0x0] =	vst.idx.msk vm5, v61;
	v14, _, _ =	vpop (xrf0);
	vm5 =	vmand vm1, vm9;
	v11 =	vadd.s32 v27, v20;
	v20 =	vsel vm2, $0x1, v0  }
0x119: {  	v14 =	vadd.s32 v14, v21;
	vm1 =	vle.f32 v25, v5;
	v11 =	vadd.s32 $0xFFFFFFFF, v11;
	(xrf0) =	vadd.scan.msk.s32 $0xffff, v20  }
0x11a: {  	[tilespmem:v13+s18+$0x0] =	vst.idx.msk vm4, v22;
	v14 =	vadd.s32 $0xFFFFFFFF, v14;
	v20 =	vsel vm1, $0x1, v0;
	vm13 =	vlt.s32 v11, $0x1000  }
0x11b: {  	v6 =	vmpcnt.ones.xlane vm7;
	vm4 =	vlt.s32 v14, $0x1000;
	(xrf0) =	vadd.scan.msk.s32 $0xffff, v20;
	vm3 =	vmand vm3, vm13;
	v21, _, _ =	vpop (xrf0)  }
0x11c: {  	vm0 =	vmand vm0, vm4;
	v20 =	vmpcnt.ones.xlane vm6;
	v13 =	vadd.s32 v21, v17  }
0x11d: {  	v6 =	vadd.s32 v16, v6;
	v16 =	vmpcnt.ones.xlane vm2;
	[tilespmem:v18+s17+$0x0] =	vst.idx.msk vm8, v8;
	v8, _, _ =	vpop (xrf0);
	v13 =	vadd.s32 $0xFFFFFFFF, v13  }
0x11e: {  	s6 =	sadd.s32 $0xFFFFFFE0, s28;
	[tilespmem:v18+s18+$0x0] =	vst.idx.msk vm8, v19;
	v17 =	vadd.s32 v6, v20;
	v6 =	vadd.s32 v8, v6;
	vm4 =	vlt.s32 v13, $0x1000  }
0x11f: {  	[tilespmem:v23+s17+$0x0] =	vst.idx.msk vm5, v7;
	v8 =	vor.u32 s6, v1;
	v7, _, _ =	vpop (xrf0);
	v6 =	vadd.s32 $0xFFFFFFFF, v6;
	vm4 =	vmand vm7, vm4  }
0x120: {  	s5 =	sadd.s32 $0xFFFFFFF0, s29;
	v16 =	vadd.s32 v17, v16;
	[tilespmem:v23+s18+$0x0] =	vst.idx.msk vm5, v8;
	v7 =	vadd.s32 v7, v17;
	vm5 =	vlt.s32 v6, $0x1000  }
0x121: {  	v8 =	vor.u32 s5, v1;
	v17, _, _ =	vpop (xrf0);
	[tilespmem:v11+s17+$0x0] =	vst.idx.msk vm3, v10;
	v7 =	vadd.s32 $0xFFFFFFFF, v7;
	vm5 =	vmand vm6, vm5  }
0x122: {  	vm2 =	vmmov vm2;
	v10 =	vadd.s32 v17, v16;
	[tilespmem:v11+s18+$0x0] =	vst.idx.msk vm3, v8;
	vm3 =	vlt.s32 v7, $0x1000  }
0x123: {  	s0 =	sadd.s32 $0x40, s28;
	[tilespmem:v14+s17+$0x0] =	vst.idx.msk vm0, v9;
	v8 =	vor.u32 s29, v1;
	v10 =	vadd.s32 $0xFFFFFFFF, v10;
	vm2 =	vmand vm2, vm3  }
0x124: {  	s5 =	sadd.s32 $0xFFFFFFD0, s0;
	vm3 =	vmmov vm1;
	[tilespmem:v14+s18+$0x0] =	vst.idx.msk vm0, v8;
	vm0 =	vlt.s32 v10, $0x1000  }
0x125: {  	v8 =	vor.u32 s5, v1;
	vm0 =	vmand vm3, vm0;
	[tilespmem:v13+s17+$0x0] =	vst.idx.msk vm4, v15  }
0x126: {  	s6 =	sadd.s32 $0x3, s26;
	s5 =	sadd.s32 $0xFFFFFFE0, s0;
	[tilespmem:v13+s18+$0x0] =	vst.idx.msk vm4, v8  }
0x127: {  	v8 =	vor.u32 s5, v1;
	[tilespmem:v6+s17+$0x0] =	vst.idx.msk vm5, v12;
	s5 =	sshrl.u32 s6, $0x3  }
0x128: {  	s28 =	sadd.s32 $0xFFFFFFF0, s0;
	s6 =	sshll.u32 s6, $0x7;
	[tilespmem:v6+s18+$0x0] =	vst.idx.msk vm5, v8;
	s5 =	smul.u32 $0xE000, s5  }
0x129: {  	v6 =	vor.u32 s28, v1;
	[tilespmem:v7+s17+$0x0] =	vst.idx.msk vm2, v24;
	s6 =	sand.u32 $0x380, s6  }
0x12a: {  	[tilespmem:v7+s18+$0x0] =	vst.idx.msk vm2, v6;
	s5 =	sor.u32 s6, s5  }
0x12b: {  	v6 =	vor.u32 s0, v1;
	[tilespmem:v10+s17+$0x0] =	vst.idx.msk vm0, v25;
	s6 =	sshrl.u32 s5, $0x3  }
0x12c: {  	[tilespmem:v10+s18+$0x0] =	vst.idx.msk vm0, v6;
	s0 =	sadd.s32 s2, s6  }
0x12d: {  	[tilespmem:s15], [sflag:$0x3] =	stream.strided.gather [hbm4b:s0+s14], $0x1C00, s13, s14, $0x38;
	[tilespmem:$0x17D80] =	vst v63  }
0x12e: {  	_ =	swait.ge [sflag:s16], $0x1C00  }
0x12f: {  	[sflag:s16] =	ssyncset.done $0x0  }
0x130: {  	s5 =	simm.s32 $0xA0;
	[sflag:s16] =	ssyncadd.s32 $0xFFFFE400  }
0x131: {  	v12 =	vld [tilespmem:s5+$0xFFFFFFE0]  }
0x132: {  	v15 =	vld [tilespmem:s5+$0xFFFFFFF0];
	_ =	sdelay $0x1  }
0x133: {  	v11 =	vld [tilespmem:s5+$0x0];
	_ =	sdelay $0x1  }
0x134: {  	v6 =	vld [tilespmem:s5+$0x10];
	vm4 =	vle.f32 v12, v5  }
0x135: {  	vm2 =	vle.f32 v15, v5;
	v7 =	vsel vm4, $0x1, v0  }
0x136: {  	v8 =	vsel vm2, $0x1, v0;
	(xrf0) =	vadd.scan.msk.s32 $0xffff, v7  }
0x137: {  	vm0 =	vle.f32 v11, v5;
	v7 =	vmpcnt.ones.xlane vm1;
	(xrf0) =	vadd.scan.msk.s32 $0xffff, v8  }
0x138: {  	v9 =	vsel vm0, $0x1, v0;
	v8 =	vmpcnt.ones.xlane vm4  }
0x139: {  	v10 =	vmpcnt.ones.xlane vm2;
	vm1 =	vle.f32 v6, v5;
	v7 =	vadd.s32 v16, v7  }
0x13a: {  	v13 =	vsel vm1, $0x1, v0;
	(xrf0) =	vadd.scan.msk.s32 $0xffff, v9;
	v9 =	vadd.s32 v7, v8;
	v8 =	vmpcnt.ones.xlane vm0  }
0x13b: {  	s0 =	simm.s32 $0xE0;
	(xrf0) =	vadd.scan.msk.s32 $0xffff, v13;
	v14 =	vadd.s32 v9, v10;
	v10 =	vmpcnt.ones.xlane vm1  }
0x13c: {  	v13 =	vadd.s32 v14, v8;
	v8 =	vld [tilespmem:s0+$0xFFFFFFE0];
	v16, _, _ =	vpop (xrf0)  }
0x13d: {  	v17 =	vadd.s32 v13, v10;
	v10 =	vadd.s32 v16, v7;
	v16, _, _ =	vpop (xrf0)  }
0x13e: {  	v7 =	vld [tilespmem:s0+$0xFFFFFFF0];
	v18 =	vadd.s32 $0xFFFFFFFF, v10;
	v9 =	vadd.s32 v16, v9  }
0x13f: {  	vm3 =	vmmov vm1;
	v10 =	vld [tilespmem:s0+$0x0];
	vm1 =	vlt.s32 v18, $0x1000;
	v23 =	vadd.s32 $0xFFFFFFFF, v9  }
0x140: {  	v16, _, _ =	vpop (xrf0);
	v9 =	vld [tilespmem:s0+$0x10];
	vm7 =	vmand vm4, vm1;
	vm1 =	vlt.s32 v23, $0x1000  }
0x141: {  	v14 =	vadd.s32 v16, v14;
	v16, _, _ =	vpop (xrf0);
	vm6 =	vmand vm2, vm1;
	vm2 =	vle.f32 v8, v5  }
0x142: {  	v13 =	vadd.s32 v16, v13;
	v16 =	vsel vm2, $0x1, v0  }
0x143: {  	s6 =	simm.s32 $0x3800;
	vm1 =	vle.f32 v7, v5;
	(xrf0) =	vadd.scan.msk.s32 $0xffff, v16  }
0x144: {  	v19 =	vor.u32 s6, v1;
	v20 =	vmpcnt.ones.xlane vm2;
	v21 =	vsel vm1, $0x1, v0  }
0x145: {  	v16 =	vmpcnt.ones.xlane vm1;
	vm14 =	vle.f32 v10, v5;
	vm15 =	vle.f32 v9, v5  }
0x146: {  	(xrf0) =	vadd.scan.msk.s32 $0xffff, v21;
	v62 =	vadd.s32 v17, v20;
	[tilespmem:v18+s17+$0x0] =	vst.idx.msk vm7, v12;
	v12 =	vsel vm15, $0x1, v0  }
0x147: {  	v14 =	vadd.s32 $0xFFFFFFFF, v14;
	v20 =	vadd.s32 v62, v16;
	v16 =	vsel vm14, $0x1, v0  }
0x148: {  	vm0 =	vmmov vm0;
	vm4 =	vlt.s32 v14, $0x1000;
	v13 =	vadd.s32 $0xFFFFFFFF, v13;
	(xrf0) =	vadd.scan.msk.s32 $0xffff, v16  }
0x149: {  	vm10 =	vlt.s32 v13, $0x1000;
	vm5 =	vmand vm0, vm4;
	v21 =	vmpcnt.ones.xlane vm14;
	(xrf0) =	vadd.scan.msk.s32 $0xffff, v12;
	v12, _, _ =	vpop (xrf0)  }
0x14a: {  	vm4 =	vmand vm3, vm10;
	v22 =	vmpcnt.ones.xlane vm15;
	v17 =	vadd.s32 v12, v17  }
0x14b: {  	s30 =	simm.s32 $0x120;
	s6 =	simm.s32 $0x3810;
	s0 =	simm.s32 $0x3830;
	vm3 =	vmmov vm14;
	vm0 =	vmmov vm15;
	v21 =	vadd.s32 v20, v21;
	[tilespmem:v18+s18+$0x0] =	vst.idx.msk vm7, v19  }
0x14c: {  	s31 =	simm.s32 $0x8;
	v16 =	vadd.s32 v21, v22;
	v18 =	vor.u32 s6, v1;
	[tilespmem:v23+s17+$0x0] =	vst.idx.msk vm6, v15;
	v15 =	vld [tilespmem:s30+$0xFFFFFFE0];
	s6 =	simm.s32 $0x3840;
	v22 =	vor.u32 s0, v1;
	v63, _, _ =	vpop (xrf0)  }
0x14d: {  	s29 =	simm.s32 $0x3870;
	s28 =	simm.s32 $0x3870;
	s0 =	simm.s32 $0x3820;
	[tilespmem:v23+s18+$0x0] =	vst.idx.msk vm6, v18;
	v19 =	vor.u32 s6, v1;
	v12 =	vld [tilespmem:s30+$0xFFFFFFF0];
	v18 =	vadd.s32 $0xFFFFFFFF, v17;
	v23 =	vadd.s32 v63, v62;
	v17 =	vmovc v16  }
.LBB2_7:
0x14e: {  	s31 =	sadd.s32 $0x4, s31;
	v24 =	vld [tilespmem:s30+$0x0];
	vm6 =	vlt.s32 v18, $0x1000;
	v23 =	vadd.s32 $0xFFFFFFFF, v23;
	v25, _, _ =	vpop (xrf0);
	v26 =	vor.u32 s0, v1  }
0x14f: {  	p0 =	slt.u32 s31, $0x1BC;
	v27 =	vld [tilespmem:s30+$0x10];
	vm7 =	vmand vm2, vm6;
	vm2 =	vlt.s32 v23, $0x1000;
	v20 =	vadd.s32 v25, v20;
	v25, _, _ =	vpop (xrf0);
	[tilespmem:v14+s17+$0x0] =	vst.idx.msk vm5, v11  }
0x150: {  	v11 =	vmovc v10;
	vm6 =	vmand vm1, vm2;
	v21 =	vadd.s32 v25, v21;
	[tilespmem:v14+s18+$0x0] =	vst.idx.msk vm5, v26;
	v14 =	vadd.s32 $0xFFFFFFFF, v20  }
0x151: {  	vm2 =	vle.f32 v15, v5;
	vm5 =	vlt.s32 v14, $0x1000;
	v25 =	vadd.s32 $0xFFFFFFFF, v21;
	[tilespmem:v13+s17+$0x0] =	vst.idx.msk vm4, v6;
	v6 =	vmovc v9  }
0x152: {  	v26 =	vsel vm2, $0x1, v0;
	v20 =	vmpcnt.ones.xlane vm2;
	vm1 =	vle.f32 v12, v5;
	[tilespmem:v13+s18+$0x0] =	vst.idx.msk vm4, v22;
	v13 =	vmovc v25  }
0x153: {  	v21 =	vsel vm1, $0x1, v0;
	v22 =	vmpcnt.ones.xlane vm1;
	vm8 =	vle.f32 v24, v5;
	(xrf0) =	vadd.scan.msk.s32 $0xffff, v26;
	v10 =	vmovc v24  }
0x154: {  	v24 =	vadd.s32 v16, v20;
	v16 =	vmpcnt.ones.xlane vm8;
	vm9 =	vle.f32 v27, v5;
	(xrf0) =	vadd.scan.msk.s32 $0xffff, v21;
	v9 =	vmovc v27  }
0x155: {  	v20 =	vadd.s32 v24, v22;
	v22 =	vsel vm8, $0x1, v0;
	v25 =	vmpcnt.ones.xlane vm9;
	[tilespmem:v18+s17+$0x0] =	vst.idx.msk vm7, v8;
	v8 =	vmovc v15  }
0x156: {  	vm4 =	vlt.s32 v13, $0x1000;
	v15 =	vsel vm9, $0x1, v0;
	v21 =	vadd.s32 v20, v16;
	(xrf0) =	vadd.scan.msk.s32 $0xffff, v22  }
.Ltmp6:
0x157: {  	vm5 =	vmand vm3, vm5;
	vm4 =	vmand vm0, vm4;
	v16 =	vadd.s32 v21, v25;
	(xrf0) =	vadd.scan.msk.s32 $0xffff, v15;
	(pc) =	sbr.rel @p0 .LBB2_7-.Ltmp6, $4  }
0x158: {  	s0 =	sadd.s32 $0xFFFFFFE0, s28;
	vm3 =	vmmov vm8;
	vm0 =	vmmov vm9;
	[tilespmem:v18+s18+$0x0] =	vst.idx.msk vm7, v19  }
0x159: {  	s28 =	sadd.s32 $0x40, s28;
	s30 =	sadd.s32 $0x40, s30;
	v19 =	vor.u32 s0, v1;
	v18, _, _ =	vpop (xrf0);
	[tilespmem:v23+s17+$0x0] =	vst.idx.msk vm6, v7;
	v7 =	vmov v12  }
0x15a: {  	v22 =	vor.u32 s29, v1;
	s0 =	sadd.s32 $0xFFFFFFD0, s28;
	v15 =	vld [tilespmem:s30+$0xFFFFFFE0];
	v18 =	vadd.s32 v18, v17;
	v25, _, _ =	vpop (xrf0);
	[tilespmem:v23+s18+$0x0] =	vst.idx.msk vm6, v19;
	v17 =	vmov v16  }
0x15b: {  	v19 =	vor.u32 s0, v1;
	s0 =	sadd.s32 $0xFFFFFFF0, s29;
	s29 =	smov.u32 s28;
	v12 =	vld [tilespmem:s30+$0xFFFFFFF0];
	v18 =	vadd.s32 $0xFFFFFFFF, v18;
	v23 =	vadd.s32 v25, v24  }
0x15c: {  	_ =	sdelay $0x1  }
0x15d: {  	v24 =	vld [tilespmem:s30+$0x0]  }
0x15e: {  	vm7 =	vle.f32 v15, v5  }
0x15f: {  	v25 =	vld [tilespmem:s30+$0x10];
	v26 =	vsel vm7, $0x1, v0  }
0x160: {  	vm8 =	vlt.s32 v18, $0x1000;
	[tilespmem:v14+s17+$0x0] =	vst.idx.msk vm5, v11;
	vm6 =	vle.f32 v12, v5;
	(xrf0) =	vadd.scan.msk.s32 $0xffff, v26  }
0x161: {  	v23 =	vadd.s32 $0xFFFFFFFF, v23;
	v61 =	vor.u32 s0, v1;
	[tilespmem:v13+s17+$0x0] =	vst.idx.msk vm4, v6;
	v11 =	vsel vm6, $0x1, v0  }
0x162: {  	v27, _, _ =	vpop (xrf0);
	vm8 =	vmand vm2, vm8;
	vm9 =	vlt.s32 v23, $0x1000;
	vm2 =	vle.f32 v24, v5;
	(xrf0) =	vadd.scan.msk.s32 $0xffff, v11  }
0x163: {  	[tilespmem:v14+s18+$0x0] =	vst.idx.msk vm5, v61;
	v14, _, _ =	vpop (xrf0);
	vm5 =	vmand vm1, vm9;
	v11 =	vadd.s32 v27, v20;
	v20 =	vsel vm2, $0x1, v0  }
0x164: {  	v14 =	vadd.s32 v14, v21;
	vm1 =	vle.f32 v25, v5;
	v11 =	vadd.s32 $0xFFFFFFFF, v11;
	(xrf0) =	vadd.scan.msk.s32 $0xffff, v20  }
0x165: {  	[tilespmem:v13+s18+$0x0] =	vst.idx.msk vm4, v22;
	v14 =	vadd.s32 $0xFFFFFFFF, v14;
	v20 =	vsel vm1, $0x1, v0;
	vm13 =	vlt.s32 v11, $0x1000  }
0x166: {  	v6 =	vmpcnt.ones.xlane vm7;
	vm4 =	vlt.s32 v14, $0x1000;
	(xrf0) =	vadd.scan.msk.s32 $0xffff, v20;
	vm3 =	vmand vm3, vm13;
	v21, _, _ =	vpop (xrf0)  }
0x167: {  	vm0 =	vmand vm0, vm4;
	v20 =	vmpcnt.ones.xlane vm6;
	v13 =	vadd.s32 v21, v17  }
0x168: {  	v6 =	vadd.s32 v16, v6;
	v16 =	vmpcnt.ones.xlane vm2;
	[tilespmem:v18+s17+$0x0] =	vst.idx.msk vm8, v8;
	v8, _, _ =	vpop (xrf0);
	v13 =	vadd.s32 $0xFFFFFFFF, v13  }
0x169: {  	s6 =	sadd.s32 $0xFFFFFFE0, s28;
	[tilespmem:v18+s18+$0x0] =	vst.idx.msk vm8, v19;
	v17 =	vadd.s32 v6, v20;
	v6 =	vadd.s32 v8, v6;
	vm4 =	vlt.s32 v13, $0x1000  }
0x16a: {  	[tilespmem:v23+s17+$0x0] =	vst.idx.msk vm5, v7;
	v8 =	vor.u32 s6, v1;
	v7, _, _ =	vpop (xrf0);
	v6 =	vadd.s32 $0xFFFFFFFF, v6;
	vm4 =	vmand vm7, vm4  }
0x16b: {  	s5 =	sadd.s32 $0xFFFFFFF0, s29;
	v16 =	vadd.s32 v17, v16;
	[tilespmem:v23+s18+$0x0] =	vst.idx.msk vm5, v8;
	v7 =	vadd.s32 v7, v17;
	vm5 =	vlt.s32 v6, $0x1000  }
0x16c: {  	v8 =	vor.u32 s5, v1;
	v17, _, _ =	vpop (xrf0);
	[tilespmem:v11+s17+$0x0] =	vst.idx.msk vm3, v10;
	v7 =	vadd.s32 $0xFFFFFFFF, v7;
	vm5 =	vmand vm6, vm5  }
0x16d: {  	vm2 =	vmmov vm2;
	v10 =	vadd.s32 v17, v16;
	[tilespmem:v11+s18+$0x0] =	vst.idx.msk vm3, v8;
	vm3 =	vlt.s32 v7, $0x1000  }
0x16e: {  	s0 =	sadd.s32 $0x40, s28;
	[tilespmem:v14+s17+$0x0] =	vst.idx.msk vm0, v9;
	v8 =	vor.u32 s29, v1;
	v10 =	vadd.s32 $0xFFFFFFFF, v10;
	vm2 =	vmand vm2, vm3  }
0x16f: {  	s5 =	sadd.s32 $0xFFFFFFD0, s0;
	vm3 =	vmmov vm1;
	[tilespmem:v14+s18+$0x0] =	vst.idx.msk vm0, v8;
	vm0 =	vlt.s32 v10, $0x1000  }
0x170: {  	v8 =	vor.u32 s5, v1;
	vm0 =	vmand vm3, vm0;
	[tilespmem:v13+s17+$0x0] =	vst.idx.msk vm4, v15  }
0x171: {  	s6 =	sadd.s32 $0x4, s26;
	s5 =	sadd.s32 $0xFFFFFFE0, s0;
	[tilespmem:v13+s18+$0x0] =	vst.idx.msk vm4, v8  }
0x172: {  	v8 =	vor.u32 s5, v1;
	[tilespmem:v6+s17+$0x0] =	vst.idx.msk vm5, v12;
	s5 =	sshrl.u32 s6, $0x3  }
0x173: {  	s28 =	sadd.s32 $0xFFFFFFF0, s0;
	s6 =	sshll.u32 s6, $0x7;
	[tilespmem:v6+s18+$0x0] =	vst.idx.msk vm5, v8;
	s5 =	smul.u32 $0xE000, s5  }
0x174: {  	v6 =	vor.u32 s28, v1;
	[tilespmem:v7+s17+$0x0] =	vst.idx.msk vm2, v24;
	s6 =	sand.u32 $0x380, s6  }
0x175: {  	[tilespmem:v7+s18+$0x0] =	vst.idx.msk vm2, v6;
	s5 =	sor.u32 s6, s5  }
0x176: {  	v6 =	vor.u32 s0, v1;
	[tilespmem:v10+s17+$0x0] =	vst.idx.msk vm0, v25;
	s6 =	sshrl.u32 s5, $0x3  }
0x177: {  	[tilespmem:v10+s18+$0x0] =	vst.idx.msk vm0, v6;
	s0 =	sadd.s32 s2, s6  }
0x178: {  	[tilespmem:s14], [sflag:$0x2] =	stream.strided.gather [hbm4b:s0+s14], $0x1C00, s13, s14, $0x38;
	[tilespmem:$0x17D80] =	vst v63  }
0x179: {  	_ =	swait.ge [sflag:s19], $0x1C00  }
0x17a: {  	[sflag:s19] =	ssyncset.done $0x0  }
0x17b: {  	s5 =	simm.s32 $0x1CA0;
	[sflag:s19] =	ssyncadd.s32 $0xFFFFE400  }
0x17c: {  	v12 =	vld [tilespmem:s5+$0xFFFFFFE0]  }
0x17d: {  	v15 =	vld [tilespmem:s5+$0xFFFFFFF0];
	_ =	sdelay $0x1  }
0x17e: {  	v11 =	vld [tilespmem:s5+$0x0];
	_ =	sdelay $0x1  }
0x17f: {  	v6 =	vld [tilespmem:s5+$0x10];
	vm4 =	vle.f32 v12, v5  }
0x180: {  	vm2 =	vle.f32 v15, v5;
	v7 =	vsel vm4, $0x1, v0  }
0x181: {  	v8 =	vsel vm2, $0x1, v0;
	(xrf0) =	vadd.scan.msk.s32 $0xffff, v7  }
0x182: {  	vm0 =	vle.f32 v11, v5;
	v7 =	vmpcnt.ones.xlane vm1;
	(xrf0) =	vadd.scan.msk.s32 $0xffff, v8  }
0x183: {  	v9 =	vsel vm0, $0x1, v0;
	v8 =	vmpcnt.ones.xlane vm4  }
0x184: {  	v10 =	vmpcnt.ones.xlane vm2;
	vm1 =	vle.f32 v6, v5;
	v7 =	vadd.s32 v16, v7  }
0x185: {  	v13 =	vsel vm1, $0x1, v0;
	(xrf0) =	vadd.scan.msk.s32 $0xffff, v9;
	v9 =	vadd.s32 v7, v8;
	v8 =	vmpcnt.ones.xlane vm0  }
0x186: {  	s0 =	simm.s32 $0x1CE0;
	(xrf0) =	vadd.scan.msk.s32 $0xffff, v13;
	v14 =	vadd.s32 v9, v10;
	v10 =	vmpcnt.ones.xlane vm1  }
0x187: {  	v13 =	vadd.s32 v14, v8;
	v8 =	vld [tilespmem:s0+$0xFFFFFFE0];
	v16, _, _ =	vpop (xrf0)  }
0x188: {  	v17 =	vadd.s32 v13, v10;
	v10 =	vadd.s32 v16, v7;
	v16, _, _ =	vpop (xrf0)  }
0x189: {  	v7 =	vld [tilespmem:s0+$0xFFFFFFF0];
	v18 =	vadd.s32 $0xFFFFFFFF, v10;
	v9 =	vadd.s32 v16, v9  }
0x18a: {  	vm3 =	vmmov vm1;
	v10 =	vld [tilespmem:s0+$0x0];
	vm1 =	vlt.s32 v18, $0x1000;
	v23 =	vadd.s32 $0xFFFFFFFF, v9  }
0x18b: {  	v16, _, _ =	vpop (xrf0);
	v9 =	vld [tilespmem:s0+$0x10];
	vm7 =	vmand vm4, vm1;
	vm1 =	vlt.s32 v23, $0x1000  }
0x18c: {  	v14 =	vadd.s32 v16, v14;
	v16, _, _ =	vpop (xrf0);
	vm6 =	vmand vm2, vm1;
	vm2 =	vle.f32 v8, v5  }
0x18d: {  	v13 =	vadd.s32 v16, v13;
	v16 =	vsel vm2, $0x1, v0  }
0x18e: {  	s6 =	simm.s32 $0x5400;
	vm1 =	vle.f32 v7, v5;
	(xrf0) =	vadd.scan.msk.s32 $0xffff, v16  }
0x18f: {  	v19 =	vor.u32 s6, v1;
	v20 =	vmpcnt.ones.xlane vm2;
	v21 =	vsel vm1, $0x1, v0  }
0x190: {  	v16 =	vmpcnt.ones.xlane vm1;
	vm14 =	vle.f32 v10, v5;
	vm15 =	vle.f32 v9, v5  }
0x191: {  	(xrf0) =	vadd.scan.msk.s32 $0xffff, v21;
	v62 =	vadd.s32 v17, v20;
	[tilespmem:v18+s17+$0x0] =	vst.idx.msk vm7, v12;
	v12 =	vsel vm15, $0x1, v0  }
0x192: {  	v14 =	vadd.s32 $0xFFFFFFFF, v14;
	v20 =	vadd.s32 v62, v16;
	v16 =	vsel vm14, $0x1, v0  }
0x193: {  	vm0 =	vmmov vm0;
	vm4 =	vlt.s32 v14, $0x1000;
	v13 =	vadd.s32 $0xFFFFFFFF, v13;
	(xrf0) =	vadd.scan.msk.s32 $0xffff, v16  }
0x194: {  	vm10 =	vlt.s32 v13, $0x1000;
	vm5 =	vmand vm0, vm4;
	v21 =	vmpcnt.ones.xlane vm14;
	(xrf0) =	vadd.scan.msk.s32 $0xffff, v12;
	v12, _, _ =	vpop (xrf0)  }
0x195: {  	vm4 =	vmand vm3, vm10;
	v22 =	vmpcnt.ones.xlane vm15;
	v17 =	vadd.s32 v12, v17  }
0x196: {  	s30 =	simm.s32 $0x1D20;
	s6 =	simm.s32 $0x5410;
	s0 =	simm.s32 $0x5430;
	vm3 =	vmmov vm14;
	vm0 =	vmmov vm15;
	v21 =	vadd.s32 v20, v21;
	[tilespmem:v18+s18+$0x0] =	vst.idx.msk vm7, v19  }
0x197: {  	s31 =	simm.s32 $0x8;
	v16 =	vadd.s32 v21, v22;
	v18 =	vor.u32 s6, v1;
	[tilespmem:v23+s17+$0x0] =	vst.idx.msk vm6, v15;
	v15 =	vld [tilespmem:s30+$0xFFFFFFE0];
	s6 =	simm.s32 $0x5440;
	v22 =	vor.u32 s0, v1;
	v63, _, _ =	vpop (xrf0)  }
0x198: {  	s29 =	simm.s32 $0x5470;
	s28 =	simm.s32 $0x5470;
	s0 =	simm.s32 $0x5420;
	[tilespmem:v23+s18+$0x0] =	vst.idx.msk vm6, v18;
	v19 =	vor.u32 s6, v1;
	v12 =	vld [tilespmem:s30+$0xFFFFFFF0];
	v18 =	vadd.s32 $0xFFFFFFFF, v17;
	v23 =	vadd.s32 v63, v62;
	v17 =	vmovc v16  }
.LBB2_9:
0x199: {  	s31 =	sadd.s32 $0x4, s31;
	v24 =	vld [tilespmem:s30+$0x0];
	vm6 =	vlt.s32 v18, $0x1000;
	v23 =	vadd.s32 $0xFFFFFFFF, v23;
	v25, _, _ =	vpop (xrf0);
	v26 =	vor.u32 s0, v1  }
0x19a: {  	p0 =	slt.u32 s31, $0x1BC;
	v27 =	vld [tilespmem:s30+$0x10];
	vm7 =	vmand vm2, vm6;
	vm2 =	vlt.s32 v23, $0x1000;
	v20 =	vadd.s32 v25, v20;
	v25, _, _ =	vpop (xrf0);
	[tilespmem:v14+s17+$0x0] =	vst.idx.msk vm5, v11  }
0x19b: {  	v11 =	vmovc v10;
	vm6 =	vmand vm1, vm2;
	v21 =	vadd.s32 v25, v21;
	[tilespmem:v14+s18+$0x0] =	vst.idx.msk vm5, v26;
	v14 =	vadd.s32 $0xFFFFFFFF, v20  }
0x19c: {  	vm2 =	vle.f32 v15, v5;
	vm5 =	vlt.s32 v14, $0x1000;
	v25 =	vadd.s32 $0xFFFFFFFF, v21;
	[tilespmem:v13+s17+$0x0] =	vst.idx.msk vm4, v6;
	v6 =	vmovc v9  }
0x19d: {  	v26 =	vsel vm2, $0x1, v0;
	v20 =	vmpcnt.ones.xlane vm2;
	vm1 =	vle.f32 v12, v5;
	[tilespmem:v13+s18+$0x0] =	vst.idx.msk vm4, v22;
	v13 =	vmovc v25  }
0x19e: {  	v21 =	vsel vm1, $0x1, v0;
	v22 =	vmpcnt.ones.xlane vm1;
	vm8 =	vle.f32 v24, v5;
	(xrf0) =	vadd.scan.msk.s32 $0xffff, v26;
	v10 =	vmovc v24  }
0x19f: {  	v24 =	vadd.s32 v16, v20;
	v16 =	vmpcnt.ones.xlane vm8;
	vm9 =	vle.f32 v27, v5;
	(xrf0) =	vadd.scan.msk.s32 $0xffff, v21;
	v9 =	vmovc v27  }
0x1a0: {  	v20 =	vadd.s32 v24, v22;
	v22 =	vsel vm8, $0x1, v0;
	v25 =	vmpcnt.ones.xlane vm9;
	[tilespmem:v18+s17+$0x0] =	vst.idx.msk vm7, v8;
	v8 =	vmovc v15  }
0x1a1: {  	vm4 =	vlt.s32 v13, $0x1000;
	v15 =	vsel vm9, $0x1, v0;
	v21 =	vadd.s32 v20, v16;
	(xrf0) =	vadd.scan.msk.s32 $0xffff, v22  }
.Ltmp7:
0x1a2: {  	vm5 =	vmand vm3, vm5;
	vm4 =	vmand vm0, vm4;
	v16 =	vadd.s32 v21, v25;
	(xrf0) =	vadd.scan.msk.s32 $0xffff, v15;
	(pc) =	sbr.rel @p0 .LBB2_9-.Ltmp7, $4  }
0x1a3: {  	s0 =	sadd.s32 $0xFFFFFFE0, s28;
	vm3 =	vmmov vm8;
	vm0 =	vmmov vm9;
	[tilespmem:v18+s18+$0x0] =	vst.idx.msk vm7, v19  }
0x1a4: {  	s28 =	sadd.s32 $0x40, s28;
	s30 =	sadd.s32 $0x40, s30;
	v19 =	vor.u32 s0, v1;
	v18, _, _ =	vpop (xrf0);
	[tilespmem:v23+s17+$0x0] =	vst.idx.msk vm6, v7;
	v7 =	vmov v12  }
0x1a5: {  	v22 =	vor.u32 s29, v1;
	s0 =	sadd.s32 $0xFFFFFFD0, s28;
	v15 =	vld [tilespmem:s30+$0xFFFFFFE0];
	v18 =	vadd.s32 v18, v17;
	v25, _, _ =	vpop (xrf0);
	[tilespmem:v23+s18+$0x0] =	vst.idx.msk vm6, v19;
	v17 =	vmov v16  }
0x1a6: {  	v19 =	vor.u32 s0, v1;
	s0 =	sadd.s32 $0xFFFFFFF0, s29;
	s29 =	smov.u32 s28;
	v12 =	vld [tilespmem:s30+$0xFFFFFFF0];
	v18 =	vadd.s32 $0xFFFFFFFF, v18;
	v23 =	vadd.s32 v25, v24  }
0x1a7: {  	_ =	sdelay $0x1  }
0x1a8: {  	v24 =	vld [tilespmem:s30+$0x0]  }
0x1a9: {  	vm7 =	vle.f32 v15, v5  }
0x1aa: {  	v25 =	vld [tilespmem:s30+$0x10];
	v26 =	vsel vm7, $0x1, v0  }
0x1ab: {  	vm8 =	vlt.s32 v18, $0x1000;
	[tilespmem:v14+s17+$0x0] =	vst.idx.msk vm5, v11;
	vm6 =	vle.f32 v12, v5;
	(xrf0) =	vadd.scan.msk.s32 $0xffff, v26  }
0x1ac: {  	v23 =	vadd.s32 $0xFFFFFFFF, v23;
	v61 =	vor.u32 s0, v1;
	[tilespmem:v13+s17+$0x0] =	vst.idx.msk vm4, v6;
	v11 =	vsel vm6, $0x1, v0  }
0x1ad: {  	v27, _, _ =	vpop (xrf0);
	vm8 =	vmand vm2, vm8;
	vm9 =	vlt.s32 v23, $0x1000;
	vm2 =	vle.f32 v24, v5;
	(xrf0) =	vadd.scan.msk.s32 $0xffff, v11  }
0x1ae: {  	[tilespmem:v14+s18+$0x0] =	vst.idx.msk vm5, v61;
	v14, _, _ =	vpop (xrf0);
	vm5 =	vmand vm1, vm9;
	v11 =	vadd.s32 v27, v20;
	v20 =	vsel vm2, $0x1, v0  }
0x1af: {  	v14 =	vadd.s32 v14, v21;
	vm1 =	vle.f32 v25, v5;
	v11 =	vadd.s32 $0xFFFFFFFF, v11;
	(xrf0) =	vadd.scan.msk.s32 $0xffff, v20  }
0x1b0: {  	[tilespmem:v13+s18+$0x0] =	vst.idx.msk vm4, v22;
	v14 =	vadd.s32 $0xFFFFFFFF, v14;
	v20 =	vsel vm1, $0x1, v0;
	vm13 =	vlt.s32 v11, $0x1000  }
0x1b1: {  	v6 =	vmpcnt.ones.xlane vm7;
	vm4 =	vlt.s32 v14, $0x1000;
	(xrf0) =	vadd.scan.msk.s32 $0xffff, v20;
	vm3 =	vmand vm3, vm13;
	v21, _, _ =	vpop (xrf0)  }
0x1b2: {  	vm0 =	vmand vm0, vm4;
	v20 =	vmpcnt.ones.xlane vm6;
	v13 =	vadd.s32 v21, v17  }
0x1b3: {  	v6 =	vadd.s32 v16, v6;
	v16 =	vmpcnt.ones.xlane vm2;
	[tilespmem:v18+s17+$0x0] =	vst.idx.msk vm8, v8;
	v8, _, _ =	vpop (xrf0);
	v13 =	vadd.s32 $0xFFFFFFFF, v13  }
0x1b4: {  	s6 =	sadd.s32 $0xFFFFFFE0, s28;
	[tilespmem:v18+s18+$0x0] =	vst.idx.msk vm8, v19;
	v17 =	vadd.s32 v6, v20;
	v6 =	vadd.s32 v8, v6;
	vm4 =	vlt.s32 v13, $0x1000  }
0x1b5: {  	[tilespmem:v23+s17+$0x0] =	vst.idx.msk vm5, v7;
	v8 =	vor.u32 s6, v1;
	v7, _, _ =	vpop (xrf0);
	v6 =	vadd.s32 $0xFFFFFFFF, v6;
	vm4 =	vmand vm7, vm4  }
0x1b6: {  	s5 =	sadd.s32 $0xFFFFFFF0, s29;
	v16 =	vadd.s32 v17, v16;
	[tilespmem:v23+s18+$0x0] =	vst.idx.msk vm5, v8;
	v7 =	vadd.s32 v7, v17;
	vm5 =	vlt.s32 v6, $0x1000  }
0x1b7: {  	v8 =	vor.u32 s5, v1;
	v17, _, _ =	vpop (xrf0);
	[tilespmem:v11+s17+$0x0] =	vst.idx.msk vm3, v10;
	v7 =	vadd.s32 $0xFFFFFFFF, v7;
	vm5 =	vmand vm6, vm5  }
0x1b8: {  	vm2 =	vmmov vm2;
	v10 =	vadd.s32 v17, v16;
	[tilespmem:v11+s18+$0x0] =	vst.idx.msk vm3, v8;
	vm3 =	vlt.s32 v7, $0x1000  }
0x1b9: {  	s0 =	sadd.s32 $0x40, s28;
	[tilespmem:v14+s17+$0x0] =	vst.idx.msk vm0, v9;
	v8 =	vor.u32 s29, v1;
	v10 =	vadd.s32 $0xFFFFFFFF, v10;
	vm2 =	vmand vm2, vm3  }
0x1ba: {  	s5 =	sadd.s32 $0xFFFFFFD0, s0;
	vm3 =	vmmov vm1;
	[tilespmem:v14+s18+$0x0] =	vst.idx.msk vm0, v8;
	vm0 =	vlt.s32 v10, $0x1000  }
0x1bb: {  	v8 =	vor.u32 s5, v1;
	vm0 =	vmand vm3, vm0;
	[tilespmem:v13+s17+$0x0] =	vst.idx.msk vm4, v15  }
0x1bc: {  	s6 =	sadd.s32 $0x5, s26;
	s5 =	sadd.s32 $0xFFFFFFE0, s0;
	[tilespmem:v13+s18+$0x0] =	vst.idx.msk vm4, v8  }
0x1bd: {  	v8 =	vor.u32 s5, v1;
	[tilespmem:v6+s17+$0x0] =	vst.idx.msk vm5, v12;
	s5 =	sshrl.u32 s6, $0x3  }
0x1be: {  	s28 =	sadd.s32 $0xFFFFFFF0, s0;
	s6 =	sshll.u32 s6, $0x7;
	[tilespmem:v6+s18+$0x0] =	vst.idx.msk vm5, v8;
	s5 =	smul.u32 $0xE000, s5  }
0x1bf: {  	v6 =	vor.u32 s28, v1;
	[tilespmem:v7+s17+$0x0] =	vst.idx.msk vm2, v24;
	s6 =	sand.u32 $0x380, s6  }
0x1c0: {  	[tilespmem:v7+s18+$0x0] =	vst.idx.msk vm2, v6;
	s5 =	sor.u32 s6, s5  }
0x1c1: {  	v6 =	vor.u32 s0, v1;
	[tilespmem:v10+s17+$0x0] =	vst.idx.msk vm0, v25;
	s6 =	sshrl.u32 s5, $0x3  }
0x1c2: {  	[tilespmem:v10+s18+$0x0] =	vst.idx.msk vm0, v6;
	s0 =	sadd.s32 s2, s6  }
0x1c3: {  	[tilespmem:s15], [sflag:$0x3] =	stream.strided.gather [hbm4b:s0+s14], $0x1C00, s13, s14, $0x38;
	[tilespmem:$0x17D80] =	vst v63  }
0x1c4: {  	_ =	swait.ge [sflag:s16], $0x1C00  }
0x1c5: {  	[sflag:s16] =	ssyncset.done $0x0  }
0x1c6: {  	s5 =	simm.s32 $0xA0;
	[sflag:s16] =	ssyncadd.s32 $0xFFFFE400  }
0x1c7: {  	v12 =	vld [tilespmem:s5+$0xFFFFFFE0]  }
0x1c8: {  	v15 =	vld [tilespmem:s5+$0xFFFFFFF0];
	_ =	sdelay $0x1  }
0x1c9: {  	v11 =	vld [tilespmem:s5+$0x0];
	_ =	sdelay $0x1  }
0x1ca: {  	v6 =	vld [tilespmem:s5+$0x10];
	vm4 =	vle.f32 v12, v5  }
0x1cb: {  	vm2 =	vle.f32 v15, v5;
	v7 =	vsel vm4, $0x1, v0  }
0x1cc: {  	v8 =	vsel vm2, $0x1, v0;
	(xrf0) =	vadd.scan.msk.s32 $0xffff, v7  }
0x1cd: {  	vm0 =	vle.f32 v11, v5;
	v7 =	vmpcnt.ones.xlane vm1;
	(xrf0) =	vadd.scan.msk.s32 $0xffff, v8  }
0x1ce: {  	v9 =	vsel vm0, $0x1, v0;
	v8 =	vmpcnt.ones.xlane vm4  }
0x1cf: {  	v10 =	vmpcnt.ones.xlane vm2;
	vm1 =	vle.f32 v6, v5;
	v7 =	vadd.s32 v16, v7  }
0x1d0: {  	v13 =	vsel vm1, $0x1, v0;
	(xrf0) =	vadd.scan.msk.s32 $0xffff, v9;
	v9 =	vadd.s32 v7, v8;
	v8 =	vmpcnt.ones.xlane vm0  }
0x1d1: {  	s0 =	simm.s32 $0xE0;
	(xrf0) =	vadd.scan.msk.s32 $0xffff, v13;
	v14 =	vadd.s32 v9, v10;
	v10 =	vmpcnt.ones.xlane vm1  }
0x1d2: {  	v13 =	vadd.s32 v14, v8;
	v8 =	vld [tilespmem:s0+$0xFFFFFFE0];
	v16, _, _ =	vpop (xrf0)  }
0x1d3: {  	v17 =	vadd.s32 v13, v10;
	v10 =	vadd.s32 v16, v7;
	v16, _, _ =	vpop (xrf0)  }
0x1d4: {  	v7 =	vld [tilespmem:s0+$0xFFFFFFF0];
	v18 =	vadd.s32 $0xFFFFFFFF, v10;
	v9 =	vadd.s32 v16, v9  }
0x1d5: {  	vm3 =	vmmov vm1;
	v10 =	vld [tilespmem:s0+$0x0];
	vm1 =	vlt.s32 v18, $0x1000;
	v23 =	vadd.s32 $0xFFFFFFFF, v9  }
0x1d6: {  	v16, _, _ =	vpop (xrf0);
	v9 =	vld [tilespmem:s0+$0x10];
	vm7 =	vmand vm4, vm1;
	vm1 =	vlt.s32 v23, $0x1000  }
0x1d7: {  	v14 =	vadd.s32 v16, v14;
	v16, _, _ =	vpop (xrf0);
	vm6 =	vmand vm2, vm1;
	vm2 =	vle.f32 v8, v5  }
0x1d8: {  	v13 =	vadd.s32 v16, v13;
	v16 =	vsel vm2, $0x1, v0  }
0x1d9: {  	s6 =	simm.s32 $0x7000;
	vm1 =	vle.f32 v7, v5;
	(xrf0) =	vadd.scan.msk.s32 $0xffff, v16  }
0x1da: {  	v19 =	vor.u32 s6, v1;
	v20 =	vmpcnt.ones.xlane vm2;
	v21 =	vsel vm1, $0x1, v0  }
0x1db: {  	v16 =	vmpcnt.ones.xlane vm1;
	vm14 =	vle.f32 v10, v5;
	vm15 =	vle.f32 v9, v5  }
0x1dc: {  	(xrf0) =	vadd.scan.msk.s32 $0xffff, v21;
	v62 =	vadd.s32 v17, v20;
	[tilespmem:v18+s17+$0x0] =	vst.idx.msk vm7, v12;
	v12 =	vsel vm15, $0x1, v0  }
0x1dd: {  	v14 =	vadd.s32 $0xFFFFFFFF, v14;
	v20 =	vadd.s32 v62, v16;
	v16 =	vsel vm14, $0x1, v0  }
0x1de: {  	vm0 =	vmmov vm0;
	vm4 =	vlt.s32 v14, $0x1000;
	v13 =	vadd.s32 $0xFFFFFFFF, v13;
	(xrf0) =	vadd.scan.msk.s32 $0xffff, v16  }
0x1df: {  	vm10 =	vlt.s32 v13, $0x1000;
	vm5 =	vmand vm0, vm4;
	v21 =	vmpcnt.ones.xlane vm14;
	(xrf0) =	vadd.scan.msk.s32 $0xffff, v12;
	v12, _, _ =	vpop (xrf0)  }
0x1e0: {  	vm4 =	vmand vm3, vm10;
	v22 =	vmpcnt.ones.xlane vm15;
	v17 =	vadd.s32 v12, v17  }
0x1e1: {  	s30 =	simm.s32 $0x120;
	s6 =	simm.s32 $0x7010;
	s0 =	simm.s32 $0x7030;
	vm3 =	vmmov vm14;
	vm0 =	vmmov vm15;
	v21 =	vadd.s32 v20, v21;
	[tilespmem:v18+s18+$0x0] =	vst.idx.msk vm7, v19  }
0x1e2: {  	s31 =	simm.s32 $0x8;
	v16 =	vadd.s32 v21, v22;
	v18 =	vor.u32 s6, v1;
	[tilespmem:v23+s17+$0x0] =	vst.idx.msk vm6, v15;
	v15 =	vld [tilespmem:s30+$0xFFFFFFE0];
	s6 =	simm.s32 $0x7040;
	v22 =	vor.u32 s0, v1;
	v63, _, _ =	vpop (xrf0)  }
0x1e3: {  	s29 =	simm.s32 $0x7070;
	s28 =	simm.s32 $0x7070;
	s0 =	simm.s32 $0x7020;
	[tilespmem:v23+s18+$0x0] =	vst.idx.msk vm6, v18;
	v19 =	vor.u32 s6, v1;
	v12 =	vld [tilespmem:s30+$0xFFFFFFF0];
	v18 =	vadd.s32 $0xFFFFFFFF, v17;
	v23 =	vadd.s32 v63, v62;
	v17 =	vmovc v16  }
.LBB2_11:
0x1e4: {  	s31 =	sadd.s32 $0x4, s31;
	v24 =	vld [tilespmem:s30+$0x0];
	vm6 =	vlt.s32 v18, $0x1000;
	v23 =	vadd.s32 $0xFFFFFFFF, v23;
	v25, _, _ =	vpop (xrf0);
	v26 =	vor.u32 s0, v1  }
0x1e5: {  	p0 =	slt.u32 s31, $0x1BC;
	v27 =	vld [tilespmem:s30+$0x10];
	vm7 =	vmand vm2, vm6;
	vm2 =	vlt.s32 v23, $0x1000;
	v20 =	vadd.s32 v25, v20;
	v25, _, _ =	vpop (xrf0);
	[tilespmem:v14+s17+$0x0] =	vst.idx.msk vm5, v11  }
0x1e6: {  	v11 =	vmovc v10;
	vm6 =	vmand vm1, vm2;
	v21 =	vadd.s32 v25, v21;
	[tilespmem:v14+s18+$0x0] =	vst.idx.msk vm5, v26;
	v14 =	vadd.s32 $0xFFFFFFFF, v20  }
0x1e7: {  	vm2 =	vle.f32 v15, v5;
	vm5 =	vlt.s32 v14, $0x1000;
	v25 =	vadd.s32 $0xFFFFFFFF, v21;
	[tilespmem:v13+s17+$0x0] =	vst.idx.msk vm4, v6;
	v6 =	vmovc v9  }
0x1e8: {  	v26 =	vsel vm2, $0x1, v0;
	v20 =	vmpcnt.ones.xlane vm2;
	vm1 =	vle.f32 v12, v5;
	[tilespmem:v13+s18+$0x0] =	vst.idx.msk vm4, v22;
	v13 =	vmovc v25  }
0x1e9: {  	v21 =	vsel vm1, $0x1, v0;
	v22 =	vmpcnt.ones.xlane vm1;
	vm8 =	vle.f32 v24, v5;
	(xrf0) =	vadd.scan.msk.s32 $0xffff, v26;
	v10 =	vmovc v24  }
0x1ea: {  	v24 =	vadd.s32 v16, v20;
	v16 =	vmpcnt.ones.xlane vm8;
	vm9 =	vle.f32 v27, v5;
	(xrf0) =	vadd.scan.msk.s32 $0xffff, v21;
	v9 =	vmovc v27  }
0x1eb: {  	v20 =	vadd.s32 v24, v22;
	v22 =	vsel vm8, $0x1, v0;
	v25 =	vmpcnt.ones.xlane vm9;
	[tilespmem:v18+s17+$0x0] =	vst.idx.msk vm7, v8;
	v8 =	vmovc v15  }
0x1ec: {  	vm4 =	vlt.s32 v13, $0x1000;
	v15 =	vsel vm9, $0x1, v0;
	v21 =	vadd.s32 v20, v16;
	(xrf0) =	vadd.scan.msk.s32 $0xffff, v22  }
.Ltmp8:
0x1ed: {  	vm5 =	vmand vm3, vm5;
	vm4 =	vmand vm0, vm4;
	v16 =	vadd.s32 v21, v25;
	(xrf0) =	vadd.scan.msk.s32 $0xffff, v15;
	(pc) =	sbr.rel @p0 .LBB2_11-.Ltmp8, $4  }
0x1ee: {  	s0 =	sadd.s32 $0xFFFFFFE0, s28;
	vm3 =	vmmov vm8;
	vm0 =	vmmov vm9;
	[tilespmem:v18+s18+$0x0] =	vst.idx.msk vm7, v19  }
0x1ef: {  	s28 =	sadd.s32 $0x40, s28;
	s30 =	sadd.s32 $0x40, s30;
	v19 =	vor.u32 s0, v1;
	v18, _, _ =	vpop (xrf0);
	[tilespmem:v23+s17+$0x0] =	vst.idx.msk vm6, v7;
	v7 =	vmov v12  }
0x1f0: {  	v22 =	vor.u32 s29, v1;
	s0 =	sadd.s32 $0xFFFFFFD0, s28;
	v15 =	vld [tilespmem:s30+$0xFFFFFFE0];
	v18 =	vadd.s32 v18, v17;
	v25, _, _ =	vpop (xrf0);
	[tilespmem:v23+s18+$0x0] =	vst.idx.msk vm6, v19;
	v17 =	vmov v16  }
0x1f1: {  	v19 =	vor.u32 s0, v1;
	s0 =	sadd.s32 $0xFFFFFFF0, s29;
	s29 =	smov.u32 s28;
	v12 =	vld [tilespmem:s30+$0xFFFFFFF0];
	v18 =	vadd.s32 $0xFFFFFFFF, v18;
	v23 =	vadd.s32 v25, v24  }
0x1f2: {  	_ =	sdelay $0x1  }
0x1f3: {  	v24 =	vld [tilespmem:s30+$0x0]  }
0x1f4: {  	vm7 =	vle.f32 v15, v5  }
0x1f5: {  	v25 =	vld [tilespmem:s30+$0x10];
	v26 =	vsel vm7, $0x1, v0  }
0x1f6: {  	vm8 =	vlt.s32 v18, $0x1000;
	[tilespmem:v14+s17+$0x0] =	vst.idx.msk vm5, v11;
	vm6 =	vle.f32 v12, v5;
	(xrf0) =	vadd.scan.msk.s32 $0xffff, v26  }
0x1f7: {  	v23 =	vadd.s32 $0xFFFFFFFF, v23;
	v61 =	vor.u32 s0, v1;
	[tilespmem:v13+s17+$0x0] =	vst.idx.msk vm4, v6;
	v11 =	vsel vm6, $0x1, v0  }
0x1f8: {  	v27, _, _ =	vpop (xrf0);
	vm8 =	vmand vm2, vm8;
	vm9 =	vlt.s32 v23, $0x1000;
	vm2 =	vle.f32 v24, v5;
	(xrf0) =	vadd.scan.msk.s32 $0xffff, v11  }
0x1f9: {  	[tilespmem:v14+s18+$0x0] =	vst.idx.msk vm5, v61;
	v14, _, _ =	vpop (xrf0);
	vm5 =	vmand vm1, vm9;
	v11 =	vadd.s32 v27, v20;
	v20 =	vsel vm2, $0x1, v0  }
0x1fa: {  	v14 =	vadd.s32 v14, v21;
	vm1 =	vle.f32 v25, v5;
	v11 =	vadd.s32 $0xFFFFFFFF, v11;
	(xrf0) =	vadd.scan.msk.s32 $0xffff, v20  }
0x1fb: {  	[tilespmem:v13+s18+$0x0] =	vst.idx.msk vm4, v22;
	v14 =	vadd.s32 $0xFFFFFFFF, v14;
	v20 =	vsel vm1, $0x1, v0;
	vm13 =	vlt.s32 v11, $0x1000  }
0x1fc: {  	v6 =	vmpcnt.ones.xlane vm7;
	vm4 =	vlt.s32 v14, $0x1000;
	(xrf0) =	vadd.scan.msk.s32 $0xffff, v20;
	vm3 =	vmand vm3, vm13;
	v21, _, _ =	vpop (xrf0)  }
0x1fd: {  	vm0 =	vmand vm0, vm4;
	v20 =	vmpcnt.ones.xlane vm6;
	v13 =	vadd.s32 v21, v17  }
0x1fe: {  	v6 =	vadd.s32 v16, v6;
	v16 =	vmpcnt.ones.xlane vm2;
	[tilespmem:v18+s17+$0x0] =	vst.idx.msk vm8, v8;
	v8, _, _ =	vpop (xrf0);
	v13 =	vadd.s32 $0xFFFFFFFF, v13  }
0x1ff: {  	s5 =	sadd.s32 $0xFFFFFFE0, s28;
	[tilespmem:v18+s18+$0x0] =	vst.idx.msk vm8, v19;
	v17 =	vadd.s32 v6, v20;
	v6 =	vadd.s32 v8, v6;
	vm4 =	vlt.s32 v13, $0x1000  }
0x200: {  	[tilespmem:v23+s17+$0x0] =	vst.idx.msk vm5, v7;
	v8 =	vor.u32 s5, v1;
	v7, _, _ =	vpop (xrf0);
	v6 =	vadd.s32 $0xFFFFFFFF, v6;
	vm4 =	vmand vm7, vm4  }
0x201: {  	s6 =	sadd.s32 $0xFFFFFFF0, s29;
	v16 =	vadd.s32 v17, v16;
	[tilespmem:v23+s18+$0x0] =	vst.idx.msk vm5, v8;
	v7 =	vadd.s32 v7, v17;
	vm5 =	vlt.s32 v6, $0x1000  }
0x202: {  	v8 =	vor.u32 s6, v1;
	v17, _, _ =	vpop (xrf0);
	[tilespmem:v11+s17+$0x0] =	vst.idx.msk vm3, v10;
	v7 =	vadd.s32 $0xFFFFFFFF, v7;
	vm5 =	vmand vm6, vm5  }
0x203: {  	vm2 =	vmmov vm2;
	v10 =	vadd.s32 v17, v16;
	[tilespmem:v11+s18+$0x0] =	vst.idx.msk vm3, v8;
	vm3 =	vlt.s32 v7, $0x1000  }
0x204: {  	s0 =	sadd.s32 $0x40, s28;
	[tilespmem:v14+s17+$0x0] =	vst.idx.msk vm0, v9;
	v8 =	vor.u32 s29, v1;
	v10 =	vadd.s32 $0xFFFFFFFF, v10;
	vm2 =	vmand vm2, vm3  }
0x205: {  	s5 =	sadd.s32 $0xFFFFFFD0, s0;
	vm3 =	vmmov vm1;
	[tilespmem:v14+s18+$0x0] =	vst.idx.msk vm0, v8;
	vm0 =	vlt.s32 v10, $0x1000  }
0x206: {  	v8 =	vor.u32 s5, v1;
	vm0 =	vmand vm3, vm0;
	[tilespmem:v13+s17+$0x0] =	vst.idx.msk vm4, v15  }
0x207: {  	s31 =	sadd.s32 $0xFFFFFFE0, s0;
	s6 =	sadd.s32 $0x6, s26;
	[tilespmem:v13+s18+$0x0] =	vst.idx.msk vm4, v8  }
0x208: {  	s26 =	sshrl.u32 s6, $0x3;
	v8 =	vor.u32 s31, v1;
	[tilespmem:v6+s17+$0x0] =	vst.idx.msk vm5, v12  }
0x209: {  	s6 =	sshll.u32 s6, $0x7;
	s5 =	smul.u32 $0xE000, s26;
	s31 =	sadd.s32 $0xFFFFFFF0, s0;
	[tilespmem:v6+s18+$0x0] =	vst.idx.msk vm5, v8  }
0x20a: {  	s6 =	sand.u32 $0x380, s6;
	v6 =	vor.u32 s31, v1;
	[tilespmem:v7+s17+$0x0] =	vst.idx.msk vm2, v24  }
0x20b: {  	s5 =	sor.u32 s6, s5;
	[tilespmem:v7+s18+$0x0] =	vst.idx.msk vm2, v6  }
0x20c: {  	s5 =	sshrl.u32 s5, $0x3;
	v6 =	vor.u32 s0, v1;
	[tilespmem:v10+s17+$0x0] =	vst.idx.msk vm0, v25  }
0x20d: {  	s0 =	sadd.s32 s2, s5;
	[tilespmem:v10+s18+$0x0] =	vst.idx.msk vm0, v6  }
0x20e: {  	[tilespmem:s14], [sflag:$0x2] =	stream.strided.gather [hbm4b:s0+s14], $0x1C00, s13, s14, $0x38;
	[tilespmem:$0x17D80] =	vst v63  }
0x20f: {  	_ =	swait.ge [sflag:s19], $0x1C00  }
0x210: {  	[sflag:s19] =	ssyncset.done $0x0  }
0x211: {  	s6 =	simm.s32 $0x1CA0;
	[sflag:s19] =	ssyncadd.s32 $0xFFFFE400  }
0x212: {  	v12 =	vld [tilespmem:s6+$0xFFFFFFE0]  }
0x213: {  	v15 =	vld [tilespmem:s6+$0xFFFFFFF0];
	_ =	sdelay $0x1  }
0x214: {  	v11 =	vld [tilespmem:s6+$0x0];
	_ =	sdelay $0x1  }
0x215: {  	v6 =	vld [tilespmem:s6+$0x10];
	vm4 =	vle.f32 v12, v5  }
0x216: {  	vm2 =	vle.f32 v15, v5;
	v7 =	vsel vm4, $0x1, v0  }
0x217: {  	v8 =	vsel vm2, $0x1, v0;
	(xrf0) =	vadd.scan.msk.s32 $0xffff, v7  }
0x218: {  	vm0 =	vle.f32 v11, v5;
	v7 =	vmpcnt.ones.xlane vm1;
	(xrf0) =	vadd.scan.msk.s32 $0xffff, v8  }
0x219: {  	v9 =	vsel vm0, $0x1, v0;
	v8 =	vmpcnt.ones.xlane vm4  }
0x21a: {  	v10 =	vmpcnt.ones.xlane vm2;
	vm1 =	vle.f32 v6, v5;
	v7 =	vadd.s32 v16, v7  }
0x21b: {  	v13 =	vsel vm1, $0x1, v0;
	(xrf0) =	vadd.scan.msk.s32 $0xffff, v9;
	v9 =	vadd.s32 v7, v8;
	v8 =	vmpcnt.ones.xlane vm0  }
0x21c: {  	s26 =	simm.s32 $0x1CE0;
	(xrf0) =	vadd.scan.msk.s32 $0xffff, v13;
	v14 =	vadd.s32 v9, v10;
	v10 =	vmpcnt.ones.xlane vm1  }
0x21d: {  	v13 =	vadd.s32 v14, v8;
	v8 =	vld [tilespmem:s26+$0xFFFFFFE0];
	v16, _, _ =	vpop (xrf0)  }
0x21e: {  	v17 =	vadd.s32 v13, v10;
	v10 =	vadd.s32 v16, v7;
	v16, _, _ =	vpop (xrf0)  }
0x21f: {  	v7 =	vld [tilespmem:s26+$0xFFFFFFF0];
	v18 =	vadd.s32 $0xFFFFFFFF, v10;
	v9 =	vadd.s32 v16, v9  }
0x220: {  	vm3 =	vmmov vm1;
	v10 =	vld [tilespmem:s26+$0x0];
	vm1 =	vlt.s32 v18, $0x1000;
	v23 =	vadd.s32 $0xFFFFFFFF, v9  }
0x221: {  	v16, _, _ =	vpop (xrf0);
	v9 =	vld [tilespmem:s26+$0x10];
	vm7 =	vmand vm4, vm1;
	vm1 =	vlt.s32 v23, $0x1000  }
0x222: {  	v14 =	vadd.s32 v16, v14;
	v16, _, _ =	vpop (xrf0);
	vm6 =	vmand vm2, vm1;
	vm2 =	vle.f32 v8, v5  }
0x223: {  	v13 =	vadd.s32 v16, v13;
	v16 =	vsel vm2, $0x1, v0  }
0x224: {  	s31 =	simm.s32 $0x8C00;
	vm1 =	vle.f32 v7, v5;
	(xrf0) =	vadd.scan.msk.s32 $0xffff, v16  }
0x225: {  	v19 =	vor.u32 s31, v1;
	v20 =	vmpcnt.ones.xlane vm2;
	v21 =	vsel vm1, $0x1, v0  }
0x226: {  	v16 =	vmpcnt.ones.xlane vm1;
	vm14 =	vle.f32 v10, v5;
	vm15 =	vle.f32 v9, v5  }
0x227: {  	(xrf0) =	vadd.scan.msk.s32 $0xffff, v21;
	v62 =	vadd.s32 v17, v20;
	[tilespmem:v18+s17+$0x0] =	vst.idx.msk vm7, v12;
	v12 =	vsel vm15, $0x1, v0  }
0x228: {  	v14 =	vadd.s32 $0xFFFFFFFF, v14;
	v20 =	vadd.s32 v62, v16;
	v16 =	vsel vm14, $0x1, v0  }
0x229: {  	vm0 =	vmmov vm0;
	vm4 =	vlt.s32 v14, $0x1000;
	v13 =	vadd.s32 $0xFFFFFFFF, v13;
	(xrf0) =	vadd.scan.msk.s32 $0xffff, v16  }
0x22a: {  	vm10 =	vlt.s32 v13, $0x1000;
	vm5 =	vmand vm0, vm4;
	v21 =	vmpcnt.ones.xlane vm14;
	(xrf0) =	vadd.scan.msk.s32 $0xffff, v12;
	v12, _, _ =	vpop (xrf0)  }
0x22b: {  	vm4 =	vmand vm3, vm10;
	v22 =	vmpcnt.ones.xlane vm15;
	v17 =	vadd.s32 v12, v17  }
0x22c: {  	s29 =	simm.s32 $0x1D20;
	s6 =	simm.s32 $0x8C30;
	s26 =	simm.s32 $0x8C10;
	vm3 =	vmmov vm14;
	vm0 =	vmmov vm15;
	v21 =	vadd.s32 v20, v21;
	[tilespmem:v18+s18+$0x0] =	vst.idx.msk vm7, v19  }
0x22d: {  	s30 =	simm.s32 $0x8;
	s31 =	simm.s32 $0x8C40;
	v16 =	vadd.s32 v21, v22;
	v18 =	vor.u32 s26, v1;
	[tilespmem:v23+s17+$0x0] =	vst.idx.msk vm6, v15;
	v15 =	vld [tilespmem:s29+$0xFFFFFFE0];
	v22 =	vor.u32 s6, v1;
	v63, _, _ =	vpop (xrf0)  }
0x22e: {  	s28 =	simm.s32 $0x8C70;
	s0 =	simm.s32 $0x8C20;
	s26 =	simm.s32 $0x8C70;
	v19 =	vor.u32 s31, v1;
	[tilespmem:v23+s18+$0x0] =	vst.idx.msk vm6, v18;
	v12 =	vld [tilespmem:s29+$0xFFFFFFF0];
	v18 =	vadd.s32 $0xFFFFFFFF, v17;
	v23 =	vadd.s32 v63, v62;
	v17 =	vmovc v16  }
.LBB2_13:
0x22f: {  	s30 =	sadd.s32 $0x4, s30;
	v24 =	vld [tilespmem:s29+$0x0];
	vm6 =	vlt.s32 v18, $0x1000;
	v23 =	vadd.s32 $0xFFFFFFFF, v23;
	v25, _, _ =	vpop (xrf0);
	v26 =	vor.u32 s0, v1  }
0x230: {  	p0 =	slt.u32 s30, $0x1BC;
	v27 =	vld [tilespmem:s29+$0x10];
	vm7 =	vmand vm2, vm6;
	vm2 =	vlt.s32 v23, $0x1000;
	v20 =	vadd.s32 v25, v20;
	v25, _, _ =	vpop (xrf0);
	[tilespmem:v14+s17+$0x0] =	vst.idx.msk vm5, v11  }
0x231: {  	v11 =	vmovc v10;
	vm6 =	vmand vm1, vm2;
	v21 =	vadd.s32 v25, v21;
	[tilespmem:v14+s18+$0x0] =	vst.idx.msk vm5, v26;
	v14 =	vadd.s32 $0xFFFFFFFF, v20  }
0x232: {  	vm2 =	vle.f32 v15, v5;
	vm5 =	vlt.s32 v14, $0x1000;
	v25 =	vadd.s32 $0xFFFFFFFF, v21;
	[tilespmem:v13+s17+$0x0] =	vst.idx.msk vm4, v6;
	v6 =	vmovc v9  }
0x233: {  	v26 =	vsel vm2, $0x1, v0;
	v20 =	vmpcnt.ones.xlane vm2;
	vm1 =	vle.f32 v12, v5;
	[tilespmem:v13+s18+$0x0] =	vst.idx.msk vm4, v22;
	v13 =	vmovc v25  }
0x234: {  	v21 =	vsel vm1, $0x1, v0;
	v22 =	vmpcnt.ones.xlane vm1;
	vm8 =	vle.f32 v24, v5;
	(xrf0) =	vadd.scan.msk.s32 $0xffff, v26;
	v10 =	vmovc v24  }
0x235: {  	v24 =	vadd.s32 v16, v20;
	v16 =	vmpcnt.ones.xlane vm8;
	vm9 =	vle.f32 v27, v5;
	(xrf0) =	vadd.scan.msk.s32 $0xffff, v21;
	v9 =	vmovc v27  }
0x236: {  	v20 =	vadd.s32 v24, v22;
	v22 =	vsel vm8, $0x1, v0;
	v25 =	vmpcnt.ones.xlane vm9;
	[tilespmem:v18+s17+$0x0] =	vst.idx.msk vm7, v8;
	v8 =	vmovc v15  }
0x237: {  	vm4 =	vlt.s32 v13, $0x1000;
	v15 =	vsel vm9, $0x1, v0;
	v21 =	vadd.s32 v20, v16;
	(xrf0) =	vadd.scan.msk.s32 $0xffff, v22  }
.Ltmp9:
0x238: {  	vm5 =	vmand vm3, vm5;
	vm4 =	vmand vm0, vm4;
	v16 =	vadd.s32 v21, v25;
	(xrf0) =	vadd.scan.msk.s32 $0xffff, v15;
	(pc) =	sbr.rel @p0 .LBB2_13-.Ltmp9, $4  }
0x239: {  	s0 =	sadd.s32 $0xFFFFFFE0, s26;
	vm3 =	vmmov vm8;
	vm0 =	vmmov vm9;
	[tilespmem:v18+s18+$0x0] =	vst.idx.msk vm7, v19  }
0x23a: {  	s26 =	sadd.s32 $0x40, s26;
	s29 =	sadd.s32 $0x40, s29;
	v19 =	vor.u32 s0, v1;
	v18, _, _ =	vpop (xrf0);
	[tilespmem:v23+s17+$0x0] =	vst.idx.msk vm6, v7;
	v7 =	vmov v12  }
0x23b: {  	v22 =	vor.u32 s28, v1;
	s0 =	sadd.s32 $0xFFFFFFD0, s26;
	v15 =	vld [tilespmem:s29+$0xFFFFFFE0];
	v18 =	vadd.s32 v18, v17;
	v25, _, _ =	vpop (xrf0);
	[tilespmem:v23+s18+$0x0] =	vst.idx.msk vm6, v19;
	v17 =	vmov v16  }
0x23c: {  	v19 =	vor.u32 s0, v1;
	s0 =	sadd.s32 $0xFFFFFFF0, s28;
	s28 =	smov.u32 s26;
	v12 =	vld [tilespmem:s29+$0xFFFFFFF0];
	v18 =	vadd.s32 $0xFFFFFFFF, v18;
	v23 =	vadd.s32 v25, v24  }
0x23d: {  	_ =	sdelay $0x1  }
0x23e: {  	v24 =	vld [tilespmem:s29+$0x0]  }
0x23f: {  	vm7 =	vle.f32 v15, v5  }
0x240: {  	v25 =	vld [tilespmem:s29+$0x10];
	v26 =	vsel vm7, $0x1, v0  }
0x241: {  	vm8 =	vlt.s32 v18, $0x1000;
	[tilespmem:v14+s17+$0x0] =	vst.idx.msk vm5, v11;
	vm6 =	vle.f32 v12, v5;
	(xrf0) =	vadd.scan.msk.s32 $0xffff, v26  }
0x242: {  	v23 =	vadd.s32 $0xFFFFFFFF, v23;
	v61 =	vor.u32 s0, v1;
	[tilespmem:v13+s17+$0x0] =	vst.idx.msk vm4, v6;
	v11 =	vsel vm6, $0x1, v0  }
0x243: {  	v27, _, _ =	vpop (xrf0);
	vm8 =	vmand vm2, vm8;
	vm9 =	vlt.s32 v23, $0x1000;
	vm2 =	vle.f32 v24, v5;
	(xrf0) =	vadd.scan.msk.s32 $0xffff, v11  }
0x244: {  	[tilespmem:v14+s18+$0x0] =	vst.idx.msk vm5, v61;
	v14, _, _ =	vpop (xrf0);
	vm5 =	vmand vm1, vm9;
	v11 =	vadd.s32 v27, v20;
	v20 =	vsel vm2, $0x1, v0  }
0x245: {  	v14 =	vadd.s32 v14, v21;
	vm1 =	vle.f32 v25, v5;
	v11 =	vadd.s32 $0xFFFFFFFF, v11;
	(xrf0) =	vadd.scan.msk.s32 $0xffff, v20  }
0x246: {  	[tilespmem:v13+s18+$0x0] =	vst.idx.msk vm4, v22;
	v14 =	vadd.s32 $0xFFFFFFFF, v14;
	v20 =	vsel vm1, $0x1, v0;
	vm13 =	vlt.s32 v11, $0x1000  }
0x247: {  	v6 =	vmpcnt.ones.xlane vm7;
	vm4 =	vlt.s32 v14, $0x1000;
	(xrf0) =	vadd.scan.msk.s32 $0xffff, v20;
	vm3 =	vmand vm3, vm13;
	v21, _, _ =	vpop (xrf0)  }
0x248: {  	vm0 =	vmand vm0, vm4;
	v20 =	vmpcnt.ones.xlane vm6;
	v13 =	vadd.s32 v21, v17  }
0x249: {  	v6 =	vadd.s32 v16, v6;
	v16 =	vmpcnt.ones.xlane vm2;
	[tilespmem:v18+s17+$0x0] =	vst.idx.msk vm8, v8;
	v8, _, _ =	vpop (xrf0);
	v13 =	vadd.s32 $0xFFFFFFFF, v13  }
0x24a: {  	s31 =	sadd.s32 $0xFFFFFFE0, s26;
	[tilespmem:v18+s18+$0x0] =	vst.idx.msk vm8, v19;
	v17 =	vadd.s32 v6, v20;
	v6 =	vadd.s32 v8, v6;
	vm4 =	vlt.s32 v13, $0x1000  }
0x24b: {  	[tilespmem:v23+s17+$0x0] =	vst.idx.msk vm5, v7;
	v8 =	vor.u32 s31, v1;
	v7, _, _ =	vpop (xrf0);
	v6 =	vadd.s32 $0xFFFFFFFF, v6;
	vm4 =	vmand vm7, vm4  }
0x24c: {  	s5 =	sadd.s32 $0xFFFFFFF0, s28;
	v16 =	vadd.s32 v17, v16;
	[tilespmem:v23+s18+$0x0] =	vst.idx.msk vm5, v8;
	v7 =	vadd.s32 v7, v17;
	vm5 =	vlt.s32 v6, $0x1000  }
0x24d: {  	v8 =	vor.u32 s5, v1;
	v17, _, _ =	vpop (xrf0);
	[tilespmem:v11+s17+$0x0] =	vst.idx.msk vm3, v10;
	v7 =	vadd.s32 $0xFFFFFFFF, v7;
	vm5 =	vmand vm6, vm5  }
0x24e: {  	vm2 =	vmmov vm2;
	v10 =	vadd.s32 v17, v16;
	[tilespmem:v11+s18+$0x0] =	vst.idx.msk vm3, v8;
	vm3 =	vlt.s32 v7, $0x1000  }
0x24f: {  	s6 =	sadd.s32 $0x40, s26;
	[tilespmem:v14+s17+$0x0] =	vst.idx.msk vm0, v9;
	v8 =	vor.u32 s28, v1;
	v10 =	vadd.s32 $0xFFFFFFFF, v10;
	vm2 =	vmand vm2, vm3  }
0x250: {  	s5 =	sadd.s32 $0xFFFFFFD0, s6;
	vm3 =	vmmov vm1;
	[tilespmem:v14+s18+$0x0] =	vst.idx.msk vm0, v8;
	vm0 =	vlt.s32 v10, $0x1000  }
0x251: {  	v8 =	vor.u32 s5, v1;
	vm0 =	vmand vm3, vm0;
	[tilespmem:v13+s17+$0x0] =	vst.idx.msk vm4, v15  }
0x252: {  	s26 =	sadd.s32 $0xFFFFFFE0, s6;
	[tilespmem:v13+s18+$0x0] =	vst.idx.msk vm4, v8  }
0x253: {  	v8 =	vor.u32 s26, v1;
	[tilespmem:v6+s17+$0x0] =	vst.idx.msk vm5, v12  }
0x254: {  	s31 =	sadd.s32 $0xFFFFFFF0, s6;
	[tilespmem:v6+s18+$0x0] =	vst.idx.msk vm5, v8  }
0x255: {  	v6 =	vor.u32 s31, v1;
	[tilespmem:v7+s17+$0x0] =	vst.idx.msk vm2, v24  }
0x256: {  	[tilespmem:v7+s18+$0x0] =	vst.idx.msk vm2, v6  }
0x257: {  	v6 =	vor.u32 s6, v1;
	[tilespmem:v10+s17+$0x0] =	vst.idx.msk vm0, v25  }
0x258: {  	[tilespmem:v10+s18+$0x0] =	vst.idx.msk vm0, v6  }
0x259: {  	_ =	swait.ge [sflag:s16], $0x1C00  }
0x25a: {  	[sflag:s16] =	ssyncset.done $0x0  }
0x25b: {  	s6 =	simm.s32 $0xA0;
	[sflag:s16] =	ssyncadd.s32 $0xFFFFE400  }
0x25c: {  	v12 =	vld [tilespmem:s6+$0xFFFFFFE0]  }
0x25d: {  	v15 =	vld [tilespmem:s6+$0xFFFFFFF0];
	_ =	sdelay $0x1  }
0x25e: {  	v7 =	vld [tilespmem:s6+$0x0]  }
0x25f: {  	v6 =	vld [tilespmem:s6+$0x10]  }
0x260: {  	vm4 =	vle.f32 v12, v5  }
0x261: {  	vm0 =	vle.f32 v15, v5;
	v8 =	vsel vm4, $0x1, v0  }
0x262: {  	v9 =	vsel vm0, $0x1, v0;
	(xrf0) =	vadd.scan.msk.s32 $0xffff, v8  }
0x263: {  	v8 =	vmpcnt.ones.xlane vm1;
	vm1 =	vle.f32 v7, v5;
	(xrf0) =	vadd.scan.msk.s32 $0xffff, v9  }
0x264: {  	vm3 =	vle.f32 v6, v5;
	v9 =	vmpcnt.ones.xlane vm4;
	v10 =	vsel vm1, $0x1, v0  }
0x265: {  	v11 =	vmpcnt.ones.xlane vm0;
	v13 =	vsel vm3, $0x1, v0;
	v8 =	vadd.s32 v16, v8;
	(xrf0) =	vadd.scan.msk.s32 $0xffff, v10  }
0x266: {  	v10 =	vmpcnt.ones.xlane vm1;
	v9 =	vadd.s32 v8, v9;
	(xrf0) =	vadd.scan.msk.s32 $0xffff, v13  }
0x267: {  	s26 =	simm.s32 $0xE0;
	v14 =	vadd.s32 v9, v11;
	v11 =	vmpcnt.ones.xlane vm3  }
0x268: {  	s31 =	simm.s32 $0xA800;
	v16 =	vadd.s32 v14, v10;
	v10 =	vld [tilespmem:s26+$0xFFFFFFE0];
	v13, _, _ =	vpop (xrf0)  }
0x269: {  	v22 =	vor.u32 s31, v1;
	v18 =	vadd.s32 v16, v11;
	v11 =	vadd.s32 v13, v8;
	v13, _, _ =	vpop (xrf0);
	v8 =	vld [tilespmem:s26+$0xFFFFFFF0]  }
0x26a: {  	vm2 =	vmmov vm1;
	v20 =	vadd.s32 $0xFFFFFFFF, v11;
	v9 =	vadd.s32 v13, v9  }
0x26b: {  	vm3 =	vmmov vm3;
	v11 =	vld [tilespmem:s26+$0x0];
	v13, _, _ =	vpop (xrf0);
	vm1 =	vlt.s32 v20, $0x1000;
	v23 =	vadd.s32 $0xFFFFFFFF, v9  }
0x26c: {  	v9 =	vld [tilespmem:s26+$0x10];
	v13 =	vadd.s32 v13, v14;
	v14, _, _ =	vpop (xrf0);
	vm7 =	vmand vm4, vm1;
	vm1 =	vlt.s32 v23, $0x1000  }
0x26d: {  	v14 =	vadd.s32 v14, v16;
	vm6 =	vmand vm0, vm1;
	vm0 =	vle.f32 v10, v5  }
0x26e: {  	v16 =	vsel vm0, $0x1, v0;
	vm1 =	vle.f32 v8, v5;
	v17 =	vmpcnt.ones.xlane vm0  }
0x26f: {  	v13 =	vadd.s32 $0xFFFFFFFF, v13;
	v19 =	vsel vm1, $0x1, v0;
	(xrf0) =	vadd.scan.msk.s32 $0xffff, v16;
	v16 =	vmpcnt.ones.xlane vm1  }
0x270: {  	vm4 =	vlt.s32 v13, $0x1000;
	vm14 =	vle.f32 v11, v5;
	(xrf0) =	vadd.scan.msk.s32 $0xffff, v19;
	v62 =	vadd.s32 v18, v17  }
0x271: {  	vm15 =	vle.f32 v9, v5;
	v19 =	vadd.s32 v62, v16;
	v16 =	vsel vm14, $0x1, v0  }
0x272: {  	v14 =	vadd.s32 $0xFFFFFFFF, v14;
	[tilespmem:v20+s17+$0x0] =	vst.idx.msk vm7, v12;
	v12 =	vsel vm15, $0x1, v0;
	(xrf0) =	vadd.scan.msk.s32 $0xffff, v16  }
0x273: {  	s26 =	simm.s32 $0xA810;
	vm10 =	vlt.s32 v14, $0x1000;
	vm5 =	vmand vm2, vm4;
	v17 =	vmpcnt.ones.xlane vm14;
	(xrf0) =	vadd.scan.msk.s32 $0xffff, v12  }
0x274: {  	vm4 =	vmand vm3, vm10;
	v21 =	vmpcnt.ones.xlane vm15;
	v16 =	vor.u32 s26, v1  }
0x275: {  	s29 =	simm.s32 $0x120;
	s6 =	simm.s32 $0xA830;
	vm3 =	vmmov vm14;
	vm2 =	vmmov vm15;
	v17 =	vadd.s32 v19, v17;
	[tilespmem:v20+s18+$0x0] =	vst.idx.msk vm7, v22;
	v12, _, _ =	vpop (xrf0)  }
0x276: {  	s30 =	simm.s32 $0x8;
	s31 =	simm.s32 $0xA840;
	v21 =	vadd.s32 v17, v21;
	[tilespmem:v23+s17+$0x0] =	vst.idx.msk vm6, v15;
	v15 =	vld [tilespmem:s29+$0xFFFFFFE0];
	v22 =	vor.u32 s6, v1;
	v18 =	vadd.s32 v12, v18;
	v63, _, _ =	vpop (xrf0)  }
0x277: {  	s0 =	simm.s32 $0xA820;
	s28 =	simm.s32 $0xA870;
	s26 =	simm.s32 $0xA870;
	v20 =	vor.u32 s31, v1;
	[tilespmem:v23+s18+$0x0] =	vst.idx.msk vm6, v16;
	v16 =	vmovc v21;
	v12 =	vld [tilespmem:s29+$0xFFFFFFF0];
	v18 =	vadd.s32 $0xFFFFFFFF, v18;
	v23 =	vadd.s32 v63, v62  }
.LBB2_15:
0x278: {  	s30 =	sadd.s32 $0x4, s30;
	v24 =	vld [tilespmem:s29+$0x0];
	vm6 =	vlt.s32 v18, $0x1000;
	v23 =	vadd.s32 $0xFFFFFFFF, v23;
	v25, _, _ =	vpop (xrf0);
	v26 =	vor.u32 s0, v1  }
0x279: {  	p0 =	slt.u32 s30, $0x1BC;
	v27 =	vld [tilespmem:s29+$0x10];
	vm7 =	vmand vm0, vm6;
	vm0 =	vlt.s32 v23, $0x1000;
	v19 =	vadd.s32 v25, v19;
	v25, _, _ =	vpop (xrf0);
	[tilespmem:v13+s17+$0x0] =	vst.idx.msk vm5, v7  }
0x27a: {  	v7 =	vmovc v11;
	vm6 =	vmand vm1, vm0;
	v17 =	vadd.s32 v25, v17;
	[tilespmem:v13+s18+$0x0] =	vst.idx.msk vm5, v26;
	v13 =	vadd.s32 $0xFFFFFFFF, v19  }
0x27b: {  	vm0 =	vle.f32 v15, v5;
	vm5 =	vlt.s32 v13, $0x1000;
	v25 =	vadd.s32 $0xFFFFFFFF, v17;
	[tilespmem:v14+s17+$0x0] =	vst.idx.msk vm4, v6;
	v6 =	vmovc v9  }
0x27c: {  	v26 =	vsel vm0, $0x1, v0;
	v17 =	vmpcnt.ones.xlane vm0;
	vm1 =	vle.f32 v12, v5;
	[tilespmem:v14+s18+$0x0] =	vst.idx.msk vm4, v22;
	v14 =	vmovc v25  }
0x27d: {  	v19 =	vsel vm1, $0x1, v0;
	v22 =	vmpcnt.ones.xlane vm1;
	vm8 =	vle.f32 v24, v5;
	(xrf0) =	vadd.scan.msk.s32 $0xffff, v26;
	v11 =	vmovc v24  }
0x27e: {  	v24 =	vadd.s32 v21, v17;
	v17 =	vmpcnt.ones.xlane vm8;
	vm9 =	vle.f32 v27, v5;
	(xrf0) =	vadd.scan.msk.s32 $0xffff, v19;
	v9 =	vmovc v27  }
0x27f: {  	v21 =	vsel vm8, $0x1, v0;
	v19 =	vadd.s32 v24, v22;
	v22 =	vmpcnt.ones.xlane vm9;
	[tilespmem:v18+s17+$0x0] =	vst.idx.msk vm7, v10;
	v10 =	vmovc v15  }
0x280: {  	vm4 =	vlt.s32 v14, $0x1000;
	v15 =	vsel vm9, $0x1, v0;
	v17 =	vadd.s32 v19, v17;
	(xrf0) =	vadd.scan.msk.s32 $0xffff, v21  }
.Ltmp10:
0x281: {  	vm5 =	vmand vm3, vm5;
	vm4 =	vmand vm2, vm4;
	v21 =	vadd.s32 v17, v22;
	(xrf0) =	vadd.scan.msk.s32 $0xffff, v15;
	(pc) =	sbr.rel @p0 .LBB2_15-.Ltmp10, $4  }
0x282: {  	s0 =	sadd.s32 $0xFFFFFFE0, s28;
	vm3 =	vmmov vm8;
	vm2 =	vmmov vm9;
	[tilespmem:v18+s18+$0x0] =	vst.idx.msk vm7, v20  }
0x283: {  	s28 =	sadd.s32 $0x40, s28;
	s29 =	sadd.s32 $0x40, s29;
	v20 =	vor.u32 s0, v1;
	v18, _, _ =	vpop (xrf0);
	[tilespmem:v23+s17+$0x0] =	vst.idx.msk vm6, v8;
	v8 =	vmov v12  }
0x284: {  	v22 =	vor.u32 s26, v1;
	s0 =	sadd.s32 $0xFFFFFFD0, s28;
	v15 =	vld [tilespmem:s29+$0xFFFFFFE0];
	v18 =	vadd.s32 v18, v16;
	v25, _, _ =	vpop (xrf0);
	[tilespmem:v23+s18+$0x0] =	vst.idx.msk vm6, v20;
	v16 =	vmov v21  }
0x285: {  	v20 =	vor.u32 s0, v1;
	s0 =	sadd.s32 $0xFFFFFFF0, s26;
	s26 =	smov.u32 s28;
	v12 =	vld [tilespmem:s29+$0xFFFFFFF0];
	v18 =	vadd.s32 $0xFFFFFFFF, v18;
	v23 =	vadd.s32 v25, v24  }
0x286: {  	v24 =	vld [tilespmem:s29+$0x0]  }
0x287: {  	v25 =	vld [tilespmem:s29+$0x10];
	_ =	sdelay $0x1  }
0x288: {  	vm9 =	vle.f32 v15, v5  }
0x289: {  	v26 =	vmpcnt.ones.xlane vm9;
	vm7 =	vle.f32 v12, v5  }
0x28a: {  	v27 =	vsel vm9, $0x1, v0;
	v28 =	vmpcnt.ones.xlane vm7;
	vm8 =	vle.f32 v24, v5  }
0x28b: {  	vm6 =	vle.f32 v25, v5;
	v21 =	vadd.s32 v21, v26;
	v54 =	vmpcnt.ones.xlane vm8  }
0x28c: {  	v5 =	vsel vm7, $0x1, v0;
	(xrf0) =	vadd.scan.msk.s32 $0xffff, v27;
	v56 =	vmpcnt.ones.xlane vm6;
	v55 =	vadd.s32 v21, v28  }
0x28d: {  	(xrf0) =	vadd.scan.msk.s32 $0xffff, v5;
	v5 =	vsel vm8, $0x1, v0;
	v26 =	vadd.s32 v55, v54  }
0x28e: {  	(xrf0) =	vadd.scan.msk.s32 $0xffff, v5;
	v5 =	vadd.s32 v26, v56  }
0x28f: {  	v29 =	vsel vm6, $0x1, v0;
	v5 =	vxor.u32 $0x80000000, v5  }
0x290: {  	(xrf0) =	vadd.scan.msk.s32 $0xffff, v29  }
0x291: {  	v57, _, _ =	vpop (xrf0);
	(xrf0) =	vmax.scan.msk.u32 $0xffff, v5  }
0x292: {  	v5, _, _ =	vpop (xrf0)  }
0x293: {  	v58, _, _ =	vpop (xrf0)  }
0x294: {  	v30, _, _ =	vpop (xrf0)  }
0x295: {  	v31, _, _ =	vpop (xrf0)  }
0x296: {  	v32, _, _ =	vpop (xrf0)  }
0x297: {  	v33, _, _ =	vpop (xrf0)  }
0x298: {  	(v2sf) =	vpush v33, $0xF;
	_ =	sdelay $0x4  }
0x299: {  	vm10 =	vlt.s32 v18, $0x1000  }
0x29a: {  	v23 =	vadd.s32 $0xFFFFFFFF, v23;
	vm0 =	vmand vm0, vm10  }
0x29b: {  	v19 =	vadd.s32 v57, v19;
	vm13 =	vlt.s32 v23, $0x1000  }
0x29c: {  	[tilespmem:v13+s17+$0x0] =	vst.idx.msk vm5, v7;
	vm1 =	vmand vm1, vm13;
	v19 =	vadd.s32 $0xFFFFFFFF, v19  }
0x29d: {  	v7 =	vor.u32 s0, v1;
	[tilespmem:v14+s17+$0x0] =	vst.idx.msk vm4, v6;
	vm14 =	vlt.s32 v19, $0x1000;
	v5 =	vadd.s32 v5, v17  }
0x29e: {  	[tilespmem:v13+s18+$0x0] =	vst.idx.msk vm5, v7;
	vm3 =	vmand vm3, vm14;
	v5 =	vadd.s32 $0xFFFFFFFF, v5  }
0x29f: {  	[tilespmem:v14+s18+$0x0] =	vst.idx.msk vm4, v22;
	v6 =	vadd.s32 v58, v16;
	vm15 =	vlt.s32 v5, $0x1000  }
0x2a0: {  	[tilespmem:v18+s17+$0x0] =	vst.idx.msk vm0, v10;
	v6 =	vadd.s32 $0xFFFFFFFF, v6;
	v7 =	vadd.s32 v30, v21;
	vm2 =	vmand vm2, vm15  }
0x2a1: {  	s6 =	sadd.s32 $0xFFFFFFE0, s28;
	[tilespmem:v18+s18+$0x0] =	vst.idx.msk vm0, v20;
	vm10 =	vlt.s32 v6, $0x1000;
	v7 =	vadd.s32 $0xFFFFFFFF, v7  }
0x2a2: {  	v59 =	vor.u32 s6, v1;
	[tilespmem:v23+s17+$0x0] =	vst.idx.msk vm1, v8;
	vm0 =	vmand vm9, vm10;
	vm11 =	vlt.s32 v7, $0x1000  }
0x2a3: {  	s5 =	sadd.s32 $0xFFFFFFF0, s26;
	v63 =	vor.u32 s26, v1;
	[tilespmem:v23+s18+$0x0] =	vst.idx.msk vm1, v59;
	v60 =	vadd.s32 v31, v55;
	vm1 =	vmand vm7, vm11;
	s0 =	spop (v2sf)  }
0x2a4: {  	s29 =	sadd.s32 $0x40, s28;
	v61 =	vor.u32 s5, v1;
	[tilespmem:v19+s17+$0x0] =	vst.idx.msk vm3, v11;
	v8 =	vadd.s32 $0xFFFFFFFF, v60;
	v62 =	vadd.s32 v32, v26;
	s6 =	sadd.s32 $0x8000000F, s0  }
0x2a5: {  	s28 =	sadd.s32 $0xFFFFFFE0, s29;
	vm12 =	vmmov vm8;
	[tilespmem:v19+s18+$0x0] =	vst.idx.msk vm3, v61;
	vm13 =	vlt.s32 v8, $0x1000;
	v11 =	vadd.s32 $0xFFFFFFFF, v62;
	s0 =	sxor.u32 $0x80000000, s0;
	s31 =	sand.u32 $0xF, s6  }
0x2a6: {  	vm14 =	vmmov vm6;
	vm3 =	vmand vm12, vm13;
	vm15 =	vlt.s32 v11, $0x1000;
	[tilespmem:v5+s17+$0x0] =	vst.idx.msk vm2, v9;
	s5 =	sshra.s32 s6, $0x1F;
	p1 =	slt.s32 s6, $0x1;
	p0 =	sne.s32 s31, $0x0  }
0x2a7: {  	[tilespmem:v5+s18+$0x0] =	vst.idx.msk vm2, v63;
	vm2 =	vmand vm14, vm15;
	s31 =	sadd.s32 $0xFFFFFFD0, s29;
	s5 =	sshrl.u32 s5, $0x1C;
	p0 =	por !p1, !p0  }
0x2a8: {  	[tilespmem:v6+s17+$0x0] =	vst.idx.msk vm0, v15;
	s5 =	sadd.s32 s5, s6;
	s6 =	simm.s32 $0x1;
	p0 =	por !p0, !p0  }
0x2a9: {  	[tilespmem:v7+s17+$0x0] =	vst.idx.msk vm1, v12;
	v5 =	vor.u32 s31, v1;
	s5 =	sshra.s32 s5, $0x4;
	s6 =	simm.s32 @!p0 $0x0;
	p0 =	slt.s32 s0, $0xFF0  }
0x2aa: {  	[tilespmem:v6+s18+$0x0] =	vst.idx.msk vm0, v5;
	v5 =	vor.u32 s28, v1;
	s26 =	ssub.s32 s5, s6;
	s0 =	simm.s32 @!p0 $0xFF0  }
0x2ab: {  	[tilespmem:v7+s18+$0x0] =	vst.idx.msk vm1, v5;
	s5 =	sshrl.u32 s26, $0x1E;
	v5 =	vadd.s32 s0, v1  }
.Ltmp11:
0x2ac: {  	[tilespmem:v8+s17+$0x0] =	vst.idx.msk vm3, v24;
	s31 =	sadd.s32 $0xFFFFFFF0, s29;
	s5 =	sadd.s32 s5, s26;
	(pc) =	sbr.rel .LBB2_17-.Ltmp11, $4  }
0x2ad: {  	[tilespmem:v11+s17+$0x0] =	vst.idx.msk vm2, v25;
	v6 =	vor.u32 s31, v1;
	s28 =	sand.u32 $0xFFFFFFFC, s5  }
0x2ae: {  	[tilespmem:v8+s18+$0x0] =	vst.idx.msk vm3, v6;
	v6 =	vor.u32 s29, v1;
	s0 =	sshll.u32 s28, $0x6  }
0x2af: {  	s30 =	simm.s32 $0x0;
	[tilespmem:v11+s18+$0x0] =	vst.idx.msk vm2, v6;
	s31 =	ssub.s32 s26, s28;
	s0 =	sshra.s32 s0, $0x2  }
0x2b0: {  	p1 =	slt.s32 s28, $0x1;
	p0 =	slt.s32 s31, $0x1;
	s29 =	sadd.s32 $0x3880, s0;
	[tilespmem:v5+s17+$0x0] =	vst.idx.msk $0xffff, v2;
	v5 =	vimm.s32 $0x0  }
.LBB2_27:
0x2b1: {  	s30 =	sadd.s32 $0x1, s30  }
0x2b2: {  	p2 =	sne.s32 s30, $0x20  }
.Ltmp12:
0x2b3: {  	_ = 	snop;
	(pc) =	sbr.rel @!p2 .LBB2_28-.Ltmp12, $3  }
0x2b4: {  	_ =	sdelay $0x1  }
0x2b5: {  	vm0 =	vlt.s32 v7, $0x60  }
0x2b6: {  	v5 =	vsel vm0, v6, v5  }
.LBB2_17:
0x2b7: {  	v6 =	vmov s30  }
.Ltmp13:
0x2b8: {  	v6 =	vsub.s32 $0x1F, v6;
	(pc) =	sbr.rel @p1 .LBB2_25-.Ltmp13, $3  }
0x2b9: {  	v6 =	vshll.u32 v3, v6  }
0x2ba: {  	v6 =	vbroadcast v6, $0x0;
	_ =	sdelay $0x1  }
0x2bb: {  	v7 =	vimm.s32 $0x0;
	v6 =	vor.u32 v5, v6  }
0x2bc: {  	s0 =	simm.s32 $0x38A0  }
0x2bd: {  	v14 =	vld [tilespmem:s0+$0x10]  }
0x2be: {  	v15 =	vld [tilespmem:s0+$0x0]  }
0x2bf: {  	p3 =	sgt.s32 s28, $0x4;
	v8 =	vld [tilespmem:s0+$0xFFFFFFE0]  }
.Ltmp14:
0x2c0: {  	_ = 	snop;
	(pc) =	sbr.rel @!p3 .LBB2_19-.Ltmp14, $3  }
0x2c1: {  	_ =	sdelay $0x1  }
0x2c2: {  	v7 =	vimm.s32 $0x0  }
0x2c3: {  	s5 =	simm.s32 $0x38E0;
	p2 =	por $0x0, $0x0;
	v9 =	vld [tilespmem:s0+$0xFFFFFFF0];
	v11 =	vshra.s32 v14, $0x1F;
	v17 =	vshra.s32 v8, $0x1F;
	v13 =	vshra.s32 v15, $0x1F  }
0x2c4: {  	_ =	sdelay $0x3  }
0x2c5: {  	v16 =	vor.u32 $0x80000000, v17;
	v17 =	vshra.s32 v9, $0x1F  }
0x2c6: {  	v17 =	vor.u32 $0x80000000, v17  }
0x2c7: {  	v10 =	vld [tilespmem:s5+$0x10];
	v11 =	vor.u32 $0x80000000, v11;
	v13 =	vor.u32 $0x80000000, v13;
	v9 =	vxor.u32 v9, v17  }
0x2c8: {  	v16 =	vxor.u32 v8, v16;
	v8 =	vld [tilespmem:s5+$0xFFFFFFE0];
	vm13 =	vlt.u32 v9, v6;
	v9 =	vxor.u32 v15, v13  }
0x2c9: {  	v12 =	vld [tilespmem:s5+$0x0];
	p3 =	sgt.s32 s28, $0x8;
	vm0 =	vlt.u32 v16, v6;
	vm14 =	vlt.u32 v9, v6;
	v9 =	vxor.u32 v14, v11  }
.Ltmp15:
0x2ca: {  	v16 =	vmpcnt.ones.xlane vm0;
	vm15 =	vlt.u32 v9, v6;
	v9 =	vld [tilespmem:s5+$0xFFFFFFF0];
	(pc) =	sbr.rel @!p3 .LBB2_21-.Ltmp15, $4  }
0x2cb: {  	v13 =	vmpcnt.ones.xlane vm13  }
0x2cc: {  	v14 =	vadd.s32 v7, v16;
	v15 =	vmpcnt.ones.xlane vm14  }
0x2cd: {  	v17 =	vshra.s32 v8, $0x1F;
	v14 =	vadd.s32 v13, v14;
	v16 =	vmpcnt.ones.xlane vm15  }
0x2ce: {  	s0 =	simm.s32 $0x8;
	p2 =	por $0x1, $0x1;
	v11 =	vshra.s32 v10, $0x1F;
	s5 =	simm.s32 $0x3920;
	v13 =	vshra.s32 v12, $0x1F;
	v18 =	vadd.s32 v15, v14  }
.LBB2_22:
0x2cf: {  	v14 =	vld [tilespmem:s5+$0x10];
	v15 =	vor.u32 $0x80000000, v17;
	v17 =	vshra.s32 v9, $0x1F;
	v16 =	vadd.s32 v16, v18  }
0x2d0: {  	v11 =	vor.u32 $0x80000000, v11;
	s0 =	sadd.s32 $0x4, s0;
	v18 =	vld [tilespmem:s5+$0x0];
	v15 =	vxor.u32 v8, v15;
	v17 =	vor.u32 $0x80000000, v17  }
0x2d1: {  	v13 =	vor.u32 $0x80000000, v13;
	p3 =	slt.s32 s0, s28;
	v8 =	vld [tilespmem:s5+$0xFFFFFFE0];
	vm0 =	vlt.u32 v15, v6;
	v15 =	vxor.u32 v9, v17  }
.Ltmp16:
0x2d2: {  	v12 =	vxor.u32 v12, v13;
	v9 =	vld [tilespmem:s5+$0xFFFFFFF0];
	v17 =	vmpcnt.ones.xlane vm0;
	vm0 =	vlt.u32 v15, v6;
	(pc) =	sbr.rel @p3 .LBB2_22-.Ltmp16, $4  }
0x2d3: {  	v11 =	vxor.u32 v10, v11;
	v13 =	vmpcnt.ones.xlane vm0;
	vm0 =	vlt.u32 v12, v6  }
0x2d4: {  	v17 =	vadd.s32 v16, v17;
	v15 =	vmpcnt.ones.xlane vm0;
	vm0 =	vlt.u32 v11, v6;
	v10 =	vmovc v14  }
0x2d5: {  	v11 =	vshra.s32 v10, $0x1F;
	v14 =	vadd.s32 v13, v17;
	v16 =	vmpcnt.ones.xlane vm0;
	v12 =	vmovc v18  }
0x2d6: {  	s5 =	sadd.s32 $0x40, s5;
	v17 =	vshra.s32 v8, $0x1F;
	v13 =	vshra.s32 v12, $0x1F;
	v18 =	vadd.s32 v15, v14  }
0x2d7: {  	v15 =	vmov v12;
	v14 =	vmov v10  }
.LBB2_24:
0x2d8: {  	v10 =	vor.u32 $0x80000000, v17  }
0x2d9: {  	v12 =	vshra.s32 v9, $0x1F;
	v61 =	vor.u32 $0x80000000, v13;
	v8 =	vxor.u32 v8, v10  }
0x2da: {  	v60 =	vor.u32 $0x80000000, v12;
	v12 =	vadd.s32 @p2 v16, v18;
	vm0 =	vlt.u32 v8, v6  }
0x2db: {  	v8 =	vxor.u32 v9, v60;
	v9 =	vxor.u32 v15, v61;
	v7 =	vpsel p2, v12, v7  }
0x2dc: {  	v62 =	vmpcnt.ones.xlane vm0;
	vm13 =	vlt.u32 v8, v6;
	v8 =	vor.u32 $0x80000000, v11  }
0x2dd: {  	vm14 =	vlt.u32 v9, v6;
	v63 =	vmpcnt.ones.xlane vm13;
	v8 =	vxor.u32 v14, v8  }
0x2de: {  	v9 =	vmpcnt.ones.xlane vm14;
	v7 =	vadd.s32 v7, v62;
	vm15 =	vlt.u32 v8, v6  }
0x2df: {  	v7 =	vadd.s32 v63, v7;
	v8 =	vmpcnt.ones.xlane vm15  }
0x2e0: {  	v7 =	vadd.s32 v9, v7  }
0x2e1: {  	v7 =	vadd.s32 v8, v7  }
.LBB2_25:
.Ltmp17:
0x2e2: {  	(pc) =	sbr.rel @p0 .LBB2_27-.Ltmp17, $2  }
0x2e3: {  	_ =	sdelay $0x2  }
0x2e4: {  	s0 =	smov.u32 s29;
	s5 =	smov.u32 s28  }
.LBB2_26:
0x2e5: {  	v8 =	vld [tilespmem:s0+$0x0];
	_ =	sdelay $0x4  }
0x2e6: {  	s5 =	sadd.s32 $0x1, s5;
	v9 =	vshra.s32 v8, $0x1F  }
0x2e7: {  	p2 =	slt.s32 s5, s26;
	v9 =	vor.u32 $0x80000000, v9  }
.Ltmp18:
0x2e8: {  	v8 =	vxor.u32 v8, v9;
	(pc) =	sbr.rel @p2 .LBB2_26-.Ltmp18, $3  }
0x2e9: {  	vm0 =	vlt.u32 v8, v6  }
0x2ea: {  	v8 =	vmpcnt.ones.xlane vm0;
	_ =	sdelay $0x1  }
0x2eb: {  	s0 =	sadd.s32 $0x10, s0;
	v7 =	vadd.s32 v7, v8  }
.Ltmp19:
0x2ec: {  	_ = 	snop;
	(pc) =	sbr.rel .LBB2_27-.Ltmp19, $1  }
0x2ed: {  	_ =	sdelay $0x3  }
.LBB2_19:
.Ltmp20:
0x2ee: {  	(pc) =	sbr.rel .LBB2_24-.Ltmp20, $2  }
0x2ef: {  	_ =	sdelay $0x2  }
0x2f0: {  	_ = 	snop  }
.LBB2_21:
.Ltmp21:
0x2f1: {  	(pc) =	sbr.rel .LBB2_24-.Ltmp21, $2  }
0x2f2: {  	_ =	sdelay $0x2  }
0x2f3: {  	v15 =	vmov v12;
	v14 =	vmov v10  }
.LBB2_28:
.Ltmp22:
0x2f4: {  	(pc) =	sbr.rel @p1 .LBB2_29-.Ltmp22, $2  }
0x2f5: {  	_ =	sdelay $0x2  }
0x2f6: {  	v6 =	vimm.s32 $0x0  }
0x2f7: {  	s0 =	simm.s32 $0x38A0  }
0x2f8: {  	v13 =	vld [tilespmem:s0+$0x10]  }
0x2f9: {  	v14 =	vld [tilespmem:s0+$0x0]  }
0x2fa: {  	p2 =	sgt.s32 s28, $0x4;
	v7 =	vld [tilespmem:s0+$0xFFFFFFE0]  }
.Ltmp23:
0x2fb: {  	_ = 	snop;
	(pc) =	sbr.rel @!p2 .LBB2_34-.Ltmp23, $2  }
0x2fc: {  	_ =	sdelay $0x2  }
0x2fd: {  	s5 =	simm.s32 $0x38E0;
	p1 =	por $0x0, $0x0;
	v8 =	vld [tilespmem:s0+$0xFFFFFFF0];
	v10 =	vshra.s32 v13, $0x1F;
	v16 =	vshra.s32 v7, $0x1F;
	v12 =	vshra.s32 v14, $0x1F  }
0x2fe: {  	_ =	sdelay $0x3  }
0x2ff: {  	v15 =	vor.u32 $0x80000000, v16;
	v16 =	vshra.s32 v8, $0x1F  }
0x300: {  	v16 =	vor.u32 $0x80000000, v16  }
0x301: {  	v9 =	vld [tilespmem:s5+$0x10];
	v10 =	vor.u32 $0x80000000, v10;
	v12 =	vor.u32 $0x80000000, v12;
	v8 =	vxor.u32 v8, v16  }
0x302: {  	v15 =	vxor.u32 v7, v15;
	v7 =	vld [tilespmem:s5+$0xFFFFFFE0];
	vm13 =	vlt.u32 v8, v5;
	v8 =	vxor.u32 v14, v12  }
0x303: {  	v11 =	vld [tilespmem:s5+$0x0];
	p2 =	sgt.s32 s28, $0x8;
	vm0 =	vlt.u32 v15, v5;
	vm14 =	vlt.u32 v8, v5;
	v8 =	vxor.u32 v13, v10  }
.Ltmp24:
0x304: {  	v15 =	vmpcnt.ones.xlane vm0;
	vm15 =	vlt.u32 v8, v5;
	v8 =	vld [tilespmem:s5+$0xFFFFFFF0];
	(pc) =	sbr.rel @!p2 .LBB2_36-.Ltmp24, $4  }
0x305: {  	v12 =	vmpcnt.ones.xlane vm13  }
0x306: {  	v13 =	vadd.s32 v6, v15;
	v14 =	vmpcnt.ones.xlane vm14  }
0x307: {  	v16 =	vshra.s32 v7, $0x1F;
	v13 =	vadd.s32 v12, v13;
	v15 =	vmpcnt.ones.xlane vm15  }
0x308: {  	s0 =	simm.s32 $0x8;
	p1 =	por $0x1, $0x1;
	v10 =	vshra.s32 v9, $0x1F;
	s5 =	simm.s32 $0x3920;
	v12 =	vshra.s32 v11, $0x1F;
	v17 =	vadd.s32 v14, v13  }
.LBB2_37:
0x309: {  	v13 =	vld [tilespmem:s5+$0x10];
	v14 =	vor.u32 $0x80000000, v16;
	v16 =	vshra.s32 v8, $0x1F;
	v15 =	vadd.s32 v15, v17  }
0x30a: {  	v10 =	vor.u32 $0x80000000, v10;
	s0 =	sadd.s32 $0x4, s0;
	v17 =	vld [tilespmem:s5+$0x0];
	v14 =	vxor.u32 v7, v14;
	v16 =	vor.u32 $0x80000000, v16  }
0x30b: {  	v12 =	vor.u32 $0x80000000, v12;
	p2 =	slt.s32 s0, s28;
	v7 =	vld [tilespmem:s5+$0xFFFFFFE0];
	vm0 =	vlt.u32 v14, v5;
	v14 =	vxor.u32 v8, v16  }
.Ltmp25:
0x30c: {  	v11 =	vxor.u32 v11, v12;
	v8 =	vld [tilespmem:s5+$0xFFFFFFF0];
	v16 =	vmpcnt.ones.xlane vm0;
	vm0 =	vlt.u32 v14, v5;
	(pc) =	sbr.rel @p2 .LBB2_37-.Ltmp25, $4  }
0x30d: {  	v10 =	vxor.u32 v9, v10;
	v12 =	vmpcnt.ones.xlane vm0;
	vm0 =	vlt.u32 v11, v5  }
0x30e: {  	v16 =	vadd.s32 v15, v16;
	v14 =	vmpcnt.ones.xlane vm0;
	vm0 =	vlt.u32 v10, v5;
	v9 =	vmovc v13  }
0x30f: {  	v10 =	vshra.s32 v9, $0x1F;
	v13 =	vadd.s32 v12, v16;
	v15 =	vmpcnt.ones.xlane vm0;
	v11 =	vmovc v17  }
0x310: {  	s5 =	sadd.s32 $0x40, s5;
	v16 =	vshra.s32 v7, $0x1F;
	v12 =	vshra.s32 v11, $0x1F;
	v17 =	vadd.s32 v14, v13  }
0x311: {  	v14 =	vmov v11;
	v13 =	vmov v9  }
.LBB2_39:
0x312: {  	v9 =	vor.u32 $0x80000000, v16;
	v11 =	vshra.s32 v8, $0x1F  }
0x313: {  	v7 =	vxor.u32 v7, v9;
	v61 =	vor.u32 $0x80000000, v11  }
0x314: {  	v11 =	vadd.s32 @p1 v15, v17;
	vm0 =	vlt.u32 v7, v5;
	v7 =	vxor.u32 v8, v61  }
0x315: {  	v8 =	vor.u32 $0x80000000, v12;
	v6 =	vpsel p1, v11, v6;
	v62 =	vmpcnt.ones.xlane vm0  }
0x316: {  	vm13 =	vlt.u32 v7, v5;
	v7 =	vor.u32 $0x80000000, v10;
	v8 =	vxor.u32 v14, v8  }
0x317: {  	v63 =	vmpcnt.ones.xlane vm13;
	vm14 =	vlt.u32 v8, v5;
	v7 =	vxor.u32 v13, v7  }
0x318: {  	v6 =	vadd.s32 v6, v62;
	v8 =	vmpcnt.ones.xlane vm14;
	vm15 =	vlt.u32 v7, v5  }
0x319: {  	v6 =	vadd.s32 v63, v6;
	v7 =	vmpcnt.ones.xlane vm15  }
0x31a: {  	v6 =	vadd.s32 v8, v6  }
0x31b: {  	v6 =	vadd.s32 v7, v6  }
.LBB2_29:
.Ltmp26:
0x31c: {  	(pc) =	sbr.rel @p0 .LBB2_30-.Ltmp26, $1  }
0x31d: {  	_ =	sdelay $0x3  }
.LBB2_40:
0x31e: {  	v7 =	vld [tilespmem:s29+$0x0];
	_ =	sdelay $0x4  }
0x31f: {  	s28 =	sadd.s32 $0x1, s28;
	v8 =	vshra.s32 v7, $0x1F  }
0x320: {  	p0 =	slt.s32 s28, s26;
	v8 =	vor.u32 $0x80000000, v8  }
.Ltmp27:
0x321: {  	v7 =	vxor.u32 v7, v8;
	(pc) =	sbr.rel @p0 .LBB2_40-.Ltmp27, $3  }
0x322: {  	vm0 =	vlt.u32 v7, v5  }
0x323: {  	v7 =	vmpcnt.ones.xlane vm0;
	_ =	sdelay $0x1  }
0x324: {  	s29 =	sadd.s32 $0x10, s29;
	v6 =	vadd.s32 v6, v7  }
.LBB2_30:
0x325: {  	p0 =	sgt.s32 s26, $0x0  }
.Ltmp28:
0x326: {  	_ = 	snop;
	(pc) =	sbr.rel @!p0 .LBB2_45-.Ltmp28, $1  }
0x327: {  	_ =	sdelay $0x3  }
0x328: {  	s0 =	simm.s32 $0x3880;
	p1 =	sne.s32 s26, $0x1  }
.Ltmp29:
0x329: {  	v11 =	vld [tilespmem:s0+$0x0];
	(pc) =	sbr.rel @!p1 .LBB2_32-.Ltmp29, $2  }
0x32a: {  	_ =	sdelay $0x2  }
0x32b: {  	v8 =	vimm.s32 $0x0;
	s28 =	simm.s32 $0x4880;
	p0 =	por $0x0, $0x0;
	s0 =	sadd.s32 $0xFFFFFFFF, s26  }
0x32c: {  	v7 =	vshra.s32 v11, $0x1F  }
0x32d: {  	v7 =	vor.u32 $0x80000000, v7  }
0x32e: {  	v7 =	vxor.u32 v11, v7  }
0x32f: {  	vm0 =	vlt.u32 v7, v5  }
0x330: {  	vm1 =	veq.s32 v7, v5;
	v9 =	vsel vm0, $0x1, v0  }
0x331: {  	v10 =	vsel vm1, $0x1, v0;
	(xrf0) =	vadd.scan.msk.s32 $0xffff, v9  }
0x332: {  	(xrf0) =	vadd.scan.msk.s32 $0xffff, v10;
	_ =	sdelay $0x4  }
0x333: {  	v9, _, _ =	vpop (xrf0)  }
0x334: {  	v10 =	vadd.s32 v6, v8;
	v11, _, _ =	vpop (xrf0)  }
0x335: {  	v9 =	vadd.s32 v8, v9;
	v10 =	vadd.s32 v11, v10  }
0x336: {  	v9 =	vsel vm0, v9, v10  }
0x337: {  	v9 =	vadd.s32 $0xFFFFFFFF, v9  }
0x338: {  	vm2 =	vle.u32 v7, v5;
	vm3 =	vlt.s32 v9, $0x60  }
0x339: {  	vm2 =	vmand vm2, vm3  }
0x33a: {  	v10 =	vld [tilespmem:s28+$0x0];
	_ =	sdelay $0x3  }
0x33b: {  	v7 =	vmpcnt.ones.xlane vm0;
	v11 =	vmpcnt.ones.xlane vm1  }
0x33c: {  	p1 =	sne.s32 s0, $0x1;
	s26 =	simm.s32 $0x3890;
	[tilespmem:v9+s21+$0x0] =	vst.idx.msk vm2, v10  }
.Ltmp30:
0x33d: {  	v7 =	vadd.s32 v8, v7;
	v8 =	vadd.s32 v8, v11;
	v11 =	vld [tilespmem:s26+$0x0];
	(pc) =	sbr.rel @!p1 .LBB2_42-.Ltmp30, $2  }
0x33e: {  	_ =	sdelay $0x2  }
0x33f: {  	s29 =	sadd.s32 $0xFFFFFFFF, s0;
	p0 =	por $0x1, $0x1;
	s0 =	simm.s32 $0x4880;
	v9 =	vmov v7;
	v10 =	vmov v8  }
.LBB2_43:
0x340: {  	p1 =	sne.s32 s29, $0x1;
	_ =	sdelay $0x2  }
0x341: {  	v12 =	vshra.s32 v11, $0x1F  }
0x342: {  	v12 =	vor.u32 $0x80000000, v12  }
0x343: {  	v11 =	vxor.u32 v11, v12  }
0x344: {  	vm0 =	vlt.u32 v11, v5  }
0x345: {  	vm1 =	veq.s32 v11, v5;
	v12 =	vsel vm0, $0x1, v0;
	v13 =	vmpcnt.ones.xlane vm0  }
0x346: {  	v14 =	vsel vm1, $0x1, v0;
	v15 =	vmpcnt.ones.xlane vm1;
	(xrf0) =	vadd.scan.msk.s32 $0xffff, v12  }
0x347: {  	v9 =	vadd.s32 v9, v13;
	(xrf0) =	vadd.scan.msk.s32 $0xffff, v14  }
0x348: {  	v10 =	vadd.s32 v10, v15;
	_ =	sdelay $0x3  }
0x349: {  	v12, _, _ =	vpop (xrf0)  }
0x34a: {  	v13 =	vadd.s32 v6, v8;
	v8 =	vmov v10;
	v14, _, _ =	vpop (xrf0)  }
0x34b: {  	v12 =	vadd.s32 v7, v12;
	v7 =	vmov v9;
	v13 =	vadd.s32 v14, v13  }
0x34c: {  	v12 =	vsel vm0, v12, v13  }
0x34d: {  	v12 =	vadd.s32 $0xFFFFFFFF, v12  }
0x34e: {  	vm0 =	vle.u32 v11, v5;
	vm1 =	vlt.s32 v12, $0x60  }
0x34f: {  	s0 =	sadd.s32 $0x10, s0;
	vm0 =	vmand vm0, vm1  }
0x350: {  	v11 =	vld [tilespmem:s0+$0x0];
	_ =	sdelay $0x2  }
.Ltmp31:
0x351: {  	(pc) =	sbr.rel @p1 .LBB2_43-.Ltmp31, $4  }
0x352: {  	_ = 	snop  }
0x353: {  	s26 =	sadd.s32 $0x10, s26;
	[tilespmem:v12+s21+$0x0] =	vst.idx.msk vm0, v11  }
0x354: {  	v11 =	vld [tilespmem:s26+$0x0]  }
0x355: {  	s29 =	sadd.s32 $0xFFFFFFFF, s29  }
.Ltmp32:
0x356: {  	_ = 	snop;
	(pc) =	sbr.rel .LBB2_44-.Ltmp32, $1  }
0x357: {  	_ =	sdelay $0x3  }
.LBB2_34:
.Ltmp33:
0x358: {  	(pc) =	sbr.rel .LBB2_39-.Ltmp33, $2  }
0x359: {  	_ =	sdelay $0x2  }
0x35a: {  	_ = 	snop  }
.LBB2_36:
.Ltmp34:
0x35b: {  	(pc) =	sbr.rel .LBB2_39-.Ltmp34, $2  }
0x35c: {  	_ =	sdelay $0x2  }
0x35d: {  	v14 =	vmov v11;
	v13 =	vmov v9  }
.LBB2_42:
.Ltmp35:
0x35e: {  	(pc) =	sbr.rel .LBB2_44-.Ltmp35, $2  }
0x35f: {  	_ =	sdelay $0x2  }
0x360: {  	s0 =	simm.s32 $0x4880  }
.LBB2_47:
0x361: {  	_ =	sfence.sel $0x180000  }
0x362: {  	[bflag:$0x0] =	sbarrier.arrive $0xFFFF  }
0x363: {  	_ =	strace $0x9000004A  }
0x364: {  	s0 =	stileid.u32;
	[bflag:$0x2] =	sbarrier.arrive $0xFFFF  }
0x365: {  	p0 =	sne.s32 s0, $0x0;
	s0 =	rddreg [dreg:$0x1]  }
0x366: {  	s0 =	sadd.s32 @!p0 $0x100000, s0  }
0x367: {  	[sflag:s0] =	ssyncadd.tile.s32 @!p0 $0x1;
	_ =	shalt  }
.Lfunc_end2:
_tile_overlayer_lowered:
.L_overlay_start_2:
0x368: {  	(tag) =	ssettag $0x2  }
0x369: {  	s0 =	rddreg [dreg:$0x0];
	s2 =	stileid.u32  }
0x36a: {  	s1 =	rddreg [dreg:$0x1];
	p0 =	sne.s32 s2, $0x0  }
0x36b: {  	s3 =	rddreg [dreg:$0x2];
	[bflag:$0x3] =	sbarrier.arrive $0xFFFF;
	s2 =	simm.s32 @!p0 $0x1C04  }
0x36c: {  	[timem:s3], [sflag:s2] =	dma.local @!p0 [hbm:s0], s1  }
0x36d: {  	s0 =	simm.s32 @!p0 $0x4  }
0x36e: {  	_ =	swait.ge @!p0 [sflag:s0], s1  }
0x36f: {  	s1 =	ssub.s32 @!p0 $0x0, s1;
	[sflag:s0] =	ssyncset.done @!p0 $0x0  }
0x370: {  	[sflag:s0] =	ssyncadd.s32 @!p0 s1  }
0x371: {  	[bflag:$0x3] =	sbarrier.arrive $0xFFFF  }
0x372: {  	_ =	shalt  }

</sc_bundles>
